<compile_context>
chip_gen: v7x
topology: tpu7x:2x2x1
jax: 0.10.2.dev20260603
libtpu: 0.0.44.dev20260713+nightly
codegen_flags: <defaults>
</compile_context>

<pallas_src>
import jax
import jax.numpy as jnp
from jax import lax
from jax.experimental import pallas as pl
from jax.experimental.pallas import tpu as pltpu
from jax.experimental.pallas import tpu_sc as plsc

D_MODEL_ = 768
D_SAE_ = 16384
K_ = 64
N_TOK_ = 4096

BM = 512
BN = 2048

_NC = 2
_NS = 16
_L = 16
_NW = _NC * _NS
_ROWS_PER_W = N_TOK_ // _NW
_CHUNKS = D_SAE_ // _L



def _enc_body(x_ref, bpre_ref, w_ref, benc_ref, z_ref):
    xc = x_ref[...] - bpre_ref[...]
    z_ref[...] = jax.lax.dot_general(
        xc, w_ref[...], (((1,), (1,)), ((), ())),
        preferred_element_type=jnp.float32) + benc_ref[...]


def _encode(x, b_pre, W_enc, b_enc):
    grid = (N_TOK_ // BM, D_SAE_ // BN)
    return pl.pallas_call(
        _enc_body,
        grid=grid,
        in_specs=[
            pl.BlockSpec((BM, D_MODEL_), lambda i, j: (i, 0)),
            pl.BlockSpec((1, D_MODEL_), lambda i, j: (0, 0)),
            pl.BlockSpec((BN, D_MODEL_), lambda i, j: (j, 0)),
            pl.BlockSpec((1, BN), lambda i, j: (0, j)),
        ],
        out_specs=pl.BlockSpec((BM, BN), lambda i, j: (i, j)),
        out_shape=jax.ShapeDtypeStruct((N_TOK_, D_SAE_), jnp.float32),
    )(x, b_pre.reshape(1, D_MODEL_), W_enc, b_enc.reshape(1, D_SAE_))



def _ukey16(v):
    b = plsc.bitcast(v, jnp.int32)
    return plsc.bitcast(b ^ ((b >> 31) | (-2147483648)), jnp.uint32)


def _topk_body(z_hbm, zs_hbm, row_v0, row_v1, out_v0, out_v1, cand_v,
               hist_v, in_s0, in_s1, out_s0, out_s1):
    wid = lax.axis_index("s") * _NC + lax.axis_index("c")
    base = wid * _ROWS_PER_W
    ones = jnp.ones((_L,), jnp.int32)
    zeros16 = jnp.zeros((_L,), jnp.int32)
    iota16 = lax.iota(jnp.int32, _L)
    row_vs = (row_v0, row_v1)
    out_vs = (out_v0, out_v1)
    in_sems = (in_s0, in_s1)
    out_sems = (out_s0, out_s1)

    gather_idx = [iota16 * _L + l for l in range(16)]

    def scan_hist(quota):
        totv = zeros16
        for l in range(16):
            totv = totv + plsc.load_gather(hist_v, [gather_idx[l]])
        sufc = jnp.flip(jnp.cumsum(jnp.flip(totv)))
        jc = jnp.sum((sufc >= quota).astype(jnp.int32)) - 1
        above_c = jnp.sum(jnp.where(iota16 > jc, totv, 0))
        h_c = hist_v[pl.ds(jc * _L, _L)]
        suf_w = jnp.flip(jnp.cumsum(jnp.flip(h_c))) + above_c
        bkt_in = jnp.sum((suf_w >= quota).astype(jnp.int32)) - 1
        bkt = jc * _L + bkt_in
        n_above = jnp.sum(jnp.where(iota16 > bkt_in, h_c, 0)) + above_c
        return bkt, n_above

    def clear_hist():
        for i in range(16):
            hist_v[pl.ds(i * _L, _L)] = zeros16

    def process_row(buf, r):
        row = row_vs[buf]
        out = out_vs[buf]
        row_idx = base + r

        pltpu.make_async_copy(z_hbm.at[0], row, in_sems[buf]).wait()

        clear_hist()

        @plsc.parallel_loop(0, D_SAE_, _L, unroll=16)
        def _(c):
            k = _ukey16(row[pl.ds(c, _L)])
            bucket = (k >> 24).astype(jnp.int32)
            plsc.addupdate_scatter(hist_v, [bucket], ones)

        quota = jnp.int32(K_)
        b1, n_above = scan_hist(quota)
        quota = quota - n_above

        cand_v[pl.ds(0, _L)] = zeros16

        @plsc.parallel_loop(0, D_SAE_, _L, unroll=8, carry=zeros16 - 1)
        def offs(c, off):
            k = _ukey16(row[pl.ds(c, _L)])
            active = (k >> 24).astype(jnp.int32) == b1
            pos = off + jnp.cumsum(active.astype(jnp.int32))
            plsc.store_scatter(cand_v, [pos], plsc.bitcast(k, jnp.int32),
                               mask=active)
            return off + plsc.all_reduce_population_count(active)

        offs = offs + 1
        n_cand = jnp.max(offs)
        n_cc = (n_cand + _L - 1) // _L

        @pl.when(r >= 2)
        def _():
            pltpu.make_async_copy(out, zs_hbm.at[0], out_sems[buf]).wait()

        def sort16(ref, q):
            c16 = plsc.bitcast(ref[pl.ds(0, _L)], jnp.uint32)
            srt = plsc.sort_key_val(c16, c16)[0]
            srt_i = plsc.bitcast(srt, jnp.int32)
            t_i = jnp.sum(jnp.where(iota16 == (16 - q), srt_i, 0))
            gt = plsc.bitcast(srt, jnp.uint32) > t_i.astype(jnp.uint32)
            return t_i, q - jnp.sum(gt.astype(jnp.int32))

        def fast1():
            return sort16(cand_v, quota)

        def level2():
            clear_hist()

            @plsc.parallel_loop(0, n_cc * _L, _L, unroll=2)
            def _(c):
                k = cand_v[pl.ds(c, _L)]
                valid = (iota16 + c) < offs
                bucket = lax.shift_right_logical(k, 16) & 0xFF
                plsc.addupdate_scatter(hist_v, [bucket], ones, mask=valid)
            b2, n_above2 = scan_hist(quota)
            q2 = quota - n_above2

            out[pl.ds(0, _L)] = jnp.zeros((_L,), jnp.float32)

            @plsc.parallel_loop(0, n_cc * _L, _L, unroll=2, carry=zeros16)
            def off2(c, o2):
                k = cand_v[pl.ds(c, _L)]
                valid = (iota16 + c) < offs
                active = valid & (
                    (lax.shift_right_logical(k, 16) & 0xFF) == b2)
                pos = o2 + jnp.cumsum(active.astype(jnp.int32)) - 1
                plsc.store_scatter(out, [pos],
                                   plsc.bitcast(k, jnp.float32),
                                   mask=active)
                return o2 + plsc.all_reduce_population_count(active)
            n2 = jnp.max(off2)

            def fast2():
                return sort16(out, q2)

            def slow2():
                pfx = (b1 << 24) | (b2 << 16)
                q = q2
                n2c = (n2 + _L - 1) // _L
                for shift in (8, 0):
                    clear_hist()
                    hm = jnp.int32(-(1 << (shift + 8)))

                    def rr(c, _, hm=hm, pfx=pfx, shift=shift):
                        k = plsc.bitcast(out[pl.ds(c * _L, _L)], jnp.int32)
                        valid = (iota16 + c * _L) < off2
                        active = valid & ((k & hm) == pfx)
                        bucket = lax.shift_right_logical(k, shift) & 0xFF
                        plsc.addupdate_scatter(hist_v, [bucket], ones,
                                               mask=active)
                        return 0

                    lax.fori_loop(0, n2c, rr, 0)
                    bkt, n_above = scan_hist(q)
                    pfx = pfx | (bkt << shift)
                    q = q - n_above
                return pfx, q

            return lax.cond(n2 <= _L, fast2, slow2)

        t_i, quota = lax.cond(n_cand <= _L, fast1, level2)
        b_t = jnp.where(t_i < 0, t_i ^ (-2147483648), ~t_i)
        t_fv = plsc.bitcast(jnp.broadcast_to(b_t, (_L,)), jnp.float32)

        @plsc.parallel_loop(0, D_SAE_, _L, unroll=16, carry=zeros16)
        def eqv(c, eqc):
            v = row[pl.ds(c, _L)]
            out[pl.ds(c, _L)] = jnp.where(v >= t_fv, v, 0.0)
            return eqc + (v == t_fv).astype(jnp.int32)

        total_eq = jnp.sum(eqv)

        def fixup():
            def fl(c, eq_seen):
                v = row[pl.ds(c * _L, _L)]
                eq = v == t_fv
                cum = jnp.cumsum(eq.astype(jnp.int32))
                drop = eq & ((eq_seen + cum) > quota)
                cur = out[pl.ds(c * _L, _L)]
                out[pl.ds(c * _L, _L)] = jnp.where(drop, 0.0, cur)
                return eq_seen + jnp.sum(eq.astype(jnp.int32))

            lax.fori_loop(0, _CHUNKS, fl, jnp.int32(0))

        lax.cond(total_eq > quota, fixup, lambda: None)

        pltpu.async_copy(out, zs_hbm.at[row_idx], out_sems[buf])

        @pl.when(r + 2 < _ROWS_PER_W)
        def _():
            pltpu.async_copy(z_hbm.at[base + r + 2], row, in_sems[buf])

    pltpu.async_copy(z_hbm.at[base], row_v0, in_s0)
    pltpu.async_copy(z_hbm.at[base + 1], row_v1, in_s1)

    def do_pair(p, carry):
        process_row(0, 2 * p)
        process_row(1, 2 * p + 1)
        return carry

    lax.fori_loop(0, _ROWS_PER_W // 2, do_pair, 0)

    pltpu.make_async_copy(out_v0, zs_hbm.at[0], out_s0).wait()
    pltpu.make_async_copy(out_v1, zs_hbm.at[0], out_s1).wait()


def _topk_sc(z):
    mesh = plsc.VectorSubcoreMesh(core_axis_name="c", subcore_axis_name="s",
                                  num_cores=_NC, num_subcores=_NS)
    f = pl.kernel(
        _topk_body,
        out_type=jax.ShapeDtypeStruct((N_TOK_, D_SAE_), jnp.float32),
        mesh=mesh,
        scratch_types=[
            pltpu.VMEM((D_SAE_,), jnp.float32),
            pltpu.VMEM((D_SAE_,), jnp.float32),
            pltpu.VMEM((D_SAE_,), jnp.float32),
            pltpu.VMEM((D_SAE_,), jnp.float32),
            pltpu.VMEM((D_SAE_,), jnp.int32),
            pltpu.VMEM((256,), jnp.int32),
            pltpu.SemaphoreType.DMA,
            pltpu.SemaphoreType.DMA,
            pltpu.SemaphoreType.DMA,
            pltpu.SemaphoreType.DMA,
        ],
        compiler_params=pltpu.CompilerParams(needs_layout_passes=False),
    )
    return f(z)



def _dec_body(zs_ref, w_ref, bdec_ref, out_ref):
    j = pl.program_id(1)
    acc = jax.lax.dot_general(
        zs_ref[...], w_ref[...], (((1,), (1,)), ((), ())),
        preferred_element_type=jnp.float32)

    @pl.when(j == 0)
    def _():
        out_ref[...] = acc + bdec_ref[...]

    @pl.when(j > 0)
    def _():
        out_ref[...] += acc


def _decode(z_sparse, W_dec, b_dec):
    grid = (N_TOK_ // BM, D_SAE_ // BN)
    return pl.pallas_call(
        _dec_body,
        grid=grid,
        in_specs=[
            pl.BlockSpec((BM, BN), lambda i, j: (i, j)),
            pl.BlockSpec((D_MODEL_, BN), lambda i, j: (0, j)),
            pl.BlockSpec((1, D_MODEL_), lambda i, j: (0, 0)),
        ],
        out_specs=pl.BlockSpec((BM, D_MODEL_), lambda i, j: (i, 0)),
        out_shape=jax.ShapeDtypeStruct((N_TOK_, D_MODEL_), jnp.float32),
    )(z_sparse, W_dec, b_dec.reshape(1, D_MODEL_))


def kernel(x, b_pre, W_enc, b_enc, W_dec, b_dec):
    z = _encode(x, b_pre, W_enc, b_enc)
    z_sparse = _topk_sc(z)
    x_hat = _decode(z_sparse, W_dec, b_dec)
    return (x_hat, z_sparse, z)

# --- scband reference (transcript-rebuilt; emitter-appended) ---
"""Pipeline reference for scband-top-ksae-29008209117481 (READ-ONLY COPY).

The authoritative reference and input builder live on the scoring server;
editing this copy changes nothing except your own understanding.
"""

import jax, jax.numpy as jnp
import numpy as np

D_MODEL = 768
D_SAE = 16384
K = 64
N_TOK = 4096


def setup_inputs(seed: int = 0) -> dict:
    key = jax.random.key(seed)
    k1, k2, k3, k4, k5 = jax.random.split(key, 5)
    x = jax.random.normal(k1, (N_TOK, D_MODEL), dtype=jnp.float32)
    b_pre = jnp.zeros((D_MODEL,), dtype=jnp.float32)
    lim_enc = 1.0 / np.sqrt(D_MODEL)
    W_enc = jax.random.uniform(k2, (D_SAE, D_MODEL), dtype=jnp.float32, minval=-lim_enc, maxval=lim_enc)
    b_enc = jax.random.uniform(k3, (D_SAE,), dtype=jnp.float32, minval=-lim_enc, maxval=lim_enc)
    lim_dec = 1.0 / np.sqrt(D_SAE)
    W_dec = jax.random.uniform(k4, (D_MODEL, D_SAE), dtype=jnp.float32, minval=-lim_dec, maxval=lim_dec)
    # decoder columns (dim=0 in torch layout [d_model, d_sae]) unit-normalized
    W_dec = W_dec / jnp.linalg.norm(W_dec, axis=0, keepdims=True)
    b_dec = jax.random.uniform(k5, (D_MODEL,), dtype=jnp.float32, minval=-lim_dec, maxval=lim_dec)
    return {"x": x, "b_pre": b_pre, "W_enc": W_enc, "b_enc": b_enc, "W_dec": W_dec, "b_dec": b_dec}


def reference(x, b_pre, W_enc, b_enc, W_dec, b_dec):
    # encode with pre-encoder centering
    z = (x - b_pre) @ W_enc.T + b_enc
    topk_values, topk_indices = jax.lax.top_k(z, K)
    rows = jnp.arange(z.shape[0])[:, None]
    z_sparse = jnp.zeros_like(z).at[rows, topk_indices].set(topk_values)
    x_hat = z_sparse @ W_dec.T + b_dec
    return (x_hat, z_sparse, z)

if __name__ == "__main__":
    import jax
    _d = setup_inputs()
    print(jax.jit(kernel)(*tuple(_d.values())))

</pallas_src>

<mosaic_0001>
#map = affine_map<(d0, d1) -> (0, 0)>
module attributes {stable_mosaic.version = 14 : i64} {
  func.func @_topk_body(%arg0: i32, %arg1: i32, %arg2: memref<4096x16384xf32, #tpu.memory_space<hbm>>, %arg3: memref<4096x16384xf32, #tpu.memory_space<hbm>>, %arg4: memref<16384xf32, #tpu.memory_space<vmem>>, %arg5: memref<16384xf32, #tpu.memory_space<vmem>>, %arg6: memref<16384xf32, #tpu.memory_space<vmem>>, %arg7: memref<16384xf32, #tpu.memory_space<vmem>>, %arg8: memref<16384xi32, #tpu.memory_space<vmem>>, %arg9: memref<256xi32, #tpu.memory_space<vmem>>, %arg10: memref<!tpu.dma_semaphore, #tpu.memory_space<semaphore_mem>>, %arg11: memref<!tpu.dma_semaphore, #tpu.memory_space<semaphore_mem>>, %arg12: memref<!tpu.dma_semaphore, #tpu.memory_space<semaphore_mem>>, %arg13: memref<!tpu.dma_semaphore, #tpu.memory_space<semaphore_mem>>) attributes {dimension_semantics = [#tpu.dimension_semantics<core_parallel>, #tpu.dimension_semantics<subcore_parallel>], iteration_bounds = array<i64: 2, 16>, scalar_prefetch = 0 : i64, scratch_operands = 10 : i64, tpu.core_type = #tpu.core_type<sc_vector_subcore>, window_params = [{transform_indices = #map}, {transform_indices = #map}]} {
    %mul3A = arith.constant 2 : i32
    %mul3A_0 = arith.muli %arg1, %mul3A : i32
    %add3A = arith.addi %mul3A_0, %arg0 : i32
    %mul3A_1 = arith.constant 128 : i32
    %mul3A_2 = arith.muli %add3A, %mul3A_1 : i32
    %broadcast_in_dim3A = arith.constant 1 : i32
    %broadcast_in_dim3A_3 = vector.broadcast %broadcast_in_dim3A : i32 to vector<16xi32>
    %broadcast_in_dim3A_4 = arith.constant 0 : i32
    %broadcast_in_dim3A_5 = vector.broadcast %broadcast_in_dim3A_4 : i32 to vector<16xi32>
    %iota3A = tpu.iota {dimensions = array<i32: 0>} : vector<16xi32>
    %mul3A_6 = arith.constant 16 : i32
    %mul3A_7 = vector.broadcast %mul3A_6 : i32 to vector<16xi32>
    %mul3A_8 = arith.muli %iota3A, %mul3A_7 : vector<16xi32>
    %add3A_9 = arith.constant 0 : i32
    %add3A_10 = vector.broadcast %add3A_9 : i32 to vector<16xi32>
    %add3A_11 = arith.addi %mul3A_8, %add3A_10 : vector<16xi32>
    %mul3A_12 = arith.constant 16 : i32
    %mul3A_13 = vector.broadcast %mul3A_12 : i32 to vector<16xi32>
    %mul3A_14 = arith.muli %iota3A, %mul3A_13 : vector<16xi32>
    %add3A_15 = arith.constant 1 : i32
    %add3A_16 = vector.broadcast %add3A_15 : i32 to vector<16xi32>
    %add3A_17 = arith.addi %mul3A_14, %add3A_16 : vector<16xi32>
    %mul3A_18 = arith.constant 16 : i32
    %mul3A_19 = vector.broadcast %mul3A_18 : i32 to vector<16xi32>
    %mul3A_20 = arith.muli %iota3A, %mul3A_19 : vector<16xi32>
    %add3A_21 = arith.constant 2 : i32
    %add3A_22 = vector.broadcast %add3A_21 : i32 to vector<16xi32>
    %add3A_23 = arith.addi %mul3A_20, %add3A_22 : vector<16xi32>
    %mul3A_24 = arith.constant 16 : i32
    %mul3A_25 = vector.broadcast %mul3A_24 : i32 to vector<16xi32>
    %mul3A_26 = arith.muli %iota3A, %mul3A_25 : vector<16xi32>
    %add3A_27 = arith.constant 3 : i32
    %add3A_28 = vector.broadcast %add3A_27 : i32 to vector<16xi32>
    %add3A_29 = arith.addi %mul3A_26, %add3A_28 : vector<16xi32>
    %mul3A_30 = arith.constant 16 : i32
    %mul3A_31 = vector.broadcast %mul3A_30 : i32 to vector<16xi32>
    %mul3A_32 = arith.muli %iota3A, %mul3A_31 : vector<16xi32>
    %add3A_33 = arith.constant 4 : i32
    %add3A_34 = vector.broadcast %add3A_33 : i32 to vector<16xi32>
    %add3A_35 = arith.addi %mul3A_32, %add3A_34 : vector<16xi32>
    %mul3A_36 = arith.constant 16 : i32
    %mul3A_37 = vector.broadcast %mul3A_36 : i32 to vector<16xi32>
    %mul3A_38 = arith.muli %iota3A, %mul3A_37 : vector<16xi32>
    %add3A_39 = arith.constant 5 : i32
    %add3A_40 = vector.broadcast %add3A_39 : i32 to vector<16xi32>
    %add3A_41 = arith.addi %mul3A_38, %add3A_40 : vector<16xi32>
    %mul3A_42 = arith.constant 16 : i32
    %mul3A_43 = vector.broadcast %mul3A_42 : i32 to vector<16xi32>
    %mul3A_44 = arith.muli %iota3A, %mul3A_43 : vector<16xi32>
    %add3A_45 = arith.constant 6 : i32
    %add3A_46 = vector.broadcast %add3A_45 : i32 to vector<16xi32>
    %add3A_47 = arith.addi %mul3A_44, %add3A_46 : vector<16xi32>
    %mul3A_48 = arith.constant 16 : i32
    %mul3A_49 = vector.broadcast %mul3A_48 : i32 to vector<16xi32>
    %mul3A_50 = arith.muli %iota3A, %mul3A_49 : vector<16xi32>
    %add3A_51 = arith.constant 7 : i32
    %add3A_52 = vector.broadcast %add3A_51 : i32 to vector<16xi32>
    %add3A_53 = arith.addi %mul3A_50, %add3A_52 : vector<16xi32>
    %mul3A_54 = arith.constant 16 : i32
    %mul3A_55 = vector.broadcast %mul3A_54 : i32 to vector<16xi32>
    %mul3A_56 = arith.muli %iota3A, %mul3A_55 : vector<16xi32>
    %add3A_57 = arith.constant 8 : i32
    %add3A_58 = vector.broadcast %add3A_57 : i32 to vector<16xi32>
    %add3A_59 = arith.addi %mul3A_56, %add3A_58 : vector<16xi32>
    %mul3A_60 = arith.constant 16 : i32
    %mul3A_61 = vector.broadcast %mul3A_60 : i32 to vector<16xi32>
    %mul3A_62 = arith.muli %iota3A, %mul3A_61 : vector<16xi32>
    %add3A_63 = arith.constant 9 : i32
    %add3A_64 = vector.broadcast %add3A_63 : i32 to vector<16xi32>
    %add3A_65 = arith.addi %mul3A_62, %add3A_64 : vector<16xi32>
    %mul3A_66 = arith.constant 16 : i32
    %mul3A_67 = vector.broadcast %mul3A_66 : i32 to vector<16xi32>
    %mul3A_68 = arith.muli %iota3A, %mul3A_67 : vector<16xi32>
    %add3A_69 = arith.constant 10 : i32
    %add3A_70 = vector.broadcast %add3A_69 : i32 to vector<16xi32>
    %add3A_71 = arith.addi %mul3A_68, %add3A_70 : vector<16xi32>
    %mul3A_72 = arith.constant 16 : i32
    %mul3A_73 = vector.broadcast %mul3A_72 : i32 to vector<16xi32>
    %mul3A_74 = arith.muli %iota3A, %mul3A_73 : vector<16xi32>
    %add3A_75 = arith.constant 11 : i32
    %add3A_76 = vector.broadcast %add3A_75 : i32 to vector<16xi32>
    %add3A_77 = arith.addi %mul3A_74, %add3A_76 : vector<16xi32>
    %mul3A_78 = arith.constant 16 : i32
    %mul3A_79 = vector.broadcast %mul3A_78 : i32 to vector<16xi32>
    %mul3A_80 = arith.muli %iota3A, %mul3A_79 : vector<16xi32>
    %add3A_81 = arith.constant 12 : i32
    %add3A_82 = vector.broadcast %add3A_81 : i32 to vector<16xi32>
    %add3A_83 = arith.addi %mul3A_80, %add3A_82 : vector<16xi32>
    %mul3A_84 = arith.constant 16 : i32
    %mul3A_85 = vector.broadcast %mul3A_84 : i32 to vector<16xi32>
    %mul3A_86 = arith.muli %iota3A, %mul3A_85 : vector<16xi32>
    %add3A_87 = arith.constant 13 : i32
    %add3A_88 = vector.broadcast %add3A_87 : i32 to vector<16xi32>
    %add3A_89 = arith.addi %mul3A_86, %add3A_88 : vector<16xi32>
    %mul3A_90 = arith.constant 16 : i32
    %mul3A_91 = vector.broadcast %mul3A_90 : i32 to vector<16xi32>
    %mul3A_92 = arith.muli %iota3A, %mul3A_91 : vector<16xi32>
    %add3A_93 = arith.constant 14 : i32
    %add3A_94 = vector.broadcast %add3A_93 : i32 to vector<16xi32>
    %add3A_95 = arith.addi %mul3A_92, %add3A_94 : vector<16xi32>
    %mul3A_96 = arith.constant 16 : i32
    %mul3A_97 = vector.broadcast %mul3A_96 : i32 to vector<16xi32>
    %mul3A_98 = arith.muli %iota3A, %mul3A_97 : vector<16xi32>
    %add3A_99 = arith.constant 15 : i32
    %add3A_100 = vector.broadcast %add3A_99 : i32 to vector<16xi32>
    %add3A_101 = arith.addi %mul3A_98, %add3A_100 : vector<16xi32>
    %dma_start3A = arith.constant 0 : i32
    %dma_start3A_102 = tpu.memref_slice %arg2[%mul3A_2, %dma_start3A] : memref<4096x16384xf32, #tpu.memory_space<hbm>> -> memref<1x16384xf32, #tpu.memory_space<hbm>>
    %dma_start3A_103 = tpu.memref_squeeze %dma_start3A_102 : memref<1x16384xf32, #tpu.memory_space<hbm>> -> memref<16384xf32, #tpu.memory_space<hbm>>
    %dma_start3A_104 = arith.constant 0 : i32
    %dma_start3A_105 = tpu.memref_slice %arg2[%mul3A_2, %dma_start3A_104] : memref<4096x16384xf32, #tpu.memory_space<hbm>> -> memref<1x16384xf32, #tpu.memory_space<hbm>>
    %dma_start3A_106 = tpu.memref_squeeze %dma_start3A_105 : memref<1x16384xf32, #tpu.memory_space<hbm>> -> memref<16384xf32, #tpu.memory_space<hbm>>
    tpu.enqueue_dma source(%dma_start3A_106 : memref<16384xf32, #tpu.memory_space<hbm>>) target(%arg4 : memref<16384xf32, #tpu.memory_space<vmem>>) target_semaphore(%arg10 : memref<!tpu.dma_semaphore, #tpu.memory_space<semaphore_mem>>)
    %add3A_107 = arith.constant 1 : i32
    %add3A_108 = arith.addi %mul3A_2, %add3A_107 : i32
    %dma_start3A_109 = arith.constant 0 : i32
    %dma_start3A_110 = tpu.memref_slice %arg2[%add3A_108, %dma_start3A_109] : memref<4096x16384xf32, #tpu.memory_space<hbm>> -> memref<1x16384xf32, #tpu.memory_space<hbm>>
    %dma_start3A_111 = tpu.memref_squeeze %dma_start3A_110 : memref<1x16384xf32, #tpu.memory_space<hbm>> -> memref<16384xf32, #tpu.memory_space<hbm>>
    %dma_start3A_112 = arith.constant 0 : i32
    %dma_start3A_113 = tpu.memref_slice %arg2[%add3A_108, %dma_start3A_112] : memref<4096x16384xf32, #tpu.memory_space<hbm>> -> memref<1x16384xf32, #tpu.memory_space<hbm>>
    %dma_start3A_114 = tpu.memref_squeeze %dma_start3A_113 : memref<1x16384xf32, #tpu.memory_space<hbm>> -> memref<16384xf32, #tpu.memory_space<hbm>>
    tpu.enqueue_dma source(%dma_start3A_114 : memref<16384xf32, #tpu.memory_space<hbm>>) target(%arg5 : memref<16384xf32, #tpu.memory_space<vmem>>) target_semaphore(%arg11 : memref<!tpu.dma_semaphore, #tpu.memory_space<semaphore_mem>>)
    %scan3A = arith.constant 0 : i32
    %scan3A_115 = arith.constant 0 : i32
    %scan3A_116 = arith.constant 64 : i32
    %scan3A_117 = arith.addi %scan3A_115, %scan3A_116 : i32
    %scan3A_118 = arith.constant 1 : i32
    scf.for %scan3A_133 = %scan3A_115 to %scan3A_117 step %scan3A_118  : i32 {
      %mul3A_134 = arith.constant 2 : i32
      %mul3A_135 = arith.muli %mul3A_134, %scan3A_133 : i32
      %add3A_136 = arith.addi %mul3A_2, %mul3A_135 : i32
      %dma_wait3A_137 = arith.constant 0 : i32
      %dma_wait3A_138 = arith.constant 0 : i32
      %dma_wait3A_139 = tpu.memref_slice %arg2[%dma_wait3A_137, %dma_wait3A_138] : memref<4096x16384xf32, #tpu.memory_space<hbm>> -> memref<1x16384xf32, #tpu.memory_space<hbm>>
      %dma_wait3A_140 = tpu.memref_squeeze %dma_wait3A_139 : memref<1x16384xf32, #tpu.memory_space<hbm>> -> memref<16384xf32, #tpu.memory_space<hbm>>
      %dma_wait3A_141 = arith.constant 0 : i32
      %dma_wait3A_142 = tpu.memref_slice %arg2[%dma_wait3A_137, %dma_wait3A_141] : memref<4096x16384xf32, #tpu.memory_space<hbm>> -> memref<1x16384xf32, #tpu.memory_space<hbm>>
      %dma_wait3A_143 = tpu.memref_squeeze %dma_wait3A_142 : memref<1x16384xf32, #tpu.memory_space<hbm>> -> memref<16384xf32, #tpu.memory_space<hbm>>
      tpu.wait_dma2 semaphore(%arg10 : memref<!tpu.dma_semaphore, #tpu.memory_space<semaphore_mem>>) src(%dma_wait3A_143 : memref<16384xf32, #tpu.memory_space<hbm>>) dst(%arg4 : memref<16384xf32, #tpu.memory_space<vmem>>)
      %swap3A = arith.constant 0 : index
      %swap3A_144 = tpu.vector_load %arg9[%swap3A] {strides = array<i32>} : memref<256xi32, #tpu.memory_space<vmem>>, vector<16xi32>,
      tpu.vector_store %arg9[%swap3A], %broadcast_in_dim3A_5 {strides = array<i32>} : memref<256xi32, #tpu.memory_space<vmem>>, vector<16xi32>,
      %swap3A_145 = arith.constant 16 : index
      %swap3A_146 = tpu.vector_load %arg9[%swap3A_145] {strides = array<i32>} : memref<256xi32, #tpu.memory_space<vmem>>, vector<16xi32>,
      tpu.vector_store %arg9[%swap3A_145], %broadcast_in_dim3A_5 {strides = array<i32>} : memref<256xi32, #tpu.memory_space<vmem>>, vector<16xi32>,
      %swap3A_147 = arith.constant 32 : index
      %swap3A_148 = tpu.vector_load %arg9[%swap3A_147] {strides = array<i32>} : memref<256xi32, #tpu.memory_space<vmem>>, vector<16xi32>,
      tpu.vector_store %arg9[%swap3A_147], %broadcast_in_dim3A_5 {strides = array<i32>} : memref<256xi32, #tpu.memory_space<vmem>>, vector<16xi32>,
      %swap3A_149 = arith.constant 48 : index
      %swap3A_150 = tpu.vector_load %arg9[%swap3A_149] {strides = array<i32>} : memref<256xi32, #tpu.memory_space<vmem>>, vector<16xi32>,
      tpu.vector_store %arg9[%swap3A_149], %broadcast_in_dim3A_5 {strides = array<i32>} : memref<256xi32, #tpu.memory_space<vmem>>, vector<16xi32>,
      %swap3A_151 = arith.constant 64 : index
      %swap3A_152 = tpu.vector_load %arg9[%swap3A_151] {strides = array<i32>} : memref<256xi32, #tpu.memory_space<vmem>>, vector<16xi32>,
      tpu.vector_store %arg9[%swap3A_151], %broadcast_in_dim3A_5 {strides = array<i32>} : memref<256xi32, #tpu.memory_space<vmem>>, vector<16xi32>,
      %swap3A_153 = arith.constant 80 : index
      %swap3A_154 = tpu.vector_load %arg9[%swap3A_153] {strides = array<i32>} : memref<256xi32, #tpu.memory_space<vmem>>, vector<16xi32>,
      tpu.vector_store %arg9[%swap3A_153], %broadcast_in_dim3A_5 {strides = array<i32>} : memref<256xi32, #tpu.memory_space<vmem>>, vector<16xi32>,
      %swap3A_155 = arith.constant 96 : index
      %swap3A_156 = tpu.vector_load %arg9[%swap3A_155] {strides = array<i32>} : memref<256xi32, #tpu.memory_space<vmem>>, vector<16xi32>,
      tpu.vector_store %arg9[%swap3A_155], %broadcast_in_dim3A_5 {strides = array<i32>} : memref<256xi32, #tpu.memory_space<vmem>>, vector<16xi32>,
      %swap3A_157 = arith.constant 112 : index
      %swap3A_158 = tpu.vector_load %arg9[%swap3A_157] {strides = array<i32>} : memref<256xi32, #tpu.memory_space<vmem>>, vector<16xi32>,
      tpu.vector_store %arg9[%swap3A_157], %broadcast_in_dim3A_5 {strides = array<i32>} : memref<256xi32, #tpu.memory_space<vmem>>, vector<16xi32>,
      %swap3A_159 = arith.constant 128 : index
      %swap3A_160 = tpu.vector_load %arg9[%swap3A_159] {strides = array<i32>} : memref<256xi32, #tpu.memory_space<vmem>>, vector<16xi32>,
      tpu.vector_store %arg9[%swap3A_159], %broadcast_in_dim3A_5 {strides = array<i32>} : memref<256xi32, #tpu.memory_space<vmem>>, vector<16xi32>,
      %swap3A_161 = arith.constant 144 : index
      %swap3A_162 = tpu.vector_load %arg9[%swap3A_161] {strides = array<i32>} : memref<256xi32, #tpu.memory_space<vmem>>, vector<16xi32>,
      tpu.vector_store %arg9[%swap3A_161], %broadcast_in_dim3A_5 {strides = array<i32>} : memref<256xi32, #tpu.memory_space<vmem>>, vector<16xi32>,
      %swap3A_163 = arith.constant 160 : index
      %swap3A_164 = tpu.vector_load %arg9[%swap3A_163] {strides = array<i32>} : memref<256xi32, #tpu.memory_space<vmem>>, vector<16xi32>,
      tpu.vector_store %arg9[%swap3A_163], %broadcast_in_dim3A_5 {strides = array<i32>} : memref<256xi32, #tpu.memory_space<vmem>>, vector<16xi32>,
      %swap3A_165 = arith.constant 176 : index
      %swap3A_166 = tpu.vector_load %arg9[%swap3A_165] {strides = array<i32>} : memref<256xi32, #tpu.memory_space<vmem>>, vector<16xi32>,
      tpu.vector_store %arg9[%swap3A_165], %broadcast_in_dim3A_5 {strides = array<i32>} : memref<256xi32, #tpu.memory_space<vmem>>, vector<16xi32>,
      %swap3A_167 = arith.constant 192 : index
      %swap3A_168 = tpu.vector_load %arg9[%swap3A_167] {strides = array<i32>} : memref<256xi32, #tpu.memory_space<vmem>>, vector<16xi32>,
      tpu.vector_store %arg9[%swap3A_167], %broadcast_in_dim3A_5 {strides = array<i32>} : memref<256xi32, #tpu.memory_space<vmem>>, vector<16xi32>,
      %swap3A_169 = arith.constant 208 : index
      %swap3A_170 = tpu.vector_load %arg9[%swap3A_169] {strides = array<i32>} : memref<256xi32, #tpu.memory_space<vmem>>, vector<16xi32>,
      tpu.vector_store %arg9[%swap3A_169], %broadcast_in_dim3A_5 {strides = array<i32>} : memref<256xi32, #tpu.memory_space<vmem>>, vector<16xi32>,
      %swap3A_171 = arith.constant 224 : index
      %swap3A_172 = tpu.vector_load %arg9[%swap3A_171] {strides = array<i32>} : memref<256xi32, #tpu.memory_space<vmem>>, vector<16xi32>,
      tpu.vector_store %arg9[%swap3A_171], %broadcast_in_dim3A_5 {strides = array<i32>} : memref<256xi32, #tpu.memory_space<vmem>>, vector<16xi32>,
      %swap3A_173 = arith.constant 240 : index
      %swap3A_174 = tpu.vector_load %arg9[%swap3A_173] {strides = array<i32>} : memref<256xi32, #tpu.memory_space<vmem>>, vector<16xi32>,
      tpu.vector_store %arg9[%swap3A_173], %broadcast_in_dim3A_5 {strides = array<i32>} : memref<256xi32, #tpu.memory_space<vmem>>, vector<16xi32>,
      %parallel_loop3A = arith.constant 0 : i32
      %parallel_loop3A_175 = arith.constant 16384 : i32
      %parallel_loop3A_176 = arith.constant 16 : i32
      scf.for %parallel_loop3A_603 = %parallel_loop3A to %parallel_loop3A_175 step %parallel_loop3A_176  : i32 {
        %parallel_loop3A_604 = arith.index_cast %parallel_loop3A_603 : i32 to index
        %parallel_loop3A_605 = tpu.vector_load %arg4[%parallel_loop3A_604] {strides = array<i32>} : memref<16384xf32, #tpu.memory_space<vmem>>, vector<16xf32>,
        %parallel_loop3A_606 = vector.bitcast %parallel_loop3A_605 : vector<16xf32> to vector<16xi32>
        %parallel_loop3A_607 = arith.constant 31 : i32
        %parallel_loop3A_608 = vector.broadcast %parallel_loop3A_607 : i32 to vector<16xi32>
        %parallel_loop3A_609 = arith.shrsi %parallel_loop3A_606, %parallel_loop3A_608 : vector<16xi32>
        %parallel_loop3A_610 = arith.constant -2147483648 : i32
        %parallel_loop3A_611 = vector.broadcast %parallel_loop3A_610 : i32 to vector<16xi32>
        %parallel_loop3A_612 = arith.ori %parallel_loop3A_609, %parallel_loop3A_611 : vector<16xi32>
        %parallel_loop3A_613 = arith.xori %parallel_loop3A_606, %parallel_loop3A_612 : vector<16xi32>
        %parallel_loop3A_614 = vector.bitcast %parallel_loop3A_613 : vector<16xi32> to vector<16xi32>
        %parallel_loop3A_615 = arith.constant 24 : i32
        %parallel_loop3A_616 = vector.broadcast %parallel_loop3A_615 : i32 to vector<16xi32>
        %parallel_loop3A_617 = arith.shrui %parallel_loop3A_614, %parallel_loop3A_616 : vector<16xi32>
        tpu.vector_store_idx %arg9[%parallel_loop3A_617], %broadcast_in_dim3A_3 {add = true} : memref<256xi32, #tpu.memory_space<vmem>>[vector<16xi32>], vector<16xi32>,
      } {sc.loop_unroll_factor = 16 : i64, sc.parallel_access}
      %gather3A = tpu.vector_load_idx %arg9[%add3A_11] : memref<256xi32, #tpu.memory_space<vmem>>[vector<16xi32>], vector<16xi32>,
      %add3A_177 = arith.addi %broadcast_in_dim3A_5, %gather3A : vector<16xi32>
      %gather3A_178 = tpu.vector_load_idx %arg9[%add3A_17] : memref<256xi32, #tpu.memory_space<vmem>>[vector<16xi32>], vector<16xi32>,
      %add3A_179 = arith.addi %add3A_177, %gather3A_178 : vector<16xi32>
      %gather3A_180 = tpu.vector_load_idx %arg9[%add3A_23] : memref<256xi32, #tpu.memory_space<vmem>>[vector<16xi32>], vector<16xi32>,
      %add3A_181 = arith.addi %add3A_179, %gather3A_180 : vector<16xi32>
      %gather3A_182 = tpu.vector_load_idx %arg9[%add3A_29] : memref<256xi32, #tpu.memory_space<vmem>>[vector<16xi32>], vector<16xi32>,
      %add3A_183 = arith.addi %add3A_181, %gather3A_182 : vector<16xi32>
      %gather3A_184 = tpu.vector_load_idx %arg9[%add3A_35] : memref<256xi32, #tpu.memory_space<vmem>>[vector<16xi32>], vector<16xi32>,
      %add3A_185 = arith.addi %add3A_183, %gather3A_184 : vector<16xi32>
      %gather3A_186 = tpu.vector_load_idx %arg9[%add3A_41] : memref<256xi32, #tpu.memory_space<vmem>>[vector<16xi32>], vector<16xi32>,
      %add3A_187 = arith.addi %add3A_185, %gather3A_186 : vector<16xi32>
      %gather3A_188 = tpu.vector_load_idx %arg9[%add3A_47] : memref<256xi32, #tpu.memory_space<vmem>>[vector<16xi32>], vector<16xi32>,
      %add3A_189 = arith.addi %add3A_187, %gather3A_188 : vector<16xi32>
      %gather3A_190 = tpu.vector_load_idx %arg9[%add3A_53] : memref<256xi32, #tpu.memory_space<vmem>>[vector<16xi32>], vector<16xi32>,
      %add3A_191 = arith.addi %add3A_189, %gather3A_190 : vector<16xi32>
      %gather3A_192 = tpu.vector_load_idx %arg9[%add3A_59] : memref<256xi32, #tpu.memory_space<vmem>>[vector<16xi32>], vector<16xi32>,
      %add3A_193 = arith.addi %add3A_191, %gather3A_192 : vector<16xi32>
      %gather3A_194 = tpu.vector_load_idx %arg9[%add3A_65] : memref<256xi32, #tpu.memory_space<vmem>>[vector<16xi32>], vector<16xi32>,
      %add3A_195 = arith.addi %add3A_193, %gather3A_194 : vector<16xi32>
      %gather3A_196 = tpu.vector_load_idx %arg9[%add3A_71] : memref<256xi32, #tpu.memory_space<vmem>>[vector<16xi32>], vector<16xi32>,
      %add3A_197 = arith.addi %add3A_195, %gather3A_196 : vector<16xi32>
      %gather3A_198 = tpu.vector_load_idx %arg9[%add3A_77] : memref<256xi32, #tpu.memory_space<vmem>>[vector<16xi32>], vector<16xi32>,
      %add3A_199 = arith.addi %add3A_197, %gather3A_198 : vector<16xi32>
      %gather3A_200 = tpu.vector_load_idx %arg9[%add3A_83] : memref<256xi32, #tpu.memory_space<vmem>>[vector<16xi32>], vector<16xi32>,
      %add3A_201 = arith.addi %add3A_199, %gather3A_200 : vector<16xi32>
      %gather3A_202 = tpu.vector_load_idx %arg9[%add3A_89] : memref<256xi32, #tpu.memory_space<vmem>>[vector<16xi32>], vector<16xi32>,
      %add3A_203 = arith.addi %add3A_201, %gather3A_202 : vector<16xi32>
      %gather3A_204 = tpu.vector_load_idx %arg9[%add3A_95] : memref<256xi32, #tpu.memory_space<vmem>>[vector<16xi32>], vector<16xi32>,
      %add3A_205 = arith.addi %add3A_203, %gather3A_204 : vector<16xi32>
      %gather3A_206 = tpu.vector_load_idx %arg9[%add3A_101] : memref<256xi32, #tpu.memory_space<vmem>>[vector<16xi32>], vector<16xi32>,
      %add3A_207 = arith.addi %add3A_205, %gather3A_206 : vector<16xi32>
      %rev3A = arith.constant 15 : i32
      %rev3A_208 = vector.broadcast %rev3A : i32 to vector<16xi32>
      %rev3A_209 = tpu.iota {dimensions = array<i32: 0>} : vector<16xi32>
      %rev3A_210 = arith.subi %rev3A_208, %rev3A_209 : vector<16xi32>
      %rev3A_211 = tpu.dynamic_gather %add3A_207[%rev3A_210] in [0] : vector<16xi32>, vector<16xi32> -> vector<16xi32>
      %cumsum3A = arith.constant true
      %cumsum3A_212 = vector.broadcast %cumsum3A : i1 to vector<16xi1>
      %cumsum3A_213 = tpu.scan <sum>, %rev3A_211 masked %cumsum3A_212 : vector<16xi32>, vector<16xi1> -> vector<16xi32>
      %rev3A_214 = arith.constant 15 : i32
      %rev3A_215 = vector.broadcast %rev3A_214 : i32 to vector<16xi32>
      %rev3A_216 = tpu.iota {dimensions = array<i32: 0>} : vector<16xi32>
      %rev3A_217 = arith.subi %rev3A_215, %rev3A_216 : vector<16xi32>
      %rev3A_218 = tpu.dynamic_gather %cumsum3A_213[%rev3A_217] in [0] : vector<16xi32>, vector<16xi32> -> vector<16xi32>
      %ge3A = arith.constant 64 : i32
      %ge3A_219 = vector.broadcast %ge3A : i32 to vector<16xi32>
      %ge3A_220 = arith.cmpi sge, %rev3A_218, %ge3A_219 : vector<16xi32>
      %convert_element_type3A = arith.extui %ge3A_220 : vector<16xi1> to vector<16xi32>
      %reduce_sum3A = arith.constant true
      %reduce_sum3A_221 = vector.broadcast %reduce_sum3A : i1 to vector<16xi1>
      %reduce_sum3A_222 = tpu.scan <sum>, %convert_element_type3A masked %reduce_sum3A_221 : vector<16xi32>, vector<16xi1> -> vector<16xi32>
      %reduce_sum3A_223 = vector.extract %reduce_sum3A_222[15] : i32 from vector<16xi32>
      %sub3A = arith.constant 1 : i32
      %sub3A_224 = arith.subi %reduce_sum3A_223, %sub3A : i32
      %gt3A = vector.broadcast %sub3A_224 : i32 to vector<16xi32>
      %gt3A_225 = arith.cmpi sgt, %iota3A, %gt3A : vector<16xi32>
      %jit3A = arith.constant 0 : i32
      %broadcast_in_dim3A_226 = vector.broadcast %jit3A : i32 to vector<16xi32>
      %select_n3A = arith.select %gt3A_225, %add3A_207, %broadcast_in_dim3A_226 : vector<16xi1>, vector<16xi32>
      %reduce_sum3A_227 = arith.constant true
      %reduce_sum3A_228 = vector.broadcast %reduce_sum3A_227 : i1 to vector<16xi1>
      %reduce_sum3A_229 = tpu.scan <sum>, %select_n3A masked %reduce_sum3A_228 : vector<16xi32>, vector<16xi1> -> vector<16xi32>
      %reduce_sum3A_230 = vector.extract %reduce_sum3A_229[15] : i32 from vector<16xi32>
      %mul3A_231 = arith.constant 16 : i32
      %mul3A_232 = arith.muli %sub3A_224, %mul3A_231 : i32
      %get3A = arith.index_cast %mul3A_232 : i32 to index
      %get3A_233 = tpu.vector_load %arg9[%get3A] {strides = array<i32>} : memref<256xi32, #tpu.memory_space<vmem>>, vector<16xi32>,
      %rev3A_234 = arith.constant 15 : i32
      %rev3A_235 = vector.broadcast %rev3A_234 : i32 to vector<16xi32>
      %rev3A_236 = tpu.iota {dimensions = array<i32: 0>} : vector<16xi32>
      %rev3A_237 = arith.subi %rev3A_235, %rev3A_236 : vector<16xi32>
      %rev3A_238 = tpu.dynamic_gather %get3A_233[%rev3A_237] in [0] : vector<16xi32>, vector<16xi32> -> vector<16xi32>
      %cumsum3A_239 = arith.constant true
      %cumsum3A_240 = vector.broadcast %cumsum3A_239 : i1 to vector<16xi1>
      %cumsum3A_241 = tpu.scan <sum>, %rev3A_238 masked %cumsum3A_240 : vector<16xi32>, vector<16xi1> -> vector<16xi32>
      %rev3A_242 = arith.constant 15 : i32
      %rev3A_243 = vector.broadcast %rev3A_242 : i32 to vector<16xi32>
      %rev3A_244 = tpu.iota {dimensions = array<i32: 0>} : vector<16xi32>
      %rev3A_245 = arith.subi %rev3A_243, %rev3A_244 : vector<16xi32>
      %rev3A_246 = tpu.dynamic_gather %cumsum3A_241[%rev3A_245] in [0] : vector<16xi32>, vector<16xi32> -> vector<16xi32>
      %add3A_247 = vector.broadcast %reduce_sum3A_230 : i32 to vector<16xi32>
      %add3A_248 = arith.addi %rev3A_246, %add3A_247 : vector<16xi32>
      %ge3A_249 = arith.constant 64 : i32
      %ge3A_250 = vector.broadcast %ge3A_249 : i32 to vector<16xi32>
      %ge3A_251 = arith.cmpi sge, %add3A_248, %ge3A_250 : vector<16xi32>
      %convert_element_type3A_252 = arith.extui %ge3A_251 : vector<16xi1> to vector<16xi32>
      %reduce_sum3A_253 = arith.constant true
      %reduce_sum3A_254 = vector.broadcast %reduce_sum3A_253 : i1 to vector<16xi1>
      %reduce_sum3A_255 = tpu.scan <sum>, %convert_element_type3A_252 masked %reduce_sum3A_254 : vector<16xi32>, vector<16xi1> -> vector<16xi32>
      %reduce_sum3A_256 = vector.extract %reduce_sum3A_255[15] : i32 from vector<16xi32>
      %sub3A_257 = arith.constant 1 : i32
      %sub3A_258 = arith.subi %reduce_sum3A_256, %sub3A_257 : i32
      %mul3A_259 = arith.constant 16 : i32
      %mul3A_260 = arith.muli %sub3A_224, %mul3A_259 : i32
      %add3A_261 = arith.addi %mul3A_260, %sub3A_258 : i32
      %gt3A_262 = vector.broadcast %sub3A_258 : i32 to vector<16xi32>
      %gt3A_263 = arith.cmpi sgt, %iota3A, %gt3A_262 : vector<16xi32>
      %jit3A_264 = arith.constant 0 : i32
      %broadcast_in_dim3A_265 = vector.broadcast %jit3A_264 : i32 to vector<16xi32>
      %select_n3A_266 = arith.select %gt3A_263, %get3A_233, %broadcast_in_dim3A_265 : vector<16xi1>, vector<16xi32>
      %reduce_sum3A_267 = arith.constant true
      %reduce_sum3A_268 = vector.broadcast %reduce_sum3A_267 : i1 to vector<16xi1>
      %reduce_sum3A_269 = tpu.scan <sum>, %select_n3A_266 masked %reduce_sum3A_268 : vector<16xi32>, vector<16xi1> -> vector<16xi32>
      %reduce_sum3A_270 = vector.extract %reduce_sum3A_269[15] : i32 from vector<16xi32>
      %add3A_271 = arith.addi %reduce_sum3A_270, %reduce_sum3A_230 : i32
      %sub3A_272 = arith.constant 64 : i32
      %sub3A_273 = arith.subi %sub3A_272, %add3A_271 : i32
      %swap3A_274 = arith.constant 0 : index
      %swap3A_275 = tpu.vector_load %arg8[%swap3A_274] {strides = array<i32>} : memref<16384xi32, #tpu.memory_space<vmem>>, vector<16xi32>,
      tpu.vector_store %arg8[%swap3A_274], %broadcast_in_dim3A_5 {strides = array<i32>} : memref<16384xi32, #tpu.memory_space<vmem>>, vector<16xi32>,
      %sub3A_276 = arith.constant 1 : i32
      %sub3A_277 = vector.broadcast %sub3A_276 : i32 to vector<16xi32>
      %sub3A_278 = arith.subi %broadcast_in_dim3A_5, %sub3A_277 : vector<16xi32>
      %parallel_loop3A_279 = arith.constant 0 : i32
      %parallel_loop3A_280 = arith.constant 16384 : i32
      %parallel_loop3A_281 = arith.constant 16 : i32
      %parallel_loop3A_282 = scf.for %parallel_loop3A_603 = %parallel_loop3A_279 to %parallel_loop3A_280 step %parallel_loop3A_281 iter_args(%parallel_loop3A_604 = %sub3A_278) -> (vector<16xi32>)  : i32 {
        %parallel_loop3A_605 = arith.index_cast %parallel_loop3A_603 : i32 to index
        %parallel_loop3A_606 = tpu.vector_load %arg4[%parallel_loop3A_605] {strides = array<i32>} : memref<16384xf32, #tpu.memory_space<vmem>>, vector<16xf32>,
        %parallel_loop3A_607 = vector.bitcast %parallel_loop3A_606 : vector<16xf32> to vector<16xi32>
        %parallel_loop3A_608 = arith.constant 31 : i32
        %parallel_loop3A_609 = vector.broadcast %parallel_loop3A_608 : i32 to vector<16xi32>
        %parallel_loop3A_610 = arith.shrsi %parallel_loop3A_607, %parallel_loop3A_609 : vector<16xi32>
        %parallel_loop3A_611 = arith.constant -2147483648 : i32
        %parallel_loop3A_612 = vector.broadcast %parallel_loop3A_611 : i32 to vector<16xi32>
        %parallel_loop3A_613 = arith.ori %parallel_loop3A_610, %parallel_loop3A_612 : vector<16xi32>
        %parallel_loop3A_614 = arith.xori %parallel_loop3A_607, %parallel_loop3A_613 : vector<16xi32>
        %parallel_loop3A_615 = vector.bitcast %parallel_loop3A_614 : vector<16xi32> to vector<16xi32>
        %parallel_loop3A_616 = arith.constant 24 : i32
        %parallel_loop3A_617 = vector.broadcast %parallel_loop3A_616 : i32 to vector<16xi32>
        %parallel_loop3A_618 = arith.shrui %parallel_loop3A_615, %parallel_loop3A_617 : vector<16xi32>
        %parallel_loop3A_619 = vector.broadcast %add3A_261 : i32 to vector<16xi32>
        %parallel_loop3A_620 = arith.cmpi eq, %parallel_loop3A_618, %parallel_loop3A_619 : vector<16xi32>
        %parallel_loop3A_621 = arith.extui %parallel_loop3A_620 : vector<16xi1> to vector<16xi32>
        %parallel_loop3A_622 = arith.constant true
        %parallel_loop3A_623 = vector.broadcast %parallel_loop3A_622 : i1 to vector<16xi1>
        %parallel_loop3A_624 = tpu.scan <sum>, %parallel_loop3A_621 masked %parallel_loop3A_623 : vector<16xi32>, vector<16xi1> -> vector<16xi32>
        %parallel_loop3A_625 = arith.addi %parallel_loop3A_604, %parallel_loop3A_624 : vector<16xi32>
        %parallel_loop3A_626 = vector.bitcast %parallel_loop3A_615 : vector<16xi32> to vector<16xi32>
        tpu.vector_store_idx %arg8[%parallel_loop3A_625], %parallel_loop3A_626 masked %parallel_loop3A_620 : memref<16384xi32, #tpu.memory_space<vmem>>[vector<16xi32>], vector<16xi32>, vector<16xi1>
        %parallel_loop3A_627 = tpu.all_reduce %parallel_loop3A_620 {dim = 0 : i64, kind = #tpu.reduction_kind<sum>} : vector<16xi1> -> vector<16xi32>
        %parallel_loop3A_628 = arith.addi %parallel_loop3A_604, %parallel_loop3A_627 : vector<16xi32>
        scf.yield %parallel_loop3A_628 : vector<16xi32>
      } {sc.loop_unroll_factor = 8 : i64, sc.parallel_access}
      %add3A_283 = arith.constant 1 : i32
      %add3A_284 = vector.broadcast %add3A_283 : i32 to vector<16xi32>
      %add3A_285 = arith.addi %parallel_loop3A_282, %add3A_284 : vector<16xi32>
      %reduce_max3A = arith.constant true
      %reduce_max3A_286 = vector.broadcast %reduce_max3A : i1 to vector<16xi1>
      %reduce_max3A_287 = arith.constant -2147483648 : i32
      %reduce_max3A_288 = vector.broadcast %reduce_max3A_287 : i32 to vector<16xi32>
      %reduce_max3A_289 = arith.xori %add3A_285, %reduce_max3A_288 : vector<16xi32>
      %reduce_max3A_290 = tpu.scan <max>, %reduce_max3A_289 masked %reduce_max3A_286 : vector<16xi32>, vector<16xi1> -> vector<16xi32>
      %reduce_max3A_291 = arith.xori %reduce_max3A_290, %reduce_max3A_288 : vector<16xi32>
      %reduce_max3A_292 = vector.extract %reduce_max3A_291[15] : i32 from vector<16xi32>
      %add3A_293 = arith.constant 16 : i32
      %add3A_294 = arith.addi %reduce_max3A_292, %add3A_293 : i32
      %sub3A_295 = arith.constant 1 : i32
      %sub3A_296 = arith.subi %add3A_294, %sub3A_295 : i32
      %jit3A_297 = arith.constant 16 : i32
      %div3A = arith.divsi %sub3A_296, %jit3A_297 : i32
      %sign3A = arith.constant 0 : i32
      %sign3A_298 = arith.cmpi sgt, %sub3A_296, %sign3A : i32
      %sign3A_299 = arith.extui %sign3A_298 : i1 to i32
      %sign3A_300 = arith.constant 0 : i32
      %sign3A_301 = arith.cmpi slt, %sub3A_296, %sign3A_300 : i32
      %sign3A_302 = arith.extui %sign3A_301 : i1 to i32
      %sign3A_303 = arith.subi %sign3A_299, %sign3A_302 : i32
      %sign3A_304 = arith.constant 0 : i32
      %sign3A_305 = arith.cmpi sgt, %jit3A_297, %sign3A_304 : i32
      %sign3A_306 = arith.extui %sign3A_305 : i1 to i32
      %sign3A_307 = arith.constant 0 : i32
      %sign3A_308 = arith.cmpi slt, %jit3A_297, %sign3A_307 : i32
      %sign3A_309 = arith.extui %sign3A_308 : i1 to i32
      %sign3A_310 = arith.subi %sign3A_306, %sign3A_309 : i32
      %ne3A = arith.cmpi ne, %sign3A_303, %sign3A_310 : i32
      %rem3A = arith.remsi %sub3A_296, %jit3A_297 : i32
      %ne3A_311 = arith.constant 0 : i32
      %ne3A_312 = arith.cmpi ne, %rem3A, %ne3A_311 : i32
      %and3A = arith.andi %ne3A, %ne3A_312 : i1
      %sub3A_313 = arith.constant 1 : i32
      %sub3A_314 = arith.subi %div3A, %sub3A_313 : i32
      %select_n3A_315 = arith.select %and3A, %sub3A_314, %div3A : i32
      %ge3A_316 = arith.constant 2 : i32
      %ge3A_317 = arith.cmpi sge, %mul3A_135, %ge3A_316 : i32
      %convert_element_type3A_318 = arith.extui %ge3A_317 : i1 to i32
      %cond3A = arith.constant 0 : i32
      %cond3A_319 = arith.cmpi ne, %convert_element_type3A_318, %cond3A : i32
      scf.if %cond3A_319 {
        %dma_wait3A_603 = arith.constant 0 : i32
        %dma_wait3A_604 = arith.constant 0 : i32
        %dma_wait3A_605 = tpu.memref_slice %arg3[%dma_wait3A_603, %dma_wait3A_604] : memref<4096x16384xf32, #tpu.memory_space<hbm>> -> memref<1x16384xf32, #tpu.memory_space<hbm>>
        %dma_wait3A_606 = tpu.memref_squeeze %dma_wait3A_605 : memref<1x16384xf32, #tpu.memory_space<hbm>> -> memref<16384xf32, #tpu.memory_space<hbm>>
        %dma_wait3A_607 = arith.constant 0 : i32
        %dma_wait3A_608 = tpu.memref_slice %arg3[%dma_wait3A_603, %dma_wait3A_607] : memref<4096x16384xf32, #tpu.memory_space<hbm>> -> memref<1x16384xf32, #tpu.memory_space<hbm>>
        %dma_wait3A_609 = tpu.memref_squeeze %dma_wait3A_608 : memref<1x16384xf32, #tpu.memory_space<hbm>> -> memref<16384xf32, #tpu.memory_space<hbm>>
        tpu.wait_dma2 semaphore(%arg12 : memref<!tpu.dma_semaphore, #tpu.memory_space<semaphore_mem>>) src(%arg6 : memref<16384xf32, #tpu.memory_space<vmem>>) dst(%dma_wait3A_609 : memref<16384xf32, #tpu.memory_space<hbm>>)
      } else {
      }
      %le3A = arith.constant 16 : i32
      %le3A_320 = arith.cmpi sle, %reduce_max3A_292, %le3A : i32
      %convert_element_type3A_321 = arith.extui %le3A_320 : i1 to i32
      %cond3A_322 = arith.constant 0 : i32
      %cond3A_323 = arith.cmpi ne, %convert_element_type3A_321, %cond3A_322 : i32
      %cond3A_324:2 = scf.if %cond3A_323 -> (i32, i32) {
        %get3A_603 = arith.constant 0 : index
        %get3A_604 = tpu.vector_load %arg8[%get3A_603] {strides = array<i32>} : memref<16384xi32, #tpu.memory_space<vmem>>, vector<16xi32>,
        %bitcast3A_605 = vector.bitcast %get3A_604 : vector<16xi32> to vector<16xi32>
        %masked_sort3A = arith.constant dense<true> : vector<16xi1>
        %masked_sort3A_606, %masked_sort3A_607, %masked_sort3A_608 = tpu.sort %bitcast3A_605, %bitcast3A_605 masked %masked_sort3A : (vector<16xi32>, vector<16xi32>, vector<16xi1>) -> (vector<16xi1>, vector<16xi32>, vector<16xi32>)
        %bitcast3A_609 = vector.bitcast %masked_sort3A_607 : vector<16xi32> to vector<16xi32>
        %sub3A_610 = arith.constant 16 : i32
        %sub3A_611 = arith.subi %sub3A_610, %sub3A_273 : i32
        %eq3A = vector.broadcast %sub3A_611 : i32 to vector<16xi32>
        %eq3A_612 = arith.cmpi eq, %iota3A, %eq3A : vector<16xi32>
        %jit3A_613 = arith.constant 0 : i32
        %broadcast_in_dim3A_614 = vector.broadcast %jit3A_613 : i32 to vector<16xi32>
        %select_n3A_615 = arith.select %eq3A_612, %bitcast3A_609, %broadcast_in_dim3A_614 : vector<16xi1>, vector<16xi32>
        %reduce_sum3A_616 = arith.constant true
        %reduce_sum3A_617 = vector.broadcast %reduce_sum3A_616 : i1 to vector<16xi1>
        %reduce_sum3A_618 = tpu.scan <sum>, %select_n3A_615 masked %reduce_sum3A_617 : vector<16xi32>, vector<16xi1> -> vector<16xi32>
        %reduce_sum3A_619 = vector.extract %reduce_sum3A_618[15] : i32 from vector<16xi32>
        %gt3A_620 = vector.broadcast %reduce_sum3A_619 : i32 to vector<16xi32>
        %gt3A_621 = arith.cmpi ugt, %masked_sort3A_607, %gt3A_620 : vector<16xi32>
        %convert_element_type3A_622 = arith.extui %gt3A_621 : vector<16xi1> to vector<16xi32>
        %reduce_sum3A_623 = arith.constant true
        %reduce_sum3A_624 = vector.broadcast %reduce_sum3A_623 : i1 to vector<16xi1>
        %reduce_sum3A_625 = tpu.scan <sum>, %convert_element_type3A_622 masked %reduce_sum3A_624 : vector<16xi32>, vector<16xi1> -> vector<16xi32>
        %reduce_sum3A_626 = vector.extract %reduce_sum3A_625[15] : i32 from vector<16xi32>
        %sub3A_627 = arith.subi %sub3A_273, %reduce_sum3A_626 : i32
        scf.yield %reduce_sum3A_619, %sub3A_627 : i32, i32
      } else {
        %swap3A_603 = arith.constant 0 : index
        %swap3A_604 = tpu.vector_load %arg9[%swap3A_603] {strides = array<i32>} : memref<256xi32, #tpu.memory_space<vmem>>, vector<16xi32>,
        tpu.vector_store %arg9[%swap3A_603], %broadcast_in_dim3A_5 {strides = array<i32>} : memref<256xi32, #tpu.memory_space<vmem>>, vector<16xi32>,
        %swap3A_605 = arith.constant 16 : index
        %swap3A_606 = tpu.vector_load %arg9[%swap3A_605] {strides = array<i32>} : memref<256xi32, #tpu.memory_space<vmem>>, vector<16xi32>,
        tpu.vector_store %arg9[%swap3A_605], %broadcast_in_dim3A_5 {strides = array<i32>} : memref<256xi32, #tpu.memory_space<vmem>>, vector<16xi32>,
        %swap3A_607 = arith.constant 32 : index
        %swap3A_608 = tpu.vector_load %arg9[%swap3A_607] {strides = array<i32>} : memref<256xi32, #tpu.memory_space<vmem>>, vector<16xi32>,
        tpu.vector_store %arg9[%swap3A_607], %broadcast_in_dim3A_5 {strides = array<i32>} : memref<256xi32, #tpu.memory_space<vmem>>, vector<16xi32>,
        %swap3A_609 = arith.constant 48 : index
        %swap3A_610 = tpu.vector_load %arg9[%swap3A_609] {strides = array<i32>} : memref<256xi32, #tpu.memory_space<vmem>>, vector<16xi32>,
        tpu.vector_store %arg9[%swap3A_609], %broadcast_in_dim3A_5 {strides = array<i32>} : memref<256xi32, #tpu.memory_space<vmem>>, vector<16xi32>,
        %swap3A_611 = arith.constant 64 : index
        %swap3A_612 = tpu.vector_load %arg9[%swap3A_611] {strides = array<i32>} : memref<256xi32, #tpu.memory_space<vmem>>, vector<16xi32>,
        tpu.vector_store %arg9[%swap3A_611], %broadcast_in_dim3A_5 {strides = array<i32>} : memref<256xi32, #tpu.memory_space<vmem>>, vector<16xi32>,
        %swap3A_613 = arith.constant 80 : index
        %swap3A_614 = tpu.vector_load %arg9[%swap3A_613] {strides = array<i32>} : memref<256xi32, #tpu.memory_space<vmem>>, vector<16xi32>,
        tpu.vector_store %arg9[%swap3A_613], %broadcast_in_dim3A_5 {strides = array<i32>} : memref<256xi32, #tpu.memory_space<vmem>>, vector<16xi32>,
        %swap3A_615 = arith.constant 96 : index
        %swap3A_616 = tpu.vector_load %arg9[%swap3A_615] {strides = array<i32>} : memref<256xi32, #tpu.memory_space<vmem>>, vector<16xi32>,
        tpu.vector_store %arg9[%swap3A_615], %broadcast_in_dim3A_5 {strides = array<i32>} : memref<256xi32, #tpu.memory_space<vmem>>, vector<16xi32>,
        %swap3A_617 = arith.constant 112 : index
        %swap3A_618 = tpu.vector_load %arg9[%swap3A_617] {strides = array<i32>} : memref<256xi32, #tpu.memory_space<vmem>>, vector<16xi32>,
        tpu.vector_store %arg9[%swap3A_617], %broadcast_in_dim3A_5 {strides = array<i32>} : memref<256xi32, #tpu.memory_space<vmem>>, vector<16xi32>,
        %swap3A_619 = arith.constant 128 : index
        %swap3A_620 = tpu.vector_load %arg9[%swap3A_619] {strides = array<i32>} : memref<256xi32, #tpu.memory_space<vmem>>, vector<16xi32>,
        tpu.vector_store %arg9[%swap3A_619], %broadcast_in_dim3A_5 {strides = array<i32>} : memref<256xi32, #tpu.memory_space<vmem>>, vector<16xi32>,
        %swap3A_621 = arith.constant 144 : index
        %swap3A_622 = tpu.vector_load %arg9[%swap3A_621] {strides = array<i32>} : memref<256xi32, #tpu.memory_space<vmem>>, vector<16xi32>,
        tpu.vector_store %arg9[%swap3A_621], %broadcast_in_dim3A_5 {strides = array<i32>} : memref<256xi32, #tpu.memory_space<vmem>>, vector<16xi32>,
        %swap3A_623 = arith.constant 160 : index
        %swap3A_624 = tpu.vector_load %arg9[%swap3A_623] {strides = array<i32>} : memref<256xi32, #tpu.memory_space<vmem>>, vector<16xi32>,
        tpu.vector_store %arg9[%swap3A_623], %broadcast_in_dim3A_5 {strides = array<i32>} : memref<256xi32, #tpu.memory_space<vmem>>, vector<16xi32>,
        %swap3A_625 = arith.constant 176 : index
        %swap3A_626 = tpu.vector_load %arg9[%swap3A_625] {strides = array<i32>} : memref<256xi32, #tpu.memory_space<vmem>>, vector<16xi32>,
        tpu.vector_store %arg9[%swap3A_625], %broadcast_in_dim3A_5 {strides = array<i32>} : memref<256xi32, #tpu.memory_space<vmem>>, vector<16xi32>,
        %swap3A_627 = arith.constant 192 : index
        %swap3A_628 = tpu.vector_load %arg9[%swap3A_627] {strides = array<i32>} : memref<256xi32, #tpu.memory_space<vmem>>, vector<16xi32>,
        tpu.vector_store %arg9[%swap3A_627], %broadcast_in_dim3A_5 {strides = array<i32>} : memref<256xi32, #tpu.memory_space<vmem>>, vector<16xi32>,
        %swap3A_629 = arith.constant 208 : index
        %swap3A_630 = tpu.vector_load %arg9[%swap3A_629] {strides = array<i32>} : memref<256xi32, #tpu.memory_space<vmem>>, vector<16xi32>,
        tpu.vector_store %arg9[%swap3A_629], %broadcast_in_dim3A_5 {strides = array<i32>} : memref<256xi32, #tpu.memory_space<vmem>>, vector<16xi32>,
        %swap3A_631 = arith.constant 224 : index
        %swap3A_632 = tpu.vector_load %arg9[%swap3A_631] {strides = array<i32>} : memref<256xi32, #tpu.memory_space<vmem>>, vector<16xi32>,
        tpu.vector_store %arg9[%swap3A_631], %broadcast_in_dim3A_5 {strides = array<i32>} : memref<256xi32, #tpu.memory_space<vmem>>, vector<16xi32>,
        %swap3A_633 = arith.constant 240 : index
        %swap3A_634 = tpu.vector_load %arg9[%swap3A_633] {strides = array<i32>} : memref<256xi32, #tpu.memory_space<vmem>>, vector<16xi32>,
        tpu.vector_store %arg9[%swap3A_633], %broadcast_in_dim3A_5 {strides = array<i32>} : memref<256xi32, #tpu.memory_space<vmem>>, vector<16xi32>,
        %mul3A_635 = arith.constant 16 : i32
        %mul3A_636 = arith.muli %select_n3A_315, %mul3A_635 : i32
        %parallel_loop3A_637 = arith.constant 0 : i32
        %parallel_loop3A_638 = arith.constant 16 : i32
        scf.for %parallel_loop3A_767 = %parallel_loop3A_637 to %mul3A_636 step %parallel_loop3A_638  : i32 {
          %parallel_loop3A_768 = arith.index_cast %parallel_loop3A_767 : i32 to index
          %parallel_loop3A_769 = tpu.vector_load %arg8[%parallel_loop3A_768] {strides = array<i32>} : memref<16384xi32, #tpu.memory_space<vmem>>, vector<16xi32>,
          %parallel_loop3A_770 = vector.broadcast %parallel_loop3A_767 : i32 to vector<16xi32>
          %parallel_loop3A_771 = arith.addi %iota3A, %parallel_loop3A_770 : vector<16xi32>
          %parallel_loop3A_772 = arith.cmpi slt, %parallel_loop3A_771, %add3A_285 : vector<16xi32>
          %parallel_loop3A_773 = arith.constant 16 : i32
          %parallel_loop3A_774 = vector.broadcast %parallel_loop3A_773 : i32 to vector<16xi32>
          %parallel_loop3A_775 = arith.shrui %parallel_loop3A_769, %parallel_loop3A_774 : vector<16xi32>
          %parallel_loop3A_776 = arith.constant 255 : i32
          %parallel_loop3A_777 = vector.broadcast %parallel_loop3A_776 : i32 to vector<16xi32>
          %parallel_loop3A_778 = arith.andi %parallel_loop3A_775, %parallel_loop3A_777 : vector<16xi32>
          tpu.vector_store_idx %arg9[%parallel_loop3A_778], %broadcast_in_dim3A_3 masked %parallel_loop3A_772 {add = true} : memref<256xi32, #tpu.memory_space<vmem>>[vector<16xi32>], vector<16xi32>, vector<16xi1>
        } {sc.loop_unroll_factor = 2 : i64, sc.parallel_access}
        %gather3A_639 = tpu.vector_load_idx %arg9[%add3A_11] : memref<256xi32, #tpu.memory_space<vmem>>[vector<16xi32>], vector<16xi32>,
        %add3A_640 = arith.addi %broadcast_in_dim3A_5, %gather3A_639 : vector<16xi32>
        %gather3A_641 = tpu.vector_load_idx %arg9[%add3A_17] : memref<256xi32, #tpu.memory_space<vmem>>[vector<16xi32>], vector<16xi32>,
        %add3A_642 = arith.addi %add3A_640, %gather3A_641 : vector<16xi32>
        %gather3A_643 = tpu.vector_load_idx %arg9[%add3A_23] : memref<256xi32, #tpu.memory_space<vmem>>[vector<16xi32>], vector<16xi32>,
        %add3A_644 = arith.addi %add3A_642, %gather3A_643 : vector<16xi32>
        %gather3A_645 = tpu.vector_load_idx %arg9[%add3A_29] : memref<256xi32, #tpu.memory_space<vmem>>[vector<16xi32>], vector<16xi32>,
        %add3A_646 = arith.addi %add3A_644, %gather3A_645 : vector<16xi32>
        %gather3A_647 = tpu.vector_load_idx %arg9[%add3A_35] : memref<256xi32, #tpu.memory_space<vmem>>[vector<16xi32>], vector<16xi32>,
        %add3A_648 = arith.addi %add3A_646, %gather3A_647 : vector<16xi32>
        %gather3A_649 = tpu.vector_load_idx %arg9[%add3A_41] : memref<256xi32, #tpu.memory_space<vmem>>[vector<16xi32>], vector<16xi32>,
        %add3A_650 = arith.addi %add3A_648, %gather3A_649 : vector<16xi32>
        %gather3A_651 = tpu.vector_load_idx %arg9[%add3A_47] : memref<256xi32, #tpu.memory_space<vmem>>[vector<16xi32>], vector<16xi32>,
        %add3A_652 = arith.addi %add3A_650, %gather3A_651 : vector<16xi32>
        %gather3A_653 = tpu.vector_load_idx %arg9[%add3A_53] : memref<256xi32, #tpu.memory_space<vmem>>[vector<16xi32>], vector<16xi32>,
        %add3A_654 = arith.addi %add3A_652, %gather3A_653 : vector<16xi32>
        %gather3A_655 = tpu.vector_load_idx %arg9[%add3A_59] : memref<256xi32, #tpu.memory_space<vmem>>[vector<16xi32>], vector<16xi32>,
        %add3A_656 = arith.addi %add3A_654, %gather3A_655 : vector<16xi32>
        %gather3A_657 = tpu.vector_load_idx %arg9[%add3A_65] : memref<256xi32, #tpu.memory_space<vmem>>[vector<16xi32>], vector<16xi32>,
        %add3A_658 = arith.addi %add3A_656, %gather3A_657 : vector<16xi32>
        %gather3A_659 = tpu.vector_load_idx %arg9[%add3A_71] : memref<256xi32, #tpu.memory_space<vmem>>[vector<16xi32>], vector<16xi32>,
        %add3A_660 = arith.addi %add3A_658, %gather3A_659 : vector<16xi32>
        %gather3A_661 = tpu.vector_load_idx %arg9[%add3A_77] : memref<256xi32, #tpu.memory_space<vmem>>[vector<16xi32>], vector<16xi32>,
        %add3A_662 = arith.addi %add3A_660, %gather3A_661 : vector<16xi32>
        %gather3A_663 = tpu.vector_load_idx %arg9[%add3A_83] : memref<256xi32, #tpu.memory_space<vmem>>[vector<16xi32>], vector<16xi32>,
        %add3A_664 = arith.addi %add3A_662, %gather3A_663 : vector<16xi32>
        %gather3A_665 = tpu.vector_load_idx %arg9[%add3A_89] : memref<256xi32, #tpu.memory_space<vmem>>[vector<16xi32>], vector<16xi32>,
        %add3A_666 = arith.addi %add3A_664, %gather3A_665 : vector<16xi32>
        %gather3A_667 = tpu.vector_load_idx %arg9[%add3A_95] : memref<256xi32, #tpu.memory_space<vmem>>[vector<16xi32>], vector<16xi32>,
        %add3A_668 = arith.addi %add3A_666, %gather3A_667 : vector<16xi32>
        %gather3A_669 = tpu.vector_load_idx %arg9[%add3A_101] : memref<256xi32, #tpu.memory_space<vmem>>[vector<16xi32>], vector<16xi32>,
        %add3A_670 = arith.addi %add3A_668, %gather3A_669 : vector<16xi32>
        %rev3A_671 = arith.constant 15 : i32
        %rev3A_672 = vector.broadcast %rev3A_671 : i32 to vector<16xi32>
        %rev3A_673 = tpu.iota {dimensions = array<i32: 0>} : vector<16xi32>
        %rev3A_674 = arith.subi %rev3A_672, %rev3A_673 : vector<16xi32>
        %rev3A_675 = tpu.dynamic_gather %add3A_670[%rev3A_674] in [0] : vector<16xi32>, vector<16xi32> -> vector<16xi32>
        %cumsum3A_676 = arith.constant true
        %cumsum3A_677 = vector.broadcast %cumsum3A_676 : i1 to vector<16xi1>
        %cumsum3A_678 = tpu.scan <sum>, %rev3A_675 masked %cumsum3A_677 : vector<16xi32>, vector<16xi1> -> vector<16xi32>
        %rev3A_679 = arith.constant 15 : i32
        %rev3A_680 = vector.broadcast %rev3A_679 : i32 to vector<16xi32>
        %rev3A_681 = tpu.iota {dimensions = array<i32: 0>} : vector<16xi32>
        %rev3A_682 = arith.subi %rev3A_680, %rev3A_681 : vector<16xi32>
        %rev3A_683 = tpu.dynamic_gather %cumsum3A_678[%rev3A_682] in [0] : vector<16xi32>, vector<16xi32> -> vector<16xi32>
        %ge3A_684 = vector.broadcast %sub3A_273 : i32 to vector<16xi32>
        %ge3A_685 = arith.cmpi sge, %rev3A_683, %ge3A_684 : vector<16xi32>
        %convert_element_type3A_686 = arith.extui %ge3A_685 : vector<16xi1> to vector<16xi32>
        %reduce_sum3A_687 = arith.constant true
        %reduce_sum3A_688 = vector.broadcast %reduce_sum3A_687 : i1 to vector<16xi1>
        %reduce_sum3A_689 = tpu.scan <sum>, %convert_element_type3A_686 masked %reduce_sum3A_688 : vector<16xi32>, vector<16xi1> -> vector<16xi32>
        %reduce_sum3A_690 = vector.extract %reduce_sum3A_689[15] : i32 from vector<16xi32>
        %sub3A_691 = arith.constant 1 : i32
        %sub3A_692 = arith.subi %reduce_sum3A_690, %sub3A_691 : i32
        %gt3A_693 = vector.broadcast %sub3A_692 : i32 to vector<16xi32>
        %gt3A_694 = arith.cmpi sgt, %iota3A, %gt3A_693 : vector<16xi32>
        %jit3A_695 = arith.constant 0 : i32
        %broadcast_in_dim3A_696 = vector.broadcast %jit3A_695 : i32 to vector<16xi32>
        %select_n3A_697 = arith.select %gt3A_694, %add3A_670, %broadcast_in_dim3A_696 : vector<16xi1>, vector<16xi32>
        %reduce_sum3A_698 = arith.constant true
        %reduce_sum3A_699 = vector.broadcast %reduce_sum3A_698 : i1 to vector<16xi1>
        %reduce_sum3A_700 = tpu.scan <sum>, %select_n3A_697 masked %reduce_sum3A_699 : vector<16xi32>, vector<16xi1> -> vector<16xi32>
        %reduce_sum3A_701 = vector.extract %reduce_sum3A_700[15] : i32 from vector<16xi32>
        %mul3A_702 = arith.constant 16 : i32
        %mul3A_703 = arith.muli %sub3A_692, %mul3A_702 : i32
        %get3A_704 = arith.index_cast %mul3A_703 : i32 to index
        %get3A_705 = tpu.vector_load %arg9[%get3A_704] {strides = array<i32>} : memref<256xi32, #tpu.memory_space<vmem>>, vector<16xi32>,
        %rev3A_706 = arith.constant 15 : i32
        %rev3A_707 = vector.broadcast %rev3A_706 : i32 to vector<16xi32>
        %rev3A_708 = tpu.iota {dimensions = array<i32: 0>} : vector<16xi32>
        %rev3A_709 = arith.subi %rev3A_707, %rev3A_708 : vector<16xi32>
        %rev3A_710 = tpu.dynamic_gather %get3A_705[%rev3A_709] in [0] : vector<16xi32>, vector<16xi32> -> vector<16xi32>
        %cumsum3A_711 = arith.constant true
        %cumsum3A_712 = vector.broadcast %cumsum3A_711 : i1 to vector<16xi1>
        %cumsum3A_713 = tpu.scan <sum>, %rev3A_710 masked %cumsum3A_712 : vector<16xi32>, vector<16xi1> -> vector<16xi32>
        %rev3A_714 = arith.constant 15 : i32
        %rev3A_715 = vector.broadcast %rev3A_714 : i32 to vector<16xi32>
        %rev3A_716 = tpu.iota {dimensions = array<i32: 0>} : vector<16xi32>
        %rev3A_717 = arith.subi %rev3A_715, %rev3A_716 : vector<16xi32>
        %rev3A_718 = tpu.dynamic_gather %cumsum3A_713[%rev3A_717] in [0] : vector<16xi32>, vector<16xi32> -> vector<16xi32>
        %add3A_719 = vector.broadcast %reduce_sum3A_701 : i32 to vector<16xi32>
        %add3A_720 = arith.addi %rev3A_718, %add3A_719 : vector<16xi32>
        %ge3A_721 = vector.broadcast %sub3A_273 : i32 to vector<16xi32>
        %ge3A_722 = arith.cmpi sge, %add3A_720, %ge3A_721 : vector<16xi32>
        %convert_element_type3A_723 = arith.extui %ge3A_722 : vector<16xi1> to vector<16xi32>
        %reduce_sum3A_724 = arith.constant true
        %reduce_sum3A_725 = vector.broadcast %reduce_sum3A_724 : i1 to vector<16xi1>
        %reduce_sum3A_726 = tpu.scan <sum>, %convert_element_type3A_723 masked %reduce_sum3A_725 : vector<16xi32>, vector<16xi1> -> vector<16xi32>
        %reduce_sum3A_727 = vector.extract %reduce_sum3A_726[15] : i32 from vector<16xi32>
        %sub3A_728 = arith.constant 1 : i32
        %sub3A_729 = arith.subi %reduce_sum3A_727, %sub3A_728 : i32
        %mul3A_730 = arith.constant 16 : i32
        %mul3A_731 = arith.muli %sub3A_692, %mul3A_730 : i32
        %add3A_732 = arith.addi %mul3A_731, %sub3A_729 : i32
        %gt3A_733 = vector.broadcast %sub3A_729 : i32 to vector<16xi32>
        %gt3A_734 = arith.cmpi sgt, %iota3A, %gt3A_733 : vector<16xi32>
        %jit3A_735 = arith.constant 0 : i32
        %broadcast_in_dim3A_736 = vector.broadcast %jit3A_735 : i32 to vector<16xi32>
        %select_n3A_737 = arith.select %gt3A_734, %get3A_705, %broadcast_in_dim3A_736 : vector<16xi1>, vector<16xi32>
        %reduce_sum3A_738 = arith.constant true
        %reduce_sum3A_739 = vector.broadcast %reduce_sum3A_738 : i1 to vector<16xi1>
        %reduce_sum3A_740 = tpu.scan <sum>, %select_n3A_737 masked %reduce_sum3A_739 : vector<16xi32>, vector<16xi1> -> vector<16xi32>
        %reduce_sum3A_741 = vector.extract %reduce_sum3A_740[15] : i32 from vector<16xi32>
        %add3A_742 = arith.addi %reduce_sum3A_741, %reduce_sum3A_701 : i32
        %sub3A_743 = arith.subi %sub3A_273, %add3A_742 : i32
        %broadcast_in_dim3A_744 = arith.constant 0.000000e+00 : f32
        %broadcast_in_dim3A_745 = vector.broadcast %broadcast_in_dim3A_744 : f32 to vector<16xf32>
        %swap3A_746 = arith.constant 0 : index
        %swap3A_747 = tpu.vector_load %arg6[%swap3A_746] {strides = array<i32>} : memref<16384xf32, #tpu.memory_space<vmem>>, vector<16xf32>,
        tpu.vector_store %arg6[%swap3A_746], %broadcast_in_dim3A_745 {strides = array<i32>} : memref<16384xf32, #tpu.memory_space<vmem>>, vector<16xf32>,
        %mul3A_748 = arith.constant 16 : i32
        %mul3A_749 = arith.muli %select_n3A_315, %mul3A_748 : i32
        %parallel_loop3A_750 = arith.constant 0 : i32
        %parallel_loop3A_751 = arith.constant 16 : i32
        %parallel_loop3A_752 = scf.for %parallel_loop3A_767 = %parallel_loop3A_750 to %mul3A_749 step %parallel_loop3A_751 iter_args(%parallel_loop3A_768 = %broadcast_in_dim3A_5) -> (vector<16xi32>)  : i32 {
          %parallel_loop3A_769 = arith.index_cast %parallel_loop3A_767 : i32 to index
          %parallel_loop3A_770 = tpu.vector_load %arg8[%parallel_loop3A_769] {strides = array<i32>} : memref<16384xi32, #tpu.memory_space<vmem>>, vector<16xi32>,
          %parallel_loop3A_771 = vector.broadcast %parallel_loop3A_767 : i32 to vector<16xi32>
          %parallel_loop3A_772 = arith.addi %iota3A, %parallel_loop3A_771 : vector<16xi32>
          %parallel_loop3A_773 = arith.cmpi slt, %parallel_loop3A_772, %add3A_285 : vector<16xi32>
          %parallel_loop3A_774 = arith.constant 16 : i32
          %parallel_loop3A_775 = vector.broadcast %parallel_loop3A_774 : i32 to vector<16xi32>
          %parallel_loop3A_776 = arith.shrui %parallel_loop3A_770, %parallel_loop3A_775 : vector<16xi32>
          %parallel_loop3A_777 = arith.constant 255 : i32
          %parallel_loop3A_778 = vector.broadcast %parallel_loop3A_777 : i32 to vector<16xi32>
          %parallel_loop3A_779 = arith.andi %parallel_loop3A_776, %parallel_loop3A_778 : vector<16xi32>
          %parallel_loop3A_780 = vector.broadcast %add3A_732 : i32 to vector<16xi32>
          %parallel_loop3A_781 = arith.cmpi eq, %parallel_loop3A_779, %parallel_loop3A_780 : vector<16xi32>
          %parallel_loop3A_782 = arith.andi %parallel_loop3A_773, %parallel_loop3A_781 : vector<16xi1>
          %parallel_loop3A_783 = arith.extui %parallel_loop3A_782 : vector<16xi1> to vector<16xi32>
          %parallel_loop3A_784 = arith.constant true
          %parallel_loop3A_785 = vector.broadcast %parallel_loop3A_784 : i1 to vector<16xi1>
          %parallel_loop3A_786 = tpu.scan <sum>, %parallel_loop3A_783 masked %parallel_loop3A_785 : vector<16xi32>, vector<16xi1> -> vector<16xi32>
          %parallel_loop3A_787 = arith.addi %parallel_loop3A_768, %parallel_loop3A_786 : vector<16xi32>
          %parallel_loop3A_788 = arith.constant 1 : i32
          %parallel_loop3A_789 = vector.broadcast %parallel_loop3A_788 : i32 to vector<16xi32>
          %parallel_loop3A_790 = arith.subi %parallel_loop3A_787, %parallel_loop3A_789 : vector<16xi32>
          %parallel_loop3A_791 = vector.bitcast %parallel_loop3A_770 : vector<16xi32> to vector<16xf32>
          tpu.vector_store_idx %arg6[%parallel_loop3A_790], %parallel_loop3A_791 masked %parallel_loop3A_782 : memref<16384xf32, #tpu.memory_space<vmem>>[vector<16xi32>], vector<16xf32>, vector<16xi1>
          %parallel_loop3A_792 = tpu.all_reduce %parallel_loop3A_782 {dim = 0 : i64, kind = #tpu.reduction_kind<sum>} : vector<16xi1> -> vector<16xi32>
          %parallel_loop3A_793 = arith.addi %parallel_loop3A_768, %parallel_loop3A_792 : vector<16xi32>
          scf.yield %parallel_loop3A_793 : vector<16xi32>
        } {sc.loop_unroll_factor = 2 : i64, sc.parallel_access}
        %reduce_max3A_753 = arith.constant true
        %reduce_max3A_754 = vector.broadcast %reduce_max3A_753 : i1 to vector<16xi1>
        %reduce_max3A_755 = arith.constant -2147483648 : i32
        %reduce_max3A_756 = vector.broadcast %reduce_max3A_755 : i32 to vector<16xi32>
        %reduce_max3A_757 = arith.xori %parallel_loop3A_752, %reduce_max3A_756 : vector<16xi32>
        %reduce_max3A_758 = tpu.scan <max>, %reduce_max3A_757 masked %reduce_max3A_754 : vector<16xi32>, vector<16xi1> -> vector<16xi32>
        %reduce_max3A_759 = arith.xori %reduce_max3A_758, %reduce_max3A_756 : vector<16xi32>
        %reduce_max3A_760 = vector.extract %reduce_max3A_759[15] : i32 from vector<16xi32>
        %le3A_761 = arith.constant 16 : i32
        %le3A_762 = arith.cmpi sle, %reduce_max3A_760, %le3A_761 : i32
        %convert_element_type3A_763 = arith.extui %le3A_762 : i1 to i32
        %cond3A_764 = arith.constant 0 : i32
        %cond3A_765 = arith.cmpi ne, %convert_element_type3A_763, %cond3A_764 : i32
        %cond3A_766:2 = scf.if %cond3A_765 -> (i32, i32) {
          %get3A_767 = arith.constant 0 : index
          %get3A_768 = tpu.vector_load %arg6[%get3A_767] {strides = array<i32>} : memref<16384xf32, #tpu.memory_space<vmem>>, vector<16xf32>,
          %bitcast3A_769 = vector.bitcast %get3A_768 : vector<16xf32> to vector<16xi32>
          %masked_sort3A = arith.constant dense<true> : vector<16xi1>
          %masked_sort3A_770, %masked_sort3A_771, %masked_sort3A_772 = tpu.sort %bitcast3A_769, %bitcast3A_769 masked %masked_sort3A : (vector<16xi32>, vector<16xi32>, vector<16xi1>) -> (vector<16xi1>, vector<16xi32>, vector<16xi32>)
          %bitcast3A_773 = vector.bitcast %masked_sort3A_771 : vector<16xi32> to vector<16xi32>
          %sub3A_774 = arith.constant 16 : i32
          %sub3A_775 = arith.subi %sub3A_774, %sub3A_743 : i32
          %eq3A = vector.broadcast %sub3A_775 : i32 to vector<16xi32>
          %eq3A_776 = arith.cmpi eq, %iota3A, %eq3A : vector<16xi32>
          %jit3A_777 = arith.constant 0 : i32
          %broadcast_in_dim3A_778 = vector.broadcast %jit3A_777 : i32 to vector<16xi32>
          %select_n3A_779 = arith.select %eq3A_776, %bitcast3A_773, %broadcast_in_dim3A_778 : vector<16xi1>, vector<16xi32>
          %reduce_sum3A_780 = arith.constant true
          %reduce_sum3A_781 = vector.broadcast %reduce_sum3A_780 : i1 to vector<16xi1>
          %reduce_sum3A_782 = tpu.scan <sum>, %select_n3A_779 masked %reduce_sum3A_781 : vector<16xi32>, vector<16xi1> -> vector<16xi32>
          %reduce_sum3A_783 = vector.extract %reduce_sum3A_782[15] : i32 from vector<16xi32>
          %gt3A_784 = vector.broadcast %reduce_sum3A_783 : i32 to vector<16xi32>
          %gt3A_785 = arith.cmpi ugt, %masked_sort3A_771, %gt3A_784 : vector<16xi32>
          %convert_element_type3A_786 = arith.extui %gt3A_785 : vector<16xi1> to vector<16xi32>
          %reduce_sum3A_787 = arith.constant true
          %reduce_sum3A_788 = vector.broadcast %reduce_sum3A_787 : i1 to vector<16xi1>
          %reduce_sum3A_789 = tpu.scan <sum>, %convert_element_type3A_786 masked %reduce_sum3A_788 : vector<16xi32>, vector<16xi1> -> vector<16xi32>
          %reduce_sum3A_790 = vector.extract %reduce_sum3A_789[15] : i32 from vector<16xi32>
          %sub3A_791 = arith.subi %sub3A_743, %reduce_sum3A_790 : i32
          scf.yield %reduce_sum3A_783, %sub3A_791 : i32, i32
        } else {
          %shift_left3A = arith.constant 24 : i32
          %shift_left3A_767 = arith.shli %add3A_261, %shift_left3A : i32
          %shift_left3A_768 = arith.constant 16 : i32
          %shift_left3A_769 = arith.shli %add3A_732, %shift_left3A_768 : i32
          %or3A = arith.ori %shift_left3A_767, %shift_left3A_769 : i32
          %add3A_770 = arith.constant 16 : i32
          %add3A_771 = arith.addi %reduce_max3A_760, %add3A_770 : i32
          %sub3A_772 = arith.constant 1 : i32
          %sub3A_773 = arith.subi %add3A_771, %sub3A_772 : i32
          %jit3A_774 = arith.constant 16 : i32
          %div3A_775 = arith.divsi %sub3A_773, %jit3A_774 : i32
          %sign3A_776 = arith.constant 0 : i32
          %sign3A_777 = arith.cmpi sgt, %sub3A_773, %sign3A_776 : i32
          %sign3A_778 = arith.extui %sign3A_777 : i1 to i32
          %sign3A_779 = arith.constant 0 : i32
          %sign3A_780 = arith.cmpi slt, %sub3A_773, %sign3A_779 : i32
          %sign3A_781 = arith.extui %sign3A_780 : i1 to i32
          %sign3A_782 = arith.subi %sign3A_778, %sign3A_781 : i32
          %sign3A_783 = arith.constant 0 : i32
          %sign3A_784 = arith.cmpi sgt, %jit3A_774, %sign3A_783 : i32
          %sign3A_785 = arith.extui %sign3A_784 : i1 to i32
          %sign3A_786 = arith.constant 0 : i32
          %sign3A_787 = arith.cmpi slt, %jit3A_774, %sign3A_786 : i32
          %sign3A_788 = arith.extui %sign3A_787 : i1 to i32
          %sign3A_789 = arith.subi %sign3A_785, %sign3A_788 : i32
          %ne3A_790 = arith.cmpi ne, %sign3A_782, %sign3A_789 : i32
          %rem3A_791 = arith.remsi %sub3A_773, %jit3A_774 : i32
          %ne3A_792 = arith.constant 0 : i32
          %ne3A_793 = arith.cmpi ne, %rem3A_791, %ne3A_792 : i32
          %and3A_794 = arith.andi %ne3A_790, %ne3A_793 : i1
          %sub3A_795 = arith.constant 1 : i32
          %sub3A_796 = arith.subi %div3A_775, %sub3A_795 : i32
          %select_n3A_797 = arith.select %and3A_794, %sub3A_796, %div3A_775 : i32
          %swap3A_798 = arith.constant 0 : index
          %swap3A_799 = tpu.vector_load %arg9[%swap3A_798] {strides = array<i32>} : memref<256xi32, #tpu.memory_space<vmem>>, vector<16xi32>,
          tpu.vector_store %arg9[%swap3A_798], %broadcast_in_dim3A_5 {strides = array<i32>} : memref<256xi32, #tpu.memory_space<vmem>>, vector<16xi32>,
          %swap3A_800 = arith.constant 16 : index
          %swap3A_801 = tpu.vector_load %arg9[%swap3A_800] {strides = array<i32>} : memref<256xi32, #tpu.memory_space<vmem>>, vector<16xi32>,
          tpu.vector_store %arg9[%swap3A_800], %broadcast_in_dim3A_5 {strides = array<i32>} : memref<256xi32, #tpu.memory_space<vmem>>, vector<16xi32>,
          %swap3A_802 = arith.constant 32 : index
          %swap3A_803 = tpu.vector_load %arg9[%swap3A_802] {strides = array<i32>} : memref<256xi32, #tpu.memory_space<vmem>>, vector<16xi32>,
          tpu.vector_store %arg9[%swap3A_802], %broadcast_in_dim3A_5 {strides = array<i32>} : memref<256xi32, #tpu.memory_space<vmem>>, vector<16xi32>,
          %swap3A_804 = arith.constant 48 : index
          %swap3A_805 = tpu.vector_load %arg9[%swap3A_804] {strides = array<i32>} : memref<256xi32, #tpu.memory_space<vmem>>, vector<16xi32>,
          tpu.vector_store %arg9[%swap3A_804], %broadcast_in_dim3A_5 {strides = array<i32>} : memref<256xi32, #tpu.memory_space<vmem>>, vector<16xi32>,
          %swap3A_806 = arith.constant 64 : index
          %swap3A_807 = tpu.vector_load %arg9[%swap3A_806] {strides = array<i32>} : memref<256xi32, #tpu.memory_space<vmem>>, vector<16xi32>,
          tpu.vector_store %arg9[%swap3A_806], %broadcast_in_dim3A_5 {strides = array<i32>} : memref<256xi32, #tpu.memory_space<vmem>>, vector<16xi32>,
          %swap3A_808 = arith.constant 80 : index
          %swap3A_809 = tpu.vector_load %arg9[%swap3A_808] {strides = array<i32>} : memref<256xi32, #tpu.memory_space<vmem>>, vector<16xi32>,
          tpu.vector_store %arg9[%swap3A_808], %broadcast_in_dim3A_5 {strides = array<i32>} : memref<256xi32, #tpu.memory_space<vmem>>, vector<16xi32>,
          %swap3A_810 = arith.constant 96 : index
          %swap3A_811 = tpu.vector_load %arg9[%swap3A_810] {strides = array<i32>} : memref<256xi32, #tpu.memory_space<vmem>>, vector<16xi32>,
          tpu.vector_store %arg9[%swap3A_810], %broadcast_in_dim3A_5 {strides = array<i32>} : memref<256xi32, #tpu.memory_space<vmem>>, vector<16xi32>,
          %swap3A_812 = arith.constant 112 : index
          %swap3A_813 = tpu.vector_load %arg9[%swap3A_812] {strides = array<i32>} : memref<256xi32, #tpu.memory_space<vmem>>, vector<16xi32>,
          tpu.vector_store %arg9[%swap3A_812], %broadcast_in_dim3A_5 {strides = array<i32>} : memref<256xi32, #tpu.memory_space<vmem>>, vector<16xi32>,
          %swap3A_814 = arith.constant 128 : index
          %swap3A_815 = tpu.vector_load %arg9[%swap3A_814] {strides = array<i32>} : memref<256xi32, #tpu.memory_space<vmem>>, vector<16xi32>,
          tpu.vector_store %arg9[%swap3A_814], %broadcast_in_dim3A_5 {strides = array<i32>} : memref<256xi32, #tpu.memory_space<vmem>>, vector<16xi32>,
          %swap3A_816 = arith.constant 144 : index
          %swap3A_817 = tpu.vector_load %arg9[%swap3A_816] {strides = array<i32>} : memref<256xi32, #tpu.memory_space<vmem>>, vector<16xi32>,
          tpu.vector_store %arg9[%swap3A_816], %broadcast_in_dim3A_5 {strides = array<i32>} : memref<256xi32, #tpu.memory_space<vmem>>, vector<16xi32>,
          %swap3A_818 = arith.constant 160 : index
          %swap3A_819 = tpu.vector_load %arg9[%swap3A_818] {strides = array<i32>} : memref<256xi32, #tpu.memory_space<vmem>>, vector<16xi32>,
          tpu.vector_store %arg9[%swap3A_818], %broadcast_in_dim3A_5 {strides = array<i32>} : memref<256xi32, #tpu.memory_space<vmem>>, vector<16xi32>,
          %swap3A_820 = arith.constant 176 : index
          %swap3A_821 = tpu.vector_load %arg9[%swap3A_820] {strides = array<i32>} : memref<256xi32, #tpu.memory_space<vmem>>, vector<16xi32>,
          tpu.vector_store %arg9[%swap3A_820], %broadcast_in_dim3A_5 {strides = array<i32>} : memref<256xi32, #tpu.memory_space<vmem>>, vector<16xi32>,
          %swap3A_822 = arith.constant 192 : index
          %swap3A_823 = tpu.vector_load %arg9[%swap3A_822] {strides = array<i32>} : memref<256xi32, #tpu.memory_space<vmem>>, vector<16xi32>,
          tpu.vector_store %arg9[%swap3A_822], %broadcast_in_dim3A_5 {strides = array<i32>} : memref<256xi32, #tpu.memory_space<vmem>>, vector<16xi32>,
          %swap3A_824 = arith.constant 208 : index
          %swap3A_825 = tpu.vector_load %arg9[%swap3A_824] {strides = array<i32>} : memref<256xi32, #tpu.memory_space<vmem>>, vector<16xi32>,
          tpu.vector_store %arg9[%swap3A_824], %broadcast_in_dim3A_5 {strides = array<i32>} : memref<256xi32, #tpu.memory_space<vmem>>, vector<16xi32>,
          %swap3A_826 = arith.constant 224 : index
          %swap3A_827 = tpu.vector_load %arg9[%swap3A_826] {strides = array<i32>} : memref<256xi32, #tpu.memory_space<vmem>>, vector<16xi32>,
          tpu.vector_store %arg9[%swap3A_826], %broadcast_in_dim3A_5 {strides = array<i32>} : memref<256xi32, #tpu.memory_space<vmem>>, vector<16xi32>,
          %swap3A_828 = arith.constant 240 : index
          %swap3A_829 = tpu.vector_load %arg9[%swap3A_828] {strides = array<i32>} : memref<256xi32, #tpu.memory_space<vmem>>, vector<16xi32>,
          tpu.vector_store %arg9[%swap3A_828], %broadcast_in_dim3A_5 {strides = array<i32>} : memref<256xi32, #tpu.memory_space<vmem>>, vector<16xi32>,
          %while3A = arith.constant -65536 : i32
          %while3A_830 = arith.constant 0 : i32
          %while3A_831 = arith.constant 0 : i32
          %while3A_832 = arith.subi %select_n3A_797, %while3A_830 : i32
          %while3A_833 = arith.addi %while3A_830, %while3A_832 : i32
          %while3A_834 = arith.constant 1 : i32
          %while3A_835 = arith.divsi %while3A_832, %while3A_834 : i32
          %while3A_836 = arith.muli %while3A_835, %while3A_834 : i32
          %while3A_837 = arith.addi %while3A_830, %while3A_836 : i32
          %while3A_838 = arith.constant 1 : i32
          %while3A_839 = scf.for %while3A_1103 = %while3A_830 to %while3A_837 step %while3A_838 iter_args(%while3A_1104 = %while3A_831) -> (i32)  : i32 {
            %mul3A_1105 = arith.constant 16 : i32
            %mul3A_1106 = arith.muli %while3A_1103, %mul3A_1105 : i32
            %get3A_1107 = arith.index_cast %mul3A_1106 : i32 to index
            %get3A_1108 = tpu.vector_load %arg6[%get3A_1107] {strides = array<i32>} : memref<16384xf32, #tpu.memory_space<vmem>>, vector<16xf32>,
            %bitcast3A_1109 = vector.bitcast %get3A_1108 : vector<16xf32> to vector<16xi32>
            %mul3A_1110 = arith.constant 16 : i32
            %mul3A_1111 = arith.muli %while3A_1103, %mul3A_1110 : i32
            %add3A_1112 = vector.broadcast %mul3A_1111 : i32 to vector<16xi32>
            %add3A_1113 = arith.addi %iota3A, %add3A_1112 : vector<16xi32>
            %lt3A_1114 = arith.cmpi slt, %add3A_1113, %parallel_loop3A_752 : vector<16xi32>
            %and3A_1115 = vector.broadcast %while3A : i32 to vector<16xi32>
            %and3A_1116 = arith.andi %bitcast3A_1109, %and3A_1115 : vector<16xi32>
            %eq3A = vector.broadcast %or3A : i32 to vector<16xi32>
            %eq3A_1117 = arith.cmpi eq, %and3A_1116, %eq3A : vector<16xi32>
            %and3A_1118 = arith.andi %lt3A_1114, %eq3A_1117 : vector<16xi1>
            %shift_right_logical3A = arith.constant 8 : i32
            %shift_right_logical3A_1119 = vector.broadcast %shift_right_logical3A : i32 to vector<16xi32>
            %shift_right_logical3A_1120 = arith.shrui %bitcast3A_1109, %shift_right_logical3A_1119 : vector<16xi32>
            %and3A_1121 = arith.constant 255 : i32
            %and3A_1122 = vector.broadcast %and3A_1121 : i32 to vector<16xi32>
            %and3A_1123 = arith.andi %shift_right_logical3A_1120, %and3A_1122 : vector<16xi32>
            tpu.vector_store_idx %arg9[%and3A_1123], %broadcast_in_dim3A_3 masked %and3A_1118 {add = true} : memref<256xi32, #tpu.memory_space<vmem>>[vector<16xi32>], vector<16xi32>, vector<16xi1>
            %while3A_1124 = arith.constant 0 : i32
            scf.yield %while3A_1124 : i32
          }
          %while3A_840 = arith.constant 1 : i32
          %while3A_841 = scf.for %while3A_1103 = %while3A_837 to %while3A_833 step %while3A_840 iter_args(%while3A_1104 = %while3A_839) -> (i32)  : i32 {
            %mul3A_1105 = arith.constant 16 : i32
            %mul3A_1106 = arith.muli %while3A_1103, %mul3A_1105 : i32
            %get3A_1107 = arith.index_cast %mul3A_1106 : i32 to index
            %get3A_1108 = tpu.vector_load %arg6[%get3A_1107] {strides = array<i32>} : memref<16384xf32, #tpu.memory_space<vmem>>, vector<16xf32>,
            %bitcast3A_1109 = vector.bitcast %get3A_1108 : vector<16xf32> to vector<16xi32>
            %mul3A_1110 = arith.constant 16 : i32
            %mul3A_1111 = arith.muli %while3A_1103, %mul3A_1110 : i32
            %add3A_1112 = vector.broadcast %mul3A_1111 : i32 to vector<16xi32>
            %add3A_1113 = arith.addi %iota3A, %add3A_1112 : vector<16xi32>
            %lt3A_1114 = arith.cmpi slt, %add3A_1113, %parallel_loop3A_752 : vector<16xi32>
            %and3A_1115 = vector.broadcast %while3A : i32 to vector<16xi32>
            %and3A_1116 = arith.andi %bitcast3A_1109, %and3A_1115 : vector<16xi32>
            %eq3A = vector.broadcast %or3A : i32 to vector<16xi32>
            %eq3A_1117 = arith.cmpi eq, %and3A_1116, %eq3A : vector<16xi32>
            %and3A_1118 = arith.andi %lt3A_1114, %eq3A_1117 : vector<16xi1>
            %shift_right_logical3A = arith.constant 8 : i32
            %shift_right_logical3A_1119 = vector.broadcast %shift_right_logical3A : i32 to vector<16xi32>
            %shift_right_logical3A_1120 = arith.shrui %bitcast3A_1109, %shift_right_logical3A_1119 : vector<16xi32>
            %and3A_1121 = arith.constant 255 : i32
            %and3A_1122 = vector.broadcast %and3A_1121 : i32 to vector<16xi32>
            %and3A_1123 = arith.andi %shift_right_logical3A_1120, %and3A_1122 : vector<16xi32>
            tpu.vector_store_idx %arg9[%and3A_1123], %broadcast_in_dim3A_3 masked %and3A_1118 {add = true} : memref<256xi32, #tpu.memory_space<vmem>>[vector<16xi32>], vector<16xi32>, vector<16xi1>
            %while3A_1124 = arith.constant 0 : i32
            scf.yield %while3A_1124 : i32
          }
          %gather3A_842 = tpu.vector_load_idx %arg9[%add3A_11] : memref<256xi32, #tpu.memory_space<vmem>>[vector<16xi32>], vector<16xi32>,
          %add3A_843 = arith.addi %broadcast_in_dim3A_5, %gather3A_842 : vector<16xi32>
          %gather3A_844 = tpu.vector_load_idx %arg9[%add3A_17] : memref<256xi32, #tpu.memory_space<vmem>>[vector<16xi32>], vector<16xi32>,
          %add3A_845 = arith.addi %add3A_843, %gather3A_844 : vector<16xi32>
          %gather3A_846 = tpu.vector_load_idx %arg9[%add3A_23] : memref<256xi32, #tpu.memory_space<vmem>>[vector<16xi32>], vector<16xi32>,
          %add3A_847 = arith.addi %add3A_845, %gather3A_846 : vector<16xi32>
          %gather3A_848 = tpu.vector_load_idx %arg9[%add3A_29] : memref<256xi32, #tpu.memory_space<vmem>>[vector<16xi32>], vector<16xi32>,
          %add3A_849 = arith.addi %add3A_847, %gather3A_848 : vector<16xi32>
          %gather3A_850 = tpu.vector_load_idx %arg9[%add3A_35] : memref<256xi32, #tpu.memory_space<vmem>>[vector<16xi32>], vector<16xi32>,
          %add3A_851 = arith.addi %add3A_849, %gather3A_850 : vector<16xi32>
          %gather3A_852 = tpu.vector_load_idx %arg9[%add3A_41] : memref<256xi32, #tpu.memory_space<vmem>>[vector<16xi32>], vector<16xi32>,
          %add3A_853 = arith.addi %add3A_851, %gather3A_852 : vector<16xi32>
          %gather3A_854 = tpu.vector_load_idx %arg9[%add3A_47] : memref<256xi32, #tpu.memory_space<vmem>>[vector<16xi32>], vector<16xi32>,
          %add3A_855 = arith.addi %add3A_853, %gather3A_854 : vector<16xi32>
          %gather3A_856 = tpu.vector_load_idx %arg9[%add3A_53] : memref<256xi32, #tpu.memory_space<vmem>>[vector<16xi32>], vector<16xi32>,
          %add3A_857 = arith.addi %add3A_855, %gather3A_856 : vector<16xi32>
          %gather3A_858 = tpu.vector_load_idx %arg9[%add3A_59] : memref<256xi32, #tpu.memory_space<vmem>>[vector<16xi32>], vector<16xi32>,
          %add3A_859 = arith.addi %add3A_857, %gather3A_858 : vector<16xi32>
          %gather3A_860 = tpu.vector_load_idx %arg9[%add3A_65] : memref<256xi32, #tpu.memory_space<vmem>>[vector<16xi32>], vector<16xi32>,
          %add3A_861 = arith.addi %add3A_859, %gather3A_860 : vector<16xi32>
          %gather3A_862 = tpu.vector_load_idx %arg9[%add3A_71] : memref<256xi32, #tpu.memory_space<vmem>>[vector<16xi32>], vector<16xi32>,
          %add3A_863 = arith.addi %add3A_861, %gather3A_862 : vector<16xi32>
          %gather3A_864 = tpu.vector_load_idx %arg9[%add3A_77] : memref<256xi32, #tpu.memory_space<vmem>>[vector<16xi32>], vector<16xi32>,
          %add3A_865 = arith.addi %add3A_863, %gather3A_864 : vector<16xi32>
          %gather3A_866 = tpu.vector_load_idx %arg9[%add3A_83] : memref<256xi32, #tpu.memory_space<vmem>>[vector<16xi32>], vector<16xi32>,
          %add3A_867 = arith.addi %add3A_865, %gather3A_866 : vector<16xi32>
          %gather3A_868 = tpu.vector_load_idx %arg9[%add3A_89] : memref<256xi32, #tpu.memory_space<vmem>>[vector<16xi32>], vector<16xi32>,
          %add3A_869 = arith.addi %add3A_867, %gather3A_868 : vector<16xi32>
          %gather3A_870 = tpu.vector_load_idx %arg9[%add3A_95] : memref<256xi32, #tpu.memory_space<vmem>>[vector<16xi32>], vector<16xi32>,
          %add3A_871 = arith.addi %add3A_869, %gather3A_870 : vector<16xi32>
          %gather3A_872 = tpu.vector_load_idx %arg9[%add3A_101] : memref<256xi32, #tpu.memory_space<vmem>>[vector<16xi32>], vector<16xi32>,
          %add3A_873 = arith.addi %add3A_871, %gather3A_872 : vector<16xi32>
          %rev3A_874 = arith.constant 15 : i32
          %rev3A_875 = vector.broadcast %rev3A_874 : i32 to vector<16xi32>
          %rev3A_876 = tpu.iota {dimensions = array<i32: 0>} : vector<16xi32>
          %rev3A_877 = arith.subi %rev3A_875, %rev3A_876 : vector<16xi32>
          %rev3A_878 = tpu.dynamic_gather %add3A_873[%rev3A_877] in [0] : vector<16xi32>, vector<16xi32> -> vector<16xi32>
          %cumsum3A_879 = arith.constant true
          %cumsum3A_880 = vector.broadcast %cumsum3A_879 : i1 to vector<16xi1>
          %cumsum3A_881 = tpu.scan <sum>, %rev3A_878 masked %cumsum3A_880 : vector<16xi32>, vector<16xi1> -> vector<16xi32>
          %rev3A_882 = arith.constant 15 : i32
          %rev3A_883 = vector.broadcast %rev3A_882 : i32 to vector<16xi32>
          %rev3A_884 = tpu.iota {dimensions = array<i32: 0>} : vector<16xi32>
          %rev3A_885 = arith.subi %rev3A_883, %rev3A_884 : vector<16xi32>
          %rev3A_886 = tpu.dynamic_gather %cumsum3A_881[%rev3A_885] in [0] : vector<16xi32>, vector<16xi32> -> vector<16xi32>
          %ge3A_887 = vector.broadcast %sub3A_743 : i32 to vector<16xi32>
          %ge3A_888 = arith.cmpi sge, %rev3A_886, %ge3A_887 : vector<16xi32>
          %convert_element_type3A_889 = arith.extui %ge3A_888 : vector<16xi1> to vector<16xi32>
          %reduce_sum3A_890 = arith.constant true
          %reduce_sum3A_891 = vector.broadcast %reduce_sum3A_890 : i1 to vector<16xi1>
          %reduce_sum3A_892 = tpu.scan <sum>, %convert_element_type3A_889 masked %reduce_sum3A_891 : vector<16xi32>, vector<16xi1> -> vector<16xi32>
          %reduce_sum3A_893 = vector.extract %reduce_sum3A_892[15] : i32 from vector<16xi32>
          %sub3A_894 = arith.constant 1 : i32
          %sub3A_895 = arith.subi %reduce_sum3A_893, %sub3A_894 : i32
          %gt3A_896 = vector.broadcast %sub3A_895 : i32 to vector<16xi32>
          %gt3A_897 = arith.cmpi sgt, %iota3A, %gt3A_896 : vector<16xi32>
          %jit3A_898 = arith.constant 0 : i32
          %broadcast_in_dim3A_899 = vector.broadcast %jit3A_898 : i32 to vector<16xi32>
          %select_n3A_900 = arith.select %gt3A_897, %add3A_873, %broadcast_in_dim3A_899 : vector<16xi1>, vector<16xi32>
          %reduce_sum3A_901 = arith.constant true
          %reduce_sum3A_902 = vector.broadcast %reduce_sum3A_901 : i1 to vector<16xi1>
          %reduce_sum3A_903 = tpu.scan <sum>, %select_n3A_900 masked %reduce_sum3A_902 : vector<16xi32>, vector<16xi1> -> vector<16xi32>
          %reduce_sum3A_904 = vector.extract %reduce_sum3A_903[15] : i32 from vector<16xi32>
          %mul3A_905 = arith.constant 16 : i32
          %mul3A_906 = arith.muli %sub3A_895, %mul3A_905 : i32
          %get3A_907 = arith.index_cast %mul3A_906 : i32 to index
          %get3A_908 = tpu.vector_load %arg9[%get3A_907] {strides = array<i32>} : memref<256xi32, #tpu.memory_space<vmem>>, vector<16xi32>,
          %rev3A_909 = arith.constant 15 : i32
          %rev3A_910 = vector.broadcast %rev3A_909 : i32 to vector<16xi32>
          %rev3A_911 = tpu.iota {dimensions = array<i32: 0>} : vector<16xi32>
          %rev3A_912 = arith.subi %rev3A_910, %rev3A_911 : vector<16xi32>
          %rev3A_913 = tpu.dynamic_gather %get3A_908[%rev3A_912] in [0] : vector<16xi32>, vector<16xi32> -> vector<16xi32>
          %cumsum3A_914 = arith.constant true
          %cumsum3A_915 = vector.broadcast %cumsum3A_914 : i1 to vector<16xi1>
          %cumsum3A_916 = tpu.scan <sum>, %rev3A_913 masked %cumsum3A_915 : vector<16xi32>, vector<16xi1> -> vector<16xi32>
          %rev3A_917 = arith.constant 15 : i32
          %rev3A_918 = vector.broadcast %rev3A_917 : i32 to vector<16xi32>
          %rev3A_919 = tpu.iota {dimensions = array<i32: 0>} : vector<16xi32>
          %rev3A_920 = arith.subi %rev3A_918, %rev3A_919 : vector<16xi32>
          %rev3A_921 = tpu.dynamic_gather %cumsum3A_916[%rev3A_920] in [0] : vector<16xi32>, vector<16xi32> -> vector<16xi32>
          %add3A_922 = vector.broadcast %reduce_sum3A_904 : i32 to vector<16xi32>
          %add3A_923 = arith.addi %rev3A_921, %add3A_922 : vector<16xi32>
          %ge3A_924 = vector.broadcast %sub3A_743 : i32 to vector<16xi32>
          %ge3A_925 = arith.cmpi sge, %add3A_923, %ge3A_924 : vector<16xi32>
          %convert_element_type3A_926 = arith.extui %ge3A_925 : vector<16xi1> to vector<16xi32>
          %reduce_sum3A_927 = arith.constant true
          %reduce_sum3A_928 = vector.broadcast %reduce_sum3A_927 : i1 to vector<16xi1>
          %reduce_sum3A_929 = tpu.scan <sum>, %convert_element_type3A_926 masked %reduce_sum3A_928 : vector<16xi32>, vector<16xi1> -> vector<16xi32>
          %reduce_sum3A_930 = vector.extract %reduce_sum3A_929[15] : i32 from vector<16xi32>
          %sub3A_931 = arith.constant 1 : i32
          %sub3A_932 = arith.subi %reduce_sum3A_930, %sub3A_931 : i32
          %mul3A_933 = arith.constant 16 : i32
          %mul3A_934 = arith.muli %sub3A_895, %mul3A_933 : i32
          %add3A_935 = arith.addi %mul3A_934, %sub3A_932 : i32
          %gt3A_936 = vector.broadcast %sub3A_932 : i32 to vector<16xi32>
          %gt3A_937 = arith.cmpi sgt, %iota3A, %gt3A_936 : vector<16xi32>
          %jit3A_938 = arith.constant 0 : i32
          %broadcast_in_dim3A_939 = vector.broadcast %jit3A_938 : i32 to vector<16xi32>
          %select_n3A_940 = arith.select %gt3A_937, %get3A_908, %broadcast_in_dim3A_939 : vector<16xi1>, vector<16xi32>
          %reduce_sum3A_941 = arith.constant true
          %reduce_sum3A_942 = vector.broadcast %reduce_sum3A_941 : i1 to vector<16xi1>
          %reduce_sum3A_943 = tpu.scan <sum>, %select_n3A_940 masked %reduce_sum3A_942 : vector<16xi32>, vector<16xi1> -> vector<16xi32>
          %reduce_sum3A_944 = vector.extract %reduce_sum3A_943[15] : i32 from vector<16xi32>
          %add3A_945 = arith.addi %reduce_sum3A_944, %reduce_sum3A_904 : i32
          %shift_left3A_946 = arith.constant 8 : i32
          %shift_left3A_947 = arith.shli %add3A_935, %shift_left3A_946 : i32
          %or3A_948 = arith.ori %or3A, %shift_left3A_947 : i32
          %sub3A_949 = arith.subi %sub3A_743, %add3A_945 : i32
          %swap3A_950 = arith.constant 0 : index
          %swap3A_951 = tpu.vector_load %arg9[%swap3A_950] {strides = array<i32>} : memref<256xi32, #tpu.memory_space<vmem>>, vector<16xi32>,
          tpu.vector_store %arg9[%swap3A_950], %broadcast_in_dim3A_5 {strides = array<i32>} : memref<256xi32, #tpu.memory_space<vmem>>, vector<16xi32>,
          %swap3A_952 = arith.constant 16 : index
          %swap3A_953 = tpu.vector_load %arg9[%swap3A_952] {strides = array<i32>} : memref<256xi32, #tpu.memory_space<vmem>>, vector<16xi32>,
          tpu.vector_store %arg9[%swap3A_952], %broadcast_in_dim3A_5 {strides = array<i32>} : memref<256xi32, #tpu.memory_space<vmem>>, vector<16xi32>,
          %swap3A_954 = arith.constant 32 : index
          %swap3A_955 = tpu.vector_load %arg9[%swap3A_954] {strides = array<i32>} : memref<256xi32, #tpu.memory_space<vmem>>, vector<16xi32>,
          tpu.vector_store %arg9[%swap3A_954], %broadcast_in_dim3A_5 {strides = array<i32>} : memref<256xi32, #tpu.memory_space<vmem>>, vector<16xi32>,
          %swap3A_956 = arith.constant 48 : index
          %swap3A_957 = tpu.vector_load %arg9[%swap3A_956] {strides = array<i32>} : memref<256xi32, #tpu.memory_space<vmem>>, vector<16xi32>,
          tpu.vector_store %arg9[%swap3A_956], %broadcast_in_dim3A_5 {strides = array<i32>} : memref<256xi32, #tpu.memory_space<vmem>>, vector<16xi32>,
          %swap3A_958 = arith.constant 64 : index
          %swap3A_959 = tpu.vector_load %arg9[%swap3A_958] {strides = array<i32>} : memref<256xi32, #tpu.memory_space<vmem>>, vector<16xi32>,
          tpu.vector_store %arg9[%swap3A_958], %broadcast_in_dim3A_5 {strides = array<i32>} : memref<256xi32, #tpu.memory_space<vmem>>, vector<16xi32>,
          %swap3A_960 = arith.constant 80 : index
          %swap3A_961 = tpu.vector_load %arg9[%swap3A_960] {strides = array<i32>} : memref<256xi32, #tpu.memory_space<vmem>>, vector<16xi32>,
          tpu.vector_store %arg9[%swap3A_960], %broadcast_in_dim3A_5 {strides = array<i32>} : memref<256xi32, #tpu.memory_space<vmem>>, vector<16xi32>,
          %swap3A_962 = arith.constant 96 : index
          %swap3A_963 = tpu.vector_load %arg9[%swap3A_962] {strides = array<i32>} : memref<256xi32, #tpu.memory_space<vmem>>, vector<16xi32>,
          tpu.vector_store %arg9[%swap3A_962], %broadcast_in_dim3A_5 {strides = array<i32>} : memref<256xi32, #tpu.memory_space<vmem>>, vector<16xi32>,
          %swap3A_964 = arith.constant 112 : index
          %swap3A_965 = tpu.vector_load %arg9[%swap3A_964] {strides = array<i32>} : memref<256xi32, #tpu.memory_space<vmem>>, vector<16xi32>,
          tpu.vector_store %arg9[%swap3A_964], %broadcast_in_dim3A_5 {strides = array<i32>} : memref<256xi32, #tpu.memory_space<vmem>>, vector<16xi32>,
          %swap3A_966 = arith.constant 128 : index
          %swap3A_967 = tpu.vector_load %arg9[%swap3A_966] {strides = array<i32>} : memref<256xi32, #tpu.memory_space<vmem>>, vector<16xi32>,
          tpu.vector_store %arg9[%swap3A_966], %broadcast_in_dim3A_5 {strides = array<i32>} : memref<256xi32, #tpu.memory_space<vmem>>, vector<16xi32>,
          %swap3A_968 = arith.constant 144 : index
          %swap3A_969 = tpu.vector_load %arg9[%swap3A_968] {strides = array<i32>} : memref<256xi32, #tpu.memory_space<vmem>>, vector<16xi32>,
          tpu.vector_store %arg9[%swap3A_968], %broadcast_in_dim3A_5 {strides = array<i32>} : memref<256xi32, #tpu.memory_space<vmem>>, vector<16xi32>,
          %swap3A_970 = arith.constant 160 : index
          %swap3A_971 = tpu.vector_load %arg9[%swap3A_970] {strides = array<i32>} : memref<256xi32, #tpu.memory_space<vmem>>, vector<16xi32>,
          tpu.vector_store %arg9[%swap3A_970], %broadcast_in_dim3A_5 {strides = array<i32>} : memref<256xi32, #tpu.memory_space<vmem>>, vector<16xi32>,
          %swap3A_972 = arith.constant 176 : index
          %swap3A_973 = tpu.vector_load %arg9[%swap3A_972] {strides = array<i32>} : memref<256xi32, #tpu.memory_space<vmem>>, vector<16xi32>,
          tpu.vector_store %arg9[%swap3A_972], %broadcast_in_dim3A_5 {strides = array<i32>} : memref<256xi32, #tpu.memory_space<vmem>>, vector<16xi32>,
          %swap3A_974 = arith.constant 192 : index
          %swap3A_975 = tpu.vector_load %arg9[%swap3A_974] {strides = array<i32>} : memref<256xi32, #tpu.memory_space<vmem>>, vector<16xi32>,
          tpu.vector_store %arg9[%swap3A_974], %broadcast_in_dim3A_5 {strides = array<i32>} : memref<256xi32, #tpu.memory_space<vmem>>, vector<16xi32>,
          %swap3A_976 = arith.constant 208 : index
          %swap3A_977 = tpu.vector_load %arg9[%swap3A_976] {strides = array<i32>} : memref<256xi32, #tpu.memory_space<vmem>>, vector<16xi32>,
          tpu.vector_store %arg9[%swap3A_976], %broadcast_in_dim3A_5 {strides = array<i32>} : memref<256xi32, #tpu.memory_space<vmem>>, vector<16xi32>,
          %swap3A_978 = arith.constant 224 : index
          %swap3A_979 = tpu.vector_load %arg9[%swap3A_978] {strides = array<i32>} : memref<256xi32, #tpu.memory_space<vmem>>, vector<16xi32>,
          tpu.vector_store %arg9[%swap3A_978], %broadcast_in_dim3A_5 {strides = array<i32>} : memref<256xi32, #tpu.memory_space<vmem>>, vector<16xi32>,
          %swap3A_980 = arith.constant 240 : index
          %swap3A_981 = tpu.vector_load %arg9[%swap3A_980] {strides = array<i32>} : memref<256xi32, #tpu.memory_space<vmem>>, vector<16xi32>,
          tpu.vector_store %arg9[%swap3A_980], %broadcast_in_dim3A_5 {strides = array<i32>} : memref<256xi32, #tpu.memory_space<vmem>>, vector<16xi32>,
          %while3A_982 = arith.constant -256 : i32
          %while3A_983 = arith.constant 0 : i32
          %while3A_984 = arith.constant 0 : i32
          %while3A_985 = arith.subi %select_n3A_797, %while3A_983 : i32
          %while3A_986 = arith.addi %while3A_983, %while3A_985 : i32
          %while3A_987 = arith.constant 1 : i32
          %while3A_988 = arith.divsi %while3A_985, %while3A_987 : i32
          %while3A_989 = arith.muli %while3A_988, %while3A_987 : i32
          %while3A_990 = arith.addi %while3A_983, %while3A_989 : i32
          %while3A_991 = arith.constant 1 : i32
          %while3A_992 = scf.for %while3A_1103 = %while3A_983 to %while3A_990 step %while3A_991 iter_args(%while3A_1104 = %while3A_984) -> (i32)  : i32 {
            %mul3A_1105 = arith.constant 16 : i32
            %mul3A_1106 = arith.muli %while3A_1103, %mul3A_1105 : i32
            %get3A_1107 = arith.index_cast %mul3A_1106 : i32 to index
            %get3A_1108 = tpu.vector_load %arg6[%get3A_1107] {strides = array<i32>} : memref<16384xf32, #tpu.memory_space<vmem>>, vector<16xf32>,
            %bitcast3A_1109 = vector.bitcast %get3A_1108 : vector<16xf32> to vector<16xi32>
            %mul3A_1110 = arith.constant 16 : i32
            %mul3A_1111 = arith.muli %while3A_1103, %mul3A_1110 : i32
            %add3A_1112 = vector.broadcast %mul3A_1111 : i32 to vector<16xi32>
            %add3A_1113 = arith.addi %iota3A, %add3A_1112 : vector<16xi32>
            %lt3A_1114 = arith.cmpi slt, %add3A_1113, %parallel_loop3A_752 : vector<16xi32>
            %and3A_1115 = vector.broadcast %while3A_982 : i32 to vector<16xi32>
            %and3A_1116 = arith.andi %bitcast3A_1109, %and3A_1115 : vector<16xi32>
            %eq3A = vector.broadcast %or3A_948 : i32 to vector<16xi32>
            %eq3A_1117 = arith.cmpi eq, %and3A_1116, %eq3A : vector<16xi32>
            %and3A_1118 = arith.andi %lt3A_1114, %eq3A_1117 : vector<16xi1>
            %shift_right_logical3A = arith.constant 0 : i32
            %shift_right_logical3A_1119 = vector.broadcast %shift_right_logical3A : i32 to vector<16xi32>
            %shift_right_logical3A_1120 = arith.shrui %bitcast3A_1109, %shift_right_logical3A_1119 : vector<16xi32>
            %and3A_1121 = arith.constant 255 : i32
            %and3A_1122 = vector.broadcast %and3A_1121 : i32 to vector<16xi32>
            %and3A_1123 = arith.andi %shift_right_logical3A_1120, %and3A_1122 : vector<16xi32>
            tpu.vector_store_idx %arg9[%and3A_1123], %broadcast_in_dim3A_3 masked %and3A_1118 {add = true} : memref<256xi32, #tpu.memory_space<vmem>>[vector<16xi32>], vector<16xi32>, vector<16xi1>
            %while3A_1124 = arith.constant 0 : i32
            scf.yield %while3A_1124 : i32
          }
          %while3A_993 = arith.constant 1 : i32
          %while3A_994 = scf.for %while3A_1103 = %while3A_990 to %while3A_986 step %while3A_993 iter_args(%while3A_1104 = %while3A_992) -> (i32)  : i32 {
            %mul3A_1105 = arith.constant 16 : i32
            %mul3A_1106 = arith.muli %while3A_1103, %mul3A_1105 : i32
            %get3A_1107 = arith.index_cast %mul3A_1106 : i32 to index
            %get3A_1108 = tpu.vector_load %arg6[%get3A_1107] {strides = array<i32>} : memref<16384xf32, #tpu.memory_space<vmem>>, vector<16xf32>,
            %bitcast3A_1109 = vector.bitcast %get3A_1108 : vector<16xf32> to vector<16xi32>
            %mul3A_1110 = arith.constant 16 : i32
            %mul3A_1111 = arith.muli %while3A_1103, %mul3A_1110 : i32
            %add3A_1112 = vector.broadcast %mul3A_1111 : i32 to vector<16xi32>
            %add3A_1113 = arith.addi %iota3A, %add3A_1112 : vector<16xi32>
            %lt3A_1114 = arith.cmpi slt, %add3A_1113, %parallel_loop3A_752 : vector<16xi32>
            %and3A_1115 = vector.broadcast %while3A_982 : i32 to vector<16xi32>
            %and3A_1116 = arith.andi %bitcast3A_1109, %and3A_1115 : vector<16xi32>
            %eq3A = vector.broadcast %or3A_948 : i32 to vector<16xi32>
            %eq3A_1117 = arith.cmpi eq, %and3A_1116, %eq3A : vector<16xi32>
            %and3A_1118 = arith.andi %lt3A_1114, %eq3A_1117 : vector<16xi1>
            %shift_right_logical3A = arith.constant 0 : i32
            %shift_right_logical3A_1119 = vector.broadcast %shift_right_logical3A : i32 to vector<16xi32>
            %shift_right_logical3A_1120 = arith.shrui %bitcast3A_1109, %shift_right_logical3A_1119 : vector<16xi32>
            %and3A_1121 = arith.constant 255 : i32
            %and3A_1122 = vector.broadcast %and3A_1121 : i32 to vector<16xi32>
            %and3A_1123 = arith.andi %shift_right_logical3A_1120, %and3A_1122 : vector<16xi32>
            tpu.vector_store_idx %arg9[%and3A_1123], %broadcast_in_dim3A_3 masked %and3A_1118 {add = true} : memref<256xi32, #tpu.memory_space<vmem>>[vector<16xi32>], vector<16xi32>, vector<16xi1>
            %while3A_1124 = arith.constant 0 : i32
            scf.yield %while3A_1124 : i32
          }
          %gather3A_995 = tpu.vector_load_idx %arg9[%add3A_11] : memref<256xi32, #tpu.memory_space<vmem>>[vector<16xi32>], vector<16xi32>,
          %add3A_996 = arith.addi %broadcast_in_dim3A_5, %gather3A_995 : vector<16xi32>
          %gather3A_997 = tpu.vector_load_idx %arg9[%add3A_17] : memref<256xi32, #tpu.memory_space<vmem>>[vector<16xi32>], vector<16xi32>,
          %add3A_998 = arith.addi %add3A_996, %gather3A_997 : vector<16xi32>
          %gather3A_999 = tpu.vector_load_idx %arg9[%add3A_23] : memref<256xi32, #tpu.memory_space<vmem>>[vector<16xi32>], vector<16xi32>,
          %add3A_1000 = arith.addi %add3A_998, %gather3A_999 : vector<16xi32>
          %gather3A_1001 = tpu.vector_load_idx %arg9[%add3A_29] : memref<256xi32, #tpu.memory_space<vmem>>[vector<16xi32>], vector<16xi32>,
          %add3A_1002 = arith.addi %add3A_1000, %gather3A_1001 : vector<16xi32>
          %gather3A_1003 = tpu.vector_load_idx %arg9[%add3A_35] : memref<256xi32, #tpu.memory_space<vmem>>[vector<16xi32>], vector<16xi32>,
          %add3A_1004 = arith.addi %add3A_1002, %gather3A_1003 : vector<16xi32>
          %gather3A_1005 = tpu.vector_load_idx %arg9[%add3A_41] : memref<256xi32, #tpu.memory_space<vmem>>[vector<16xi32>], vector<16xi32>,
          %add3A_1006 = arith.addi %add3A_1004, %gather3A_1005 : vector<16xi32>
          %gather3A_1007 = tpu.vector_load_idx %arg9[%add3A_47] : memref<256xi32, #tpu.memory_space<vmem>>[vector<16xi32>], vector<16xi32>,
          %add3A_1008 = arith.addi %add3A_1006, %gather3A_1007 : vector<16xi32>
          %gather3A_1009 = tpu.vector_load_idx %arg9[%add3A_53] : memref<256xi32, #tpu.memory_space<vmem>>[vector<16xi32>], vector<16xi32>,
          %add3A_1010 = arith.addi %add3A_1008, %gather3A_1009 : vector<16xi32>
          %gather3A_1011 = tpu.vector_load_idx %arg9[%add3A_59] : memref<256xi32, #tpu.memory_space<vmem>>[vector<16xi32>], vector<16xi32>,
          %add3A_1012 = arith.addi %add3A_1010, %gather3A_1011 : vector<16xi32>
          %gather3A_1013 = tpu.vector_load_idx %arg9[%add3A_65] : memref<256xi32, #tpu.memory_space<vmem>>[vector<16xi32>], vector<16xi32>,
          %add3A_1014 = arith.addi %add3A_1012, %gather3A_1013 : vector<16xi32>
          %gather3A_1015 = tpu.vector_load_idx %arg9[%add3A_71] : memref<256xi32, #tpu.memory_space<vmem>>[vector<16xi32>], vector<16xi32>,
          %add3A_1016 = arith.addi %add3A_1014, %gather3A_1015 : vector<16xi32>
          %gather3A_1017 = tpu.vector_load_idx %arg9[%add3A_77] : memref<256xi32, #tpu.memory_space<vmem>>[vector<16xi32>], vector<16xi32>,
          %add3A_1018 = arith.addi %add3A_1016, %gather3A_1017 : vector<16xi32>
          %gather3A_1019 = tpu.vector_load_idx %arg9[%add3A_83] : memref<256xi32, #tpu.memory_space<vmem>>[vector<16xi32>], vector<16xi32>,
          %add3A_1020 = arith.addi %add3A_1018, %gather3A_1019 : vector<16xi32>
          %gather3A_1021 = tpu.vector_load_idx %arg9[%add3A_89] : memref<256xi32, #tpu.memory_space<vmem>>[vector<16xi32>], vector<16xi32>,
          %add3A_1022 = arith.addi %add3A_1020, %gather3A_1021 : vector<16xi32>
          %gather3A_1023 = tpu.vector_load_idx %arg9[%add3A_95] : memref<256xi32, #tpu.memory_space<vmem>>[vector<16xi32>], vector<16xi32>,
          %add3A_1024 = arith.addi %add3A_1022, %gather3A_1023 : vector<16xi32>
          %gather3A_1025 = tpu.vector_load_idx %arg9[%add3A_101] : memref<256xi32, #tpu.memory_space<vmem>>[vector<16xi32>], vector<16xi32>,
          %add3A_1026 = arith.addi %add3A_1024, %gather3A_1025 : vector<16xi32>
          %rev3A_1027 = arith.constant 15 : i32
          %rev3A_1028 = vector.broadcast %rev3A_1027 : i32 to vector<16xi32>
          %rev3A_1029 = tpu.iota {dimensions = array<i32: 0>} : vector<16xi32>
          %rev3A_1030 = arith.subi %rev3A_1028, %rev3A_1029 : vector<16xi32>
          %rev3A_1031 = tpu.dynamic_gather %add3A_1026[%rev3A_1030] in [0] : vector<16xi32>, vector<16xi32> -> vector<16xi32>
          %cumsum3A_1032 = arith.constant true
          %cumsum3A_1033 = vector.broadcast %cumsum3A_1032 : i1 to vector<16xi1>
          %cumsum3A_1034 = tpu.scan <sum>, %rev3A_1031 masked %cumsum3A_1033 : vector<16xi32>, vector<16xi1> -> vector<16xi32>
          %rev3A_1035 = arith.constant 15 : i32
          %rev3A_1036 = vector.broadcast %rev3A_1035 : i32 to vector<16xi32>
          %rev3A_1037 = tpu.iota {dimensions = array<i32: 0>} : vector<16xi32>
          %rev3A_1038 = arith.subi %rev3A_1036, %rev3A_1037 : vector<16xi32>
          %rev3A_1039 = tpu.dynamic_gather %cumsum3A_1034[%rev3A_1038] in [0] : vector<16xi32>, vector<16xi32> -> vector<16xi32>
          %ge3A_1040 = vector.broadcast %sub3A_949 : i32 to vector<16xi32>
          %ge3A_1041 = arith.cmpi sge, %rev3A_1039, %ge3A_1040 : vector<16xi32>
          %convert_element_type3A_1042 = arith.extui %ge3A_1041 : vector<16xi1> to vector<16xi32>
          %reduce_sum3A_1043 = arith.constant true
          %reduce_sum3A_1044 = vector.broadcast %reduce_sum3A_1043 : i1 to vector<16xi1>
          %reduce_sum3A_1045 = tpu.scan <sum>, %convert_element_type3A_1042 masked %reduce_sum3A_1044 : vector<16xi32>, vector<16xi1> -> vector<16xi32>
          %reduce_sum3A_1046 = vector.extract %reduce_sum3A_1045[15] : i32 from vector<16xi32>
          %sub3A_1047 = arith.constant 1 : i32
          %sub3A_1048 = arith.subi %reduce_sum3A_1046, %sub3A_1047 : i32
          %gt3A_1049 = vector.broadcast %sub3A_1048 : i32 to vector<16xi32>
          %gt3A_1050 = arith.cmpi sgt, %iota3A, %gt3A_1049 : vector<16xi32>
          %jit3A_1051 = arith.constant 0 : i32
          %broadcast_in_dim3A_1052 = vector.broadcast %jit3A_1051 : i32 to vector<16xi32>
          %select_n3A_1053 = arith.select %gt3A_1050, %add3A_1026, %broadcast_in_dim3A_1052 : vector<16xi1>, vector<16xi32>
          %reduce_sum3A_1054 = arith.constant true
          %reduce_sum3A_1055 = vector.broadcast %reduce_sum3A_1054 : i1 to vector<16xi1>
          %reduce_sum3A_1056 = tpu.scan <sum>, %select_n3A_1053 masked %reduce_sum3A_1055 : vector<16xi32>, vector<16xi1> -> vector<16xi32>
          %reduce_sum3A_1057 = vector.extract %reduce_sum3A_1056[15] : i32 from vector<16xi32>
          %mul3A_1058 = arith.constant 16 : i32
          %mul3A_1059 = arith.muli %sub3A_1048, %mul3A_1058 : i32
          %get3A_1060 = arith.index_cast %mul3A_1059 : i32 to index
          %get3A_1061 = tpu.vector_load %arg9[%get3A_1060] {strides = array<i32>} : memref<256xi32, #tpu.memory_space<vmem>>, vector<16xi32>,
          %rev3A_1062 = arith.constant 15 : i32
          %rev3A_1063 = vector.broadcast %rev3A_1062 : i32 to vector<16xi32>
          %rev3A_1064 = tpu.iota {dimensions = array<i32: 0>} : vector<16xi32>
          %rev3A_1065 = arith.subi %rev3A_1063, %rev3A_1064 : vector<16xi32>
          %rev3A_1066 = tpu.dynamic_gather %get3A_1061[%rev3A_1065] in [0] : vector<16xi32>, vector<16xi32> -> vector<16xi32>
          %cumsum3A_1067 = arith.constant true
          %cumsum3A_1068 = vector.broadcast %cumsum3A_1067 : i1 to vector<16xi1>
          %cumsum3A_1069 = tpu.scan <sum>, %rev3A_1066 masked %cumsum3A_1068 : vector<16xi32>, vector<16xi1> -> vector<16xi32>
          %rev3A_1070 = arith.constant 15 : i32
          %rev3A_1071 = vector.broadcast %rev3A_1070 : i32 to vector<16xi32>
          %rev3A_1072 = tpu.iota {dimensions = array<i32: 0>} : vector<16xi32>
          %rev3A_1073 = arith.subi %rev3A_1071, %rev3A_1072 : vector<16xi32>
          %rev3A_1074 = tpu.dynamic_gather %cumsum3A_1069[%rev3A_1073] in [0] : vector<16xi32>, vector<16xi32> -> vector<16xi32>
          %add3A_1075 = vector.broadcast %reduce_sum3A_1057 : i32 to vector<16xi32>
          %add3A_1076 = arith.addi %rev3A_1074, %add3A_1075 : vector<16xi32>
          %ge3A_1077 = vector.broadcast %sub3A_949 : i32 to vector<16xi32>
          %ge3A_1078 = arith.cmpi sge, %add3A_1076, %ge3A_1077 : vector<16xi32>
          %convert_element_type3A_1079 = arith.extui %ge3A_1078 : vector<16xi1> to vector<16xi32>
          %reduce_sum3A_1080 = arith.constant true
          %reduce_sum3A_1081 = vector.broadcast %reduce_sum3A_1080 : i1 to vector<16xi1>
          %reduce_sum3A_1082 = tpu.scan <sum>, %convert_element_type3A_1079 masked %reduce_sum3A_1081 : vector<16xi32>, vector<16xi1> -> vector<16xi32>
          %reduce_sum3A_1083 = vector.extract %reduce_sum3A_1082[15] : i32 from vector<16xi32>
          %sub3A_1084 = arith.constant 1 : i32
          %sub3A_1085 = arith.subi %reduce_sum3A_1083, %sub3A_1084 : i32
          %mul3A_1086 = arith.constant 16 : i32
          %mul3A_1087 = arith.muli %sub3A_1048, %mul3A_1086 : i32
          %add3A_1088 = arith.addi %mul3A_1087, %sub3A_1085 : i32
          %gt3A_1089 = vector.broadcast %sub3A_1085 : i32 to vector<16xi32>
          %gt3A_1090 = arith.cmpi sgt, %iota3A, %gt3A_1089 : vector<16xi32>
          %jit3A_1091 = arith.constant 0 : i32
          %broadcast_in_dim3A_1092 = vector.broadcast %jit3A_1091 : i32 to vector<16xi32>
          %select_n3A_1093 = arith.select %gt3A_1090, %get3A_1061, %broadcast_in_dim3A_1092 : vector<16xi1>, vector<16xi32>
          %reduce_sum3A_1094 = arith.constant true
          %reduce_sum3A_1095 = vector.broadcast %reduce_sum3A_1094 : i1 to vector<16xi1>
          %reduce_sum3A_1096 = tpu.scan <sum>, %select_n3A_1093 masked %reduce_sum3A_1095 : vector<16xi32>, vector<16xi1> -> vector<16xi32>
          %reduce_sum3A_1097 = vector.extract %reduce_sum3A_1096[15] : i32 from vector<16xi32>
          %add3A_1098 = arith.addi %reduce_sum3A_1097, %reduce_sum3A_1057 : i32
          %shift_left3A_1099 = arith.constant 0 : i32
          %shift_left3A_1100 = arith.shli %add3A_1088, %shift_left3A_1099 : i32
          %or3A_1101 = arith.ori %or3A_948, %shift_left3A_1100 : i32
          %sub3A_1102 = arith.subi %sub3A_949, %add3A_1098 : i32
          scf.yield %or3A_1101, %sub3A_1102 : i32, i32
        }
        scf.yield %cond3A_766#0, %cond3A_766#1 : i32, i32
      }
      %lt3A = arith.constant 0 : i32
      %lt3A_325 = arith.cmpi slt, %cond3A_324#0, %lt3A : i32
      %xor3A = arith.constant -2147483648 : i32
      %xor3A_326 = arith.xori %cond3A_324#0, %xor3A : i32
      %not3A = arith.constant -1 : i32
      %not3A_327 = arith.xori %cond3A_324#0, %not3A : i32
      %select_n3A_328 = arith.select %lt3A_325, %xor3A_326, %not3A_327 : i32
      %broadcast_in_dim3A_329 = vector.broadcast %select_n3A_328 : i32 to vector<16xi32>
      %bitcast3A = vector.bitcast %broadcast_in_dim3A_329 : vector<16xi32> to vector<16xf32>
      %parallel_loop3A_330 = arith.constant 0 : i32
      %parallel_loop3A_331 = arith.constant 16384 : i32
      %parallel_loop3A_332 = arith.constant 16 : i32
      %parallel_loop3A_333 = scf.for %parallel_loop3A_603 = %parallel_loop3A_330 to %parallel_loop3A_331 step %parallel_loop3A_332 iter_args(%parallel_loop3A_604 = %broadcast_in_dim3A_5) -> (vector<16xi32>)  : i32 {
        %parallel_loop3A_605 = arith.index_cast %parallel_loop3A_603 : i32 to index
        %parallel_loop3A_606 = tpu.vector_load %arg4[%parallel_loop3A_605] {strides = array<i32>} : memref<16384xf32, #tpu.memory_space<vmem>>, vector<16xf32>,
        %parallel_loop3A_607 = arith.cmpf oge, %parallel_loop3A_606, %bitcast3A : vector<16xf32>
        %parallel_loop3A_608 = arith.constant 0.000000e+00 : f32
        %parallel_loop3A_609 = vector.broadcast %parallel_loop3A_608 : f32 to vector<16xf32>
        %parallel_loop3A_610 = arith.select %parallel_loop3A_607, %parallel_loop3A_606, %parallel_loop3A_609 : vector<16xi1>, vector<16xf32>
        %parallel_loop3A_611 = arith.index_cast %parallel_loop3A_603 : i32 to index
        %parallel_loop3A_612 = tpu.vector_load %arg6[%parallel_loop3A_611] {strides = array<i32>} : memref<16384xf32, #tpu.memory_space<vmem>>, vector<16xf32>,
        tpu.vector_store %arg6[%parallel_loop3A_611], %parallel_loop3A_610 {strides = array<i32>} : memref<16384xf32, #tpu.memory_space<vmem>>, vector<16xf32>,
        %parallel_loop3A_613 = arith.cmpf oeq, %parallel_loop3A_606, %bitcast3A : vector<16xf32>
        %parallel_loop3A_614 = arith.extui %parallel_loop3A_613 : vector<16xi1> to vector<16xi32>
        %parallel_loop3A_615 = arith.addi %parallel_loop3A_604, %parallel_loop3A_614 : vector<16xi32>
        scf.yield %parallel_loop3A_615 : vector<16xi32>
      } {sc.loop_unroll_factor = 16 : i64, sc.parallel_access}
      %reduce_sum3A_334 = arith.constant true
      %reduce_sum3A_335 = vector.broadcast %reduce_sum3A_334 : i1 to vector<16xi1>
      %reduce_sum3A_336 = tpu.scan <sum>, %parallel_loop3A_333 masked %reduce_sum3A_335 : vector<16xi32>, vector<16xi1> -> vector<16xi32>
      %reduce_sum3A_337 = vector.extract %reduce_sum3A_336[15] : i32 from vector<16xi32>
      %gt3A_338 = arith.cmpi sgt, %reduce_sum3A_337, %cond3A_324#1 : i32
      %convert_element_type3A_339 = arith.extui %gt3A_338 : i1 to i32
      %cond3A_340 = arith.constant 0 : i32
      %cond3A_341 = arith.cmpi ne, %convert_element_type3A_339, %cond3A_340 : i32
      scf.if %cond3A_341 {
        %scan3A_603 = arith.constant 0 : i32
        %scan3A_604 = arith.constant 0 : i32
        %scan3A_605 = arith.constant 1024 : i32
        %scan3A_606 = arith.addi %scan3A_604, %scan3A_605 : i32
        %scan3A_607 = arith.constant 1 : i32
        %scan3A_608 = scf.for %scan3A_610 = %scan3A_604 to %scan3A_606 step %scan3A_607 iter_args(%scan3A_611 = %scan3A_603) -> (i32)  : i32 {
          %mul3A_612 = arith.constant 16 : i32
          %mul3A_613 = arith.muli %scan3A_610, %mul3A_612 : i32
          %get3A_614 = arith.index_cast %mul3A_613 : i32 to index
          %get3A_615 = tpu.vector_load %arg4[%get3A_614] {strides = array<i32>} : memref<16384xf32, #tpu.memory_space<vmem>>, vector<16xf32>,
          %eq3A = arith.cmpf oeq, %get3A_615, %bitcast3A : vector<16xf32>
          %convert_element_type3A_616 = arith.extui %eq3A : vector<16xi1> to vector<16xi32>
          %cumsum3A_617 = arith.constant true
          %cumsum3A_618 = vector.broadcast %cumsum3A_617 : i1 to vector<16xi1>
          %cumsum3A_619 = tpu.scan <sum>, %convert_element_type3A_616 masked %cumsum3A_618 : vector<16xi32>, vector<16xi1> -> vector<16xi32>
          %add3A_620 = vector.broadcast %scan3A_611 : i32 to vector<16xi32>
          %add3A_621 = arith.addi %add3A_620, %cumsum3A_619 : vector<16xi32>
          %gt3A_622 = vector.broadcast %cond3A_324#1 : i32 to vector<16xi32>
          %gt3A_623 = arith.cmpi sgt, %add3A_621, %gt3A_622 : vector<16xi32>
          %and3A_624 = arith.andi %eq3A, %gt3A_623 : vector<16xi1>
          %mul3A_625 = arith.constant 16 : i32
          %mul3A_626 = arith.muli %scan3A_610, %mul3A_625 : i32
          %get3A_627 = arith.index_cast %mul3A_626 : i32 to index
          %get3A_628 = tpu.vector_load %arg6[%get3A_627] {strides = array<i32>} : memref<16384xf32, #tpu.memory_space<vmem>>, vector<16xf32>,
          %jit3A_629 = arith.constant 0.000000e+00 : f32
          %broadcast_in_dim3A_630 = vector.broadcast %jit3A_629 : f32 to vector<16xf32>
          %select_n3A_631 = arith.select %and3A_624, %broadcast_in_dim3A_630, %get3A_628 : vector<16xi1>, vector<16xf32>
          %mul3A_632 = arith.constant 16 : i32
          %mul3A_633 = arith.muli %scan3A_610, %mul3A_632 : i32
          %swap3A_634 = arith.index_cast %mul3A_633 : i32 to index
          %swap3A_635 = tpu.vector_load %arg6[%swap3A_634] {strides = array<i32>} : memref<16384xf32, #tpu.memory_space<vmem>>, vector<16xf32>,
          tpu.vector_store %arg6[%swap3A_634], %select_n3A_631 {strides = array<i32>} : memref<16384xf32, #tpu.memory_space<vmem>>, vector<16xf32>,
          %convert_element_type3A_636 = arith.extui %eq3A : vector<16xi1> to vector<16xi32>
          %reduce_sum3A_637 = arith.constant true
          %reduce_sum3A_638 = vector.broadcast %reduce_sum3A_637 : i1 to vector<16xi1>
          %reduce_sum3A_639 = tpu.scan <sum>, %convert_element_type3A_636 masked %reduce_sum3A_638 : vector<16xi32>, vector<16xi1> -> vector<16xi32>
          %reduce_sum3A_640 = vector.extract %reduce_sum3A_639[15] : i32 from vector<16xi32>
          %add3A_641 = arith.addi %scan3A_611, %reduce_sum3A_640 : i32
          scf.yield %add3A_641 : i32
        }
        %scan3A_609 = arith.constant 1024 : i32
      } else {
      }
      %dma_start3A_342 = arith.constant 0 : i32
      %dma_start3A_343 = tpu.memref_slice %arg3[%add3A_136, %dma_start3A_342] : memref<4096x16384xf32, #tpu.memory_space<hbm>> -> memref<1x16384xf32, #tpu.memory_space<hbm>>
      %dma_start3A_344 = tpu.memref_squeeze %dma_start3A_343 : memref<1x16384xf32, #tpu.memory_space<hbm>> -> memref<16384xf32, #tpu.memory_space<hbm>>
      %dma_start3A_345 = arith.constant 0 : i32
      %dma_start3A_346 = tpu.memref_slice %arg3[%add3A_136, %dma_start3A_345] : memref<4096x16384xf32, #tpu.memory_space<hbm>> -> memref<1x16384xf32, #tpu.memory_space<hbm>>
      %dma_start3A_347 = tpu.memref_squeeze %dma_start3A_346 : memref<1x16384xf32, #tpu.memory_space<hbm>> -> memref<16384xf32, #tpu.memory_space<hbm>>
      tpu.enqueue_dma source(%arg6 : memref<16384xf32, #tpu.memory_space<vmem>>) target(%dma_start3A_347 : memref<16384xf32, #tpu.memory_space<hbm>>) target_semaphore(%arg12 : memref<!tpu.dma_semaphore, #tpu.memory_space<semaphore_mem>>)
      %add3A_348 = arith.constant 2 : i32
      %add3A_349 = arith.addi %mul3A_135, %add3A_348 : i32
      %lt3A_350 = arith.constant 128 : i32
      %lt3A_351 = arith.cmpi slt, %add3A_349, %lt3A_350 : i32
      %convert_element_type3A_352 = arith.extui %lt3A_351 : i1 to i32
      %cond3A_353 = arith.constant 0 : i32
      %cond3A_354 = arith.cmpi ne, %convert_element_type3A_352, %cond3A_353 : i32
      scf.if %cond3A_354 {
        %add3A_603 = arith.addi %mul3A_2, %mul3A_135 : i32
        %add3A_604 = arith.constant 2 : i32
        %add3A_605 = arith.addi %add3A_603, %add3A_604 : i32
        %dma_start3A_606 = arith.constant 0 : i32
        %dma_start3A_607 = tpu.memref_slice %arg2[%add3A_605, %dma_start3A_606] : memref<4096x16384xf32, #tpu.memory_space<hbm>> -> memref<1x16384xf32, #tpu.memory_space<hbm>>
        %dma_start3A_608 = tpu.memref_squeeze %dma_start3A_607 : memref<1x16384xf32, #tpu.memory_space<hbm>> -> memref<16384xf32, #tpu.memory_space<hbm>>
        %dma_start3A_609 = arith.constant 0 : i32
        %dma_start3A_610 = tpu.memref_slice %arg2[%add3A_605, %dma_start3A_609] : memref<4096x16384xf32, #tpu.memory_space<hbm>> -> memref<1x16384xf32, #tpu.memory_space<hbm>>
        %dma_start3A_611 = tpu.memref_squeeze %dma_start3A_610 : memref<1x16384xf32, #tpu.memory_space<hbm>> -> memref<16384xf32, #tpu.memory_space<hbm>>
        tpu.enqueue_dma source(%dma_start3A_611 : memref<16384xf32, #tpu.memory_space<hbm>>) target(%arg4 : memref<16384xf32, #tpu.memory_space<vmem>>) target_semaphore(%arg10 : memref<!tpu.dma_semaphore, #tpu.memory_space<semaphore_mem>>)
      } else {
      }
      %mul3A_355 = arith.constant 2 : i32
      %mul3A_356 = arith.muli %mul3A_355, %scan3A_133 : i32
      %add3A_357 = arith.constant 1 : i32
      %add3A_358 = arith.addi %mul3A_356, %add3A_357 : i32
      %add3A_359 = arith.addi %mul3A_2, %add3A_358 : i32
      %dma_wait3A_360 = arith.constant 0 : i32
      %dma_wait3A_361 = arith.constant 0 : i32
      %dma_wait3A_362 = tpu.memref_slice %arg2[%dma_wait3A_360, %dma_wait3A_361] : memref<4096x16384xf32, #tpu.memory_space<hbm>> -> memref<1x16384xf32, #tpu.memory_space<hbm>>
      %dma_wait3A_363 = tpu.memref_squeeze %dma_wait3A_362 : memref<1x16384xf32, #tpu.memory_space<hbm>> -> memref<16384xf32, #tpu.memory_space<hbm>>
      %dma_wait3A_364 = arith.constant 0 : i32
      %dma_wait3A_365 = tpu.memref_slice %arg2[%dma_wait3A_360, %dma_wait3A_364] : memref<4096x16384xf32, #tpu.memory_space<hbm>> -> memref<1x16384xf32, #tpu.memory_space<hbm>>
      %dma_wait3A_366 = tpu.memref_squeeze %dma_wait3A_365 : memref<1x16384xf32, #tpu.memory_space<hbm>> -> memref<16384xf32, #tpu.memory_space<hbm>>
      tpu.wait_dma2 semaphore(%arg11 : memref<!tpu.dma_semaphore, #tpu.memory_space<semaphore_mem>>) src(%dma_wait3A_366 : memref<16384xf32, #tpu.memory_space<hbm>>) dst(%arg5 : memref<16384xf32, #tpu.memory_space<vmem>>)
      %swap3A_367 = arith.constant 0 : index
      %swap3A_368 = tpu.vector_load %arg9[%swap3A_367] {strides = array<i32>} : memref<256xi32, #tpu.memory_space<vmem>>, vector<16xi32>,
      tpu.vector_store %arg9[%swap3A_367], %broadcast_in_dim3A_5 {strides = array<i32>} : memref<256xi32, #tpu.memory_space<vmem>>, vector<16xi32>,
      %swap3A_369 = arith.constant 16 : index
      %swap3A_370 = tpu.vector_load %arg9[%swap3A_369] {strides = array<i32>} : memref<256xi32, #tpu.memory_space<vmem>>, vector<16xi32>,
      tpu.vector_store %arg9[%swap3A_369], %broadcast_in_dim3A_5 {strides = array<i32>} : memref<256xi32, #tpu.memory_space<vmem>>, vector<16xi32>,
      %swap3A_371 = arith.constant 32 : index
      %swap3A_372 = tpu.vector_load %arg9[%swap3A_371] {strides = array<i32>} : memref<256xi32, #tpu.memory_space<vmem>>, vector<16xi32>,
      tpu.vector_store %arg9[%swap3A_371], %broadcast_in_dim3A_5 {strides = array<i32>} : memref<256xi32, #tpu.memory_space<vmem>>, vector<16xi32>,
      %swap3A_373 = arith.constant 48 : index
      %swap3A_374 = tpu.vector_load %arg9[%swap3A_373] {strides = array<i32>} : memref<256xi32, #tpu.memory_space<vmem>>, vector<16xi32>,
      tpu.vector_store %arg9[%swap3A_373], %broadcast_in_dim3A_5 {strides = array<i32>} : memref<256xi32, #tpu.memory_space<vmem>>, vector<16xi32>,
      %swap3A_375 = arith.constant 64 : index
      %swap3A_376 = tpu.vector_load %arg9[%swap3A_375] {strides = array<i32>} : memref<256xi32, #tpu.memory_space<vmem>>, vector<16xi32>,
      tpu.vector_store %arg9[%swap3A_375], %broadcast_in_dim3A_5 {strides = array<i32>} : memref<256xi32, #tpu.memory_space<vmem>>, vector<16xi32>,
      %swap3A_377 = arith.constant 80 : index
      %swap3A_378 = tpu.vector_load %arg9[%swap3A_377] {strides = array<i32>} : memref<256xi32, #tpu.memory_space<vmem>>, vector<16xi32>,
      tpu.vector_store %arg9[%swap3A_377], %broadcast_in_dim3A_5 {strides = array<i32>} : memref<256xi32, #tpu.memory_space<vmem>>, vector<16xi32>,
      %swap3A_379 = arith.constant 96 : index
      %swap3A_380 = tpu.vector_load %arg9[%swap3A_379] {strides = array<i32>} : memref<256xi32, #tpu.memory_space<vmem>>, vector<16xi32>,
      tpu.vector_store %arg9[%swap3A_379], %broadcast_in_dim3A_5 {strides = array<i32>} : memref<256xi32, #tpu.memory_space<vmem>>, vector<16xi32>,
      %swap3A_381 = arith.constant 112 : index
      %swap3A_382 = tpu.vector_load %arg9[%swap3A_381] {strides = array<i32>} : memref<256xi32, #tpu.memory_space<vmem>>, vector<16xi32>,
      tpu.vector_store %arg9[%swap3A_381], %broadcast_in_dim3A_5 {strides = array<i32>} : memref<256xi32, #tpu.memory_space<vmem>>, vector<16xi32>,
      %swap3A_383 = arith.constant 128 : index
      %swap3A_384 = tpu.vector_load %arg9[%swap3A_383] {strides = array<i32>} : memref<256xi32, #tpu.memory_space<vmem>>, vector<16xi32>,
      tpu.vector_store %arg9[%swap3A_383], %broadcast_in_dim3A_5 {strides = array<i32>} : memref<256xi32, #tpu.memory_space<vmem>>, vector<16xi32>,
      %swap3A_385 = arith.constant 144 : index
      %swap3A_386 = tpu.vector_load %arg9[%swap3A_385] {strides = array<i32>} : memref<256xi32, #tpu.memory_space<vmem>>, vector<16xi32>,
      tpu.vector_store %arg9[%swap3A_385], %broadcast_in_dim3A_5 {strides = array<i32>} : memref<256xi32, #tpu.memory_space<vmem>>, vector<16xi32>,
      %swap3A_387 = arith.constant 160 : index
      %swap3A_388 = tpu.vector_load %arg9[%swap3A_387] {strides = array<i32>} : memref<256xi32, #tpu.memory_space<vmem>>, vector<16xi32>,
      tpu.vector_store %arg9[%swap3A_387], %broadcast_in_dim3A_5 {strides = array<i32>} : memref<256xi32, #tpu.memory_space<vmem>>, vector<16xi32>,
      %swap3A_389 = arith.constant 176 : index
      %swap3A_390 = tpu.vector_load %arg9[%swap3A_389] {strides = array<i32>} : memref<256xi32, #tpu.memory_space<vmem>>, vector<16xi32>,
      tpu.vector_store %arg9[%swap3A_389], %broadcast_in_dim3A_5 {strides = array<i32>} : memref<256xi32, #tpu.memory_space<vmem>>, vector<16xi32>,
      %swap3A_391 = arith.constant 192 : index
      %swap3A_392 = tpu.vector_load %arg9[%swap3A_391] {strides = array<i32>} : memref<256xi32, #tpu.memory_space<vmem>>, vector<16xi32>,
      tpu.vector_store %arg9[%swap3A_391], %broadcast_in_dim3A_5 {strides = array<i32>} : memref<256xi32, #tpu.memory_space<vmem>>, vector<16xi32>,
      %swap3A_393 = arith.constant 208 : index
      %swap3A_394 = tpu.vector_load %arg9[%swap3A_393] {strides = array<i32>} : memref<256xi32, #tpu.memory_space<vmem>>, vector<16xi32>,
      tpu.vector_store %arg9[%swap3A_393], %broadcast_in_dim3A_5 {strides = array<i32>} : memref<256xi32, #tpu.memory_space<vmem>>, vector<16xi32>,
      %swap3A_395 = arith.constant 224 : index
      %swap3A_396 = tpu.vector_load %arg9[%swap3A_395] {strides = array<i32>} : memref<256xi32, #tpu.memory_space<vmem>>, vector<16xi32>,
      tpu.vector_store %arg9[%swap3A_395], %broadcast_in_dim3A_5 {strides = array<i32>} : memref<256xi32, #tpu.memory_space<vmem>>, vector<16xi32>,
      %swap3A_397 = arith.constant 240 : index
      %swap3A_398 = tpu.vector_load %arg9[%swap3A_397] {strides = array<i32>} : memref<256xi32, #tpu.memory_space<vmem>>, vector<16xi32>,
      tpu.vector_store %arg9[%swap3A_397], %broadcast_in_dim3A_5 {strides = array<i32>} : memref<256xi32, #tpu.memory_space<vmem>>, vector<16xi32>,
      %parallel_loop3A_399 = arith.constant 0 : i32
      %parallel_loop3A_400 = arith.constant 16384 : i32
      %parallel_loop3A_401 = arith.constant 16 : i32
      scf.for %parallel_loop3A_603 = %parallel_loop3A_399 to %parallel_loop3A_400 step %parallel_loop3A_401  : i32 {
        %parallel_loop3A_604 = arith.index_cast %parallel_loop3A_603 : i32 to index
        %parallel_loop3A_605 = tpu.vector_load %arg5[%parallel_loop3A_604] {strides = array<i32>} : memref<16384xf32, #tpu.memory_space<vmem>>, vector<16xf32>,
        %parallel_loop3A_606 = vector.bitcast %parallel_loop3A_605 : vector<16xf32> to vector<16xi32>
        %parallel_loop3A_607 = arith.constant 31 : i32
        %parallel_loop3A_608 = vector.broadcast %parallel_loop3A_607 : i32 to vector<16xi32>
        %parallel_loop3A_609 = arith.shrsi %parallel_loop3A_606, %parallel_loop3A_608 : vector<16xi32>
        %parallel_loop3A_610 = arith.constant -2147483648 : i32
        %parallel_loop3A_611 = vector.broadcast %parallel_loop3A_610 : i32 to vector<16xi32>
        %parallel_loop3A_612 = arith.ori %parallel_loop3A_609, %parallel_loop3A_611 : vector<16xi32>
        %parallel_loop3A_613 = arith.xori %parallel_loop3A_606, %parallel_loop3A_612 : vector<16xi32>
        %parallel_loop3A_614 = vector.bitcast %parallel_loop3A_613 : vector<16xi32> to vector<16xi32>
        %parallel_loop3A_615 = arith.constant 24 : i32
        %parallel_loop3A_616 = vector.broadcast %parallel_loop3A_615 : i32 to vector<16xi32>
        %parallel_loop3A_617 = arith.shrui %parallel_loop3A_614, %parallel_loop3A_616 : vector<16xi32>
        tpu.vector_store_idx %arg9[%parallel_loop3A_617], %broadcast_in_dim3A_3 {add = true} : memref<256xi32, #tpu.memory_space<vmem>>[vector<16xi32>], vector<16xi32>,
      } {sc.loop_unroll_factor = 16 : i64, sc.parallel_access}
      %gather3A_402 = tpu.vector_load_idx %arg9[%add3A_11] : memref<256xi32, #tpu.memory_space<vmem>>[vector<16xi32>], vector<16xi32>,
      %add3A_403 = arith.addi %broadcast_in_dim3A_5, %gather3A_402 : vector<16xi32>
      %gather3A_404 = tpu.vector_load_idx %arg9[%add3A_17] : memref<256xi32, #tpu.memory_space<vmem>>[vector<16xi32>], vector<16xi32>,
      %add3A_405 = arith.addi %add3A_403, %gather3A_404 : vector<16xi32>
      %gather3A_406 = tpu.vector_load_idx %arg9[%add3A_23] : memref<256xi32, #tpu.memory_space<vmem>>[vector<16xi32>], vector<16xi32>,
      %add3A_407 = arith.addi %add3A_405, %gather3A_406 : vector<16xi32>
      %gather3A_408 = tpu.vector_load_idx %arg9[%add3A_29] : memref<256xi32, #tpu.memory_space<vmem>>[vector<16xi32>], vector<16xi32>,
      %add3A_409 = arith.addi %add3A_407, %gather3A_408 : vector<16xi32>
      %gather3A_410 = tpu.vector_load_idx %arg9[%add3A_35] : memref<256xi32, #tpu.memory_space<vmem>>[vector<16xi32>], vector<16xi32>,
      %add3A_411 = arith.addi %add3A_409, %gather3A_410 : vector<16xi32>
      %gather3A_412 = tpu.vector_load_idx %arg9[%add3A_41] : memref<256xi32, #tpu.memory_space<vmem>>[vector<16xi32>], vector<16xi32>,
      %add3A_413 = arith.addi %add3A_411, %gather3A_412 : vector<16xi32>
      %gather3A_414 = tpu.vector_load_idx %arg9[%add3A_47] : memref<256xi32, #tpu.memory_space<vmem>>[vector<16xi32>], vector<16xi32>,
      %add3A_415 = arith.addi %add3A_413, %gather3A_414 : vector<16xi32>
      %gather3A_416 = tpu.vector_load_idx %arg9[%add3A_53] : memref<256xi32, #tpu.memory_space<vmem>>[vector<16xi32>], vector<16xi32>,
      %add3A_417 = arith.addi %add3A_415, %gather3A_416 : vector<16xi32>
      %gather3A_418 = tpu.vector_load_idx %arg9[%add3A_59] : memref<256xi32, #tpu.memory_space<vmem>>[vector<16xi32>], vector<16xi32>,
      %add3A_419 = arith.addi %add3A_417, %gather3A_418 : vector<16xi32>
      %gather3A_420 = tpu.vector_load_idx %arg9[%add3A_65] : memref<256xi32, #tpu.memory_space<vmem>>[vector<16xi32>], vector<16xi32>,
      %add3A_421 = arith.addi %add3A_419, %gather3A_420 : vector<16xi32>
      %gather3A_422 = tpu.vector_load_idx %arg9[%add3A_71] : memref<256xi32, #tpu.memory_space<vmem>>[vector<16xi32>], vector<16xi32>,
      %add3A_423 = arith.addi %add3A_421, %gather3A_422 : vector<16xi32>
      %gather3A_424 = tpu.vector_load_idx %arg9[%add3A_77] : memref<256xi32, #tpu.memory_space<vmem>>[vector<16xi32>], vector<16xi32>,
      %add3A_425 = arith.addi %add3A_423, %gather3A_424 : vector<16xi32>
      %gather3A_426 = tpu.vector_load_idx %arg9[%add3A_83] : memref<256xi32, #tpu.memory_space<vmem>>[vector<16xi32>], vector<16xi32>,
      %add3A_427 = arith.addi %add3A_425, %gather3A_426 : vector<16xi32>
      %gather3A_428 = tpu.vector_load_idx %arg9[%add3A_89] : memref<256xi32, #tpu.memory_space<vmem>>[vector<16xi32>], vector<16xi32>,
      %add3A_429 = arith.addi %add3A_427, %gather3A_428 : vector<16xi32>
      %gather3A_430 = tpu.vector_load_idx %arg9[%add3A_95] : memref<256xi32, #tpu.memory_space<vmem>>[vector<16xi32>], vector<16xi32>,
      %add3A_431 = arith.addi %add3A_429, %gather3A_430 : vector<16xi32>
      %gather3A_432 = tpu.vector_load_idx %arg9[%add3A_101] : memref<256xi32, #tpu.memory_space<vmem>>[vector<16xi32>], vector<16xi32>,
      %add3A_433 = arith.addi %add3A_431, %gather3A_432 : vector<16xi32>
      %rev3A_434 = arith.constant 15 : i32
      %rev3A_435 = vector.broadcast %rev3A_434 : i32 to vector<16xi32>
      %rev3A_436 = tpu.iota {dimensions = array<i32: 0>} : vector<16xi32>
      %rev3A_437 = arith.subi %rev3A_435, %rev3A_436 : vector<16xi32>
      %rev3A_438 = tpu.dynamic_gather %add3A_433[%rev3A_437] in [0] : vector<16xi32>, vector<16xi32> -> vector<16xi32>
      %cumsum3A_439 = arith.constant true
      %cumsum3A_440 = vector.broadcast %cumsum3A_439 : i1 to vector<16xi1>
      %cumsum3A_441 = tpu.scan <sum>, %rev3A_438 masked %cumsum3A_440 : vector<16xi32>, vector<16xi1> -> vector<16xi32>
      %rev3A_442 = arith.constant 15 : i32
      %rev3A_443 = vector.broadcast %rev3A_442 : i32 to vector<16xi32>
      %rev3A_444 = tpu.iota {dimensions = array<i32: 0>} : vector<16xi32>
      %rev3A_445 = arith.subi %rev3A_443, %rev3A_444 : vector<16xi32>
      %rev3A_446 = tpu.dynamic_gather %cumsum3A_441[%rev3A_445] in [0] : vector<16xi32>, vector<16xi32> -> vector<16xi32>
      %ge3A_447 = arith.constant 64 : i32
      %ge3A_448 = vector.broadcast %ge3A_447 : i32 to vector<16xi32>
      %ge3A_449 = arith.cmpi sge, %rev3A_446, %ge3A_448 : vector<16xi32>
      %convert_element_type3A_450 = arith.extui %ge3A_449 : vector<16xi1> to vector<16xi32>
      %reduce_sum3A_451 = arith.constant true
      %reduce_sum3A_452 = vector.broadcast %reduce_sum3A_451 : i1 to vector<16xi1>
      %reduce_sum3A_453 = tpu.scan <sum>, %convert_element_type3A_450 masked %reduce_sum3A_452 : vector<16xi32>, vector<16xi1> -> vector<16xi32>
      %reduce_sum3A_454 = vector.extract %reduce_sum3A_453[15] : i32 from vector<16xi32>
      %sub3A_455 = arith.constant 1 : i32
      %sub3A_456 = arith.subi %reduce_sum3A_454, %sub3A_455 : i32
      %gt3A_457 = vector.broadcast %sub3A_456 : i32 to vector<16xi32>
      %gt3A_458 = arith.cmpi sgt, %iota3A, %gt3A_457 : vector<16xi32>
      %jit3A_459 = arith.constant 0 : i32
      %broadcast_in_dim3A_460 = vector.broadcast %jit3A_459 : i32 to vector<16xi32>
      %select_n3A_461 = arith.select %gt3A_458, %add3A_433, %broadcast_in_dim3A_460 : vector<16xi1>, vector<16xi32>
      %reduce_sum3A_462 = arith.constant true
      %reduce_sum3A_463 = vector.broadcast %reduce_sum3A_462 : i1 to vector<16xi1>
      %reduce_sum3A_464 = tpu.scan <sum>, %select_n3A_461 masked %reduce_sum3A_463 : vector<16xi32>, vector<16xi1> -> vector<16xi32>
      %reduce_sum3A_465 = vector.extract %reduce_sum3A_464[15] : i32 from vector<16xi32>
      %mul3A_466 = arith.constant 16 : i32
      %mul3A_467 = arith.muli %sub3A_456, %mul3A_466 : i32
      %get3A_468 = arith.index_cast %mul3A_467 : i32 to index
      %get3A_469 = tpu.vector_load %arg9[%get3A_468] {strides = array<i32>} : memref<256xi32, #tpu.memory_space<vmem>>, vector<16xi32>,
      %rev3A_470 = arith.constant 15 : i32
      %rev3A_471 = vector.broadcast %rev3A_470 : i32 to vector<16xi32>
      %rev3A_472 = tpu.iota {dimensions = array<i32: 0>} : vector<16xi32>
      %rev3A_473 = arith.subi %rev3A_471, %rev3A_472 : vector<16xi32>
      %rev3A_474 = tpu.dynamic_gather %get3A_469[%rev3A_473] in [0] : vector<16xi32>, vector<16xi32> -> vector<16xi32>
      %cumsum3A_475 = arith.constant true
      %cumsum3A_476 = vector.broadcast %cumsum3A_475 : i1 to vector<16xi1>
      %cumsum3A_477 = tpu.scan <sum>, %rev3A_474 masked %cumsum3A_476 : vector<16xi32>, vector<16xi1> -> vector<16xi32>
      %rev3A_478 = arith.constant 15 : i32
      %rev3A_479 = vector.broadcast %rev3A_478 : i32 to vector<16xi32>
      %rev3A_480 = tpu.iota {dimensions = array<i32: 0>} : vector<16xi32>
      %rev3A_481 = arith.subi %rev3A_479, %rev3A_480 : vector<16xi32>
      %rev3A_482 = tpu.dynamic_gather %cumsum3A_477[%rev3A_481] in [0] : vector<16xi32>, vector<16xi32> -> vector<16xi32>
      %add3A_483 = vector.broadcast %reduce_sum3A_465 : i32 to vector<16xi32>
      %add3A_484 = arith.addi %rev3A_482, %add3A_483 : vector<16xi32>
      %ge3A_485 = arith.constant 64 : i32
      %ge3A_486 = vector.broadcast %ge3A_485 : i32 to vector<16xi32>
      %ge3A_487 = arith.cmpi sge, %add3A_484, %ge3A_486 : vector<16xi32>
      %convert_element_type3A_488 = arith.extui %ge3A_487 : vector<16xi1> to vector<16xi32>
      %reduce_sum3A_489 = arith.constant true
      %reduce_sum3A_490 = vector.broadcast %reduce_sum3A_489 : i1 to vector<16xi1>
      %reduce_sum3A_491 = tpu.scan <sum>, %convert_element_type3A_488 masked %reduce_sum3A_490 : vector<16xi32>, vector<16xi1> -> vector<16xi32>
      %reduce_sum3A_492 = vector.extract %reduce_sum3A_491[15] : i32 from vector<16xi32>
      %sub3A_493 = arith.constant 1 : i32
      %sub3A_494 = arith.subi %reduce_sum3A_492, %sub3A_493 : i32
      %mul3A_495 = arith.constant 16 : i32
      %mul3A_496 = arith.muli %sub3A_456, %mul3A_495 : i32
      %add3A_497 = arith.addi %mul3A_496, %sub3A_494 : i32
      %gt3A_498 = vector.broadcast %sub3A_494 : i32 to vector<16xi32>
      %gt3A_499 = arith.cmpi sgt, %iota3A, %gt3A_498 : vector<16xi32>
      %jit3A_500 = arith.constant 0 : i32
      %broadcast_in_dim3A_501 = vector.broadcast %jit3A_500 : i32 to vector<16xi32>
      %select_n3A_502 = arith.select %gt3A_499, %get3A_469, %broadcast_in_dim3A_501 : vector<16xi1>, vector<16xi32>
      %reduce_sum3A_503 = arith.constant true
      %reduce_sum3A_504 = vector.broadcast %reduce_sum3A_503 : i1 to vector<16xi1>
      %reduce_sum3A_505 = tpu.scan <sum>, %select_n3A_502 masked %reduce_sum3A_504 : vector<16xi32>, vector<16xi1> -> vector<16xi32>
      %reduce_sum3A_506 = vector.extract %reduce_sum3A_505[15] : i32 from vector<16xi32>
      %add3A_507 = arith.addi %reduce_sum3A_506, %reduce_sum3A_465 : i32
      %sub3A_508 = arith.constant 64 : i32
      %sub3A_509 = arith.subi %sub3A_508, %add3A_507 : i32
      %swap3A_510 = arith.constant 0 : index
      %swap3A_511 = tpu.vector_load %arg8[%swap3A_510] {strides = array<i32>} : memref<16384xi32, #tpu.memory_space<vmem>>, vector<16xi32>,
      tpu.vector_store %arg8[%swap3A_510], %broadcast_in_dim3A_5 {strides = array<i32>} : memref<16384xi32, #tpu.memory_space<vmem>>, vector<16xi32>,
      %sub3A_512 = arith.constant 1 : i32
      %sub3A_513 = vector.broadcast %sub3A_512 : i32 to vector<16xi32>
      %sub3A_514 = arith.subi %broadcast_in_dim3A_5, %sub3A_513 : vector<16xi32>
      %parallel_loop3A_515 = arith.constant 0 : i32
      %parallel_loop3A_516 = arith.constant 16384 : i32
      %parallel_loop3A_517 = arith.constant 16 : i32
      %parallel_loop3A_518 = scf.for %parallel_loop3A_603 = %parallel_loop3A_515 to %parallel_loop3A_516 step %parallel_loop3A_517 iter_args(%parallel_loop3A_604 = %sub3A_514) -> (vector<16xi32>)  : i32 {
        %parallel_loop3A_605 = arith.index_cast %parallel_loop3A_603 : i32 to index
        %parallel_loop3A_606 = tpu.vector_load %arg5[%parallel_loop3A_605] {strides = array<i32>} : memref<16384xf32, #tpu.memory_space<vmem>>, vector<16xf32>,
        %parallel_loop3A_607 = vector.bitcast %parallel_loop3A_606 : vector<16xf32> to vector<16xi32>
        %parallel_loop3A_608 = arith.constant 31 : i32
        %parallel_loop3A_609 = vector.broadcast %parallel_loop3A_608 : i32 to vector<16xi32>
        %parallel_loop3A_610 = arith.shrsi %parallel_loop3A_607, %parallel_loop3A_609 : vector<16xi32>
        %parallel_loop3A_611 = arith.constant -2147483648 : i32
        %parallel_loop3A_612 = vector.broadcast %parallel_loop3A_611 : i32 to vector<16xi32>
        %parallel_loop3A_613 = arith.ori %parallel_loop3A_610, %parallel_loop3A_612 : vector<16xi32>
        %parallel_loop3A_614 = arith.xori %parallel_loop3A_607, %parallel_loop3A_613 : vector<16xi32>
        %parallel_loop3A_615 = vector.bitcast %parallel_loop3A_614 : vector<16xi32> to vector<16xi32>
        %parallel_loop3A_616 = arith.constant 24 : i32
        %parallel_loop3A_617 = vector.broadcast %parallel_loop3A_616 : i32 to vector<16xi32>
        %parallel_loop3A_618 = arith.shrui %parallel_loop3A_615, %parallel_loop3A_617 : vector<16xi32>
        %parallel_loop3A_619 = vector.broadcast %add3A_497 : i32 to vector<16xi32>
        %parallel_loop3A_620 = arith.cmpi eq, %parallel_loop3A_618, %parallel_loop3A_619 : vector<16xi32>
        %parallel_loop3A_621 = arith.extui %parallel_loop3A_620 : vector<16xi1> to vector<16xi32>
        %parallel_loop3A_622 = arith.constant true
        %parallel_loop3A_623 = vector.broadcast %parallel_loop3A_622 : i1 to vector<16xi1>
        %parallel_loop3A_624 = tpu.scan <sum>, %parallel_loop3A_621 masked %parallel_loop3A_623 : vector<16xi32>, vector<16xi1> -> vector<16xi32>
        %parallel_loop3A_625 = arith.addi %parallel_loop3A_604, %parallel_loop3A_624 : vector<16xi32>
        %parallel_loop3A_626 = vector.bitcast %parallel_loop3A_615 : vector<16xi32> to vector<16xi32>
        tpu.vector_store_idx %arg8[%parallel_loop3A_625], %parallel_loop3A_626 masked %parallel_loop3A_620 : memref<16384xi32, #tpu.memory_space<vmem>>[vector<16xi32>], vector<16xi32>, vector<16xi1>
        %parallel_loop3A_627 = tpu.all_reduce %parallel_loop3A_620 {dim = 0 : i64, kind = #tpu.reduction_kind<sum>} : vector<16xi1> -> vector<16xi32>
        %parallel_loop3A_628 = arith.addi %parallel_loop3A_604, %parallel_loop3A_627 : vector<16xi32>
        scf.yield %parallel_loop3A_628 : vector<16xi32>
      } {sc.loop_unroll_factor = 8 : i64, sc.parallel_access}
      %add3A_519 = arith.constant 1 : i32
      %add3A_520 = vector.broadcast %add3A_519 : i32 to vector<16xi32>
      %add3A_521 = arith.addi %parallel_loop3A_518, %add3A_520 : vector<16xi32>
      %reduce_max3A_522 = arith.constant true
      %reduce_max3A_523 = vector.broadcast %reduce_max3A_522 : i1 to vector<16xi1>
      %reduce_max3A_524 = arith.constant -2147483648 : i32
      %reduce_max3A_525 = vector.broadcast %reduce_max3A_524 : i32 to vector<16xi32>
      %reduce_max3A_526 = arith.xori %add3A_521, %reduce_max3A_525 : vector<16xi32>
      %reduce_max3A_527 = tpu.scan <max>, %reduce_max3A_526 masked %reduce_max3A_523 : vector<16xi32>, vector<16xi1> -> vector<16xi32>
      %reduce_max3A_528 = arith.xori %reduce_max3A_527, %reduce_max3A_525 : vector<16xi32>
      %reduce_max3A_529 = vector.extract %reduce_max3A_528[15] : i32 from vector<16xi32>
      %add3A_530 = arith.constant 16 : i32
      %add3A_531 = arith.addi %reduce_max3A_529, %add3A_530 : i32
      %sub3A_532 = arith.constant 1 : i32
      %sub3A_533 = arith.subi %add3A_531, %sub3A_532 : i32
      %jit3A_534 = arith.constant 16 : i32
      %div3A_535 = arith.divsi %sub3A_533, %jit3A_534 : i32
      %sign3A_536 = arith.constant 0 : i32
      %sign3A_537 = arith.cmpi sgt, %sub3A_533, %sign3A_536 : i32
      %sign3A_538 = arith.extui %sign3A_537 : i1 to i32
      %sign3A_539 = arith.constant 0 : i32
      %sign3A_540 = arith.cmpi slt, %sub3A_533, %sign3A_539 : i32
      %sign3A_541 = arith.extui %sign3A_540 : i1 to i32
      %sign3A_542 = arith.subi %sign3A_538, %sign3A_541 : i32
      %sign3A_543 = arith.constant 0 : i32
      %sign3A_544 = arith.cmpi sgt, %jit3A_534, %sign3A_543 : i32
      %sign3A_545 = arith.extui %sign3A_544 : i1 to i32
      %sign3A_546 = arith.constant 0 : i32
      %sign3A_547 = arith.cmpi slt, %jit3A_534, %sign3A_546 : i32
      %sign3A_548 = arith.extui %sign3A_547 : i1 to i32
      %sign3A_549 = arith.subi %sign3A_545, %sign3A_548 : i32
      %ne3A_550 = arith.cmpi ne, %sign3A_542, %sign3A_549 : i32
      %rem3A_551 = arith.remsi %sub3A_533, %jit3A_534 : i32
      %ne3A_552 = arith.constant 0 : i32
      %ne3A_553 = arith.cmpi ne, %rem3A_551, %ne3A_552 : i32
      %and3A_554 = arith.andi %ne3A_550, %ne3A_553 : i1
      %sub3A_555 = arith.constant 1 : i32
      %sub3A_556 = arith.subi %div3A_535, %sub3A_555 : i32
      %select_n3A_557 = arith.select %and3A_554, %sub3A_556, %div3A_535 : i32
      %ge3A_558 = arith.constant 2 : i32
      %ge3A_559 = arith.cmpi sge, %add3A_358, %ge3A_558 : i32
      %convert_element_type3A_560 = arith.extui %ge3A_559 : i1 to i32
      %cond3A_561 = arith.constant 0 : i32
      %cond3A_562 = arith.cmpi ne, %convert_element_type3A_560, %cond3A_561 : i32
      scf.if %cond3A_562 {
        %dma_wait3A_603 = arith.constant 0 : i32
        %dma_wait3A_604 = arith.constant 0 : i32
        %dma_wait3A_605 = tpu.memref_slice %arg3[%dma_wait3A_603, %dma_wait3A_604] : memref<4096x16384xf32, #tpu.memory_space<hbm>> -> memref<1x16384xf32, #tpu.memory_space<hbm>>
        %dma_wait3A_606 = tpu.memref_squeeze %dma_wait3A_605 : memref<1x16384xf32, #tpu.memory_space<hbm>> -> memref<16384xf32, #tpu.memory_space<hbm>>
        %dma_wait3A_607 = arith.constant 0 : i32
        %dma_wait3A_608 = tpu.memref_slice %arg3[%dma_wait3A_603, %dma_wait3A_607] : memref<4096x16384xf32, #tpu.memory_space<hbm>> -> memref<1x16384xf32, #tpu.memory_space<hbm>>
        %dma_wait3A_609 = tpu.memref_squeeze %dma_wait3A_608 : memref<1x16384xf32, #tpu.memory_space<hbm>> -> memref<16384xf32, #tpu.memory_space<hbm>>
        tpu.wait_dma2 semaphore(%arg13 : memref<!tpu.dma_semaphore, #tpu.memory_space<semaphore_mem>>) src(%arg7 : memref<16384xf32, #tpu.memory_space<vmem>>) dst(%dma_wait3A_609 : memref<16384xf32, #tpu.memory_space<hbm>>)
      } else {
      }
      %le3A_563 = arith.constant 16 : i32
      %le3A_564 = arith.cmpi sle, %reduce_max3A_529, %le3A_563 : i32
      %convert_element_type3A_565 = arith.extui %le3A_564 : i1 to i32
      %cond3A_566 = arith.constant 0 : i32
      %cond3A_567 = arith.cmpi ne, %convert_element_type3A_565, %cond3A_566 : i32
      %cond3A_568:2 = scf.if %cond3A_567 -> (i32, i32) {
        %get3A_603 = arith.constant 0 : index
        %get3A_604 = tpu.vector_load %arg8[%get3A_603] {strides = array<i32>} : memref<16384xi32, #tpu.memory_space<vmem>>, vector<16xi32>,
        %bitcast3A_605 = vector.bitcast %get3A_604 : vector<16xi32> to vector<16xi32>
        %masked_sort3A = arith.constant dense<true> : vector<16xi1>
        %masked_sort3A_606, %masked_sort3A_607, %masked_sort3A_608 = tpu.sort %bitcast3A_605, %bitcast3A_605 masked %masked_sort3A : (vector<16xi32>, vector<16xi32>, vector<16xi1>) -> (vector<16xi1>, vector<16xi32>, vector<16xi32>)
        %bitcast3A_609 = vector.bitcast %masked_sort3A_607 : vector<16xi32> to vector<16xi32>
        %sub3A_610 = arith.constant 16 : i32
        %sub3A_611 = arith.subi %sub3A_610, %sub3A_509 : i32
        %eq3A = vector.broadcast %sub3A_611 : i32 to vector<16xi32>
        %eq3A_612 = arith.cmpi eq, %iota3A, %eq3A : vector<16xi32>
        %jit3A_613 = arith.constant 0 : i32
        %broadcast_in_dim3A_614 = vector.broadcast %jit3A_613 : i32 to vector<16xi32>
        %select_n3A_615 = arith.select %eq3A_612, %bitcast3A_609, %broadcast_in_dim3A_614 : vector<16xi1>, vector<16xi32>
        %reduce_sum3A_616 = arith.constant true
        %reduce_sum3A_617 = vector.broadcast %reduce_sum3A_616 : i1 to vector<16xi1>
        %reduce_sum3A_618 = tpu.scan <sum>, %select_n3A_615 masked %reduce_sum3A_617 : vector<16xi32>, vector<16xi1> -> vector<16xi32>
        %reduce_sum3A_619 = vector.extract %reduce_sum3A_618[15] : i32 from vector<16xi32>
        %gt3A_620 = vector.broadcast %reduce_sum3A_619 : i32 to vector<16xi32>
        %gt3A_621 = arith.cmpi ugt, %masked_sort3A_607, %gt3A_620 : vector<16xi32>
        %convert_element_type3A_622 = arith.extui %gt3A_621 : vector<16xi1> to vector<16xi32>
        %reduce_sum3A_623 = arith.constant true
        %reduce_sum3A_624 = vector.broadcast %reduce_sum3A_623 : i1 to vector<16xi1>
        %reduce_sum3A_625 = tpu.scan <sum>, %convert_element_type3A_622 masked %reduce_sum3A_624 : vector<16xi32>, vector<16xi1> -> vector<16xi32>
        %reduce_sum3A_626 = vector.extract %reduce_sum3A_625[15] : i32 from vector<16xi32>
        %sub3A_627 = arith.subi %sub3A_509, %reduce_sum3A_626 : i32
        scf.yield %reduce_sum3A_619, %sub3A_627 : i32, i32
      } else {
        %swap3A_603 = arith.constant 0 : index
        %swap3A_604 = tpu.vector_load %arg9[%swap3A_603] {strides = array<i32>} : memref<256xi32, #tpu.memory_space<vmem>>, vector<16xi32>,
        tpu.vector_store %arg9[%swap3A_603], %broadcast_in_dim3A_5 {strides = array<i32>} : memref<256xi32, #tpu.memory_space<vmem>>, vector<16xi32>,
        %swap3A_605 = arith.constant 16 : index
        %swap3A_606 = tpu.vector_load %arg9[%swap3A_605] {strides = array<i32>} : memref<256xi32, #tpu.memory_space<vmem>>, vector<16xi32>,
        tpu.vector_store %arg9[%swap3A_605], %broadcast_in_dim3A_5 {strides = array<i32>} : memref<256xi32, #tpu.memory_space<vmem>>, vector<16xi32>,
        %swap3A_607 = arith.constant 32 : index
        %swap3A_608 = tpu.vector_load %arg9[%swap3A_607] {strides = array<i32>} : memref<256xi32, #tpu.memory_space<vmem>>, vector<16xi32>,
        tpu.vector_store %arg9[%swap3A_607], %broadcast_in_dim3A_5 {strides = array<i32>} : memref<256xi32, #tpu.memory_space<vmem>>, vector<16xi32>,
        %swap3A_609 = arith.constant 48 : index
        %swap3A_610 = tpu.vector_load %arg9[%swap3A_609] {strides = array<i32>} : memref<256xi32, #tpu.memory_space<vmem>>, vector<16xi32>,
        tpu.vector_store %arg9[%swap3A_609], %broadcast_in_dim3A_5 {strides = array<i32>} : memref<256xi32, #tpu.memory_space<vmem>>, vector<16xi32>,
        %swap3A_611 = arith.constant 64 : index
        %swap3A_612 = tpu.vector_load %arg9[%swap3A_611] {strides = array<i32>} : memref<256xi32, #tpu.memory_space<vmem>>, vector<16xi32>,
        tpu.vector_store %arg9[%swap3A_611], %broadcast_in_dim3A_5 {strides = array<i32>} : memref<256xi32, #tpu.memory_space<vmem>>, vector<16xi32>,
        %swap3A_613 = arith.constant 80 : index
        %swap3A_614 = tpu.vector_load %arg9[%swap3A_613] {strides = array<i32>} : memref<256xi32, #tpu.memory_space<vmem>>, vector<16xi32>,
        tpu.vector_store %arg9[%swap3A_613], %broadcast_in_dim3A_5 {strides = array<i32>} : memref<256xi32, #tpu.memory_space<vmem>>, vector<16xi32>,
        %swap3A_615 = arith.constant 96 : index
        %swap3A_616 = tpu.vector_load %arg9[%swap3A_615] {strides = array<i32>} : memref<256xi32, #tpu.memory_space<vmem>>, vector<16xi32>,
        tpu.vector_store %arg9[%swap3A_615], %broadcast_in_dim3A_5 {strides = array<i32>} : memref<256xi32, #tpu.memory_space<vmem>>, vector<16xi32>,
        %swap3A_617 = arith.constant 112 : index
        %swap3A_618 = tpu.vector_load %arg9[%swap3A_617] {strides = array<i32>} : memref<256xi32, #tpu.memory_space<vmem>>, vector<16xi32>,
        tpu.vector_store %arg9[%swap3A_617], %broadcast_in_dim3A_5 {strides = array<i32>} : memref<256xi32, #tpu.memory_space<vmem>>, vector<16xi32>,
        %swap3A_619 = arith.constant 128 : index
        %swap3A_620 = tpu.vector_load %arg9[%swap3A_619] {strides = array<i32>} : memref<256xi32, #tpu.memory_space<vmem>>, vector<16xi32>,
        tpu.vector_store %arg9[%swap3A_619], %broadcast_in_dim3A_5 {strides = array<i32>} : memref<256xi32, #tpu.memory_space<vmem>>, vector<16xi32>,
        %swap3A_621 = arith.constant 144 : index
        %swap3A_622 = tpu.vector_load %arg9[%swap3A_621] {strides = array<i32>} : memref<256xi32, #tpu.memory_space<vmem>>, vector<16xi32>,
        tpu.vector_store %arg9[%swap3A_621], %broadcast_in_dim3A_5 {strides = array<i32>} : memref<256xi32, #tpu.memory_space<vmem>>, vector<16xi32>,
        %swap3A_623 = arith.constant 160 : index
        %swap3A_624 = tpu.vector_load %arg9[%swap3A_623] {strides = array<i32>} : memref<256xi32, #tpu.memory_space<vmem>>, vector<16xi32>,
        tpu.vector_store %arg9[%swap3A_623], %broadcast_in_dim3A_5 {strides = array<i32>} : memref<256xi32, #tpu.memory_space<vmem>>, vector<16xi32>,
        %swap3A_625 = arith.constant 176 : index
        %swap3A_626 = tpu.vector_load %arg9[%swap3A_625] {strides = array<i32>} : memref<256xi32, #tpu.memory_space<vmem>>, vector<16xi32>,
        tpu.vector_store %arg9[%swap3A_625], %broadcast_in_dim3A_5 {strides = array<i32>} : memref<256xi32, #tpu.memory_space<vmem>>, vector<16xi32>,
        %swap3A_627 = arith.constant 192 : index
        %swap3A_628 = tpu.vector_load %arg9[%swap3A_627] {strides = array<i32>} : memref<256xi32, #tpu.memory_space<vmem>>, vector<16xi32>,
        tpu.vector_store %arg9[%swap3A_627], %broadcast_in_dim3A_5 {strides = array<i32>} : memref<256xi32, #tpu.memory_space<vmem>>, vector<16xi32>,
        %swap3A_629 = arith.constant 208 : index
        %swap3A_630 = tpu.vector_load %arg9[%swap3A_629] {strides = array<i32>} : memref<256xi32, #tpu.memory_space<vmem>>, vector<16xi32>,
        tpu.vector_store %arg9[%swap3A_629], %broadcast_in_dim3A_5 {strides = array<i32>} : memref<256xi32, #tpu.memory_space<vmem>>, vector<16xi32>,
        %swap3A_631 = arith.constant 224 : index
        %swap3A_632 = tpu.vector_load %arg9[%swap3A_631] {strides = array<i32>} : memref<256xi32, #tpu.memory_space<vmem>>, vector<16xi32>,
        tpu.vector_store %arg9[%swap3A_631], %broadcast_in_dim3A_5 {strides = array<i32>} : memref<256xi32, #tpu.memory_space<vmem>>, vector<16xi32>,
        %swap3A_633 = arith.constant 240 : index
        %swap3A_634 = tpu.vector_load %arg9[%swap3A_633] {strides = array<i32>} : memref<256xi32, #tpu.memory_space<vmem>>, vector<16xi32>,
        tpu.vector_store %arg9[%swap3A_633], %broadcast_in_dim3A_5 {strides = array<i32>} : memref<256xi32, #tpu.memory_space<vmem>>, vector<16xi32>,
        %mul3A_635 = arith.constant 16 : i32
        %mul3A_636 = arith.muli %select_n3A_557, %mul3A_635 : i32
        %parallel_loop3A_637 = arith.constant 0 : i32
        %parallel_loop3A_638 = arith.constant 16 : i32
        scf.for %parallel_loop3A_767 = %parallel_loop3A_637 to %mul3A_636 step %parallel_loop3A_638  : i32 {
          %parallel_loop3A_768 = arith.index_cast %parallel_loop3A_767 : i32 to index
          %parallel_loop3A_769 = tpu.vector_load %arg8[%parallel_loop3A_768] {strides = array<i32>} : memref<16384xi32, #tpu.memory_space<vmem>>, vector<16xi32>,
          %parallel_loop3A_770 = vector.broadcast %parallel_loop3A_767 : i32 to vector<16xi32>
          %parallel_loop3A_771 = arith.addi %iota3A, %parallel_loop3A_770 : vector<16xi32>
          %parallel_loop3A_772 = arith.cmpi slt, %parallel_loop3A_771, %add3A_521 : vector<16xi32>
          %parallel_loop3A_773 = arith.constant 16 : i32
          %parallel_loop3A_774 = vector.broadcast %parallel_loop3A_773 : i32 to vector<16xi32>
          %parallel_loop3A_775 = arith.shrui %parallel_loop3A_769, %parallel_loop3A_774 : vector<16xi32>
          %parallel_loop3A_776 = arith.constant 255 : i32
          %parallel_loop3A_777 = vector.broadcast %parallel_loop3A_776 : i32 to vector<16xi32>
          %parallel_loop3A_778 = arith.andi %parallel_loop3A_775, %parallel_loop3A_777 : vector<16xi32>
          tpu.vector_store_idx %arg9[%parallel_loop3A_778], %broadcast_in_dim3A_3 masked %parallel_loop3A_772 {add = true} : memref<256xi32, #tpu.memory_space<vmem>>[vector<16xi32>], vector<16xi32>, vector<16xi1>
        } {sc.loop_unroll_factor = 2 : i64, sc.parallel_access}
        %gather3A_639 = tpu.vector_load_idx %arg9[%add3A_11] : memref<256xi32, #tpu.memory_space<vmem>>[vector<16xi32>], vector<16xi32>,
        %add3A_640 = arith.addi %broadcast_in_dim3A_5, %gather3A_639 : vector<16xi32>
        %gather3A_641 = tpu.vector_load_idx %arg9[%add3A_17] : memref<256xi32, #tpu.memory_space<vmem>>[vector<16xi32>], vector<16xi32>,
        %add3A_642 = arith.addi %add3A_640, %gather3A_641 : vector<16xi32>
        %gather3A_643 = tpu.vector_load_idx %arg9[%add3A_23] : memref<256xi32, #tpu.memory_space<vmem>>[vector<16xi32>], vector<16xi32>,
        %add3A_644 = arith.addi %add3A_642, %gather3A_643 : vector<16xi32>
        %gather3A_645 = tpu.vector_load_idx %arg9[%add3A_29] : memref<256xi32, #tpu.memory_space<vmem>>[vector<16xi32>], vector<16xi32>,
        %add3A_646 = arith.addi %add3A_644, %gather3A_645 : vector<16xi32>
        %gather3A_647 = tpu.vector_load_idx %arg9[%add3A_35] : memref<256xi32, #tpu.memory_space<vmem>>[vector<16xi32>], vector<16xi32>,
        %add3A_648 = arith.addi %add3A_646, %gather3A_647 : vector<16xi32>
        %gather3A_649 = tpu.vector_load_idx %arg9[%add3A_41] : memref<256xi32, #tpu.memory_space<vmem>>[vector<16xi32>], vector<16xi32>,
        %add3A_650 = arith.addi %add3A_648, %gather3A_649 : vector<16xi32>
        %gather3A_651 = tpu.vector_load_idx %arg9[%add3A_47] : memref<256xi32, #tpu.memory_space<vmem>>[vector<16xi32>], vector<16xi32>,
        %add3A_652 = arith.addi %add3A_650, %gather3A_651 : vector<16xi32>
        %gather3A_653 = tpu.vector_load_idx %arg9[%add3A_53] : memref<256xi32, #tpu.memory_space<vmem>>[vector<16xi32>], vector<16xi32>,
        %add3A_654 = arith.addi %add3A_652, %gather3A_653 : vector<16xi32>
        %gather3A_655 = tpu.vector_load_idx %arg9[%add3A_59] : memref<256xi32, #tpu.memory_space<vmem>>[vector<16xi32>], vector<16xi32>,
        %add3A_656 = arith.addi %add3A_654, %gather3A_655 : vector<16xi32>
        %gather3A_657 = tpu.vector_load_idx %arg9[%add3A_65] : memref<256xi32, #tpu.memory_space<vmem>>[vector<16xi32>], vector<16xi32>,
        %add3A_658 = arith.addi %add3A_656, %gather3A_657 : vector<16xi32>
        %gather3A_659 = tpu.vector_load_idx %arg9[%add3A_71] : memref<256xi32, #tpu.memory_space<vmem>>[vector<16xi32>], vector<16xi32>,
        %add3A_660 = arith.addi %add3A_658, %gather3A_659 : vector<16xi32>
        %gather3A_661 = tpu.vector_load_idx %arg9[%add3A_77] : memref<256xi32, #tpu.memory_space<vmem>>[vector<16xi32>], vector<16xi32>,
        %add3A_662 = arith.addi %add3A_660, %gather3A_661 : vector<16xi32>
        %gather3A_663 = tpu.vector_load_idx %arg9[%add3A_83] : memref<256xi32, #tpu.memory_space<vmem>>[vector<16xi32>], vector<16xi32>,
        %add3A_664 = arith.addi %add3A_662, %gather3A_663 : vector<16xi32>
        %gather3A_665 = tpu.vector_load_idx %arg9[%add3A_89] : memref<256xi32, #tpu.memory_space<vmem>>[vector<16xi32>], vector<16xi32>,
        %add3A_666 = arith.addi %add3A_664, %gather3A_665 : vector<16xi32>
        %gather3A_667 = tpu.vector_load_idx %arg9[%add3A_95] : memref<256xi32, #tpu.memory_space<vmem>>[vector<16xi32>], vector<16xi32>,
        %add3A_668 = arith.addi %add3A_666, %gather3A_667 : vector<16xi32>
        %gather3A_669 = tpu.vector_load_idx %arg9[%add3A_101] : memref<256xi32, #tpu.memory_space<vmem>>[vector<16xi32>], vector<16xi32>,
        %add3A_670 = arith.addi %add3A_668, %gather3A_669 : vector<16xi32>
        %rev3A_671 = arith.constant 15 : i32
        %rev3A_672 = vector.broadcast %rev3A_671 : i32 to vector<16xi32>
        %rev3A_673 = tpu.iota {dimensions = array<i32: 0>} : vector<16xi32>
        %rev3A_674 = arith.subi %rev3A_672, %rev3A_673 : vector<16xi32>
        %rev3A_675 = tpu.dynamic_gather %add3A_670[%rev3A_674] in [0] : vector<16xi32>, vector<16xi32> -> vector<16xi32>
        %cumsum3A_676 = arith.constant true
        %cumsum3A_677 = vector.broadcast %cumsum3A_676 : i1 to vector<16xi1>
        %cumsum3A_678 = tpu.scan <sum>, %rev3A_675 masked %cumsum3A_677 : vector<16xi32>, vector<16xi1> -> vector<16xi32>
        %rev3A_679 = arith.constant 15 : i32
        %rev3A_680 = vector.broadcast %rev3A_679 : i32 to vector<16xi32>
        %rev3A_681 = tpu.iota {dimensions = array<i32: 0>} : vector<16xi32>
        %rev3A_682 = arith.subi %rev3A_680, %rev3A_681 : vector<16xi32>
        %rev3A_683 = tpu.dynamic_gather %cumsum3A_678[%rev3A_682] in [0] : vector<16xi32>, vector<16xi32> -> vector<16xi32>
        %ge3A_684 = vector.broadcast %sub3A_509 : i32 to vector<16xi32>
        %ge3A_685 = arith.cmpi sge, %rev3A_683, %ge3A_684 : vector<16xi32>
        %convert_element_type3A_686 = arith.extui %ge3A_685 : vector<16xi1> to vector<16xi32>
        %reduce_sum3A_687 = arith.constant true
        %reduce_sum3A_688 = vector.broadcast %reduce_sum3A_687 : i1 to vector<16xi1>
        %reduce_sum3A_689 = tpu.scan <sum>, %convert_element_type3A_686 masked %reduce_sum3A_688 : vector<16xi32>, vector<16xi1> -> vector<16xi32>
        %reduce_sum3A_690 = vector.extract %reduce_sum3A_689[15] : i32 from vector<16xi32>
        %sub3A_691 = arith.constant 1 : i32
        %sub3A_692 = arith.subi %reduce_sum3A_690, %sub3A_691 : i32
        %gt3A_693 = vector.broadcast %sub3A_692 : i32 to vector<16xi32>
        %gt3A_694 = arith.cmpi sgt, %iota3A, %gt3A_693 : vector<16xi32>
        %jit3A_695 = arith.constant 0 : i32
        %broadcast_in_dim3A_696 = vector.broadcast %jit3A_695 : i32 to vector<16xi32>
        %select_n3A_697 = arith.select %gt3A_694, %add3A_670, %broadcast_in_dim3A_696 : vector<16xi1>, vector<16xi32>
        %reduce_sum3A_698 = arith.constant true
        %reduce_sum3A_699 = vector.broadcast %reduce_sum3A_698 : i1 to vector<16xi1>
        %reduce_sum3A_700 = tpu.scan <sum>, %select_n3A_697 masked %reduce_sum3A_699 : vector<16xi32>, vector<16xi1> -> vector<16xi32>
        %reduce_sum3A_701 = vector.extract %reduce_sum3A_700[15] : i32 from vector<16xi32>
        %mul3A_702 = arith.constant 16 : i32
        %mul3A_703 = arith.muli %sub3A_692, %mul3A_702 : i32
        %get3A_704 = arith.index_cast %mul3A_703 : i32 to index
        %get3A_705 = tpu.vector_load %arg9[%get3A_704] {strides = array<i32>} : memref<256xi32, #tpu.memory_space<vmem>>, vector<16xi32>,
        %rev3A_706 = arith.constant 15 : i32
        %rev3A_707 = vector.broadcast %rev3A_706 : i32 to vector<16xi32>
        %rev3A_708 = tpu.iota {dimensions = array<i32: 0>} : vector<16xi32>
        %rev3A_709 = arith.subi %rev3A_707, %rev3A_708 : vector<16xi32>
        %rev3A_710 = tpu.dynamic_gather %get3A_705[%rev3A_709] in [0] : vector<16xi32>, vector<16xi32> -> vector<16xi32>
        %cumsum3A_711 = arith.constant true
        %cumsum3A_712 = vector.broadcast %cumsum3A_711 : i1 to vector<16xi1>
        %cumsum3A_713 = tpu.scan <sum>, %rev3A_710 masked %cumsum3A_712 : vector<16xi32>, vector<16xi1> -> vector<16xi32>
        %rev3A_714 = arith.constant 15 : i32
        %rev3A_715 = vector.broadcast %rev3A_714 : i32 to vector<16xi32>
        %rev3A_716 = tpu.iota {dimensions = array<i32: 0>} : vector<16xi32>
        %rev3A_717 = arith.subi %rev3A_715, %rev3A_716 : vector<16xi32>
        %rev3A_718 = tpu.dynamic_gather %cumsum3A_713[%rev3A_717] in [0] : vector<16xi32>, vector<16xi32> -> vector<16xi32>
        %add3A_719 = vector.broadcast %reduce_sum3A_701 : i32 to vector<16xi32>
        %add3A_720 = arith.addi %rev3A_718, %add3A_719 : vector<16xi32>
        %ge3A_721 = vector.broadcast %sub3A_509 : i32 to vector<16xi32>
        %ge3A_722 = arith.cmpi sge, %add3A_720, %ge3A_721 : vector<16xi32>
        %convert_element_type3A_723 = arith.extui %ge3A_722 : vector<16xi1> to vector<16xi32>
        %reduce_sum3A_724 = arith.constant true
        %reduce_sum3A_725 = vector.broadcast %reduce_sum3A_724 : i1 to vector<16xi1>
        %reduce_sum3A_726 = tpu.scan <sum>, %convert_element_type3A_723 masked %reduce_sum3A_725 : vector<16xi32>, vector<16xi1> -> vector<16xi32>
        %reduce_sum3A_727 = vector.extract %reduce_sum3A_726[15] : i32 from vector<16xi32>
        %sub3A_728 = arith.constant 1 : i32
        %sub3A_729 = arith.subi %reduce_sum3A_727, %sub3A_728 : i32
        %mul3A_730 = arith.constant 16 : i32
        %mul3A_731 = arith.muli %sub3A_692, %mul3A_730 : i32
        %add3A_732 = arith.addi %mul3A_731, %sub3A_729 : i32
        %gt3A_733 = vector.broadcast %sub3A_729 : i32 to vector<16xi32>
        %gt3A_734 = arith.cmpi sgt, %iota3A, %gt3A_733 : vector<16xi32>
        %jit3A_735 = arith.constant 0 : i32
        %broadcast_in_dim3A_736 = vector.broadcast %jit3A_735 : i32 to vector<16xi32>
        %select_n3A_737 = arith.select %gt3A_734, %get3A_705, %broadcast_in_dim3A_736 : vector<16xi1>, vector<16xi32>
        %reduce_sum3A_738 = arith.constant true
        %reduce_sum3A_739 = vector.broadcast %reduce_sum3A_738 : i1 to vector<16xi1>
        %reduce_sum3A_740 = tpu.scan <sum>, %select_n3A_737 masked %reduce_sum3A_739 : vector<16xi32>, vector<16xi1> -> vector<16xi32>
        %reduce_sum3A_741 = vector.extract %reduce_sum3A_740[15] : i32 from vector<16xi32>
        %add3A_742 = arith.addi %reduce_sum3A_741, %reduce_sum3A_701 : i32
        %sub3A_743 = arith.subi %sub3A_509, %add3A_742 : i32
        %broadcast_in_dim3A_744 = arith.constant 0.000000e+00 : f32
        %broadcast_in_dim3A_745 = vector.broadcast %broadcast_in_dim3A_744 : f32 to vector<16xf32>
        %swap3A_746 = arith.constant 0 : index
        %swap3A_747 = tpu.vector_load %arg7[%swap3A_746] {strides = array<i32>} : memref<16384xf32, #tpu.memory_space<vmem>>, vector<16xf32>,
        tpu.vector_store %arg7[%swap3A_746], %broadcast_in_dim3A_745 {strides = array<i32>} : memref<16384xf32, #tpu.memory_space<vmem>>, vector<16xf32>,
        %mul3A_748 = arith.constant 16 : i32
        %mul3A_749 = arith.muli %select_n3A_557, %mul3A_748 : i32
        %parallel_loop3A_750 = arith.constant 0 : i32
        %parallel_loop3A_751 = arith.constant 16 : i32
        %parallel_loop3A_752 = scf.for %parallel_loop3A_767 = %parallel_loop3A_750 to %mul3A_749 step %parallel_loop3A_751 iter_args(%parallel_loop3A_768 = %broadcast_in_dim3A_5) -> (vector<16xi32>)  : i32 {
          %parallel_loop3A_769 = arith.index_cast %parallel_loop3A_767 : i32 to index
          %parallel_loop3A_770 = tpu.vector_load %arg8[%parallel_loop3A_769] {strides = array<i32>} : memref<16384xi32, #tpu.memory_space<vmem>>, vector<16xi32>,
          %parallel_loop3A_771 = vector.broadcast %parallel_loop3A_767 : i32 to vector<16xi32>
          %parallel_loop3A_772 = arith.addi %iota3A, %parallel_loop3A_771 : vector<16xi32>
          %parallel_loop3A_773 = arith.cmpi slt, %parallel_loop3A_772, %add3A_521 : vector<16xi32>
          %parallel_loop3A_774 = arith.constant 16 : i32
          %parallel_loop3A_775 = vector.broadcast %parallel_loop3A_774 : i32 to vector<16xi32>
          %parallel_loop3A_776 = arith.shrui %parallel_loop3A_770, %parallel_loop3A_775 : vector<16xi32>
          %parallel_loop3A_777 = arith.constant 255 : i32
          %parallel_loop3A_778 = vector.broadcast %parallel_loop3A_777 : i32 to vector<16xi32>
          %parallel_loop3A_779 = arith.andi %parallel_loop3A_776, %parallel_loop3A_778 : vector<16xi32>
          %parallel_loop3A_780 = vector.broadcast %add3A_732 : i32 to vector<16xi32>
          %parallel_loop3A_781 = arith.cmpi eq, %parallel_loop3A_779, %parallel_loop3A_780 : vector<16xi32>
          %parallel_loop3A_782 = arith.andi %parallel_loop3A_773, %parallel_loop3A_781 : vector<16xi1>
          %parallel_loop3A_783 = arith.extui %parallel_loop3A_782 : vector<16xi1> to vector<16xi32>
          %parallel_loop3A_784 = arith.constant true
          %parallel_loop3A_785 = vector.broadcast %parallel_loop3A_784 : i1 to vector<16xi1>
          %parallel_loop3A_786 = tpu.scan <sum>, %parallel_loop3A_783 masked %parallel_loop3A_785 : vector<16xi32>, vector<16xi1> -> vector<16xi32>
          %parallel_loop3A_787 = arith.addi %parallel_loop3A_768, %parallel_loop3A_786 : vector<16xi32>
          %parallel_loop3A_788 = arith.constant 1 : i32
          %parallel_loop3A_789 = vector.broadcast %parallel_loop3A_788 : i32 to vector<16xi32>
          %parallel_loop3A_790 = arith.subi %parallel_loop3A_787, %parallel_loop3A_789 : vector<16xi32>
          %parallel_loop3A_791 = vector.bitcast %parallel_loop3A_770 : vector<16xi32> to vector<16xf32>
          tpu.vector_store_idx %arg7[%parallel_loop3A_790], %parallel_loop3A_791 masked %parallel_loop3A_782 : memref<16384xf32, #tpu.memory_space<vmem>>[vector<16xi32>], vector<16xf32>, vector<16xi1>
          %parallel_loop3A_792 = tpu.all_reduce %parallel_loop3A_782 {dim = 0 : i64, kind = #tpu.reduction_kind<sum>} : vector<16xi1> -> vector<16xi32>
          %parallel_loop3A_793 = arith.addi %parallel_loop3A_768, %parallel_loop3A_792 : vector<16xi32>
          scf.yield %parallel_loop3A_793 : vector<16xi32>
        } {sc.loop_unroll_factor = 2 : i64, sc.parallel_access}
        %reduce_max3A_753 = arith.constant true
        %reduce_max3A_754 = vector.broadcast %reduce_max3A_753 : i1 to vector<16xi1>
        %reduce_max3A_755 = arith.constant -2147483648 : i32
        %reduce_max3A_756 = vector.broadcast %reduce_max3A_755 : i32 to vector<16xi32>
        %reduce_max3A_757 = arith.xori %parallel_loop3A_752, %reduce_max3A_756 : vector<16xi32>
        %reduce_max3A_758 = tpu.scan <max>, %reduce_max3A_757 masked %reduce_max3A_754 : vector<16xi32>, vector<16xi1> -> vector<16xi32>
        %reduce_max3A_759 = arith.xori %reduce_max3A_758, %reduce_max3A_756 : vector<16xi32>
        %reduce_max3A_760 = vector.extract %reduce_max3A_759[15] : i32 from vector<16xi32>
        %le3A_761 = arith.constant 16 : i32
        %le3A_762 = arith.cmpi sle, %reduce_max3A_760, %le3A_761 : i32
        %convert_element_type3A_763 = arith.extui %le3A_762 : i1 to i32
        %cond3A_764 = arith.constant 0 : i32
        %cond3A_765 = arith.cmpi ne, %convert_element_type3A_763, %cond3A_764 : i32
        %cond3A_766:2 = scf.if %cond3A_765 -> (i32, i32) {
          %get3A_767 = arith.constant 0 : index
          %get3A_768 = tpu.vector_load %arg7[%get3A_767] {strides = array<i32>} : memref<16384xf32, #tpu.memory_space<vmem>>, vector<16xf32>,
          %bitcast3A_769 = vector.bitcast %get3A_768 : vector<16xf32> to vector<16xi32>
          %masked_sort3A = arith.constant dense<true> : vector<16xi1>
          %masked_sort3A_770, %masked_sort3A_771, %masked_sort3A_772 = tpu.sort %bitcast3A_769, %bitcast3A_769 masked %masked_sort3A : (vector<16xi32>, vector<16xi32>, vector<16xi1>) -> (vector<16xi1>, vector<16xi32>, vector<16xi32>)
          %bitcast3A_773 = vector.bitcast %masked_sort3A_771 : vector<16xi32> to vector<16xi32>
          %sub3A_774 = arith.constant 16 : i32
          %sub3A_775 = arith.subi %sub3A_774, %sub3A_743 : i32
          %eq3A = vector.broadcast %sub3A_775 : i32 to vector<16xi32>
          %eq3A_776 = arith.cmpi eq, %iota3A, %eq3A : vector<16xi32>
          %jit3A_777 = arith.constant 0 : i32
          %broadcast_in_dim3A_778 = vector.broadcast %jit3A_777 : i32 to vector<16xi32>
          %select_n3A_779 = arith.select %eq3A_776, %bitcast3A_773, %broadcast_in_dim3A_778 : vector<16xi1>, vector<16xi32>
          %reduce_sum3A_780 = arith.constant true
          %reduce_sum3A_781 = vector.broadcast %reduce_sum3A_780 : i1 to vector<16xi1>
          %reduce_sum3A_782 = tpu.scan <sum>, %select_n3A_779 masked %reduce_sum3A_781 : vector<16xi32>, vector<16xi1> -> vector<16xi32>
          %reduce_sum3A_783 = vector.extract %reduce_sum3A_782[15] : i32 from vector<16xi32>
          %gt3A_784 = vector.broadcast %reduce_sum3A_783 : i32 to vector<16xi32>
          %gt3A_785 = arith.cmpi ugt, %masked_sort3A_771, %gt3A_784 : vector<16xi32>
          %convert_element_type3A_786 = arith.extui %gt3A_785 : vector<16xi1> to vector<16xi32>
          %reduce_sum3A_787 = arith.constant true
          %reduce_sum3A_788 = vector.broadcast %reduce_sum3A_787 : i1 to vector<16xi1>
          %reduce_sum3A_789 = tpu.scan <sum>, %convert_element_type3A_786 masked %reduce_sum3A_788 : vector<16xi32>, vector<16xi1> -> vector<16xi32>
          %reduce_sum3A_790 = vector.extract %reduce_sum3A_789[15] : i32 from vector<16xi32>
          %sub3A_791 = arith.subi %sub3A_743, %reduce_sum3A_790 : i32
          scf.yield %reduce_sum3A_783, %sub3A_791 : i32, i32
        } else {
          %shift_left3A = arith.constant 24 : i32
          %shift_left3A_767 = arith.shli %add3A_497, %shift_left3A : i32
          %shift_left3A_768 = arith.constant 16 : i32
          %shift_left3A_769 = arith.shli %add3A_732, %shift_left3A_768 : i32
          %or3A = arith.ori %shift_left3A_767, %shift_left3A_769 : i32
          %add3A_770 = arith.constant 16 : i32
          %add3A_771 = arith.addi %reduce_max3A_760, %add3A_770 : i32
          %sub3A_772 = arith.constant 1 : i32
          %sub3A_773 = arith.subi %add3A_771, %sub3A_772 : i32
          %jit3A_774 = arith.constant 16 : i32
          %div3A_775 = arith.divsi %sub3A_773, %jit3A_774 : i32
          %sign3A_776 = arith.constant 0 : i32
          %sign3A_777 = arith.cmpi sgt, %sub3A_773, %sign3A_776 : i32
          %sign3A_778 = arith.extui %sign3A_777 : i1 to i32
          %sign3A_779 = arith.constant 0 : i32
          %sign3A_780 = arith.cmpi slt, %sub3A_773, %sign3A_779 : i32
          %sign3A_781 = arith.extui %sign3A_780 : i1 to i32
          %sign3A_782 = arith.subi %sign3A_778, %sign3A_781 : i32
          %sign3A_783 = arith.constant 0 : i32
          %sign3A_784 = arith.cmpi sgt, %jit3A_774, %sign3A_783 : i32
          %sign3A_785 = arith.extui %sign3A_784 : i1 to i32
          %sign3A_786 = arith.constant 0 : i32
          %sign3A_787 = arith.cmpi slt, %jit3A_774, %sign3A_786 : i32
          %sign3A_788 = arith.extui %sign3A_787 : i1 to i32
          %sign3A_789 = arith.subi %sign3A_785, %sign3A_788 : i32
          %ne3A_790 = arith.cmpi ne, %sign3A_782, %sign3A_789 : i32
          %rem3A_791 = arith.remsi %sub3A_773, %jit3A_774 : i32
          %ne3A_792 = arith.constant 0 : i32
          %ne3A_793 = arith.cmpi ne, %rem3A_791, %ne3A_792 : i32
          %and3A_794 = arith.andi %ne3A_790, %ne3A_793 : i1
          %sub3A_795 = arith.constant 1 : i32
          %sub3A_796 = arith.subi %div3A_775, %sub3A_795 : i32
          %select_n3A_797 = arith.select %and3A_794, %sub3A_796, %div3A_775 : i32
          %swap3A_798 = arith.constant 0 : index
          %swap3A_799 = tpu.vector_load %arg9[%swap3A_798] {strides = array<i32>} : memref<256xi32, #tpu.memory_space<vmem>>, vector<16xi32>,
          tpu.vector_store %arg9[%swap3A_798], %broadcast_in_dim3A_5 {strides = array<i32>} : memref<256xi32, #tpu.memory_space<vmem>>, vector<16xi32>,
          %swap3A_800 = arith.constant 16 : index
          %swap3A_801 = tpu.vector_load %arg9[%swap3A_800] {strides = array<i32>} : memref<256xi32, #tpu.memory_space<vmem>>, vector<16xi32>,
          tpu.vector_store %arg9[%swap3A_800], %broadcast_in_dim3A_5 {strides = array<i32>} : memref<256xi32, #tpu.memory_space<vmem>>, vector<16xi32>,
          %swap3A_802 = arith.constant 32 : index
          %swap3A_803 = tpu.vector_load %arg9[%swap3A_802] {strides = array<i32>} : memref<256xi32, #tpu.memory_space<vmem>>, vector<16xi32>,
          tpu.vector_store %arg9[%swap3A_802], %broadcast_in_dim3A_5 {strides = array<i32>} : memref<256xi32, #tpu.memory_space<vmem>>, vector<16xi32>,
          %swap3A_804 = arith.constant 48 : index
          %swap3A_805 = tpu.vector_load %arg9[%swap3A_804] {strides = array<i32>} : memref<256xi32, #tpu.memory_space<vmem>>, vector<16xi32>,
          tpu.vector_store %arg9[%swap3A_804], %broadcast_in_dim3A_5 {strides = array<i32>} : memref<256xi32, #tpu.memory_space<vmem>>, vector<16xi32>,
          %swap3A_806 = arith.constant 64 : index
          %swap3A_807 = tpu.vector_load %arg9[%swap3A_806] {strides = array<i32>} : memref<256xi32, #tpu.memory_space<vmem>>, vector<16xi32>,
          tpu.vector_store %arg9[%swap3A_806], %broadcast_in_dim3A_5 {strides = array<i32>} : memref<256xi32, #tpu.memory_space<vmem>>, vector<16xi32>,
          %swap3A_808 = arith.constant 80 : index
          %swap3A_809 = tpu.vector_load %arg9[%swap3A_808] {strides = array<i32>} : memref<256xi32, #tpu.memory_space<vmem>>, vector<16xi32>,
          tpu.vector_store %arg9[%swap3A_808], %broadcast_in_dim3A_5 {strides = array<i32>} : memref<256xi32, #tpu.memory_space<vmem>>, vector<16xi32>,
          %swap3A_810 = arith.constant 96 : index
          %swap3A_811 = tpu.vector_load %arg9[%swap3A_810] {strides = array<i32>} : memref<256xi32, #tpu.memory_space<vmem>>, vector<16xi32>,
          tpu.vector_store %arg9[%swap3A_810], %broadcast_in_dim3A_5 {strides = array<i32>} : memref<256xi32, #tpu.memory_space<vmem>>, vector<16xi32>,
          %swap3A_812 = arith.constant 112 : index
          %swap3A_813 = tpu.vector_load %arg9[%swap3A_812] {strides = array<i32>} : memref<256xi32, #tpu.memory_space<vmem>>, vector<16xi32>,
          tpu.vector_store %arg9[%swap3A_812], %broadcast_in_dim3A_5 {strides = array<i32>} : memref<256xi32, #tpu.memory_space<vmem>>, vector<16xi32>,
          %swap3A_814 = arith.constant 128 : index
          %swap3A_815 = tpu.vector_load %arg9[%swap3A_814] {strides = array<i32>} : memref<256xi32, #tpu.memory_space<vmem>>, vector<16xi32>,
          tpu.vector_store %arg9[%swap3A_814], %broadcast_in_dim3A_5 {strides = array<i32>} : memref<256xi32, #tpu.memory_space<vmem>>, vector<16xi32>,
          %swap3A_816 = arith.constant 144 : index
          %swap3A_817 = tpu.vector_load %arg9[%swap3A_816] {strides = array<i32>} : memref<256xi32, #tpu.memory_space<vmem>>, vector<16xi32>,
          tpu.vector_store %arg9[%swap3A_816], %broadcast_in_dim3A_5 {strides = array<i32>} : memref<256xi32, #tpu.memory_space<vmem>>, vector<16xi32>,
          %swap3A_818 = arith.constant 160 : index
          %swap3A_819 = tpu.vector_load %arg9[%swap3A_818] {strides = array<i32>} : memref<256xi32, #tpu.memory_space<vmem>>, vector<16xi32>,
          tpu.vector_store %arg9[%swap3A_818], %broadcast_in_dim3A_5 {strides = array<i32>} : memref<256xi32, #tpu.memory_space<vmem>>, vector<16xi32>,
          %swap3A_820 = arith.constant 176 : index
          %swap3A_821 = tpu.vector_load %arg9[%swap3A_820] {strides = array<i32>} : memref<256xi32, #tpu.memory_space<vmem>>, vector<16xi32>,
          tpu.vector_store %arg9[%swap3A_820], %broadcast_in_dim3A_5 {strides = array<i32>} : memref<256xi32, #tpu.memory_space<vmem>>, vector<16xi32>,
          %swap3A_822 = arith.constant 192 : index
          %swap3A_823 = tpu.vector_load %arg9[%swap3A_822] {strides = array<i32>} : memref<256xi32, #tpu.memory_space<vmem>>, vector<16xi32>,
          tpu.vector_store %arg9[%swap3A_822], %broadcast_in_dim3A_5 {strides = array<i32>} : memref<256xi32, #tpu.memory_space<vmem>>, vector<16xi32>,
          %swap3A_824 = arith.constant 208 : index
          %swap3A_825 = tpu.vector_load %arg9[%swap3A_824] {strides = array<i32>} : memref<256xi32, #tpu.memory_space<vmem>>, vector<16xi32>,
          tpu.vector_store %arg9[%swap3A_824], %broadcast_in_dim3A_5 {strides = array<i32>} : memref<256xi32, #tpu.memory_space<vmem>>, vector<16xi32>,
          %swap3A_826 = arith.constant 224 : index
          %swap3A_827 = tpu.vector_load %arg9[%swap3A_826] {strides = array<i32>} : memref<256xi32, #tpu.memory_space<vmem>>, vector<16xi32>,
          tpu.vector_store %arg9[%swap3A_826], %broadcast_in_dim3A_5 {strides = array<i32>} : memref<256xi32, #tpu.memory_space<vmem>>, vector<16xi32>,
          %swap3A_828 = arith.constant 240 : index
          %swap3A_829 = tpu.vector_load %arg9[%swap3A_828] {strides = array<i32>} : memref<256xi32, #tpu.memory_space<vmem>>, vector<16xi32>,
          tpu.vector_store %arg9[%swap3A_828], %broadcast_in_dim3A_5 {strides = array<i32>} : memref<256xi32, #tpu.memory_space<vmem>>, vector<16xi32>,
          %while3A = arith.constant -65536 : i32
          %while3A_830 = arith.constant 0 : i32
          %while3A_831 = arith.constant 0 : i32
          %while3A_832 = arith.subi %select_n3A_797, %while3A_830 : i32
          %while3A_833 = arith.addi %while3A_830, %while3A_832 : i32
          %while3A_834 = arith.constant 1 : i32
          %while3A_835 = arith.divsi %while3A_832, %while3A_834 : i32
          %while3A_836 = arith.muli %while3A_835, %while3A_834 : i32
          %while3A_837 = arith.addi %while3A_830, %while3A_836 : i32
          %while3A_838 = arith.constant 1 : i32
          %while3A_839 = scf.for %while3A_1103 = %while3A_830 to %while3A_837 step %while3A_838 iter_args(%while3A_1104 = %while3A_831) -> (i32)  : i32 {
            %mul3A_1105 = arith.constant 16 : i32
            %mul3A_1106 = arith.muli %while3A_1103, %mul3A_1105 : i32
            %get3A_1107 = arith.index_cast %mul3A_1106 : i32 to index
            %get3A_1108 = tpu.vector_load %arg7[%get3A_1107] {strides = array<i32>} : memref<16384xf32, #tpu.memory_space<vmem>>, vector<16xf32>,
            %bitcast3A_1109 = vector.bitcast %get3A_1108 : vector<16xf32> to vector<16xi32>
            %mul3A_1110 = arith.constant 16 : i32
            %mul3A_1111 = arith.muli %while3A_1103, %mul3A_1110 : i32
            %add3A_1112 = vector.broadcast %mul3A_1111 : i32 to vector<16xi32>
            %add3A_1113 = arith.addi %iota3A, %add3A_1112 : vector<16xi32>
            %lt3A_1114 = arith.cmpi slt, %add3A_1113, %parallel_loop3A_752 : vector<16xi32>
            %and3A_1115 = vector.broadcast %while3A : i32 to vector<16xi32>
            %and3A_1116 = arith.andi %bitcast3A_1109, %and3A_1115 : vector<16xi32>
            %eq3A = vector.broadcast %or3A : i32 to vector<16xi32>
            %eq3A_1117 = arith.cmpi eq, %and3A_1116, %eq3A : vector<16xi32>
            %and3A_1118 = arith.andi %lt3A_1114, %eq3A_1117 : vector<16xi1>
            %shift_right_logical3A = arith.constant 8 : i32
            %shift_right_logical3A_1119 = vector.broadcast %shift_right_logical3A : i32 to vector<16xi32>
            %shift_right_logical3A_1120 = arith.shrui %bitcast3A_1109, %shift_right_logical3A_1119 : vector<16xi32>
            %and3A_1121 = arith.constant 255 : i32
            %and3A_1122 = vector.broadcast %and3A_1121 : i32 to vector<16xi32>
            %and3A_1123 = arith.andi %shift_right_logical3A_1120, %and3A_1122 : vector<16xi32>
            tpu.vector_store_idx %arg9[%and3A_1123], %broadcast_in_dim3A_3 masked %and3A_1118 {add = true} : memref<256xi32, #tpu.memory_space<vmem>>[vector<16xi32>], vector<16xi32>, vector<16xi1>
            %while3A_1124 = arith.constant 0 : i32
            scf.yield %while3A_1124 : i32
          }
          %while3A_840 = arith.constant 1 : i32
          %while3A_841 = scf.for %while3A_1103 = %while3A_837 to %while3A_833 step %while3A_840 iter_args(%while3A_1104 = %while3A_839) -> (i32)  : i32 {
            %mul3A_1105 = arith.constant 16 : i32
            %mul3A_1106 = arith.muli %while3A_1103, %mul3A_1105 : i32
            %get3A_1107 = arith.index_cast %mul3A_1106 : i32 to index
            %get3A_1108 = tpu.vector_load %arg7[%get3A_1107] {strides = array<i32>} : memref<16384xf32, #tpu.memory_space<vmem>>, vector<16xf32>,
            %bitcast3A_1109 = vector.bitcast %get3A_1108 : vector<16xf32> to vector<16xi32>
            %mul3A_1110 = arith.constant 16 : i32
            %mul3A_1111 = arith.muli %while3A_1103, %mul3A_1110 : i32
            %add3A_1112 = vector.broadcast %mul3A_1111 : i32 to vector<16xi32>
            %add3A_1113 = arith.addi %iota3A, %add3A_1112 : vector<16xi32>
            %lt3A_1114 = arith.cmpi slt, %add3A_1113, %parallel_loop3A_752 : vector<16xi32>
            %and3A_1115 = vector.broadcast %while3A : i32 to vector<16xi32>
            %and3A_1116 = arith.andi %bitcast3A_1109, %and3A_1115 : vector<16xi32>
            %eq3A = vector.broadcast %or3A : i32 to vector<16xi32>
            %eq3A_1117 = arith.cmpi eq, %and3A_1116, %eq3A : vector<16xi32>
            %and3A_1118 = arith.andi %lt3A_1114, %eq3A_1117 : vector<16xi1>
            %shift_right_logical3A = arith.constant 8 : i32
            %shift_right_logical3A_1119 = vector.broadcast %shift_right_logical3A : i32 to vector<16xi32>
            %shift_right_logical3A_1120 = arith.shrui %bitcast3A_1109, %shift_right_logical3A_1119 : vector<16xi32>
            %and3A_1121 = arith.constant 255 : i32
            %and3A_1122 = vector.broadcast %and3A_1121 : i32 to vector<16xi32>
            %and3A_1123 = arith.andi %shift_right_logical3A_1120, %and3A_1122 : vector<16xi32>
            tpu.vector_store_idx %arg9[%and3A_1123], %broadcast_in_dim3A_3 masked %and3A_1118 {add = true} : memref<256xi32, #tpu.memory_space<vmem>>[vector<16xi32>], vector<16xi32>, vector<16xi1>
            %while3A_1124 = arith.constant 0 : i32
            scf.yield %while3A_1124 : i32
          }
          %gather3A_842 = tpu.vector_load_idx %arg9[%add3A_11] : memref<256xi32, #tpu.memory_space<vmem>>[vector<16xi32>], vector<16xi32>,
          %add3A_843 = arith.addi %broadcast_in_dim3A_5, %gather3A_842 : vector<16xi32>
          %gather3A_844 = tpu.vector_load_idx %arg9[%add3A_17] : memref<256xi32, #tpu.memory_space<vmem>>[vector<16xi32>], vector<16xi32>,
          %add3A_845 = arith.addi %add3A_843, %gather3A_844 : vector<16xi32>
          %gather3A_846 = tpu.vector_load_idx %arg9[%add3A_23] : memref<256xi32, #tpu.memory_space<vmem>>[vector<16xi32>], vector<16xi32>,
          %add3A_847 = arith.addi %add3A_845, %gather3A_846 : vector<16xi32>
          %gather3A_848 = tpu.vector_load_idx %arg9[%add3A_29] : memref<256xi32, #tpu.memory_space<vmem>>[vector<16xi32>], vector<16xi32>,
          %add3A_849 = arith.addi %add3A_847, %gather3A_848 : vector<16xi32>
          %gather3A_850 = tpu.vector_load_idx %arg9[%add3A_35] : memref<256xi32, #tpu.memory_space<vmem>>[vector<16xi32>], vector<16xi32>,
          %add3A_851 = arith.addi %add3A_849, %gather3A_850 : vector<16xi32>
          %gather3A_852 = tpu.vector_load_idx %arg9[%add3A_41] : memref<256xi32, #tpu.memory_space<vmem>>[vector<16xi32>], vector<16xi32>,
          %add3A_853 = arith.addi %add3A_851, %gather3A_852 : vector<16xi32>
          %gather3A_854 = tpu.vector_load_idx %arg9[%add3A_47] : memref<256xi32, #tpu.memory_space<vmem>>[vector<16xi32>], vector<16xi32>,
          %add3A_855 = arith.addi %add3A_853, %gather3A_854 : vector<16xi32>
          %gather3A_856 = tpu.vector_load_idx %arg9[%add3A_53] : memref<256xi32, #tpu.memory_space<vmem>>[vector<16xi32>], vector<16xi32>,
          %add3A_857 = arith.addi %add3A_855, %gather3A_856 : vector<16xi32>
          %gather3A_858 = tpu.vector_load_idx %arg9[%add3A_59] : memref<256xi32, #tpu.memory_space<vmem>>[vector<16xi32>], vector<16xi32>,
          %add3A_859 = arith.addi %add3A_857, %gather3A_858 : vector<16xi32>
          %gather3A_860 = tpu.vector_load_idx %arg9[%add3A_65] : memref<256xi32, #tpu.memory_space<vmem>>[vector<16xi32>], vector<16xi32>,
          %add3A_861 = arith.addi %add3A_859, %gather3A_860 : vector<16xi32>
          %gather3A_862 = tpu.vector_load_idx %arg9[%add3A_71] : memref<256xi32, #tpu.memory_space<vmem>>[vector<16xi32>], vector<16xi32>,
          %add3A_863 = arith.addi %add3A_861, %gather3A_862 : vector<16xi32>
          %gather3A_864 = tpu.vector_load_idx %arg9[%add3A_77] : memref<256xi32, #tpu.memory_space<vmem>>[vector<16xi32>], vector<16xi32>,
          %add3A_865 = arith.addi %add3A_863, %gather3A_864 : vector<16xi32>
          %gather3A_866 = tpu.vector_load_idx %arg9[%add3A_83] : memref<256xi32, #tpu.memory_space<vmem>>[vector<16xi32>], vector<16xi32>,
          %add3A_867 = arith.addi %add3A_865, %gather3A_866 : vector<16xi32>
          %gather3A_868 = tpu.vector_load_idx %arg9[%add3A_89] : memref<256xi32, #tpu.memory_space<vmem>>[vector<16xi32>], vector<16xi32>,
          %add3A_869 = arith.addi %add3A_867, %gather3A_868 : vector<16xi32>
          %gather3A_870 = tpu.vector_load_idx %arg9[%add3A_95] : memref<256xi32, #tpu.memory_space<vmem>>[vector<16xi32>], vector<16xi32>,
          %add3A_871 = arith.addi %add3A_869, %gather3A_870 : vector<16xi32>
          %gather3A_872 = tpu.vector_load_idx %arg9[%add3A_101] : memref<256xi32, #tpu.memory_space<vmem>>[vector<16xi32>], vector<16xi32>,
          %add3A_873 = arith.addi %add3A_871, %gather3A_872 : vector<16xi32>
          %rev3A_874 = arith.constant 15 : i32
          %rev3A_875 = vector.broadcast %rev3A_874 : i32 to vector<16xi32>
          %rev3A_876 = tpu.iota {dimensions = array<i32: 0>} : vector<16xi32>
          %rev3A_877 = arith.subi %rev3A_875, %rev3A_876 : vector<16xi32>
          %rev3A_878 = tpu.dynamic_gather %add3A_873[%rev3A_877] in [0] : vector<16xi32>, vector<16xi32> -> vector<16xi32>
          %cumsum3A_879 = arith.constant true
          %cumsum3A_880 = vector.broadcast %cumsum3A_879 : i1 to vector<16xi1>
          %cumsum3A_881 = tpu.scan <sum>, %rev3A_878 masked %cumsum3A_880 : vector<16xi32>, vector<16xi1> -> vector<16xi32>
          %rev3A_882 = arith.constant 15 : i32
          %rev3A_883 = vector.broadcast %rev3A_882 : i32 to vector<16xi32>
          %rev3A_884 = tpu.iota {dimensions = array<i32: 0>} : vector<16xi32>
          %rev3A_885 = arith.subi %rev3A_883, %rev3A_884 : vector<16xi32>
          %rev3A_886 = tpu.dynamic_gather %cumsum3A_881[%rev3A_885] in [0] : vector<16xi32>, vector<16xi32> -> vector<16xi32>
          %ge3A_887 = vector.broadcast %sub3A_743 : i32 to vector<16xi32>
          %ge3A_888 = arith.cmpi sge, %rev3A_886, %ge3A_887 : vector<16xi32>
          %convert_element_type3A_889 = arith.extui %ge3A_888 : vector<16xi1> to vector<16xi32>
          %reduce_sum3A_890 = arith.constant true
          %reduce_sum3A_891 = vector.broadcast %reduce_sum3A_890 : i1 to vector<16xi1>
          %reduce_sum3A_892 = tpu.scan <sum>, %convert_element_type3A_889 masked %reduce_sum3A_891 : vector<16xi32>, vector<16xi1> -> vector<16xi32>
          %reduce_sum3A_893 = vector.extract %reduce_sum3A_892[15] : i32 from vector<16xi32>
          %sub3A_894 = arith.constant 1 : i32
          %sub3A_895 = arith.subi %reduce_sum3A_893, %sub3A_894 : i32
          %gt3A_896 = vector.broadcast %sub3A_895 : i32 to vector<16xi32>
          %gt3A_897 = arith.cmpi sgt, %iota3A, %gt3A_896 : vector<16xi32>
          %jit3A_898 = arith.constant 0 : i32
          %broadcast_in_dim3A_899 = vector.broadcast %jit3A_898 : i32 to vector<16xi32>
          %select_n3A_900 = arith.select %gt3A_897, %add3A_873, %broadcast_in_dim3A_899 : vector<16xi1>, vector<16xi32>
          %reduce_sum3A_901 = arith.constant true
          %reduce_sum3A_902 = vector.broadcast %reduce_sum3A_901 : i1 to vector<16xi1>
          %reduce_sum3A_903 = tpu.scan <sum>, %select_n3A_900 masked %reduce_sum3A_902 : vector<16xi32>, vector<16xi1> -> vector<16xi32>
          %reduce_sum3A_904 = vector.extract %reduce_sum3A_903[15] : i32 from vector<16xi32>
          %mul3A_905 = arith.constant 16 : i32
          %mul3A_906 = arith.muli %sub3A_895, %mul3A_905 : i32
          %get3A_907 = arith.index_cast %mul3A_906 : i32 to index
          %get3A_908 = tpu.vector_load %arg9[%get3A_907] {strides = array<i32>} : memref<256xi32, #tpu.memory_space<vmem>>, vector<16xi32>,
          %rev3A_909 = arith.constant 15 : i32
          %rev3A_910 = vector.broadcast %rev3A_909 : i32 to vector<16xi32>
          %rev3A_911 = tpu.iota {dimensions = array<i32: 0>} : vector<16xi32>
          %rev3A_912 = arith.subi %rev3A_910, %rev3A_911 : vector<16xi32>
          %rev3A_913 = tpu.dynamic_gather %get3A_908[%rev3A_912] in [0] : vector<16xi32>, vector<16xi32> -> vector<16xi32>
          %cumsum3A_914 = arith.constant true
          %cumsum3A_915 = vector.broadcast %cumsum3A_914 : i1 to vector<16xi1>
          %cumsum3A_916 = tpu.scan <sum>, %rev3A_913 masked %cumsum3A_915 : vector<16xi32>, vector<16xi1> -> vector<16xi32>
          %rev3A_917 = arith.constant 15 : i32
          %rev3A_918 = vector.broadcast %rev3A_917 : i32 to vector<16xi32>
          %rev3A_919 = tpu.iota {dimensions = array<i32: 0>} : vector<16xi32>
          %rev3A_920 = arith.subi %rev3A_918, %rev3A_919 : vector<16xi32>
          %rev3A_921 = tpu.dynamic_gather %cumsum3A_916[%rev3A_920] in [0] : vector<16xi32>, vector<16xi32> -> vector<16xi32>
          %add3A_922 = vector.broadcast %reduce_sum3A_904 : i32 to vector<16xi32>
          %add3A_923 = arith.addi %rev3A_921, %add3A_922 : vector<16xi32>
          %ge3A_924 = vector.broadcast %sub3A_743 : i32 to vector<16xi32>
          %ge3A_925 = arith.cmpi sge, %add3A_923, %ge3A_924 : vector<16xi32>
          %convert_element_type3A_926 = arith.extui %ge3A_925 : vector<16xi1> to vector<16xi32>
          %reduce_sum3A_927 = arith.constant true
          %reduce_sum3A_928 = vector.broadcast %reduce_sum3A_927 : i1 to vector<16xi1>
          %reduce_sum3A_929 = tpu.scan <sum>, %convert_element_type3A_926 masked %reduce_sum3A_928 : vector<16xi32>, vector<16xi1> -> vector<16xi32>
          %reduce_sum3A_930 = vector.extract %reduce_sum3A_929[15] : i32 from vector<16xi32>
          %sub3A_931 = arith.constant 1 : i32
          %sub3A_932 = arith.subi %reduce_sum3A_930, %sub3A_931 : i32
          %mul3A_933 = arith.constant 16 : i32
          %mul3A_934 = arith.muli %sub3A_895, %mul3A_933 : i32
          %add3A_935 = arith.addi %mul3A_934, %sub3A_932 : i32
          %gt3A_936 = vector.broadcast %sub3A_932 : i32 to vector<16xi32>
          %gt3A_937 = arith.cmpi sgt, %iota3A, %gt3A_936 : vector<16xi32>
          %jit3A_938 = arith.constant 0 : i32
          %broadcast_in_dim3A_939 = vector.broadcast %jit3A_938 : i32 to vector<16xi32>
          %select_n3A_940 = arith.select %gt3A_937, %get3A_908, %broadcast_in_dim3A_939 : vector<16xi1>, vector<16xi32>
          %reduce_sum3A_941 = arith.constant true
          %reduce_sum3A_942 = vector.broadcast %reduce_sum3A_941 : i1 to vector<16xi1>
          %reduce_sum3A_943 = tpu.scan <sum>, %select_n3A_940 masked %reduce_sum3A_942 : vector<16xi32>, vector<16xi1> -> vector<16xi32>
          %reduce_sum3A_944 = vector.extract %reduce_sum3A_943[15] : i32 from vector<16xi32>
          %add3A_945 = arith.addi %reduce_sum3A_944, %reduce_sum3A_904 : i32
          %shift_left3A_946 = arith.constant 8 : i32
          %shift_left3A_947 = arith.shli %add3A_935, %shift_left3A_946 : i32
          %or3A_948 = arith.ori %or3A, %shift_left3A_947 : i32
          %sub3A_949 = arith.subi %sub3A_743, %add3A_945 : i32
          %swap3A_950 = arith.constant 0 : index
          %swap3A_951 = tpu.vector_load %arg9[%swap3A_950] {strides = array<i32>} : memref<256xi32, #tpu.memory_space<vmem>>, vector<16xi32>,
          tpu.vector_store %arg9[%swap3A_950], %broadcast_in_dim3A_5 {strides = array<i32>} : memref<256xi32, #tpu.memory_space<vmem>>, vector<16xi32>,
          %swap3A_952 = arith.constant 16 : index
          %swap3A_953 = tpu.vector_load %arg9[%swap3A_952] {strides = array<i32>} : memref<256xi32, #tpu.memory_space<vmem>>, vector<16xi32>,
          tpu.vector_store %arg9[%swap3A_952], %broadcast_in_dim3A_5 {strides = array<i32>} : memref<256xi32, #tpu.memory_space<vmem>>, vector<16xi32>,
          %swap3A_954 = arith.constant 32 : index
          %swap3A_955 = tpu.vector_load %arg9[%swap3A_954] {strides = array<i32>} : memref<256xi32, #tpu.memory_space<vmem>>, vector<16xi32>,
          tpu.vector_store %arg9[%swap3A_954], %broadcast_in_dim3A_5 {strides = array<i32>} : memref<256xi32, #tpu.memory_space<vmem>>, vector<16xi32>,
          %swap3A_956 = arith.constant 48 : index
          %swap3A_957 = tpu.vector_load %arg9[%swap3A_956] {strides = array<i32>} : memref<256xi32, #tpu.memory_space<vmem>>, vector<16xi32>,
          tpu.vector_store %arg9[%swap3A_956], %broadcast_in_dim3A_5 {strides = array<i32>} : memref<256xi32, #tpu.memory_space<vmem>>, vector<16xi32>,
          %swap3A_958 = arith.constant 64 : index
          %swap3A_959 = tpu.vector_load %arg9[%swap3A_958] {strides = array<i32>} : memref<256xi32, #tpu.memory_space<vmem>>, vector<16xi32>,
          tpu.vector_store %arg9[%swap3A_958], %broadcast_in_dim3A_5 {strides = array<i32>} : memref<256xi32, #tpu.memory_space<vmem>>, vector<16xi32>,
          %swap3A_960 = arith.constant 80 : index
          %swap3A_961 = tpu.vector_load %arg9[%swap3A_960] {strides = array<i32>} : memref<256xi32, #tpu.memory_space<vmem>>, vector<16xi32>,
          tpu.vector_store %arg9[%swap3A_960], %broadcast_in_dim3A_5 {strides = array<i32>} : memref<256xi32, #tpu.memory_space<vmem>>, vector<16xi32>,
          %swap3A_962 = arith.constant 96 : index
          %swap3A_963 = tpu.vector_load %arg9[%swap3A_962] {strides = array<i32>} : memref<256xi32, #tpu.memory_space<vmem>>, vector<16xi32>,
          tpu.vector_store %arg9[%swap3A_962], %broadcast_in_dim3A_5 {strides = array<i32>} : memref<256xi32, #tpu.memory_space<vmem>>, vector<16xi32>,
          %swap3A_964 = arith.constant 112 : index
          %swap3A_965 = tpu.vector_load %arg9[%swap3A_964] {strides = array<i32>} : memref<256xi32, #tpu.memory_space<vmem>>, vector<16xi32>,
          tpu.vector_store %arg9[%swap3A_964], %broadcast_in_dim3A_5 {strides = array<i32>} : memref<256xi32, #tpu.memory_space<vmem>>, vector<16xi32>,
          %swap3A_966 = arith.constant 128 : index
          %swap3A_967 = tpu.vector_load %arg9[%swap3A_966] {strides = array<i32>} : memref<256xi32, #tpu.memory_space<vmem>>, vector<16xi32>,
          tpu.vector_store %arg9[%swap3A_966], %broadcast_in_dim3A_5 {strides = array<i32>} : memref<256xi32, #tpu.memory_space<vmem>>, vector<16xi32>,
          %swap3A_968 = arith.constant 144 : index
          %swap3A_969 = tpu.vector_load %arg9[%swap3A_968] {strides = array<i32>} : memref<256xi32, #tpu.memory_space<vmem>>, vector<16xi32>,
          tpu.vector_store %arg9[%swap3A_968], %broadcast_in_dim3A_5 {strides = array<i32>} : memref<256xi32, #tpu.memory_space<vmem>>, vector<16xi32>,
          %swap3A_970 = arith.constant 160 : index
          %swap3A_971 = tpu.vector_load %arg9[%swap3A_970] {strides = array<i32>} : memref<256xi32, #tpu.memory_space<vmem>>, vector<16xi32>,
          tpu.vector_store %arg9[%swap3A_970], %broadcast_in_dim3A_5 {strides = array<i32>} : memref<256xi32, #tpu.memory_space<vmem>>, vector<16xi32>,
          %swap3A_972 = arith.constant 176 : index
          %swap3A_973 = tpu.vector_load %arg9[%swap3A_972] {strides = array<i32>} : memref<256xi32, #tpu.memory_space<vmem>>, vector<16xi32>,
          tpu.vector_store %arg9[%swap3A_972], %broadcast_in_dim3A_5 {strides = array<i32>} : memref<256xi32, #tpu.memory_space<vmem>>, vector<16xi32>,
          %swap3A_974 = arith.constant 192 : index
          %swap3A_975 = tpu.vector_load %arg9[%swap3A_974] {strides = array<i32>} : memref<256xi32, #tpu.memory_space<vmem>>, vector<16xi32>,
          tpu.vector_store %arg9[%swap3A_974], %broadcast_in_dim3A_5 {strides = array<i32>} : memref<256xi32, #tpu.memory_space<vmem>>, vector<16xi32>,
          %swap3A_976 = arith.constant 208 : index
          %swap3A_977 = tpu.vector_load %arg9[%swap3A_976] {strides = array<i32>} : memref<256xi32, #tpu.memory_space<vmem>>, vector<16xi32>,
          tpu.vector_store %arg9[%swap3A_976], %broadcast_in_dim3A_5 {strides = array<i32>} : memref<256xi32, #tpu.memory_space<vmem>>, vector<16xi32>,
          %swap3A_978 = arith.constant 224 : index
          %swap3A_979 = tpu.vector_load %arg9[%swap3A_978] {strides = array<i32>} : memref<256xi32, #tpu.memory_space<vmem>>, vector<16xi32>,
          tpu.vector_store %arg9[%swap3A_978], %broadcast_in_dim3A_5 {strides = array<i32>} : memref<256xi32, #tpu.memory_space<vmem>>, vector<16xi32>,
          %swap3A_980 = arith.constant 240 : index
          %swap3A_981 = tpu.vector_load %arg9[%swap3A_980] {strides = array<i32>} : memref<256xi32, #tpu.memory_space<vmem>>, vector<16xi32>,
          tpu.vector_store %arg9[%swap3A_980], %broadcast_in_dim3A_5 {strides = array<i32>} : memref<256xi32, #tpu.memory_space<vmem>>, vector<16xi32>,
          %while3A_982 = arith.constant -256 : i32
          %while3A_983 = arith.constant 0 : i32
          %while3A_984 = arith.constant 0 : i32
          %while3A_985 = arith.subi %select_n3A_797, %while3A_983 : i32
          %while3A_986 = arith.addi %while3A_983, %while3A_985 : i32
          %while3A_987 = arith.constant 1 : i32
          %while3A_988 = arith.divsi %while3A_985, %while3A_987 : i32
          %while3A_989 = arith.muli %while3A_988, %while3A_987 : i32
          %while3A_990 = arith.addi %while3A_983, %while3A_989 : i32
          %while3A_991 = arith.constant 1 : i32
          %while3A_992 = scf.for %while3A_1103 = %while3A_983 to %while3A_990 step %while3A_991 iter_args(%while3A_1104 = %while3A_984) -> (i32)  : i32 {
            %mul3A_1105 = arith.constant 16 : i32
            %mul3A_1106 = arith.muli %while3A_1103, %mul3A_1105 : i32
            %get3A_1107 = arith.index_cast %mul3A_1106 : i32 to index
            %get3A_1108 = tpu.vector_load %arg7[%get3A_1107] {strides = array<i32>} : memref<16384xf32, #tpu.memory_space<vmem>>, vector<16xf32>,
            %bitcast3A_1109 = vector.bitcast %get3A_1108 : vector<16xf32> to vector<16xi32>
            %mul3A_1110 = arith.constant 16 : i32
            %mul3A_1111 = arith.muli %while3A_1103, %mul3A_1110 : i32
            %add3A_1112 = vector.broadcast %mul3A_1111 : i32 to vector<16xi32>
            %add3A_1113 = arith.addi %iota3A, %add3A_1112 : vector<16xi32>
            %lt3A_1114 = arith.cmpi slt, %add3A_1113, %parallel_loop3A_752 : vector<16xi32>
            %and3A_1115 = vector.broadcast %while3A_982 : i32 to vector<16xi32>
            %and3A_1116 = arith.andi %bitcast3A_1109, %and3A_1115 : vector<16xi32>
            %eq3A = vector.broadcast %or3A_948 : i32 to vector<16xi32>
            %eq3A_1117 = arith.cmpi eq, %and3A_1116, %eq3A : vector<16xi32>
            %and3A_1118 = arith.andi %lt3A_1114, %eq3A_1117 : vector<16xi1>
            %shift_right_logical3A = arith.constant 0 : i32
            %shift_right_logical3A_1119 = vector.broadcast %shift_right_logical3A : i32 to vector<16xi32>
            %shift_right_logical3A_1120 = arith.shrui %bitcast3A_1109, %shift_right_logical3A_1119 : vector<16xi32>
            %and3A_1121 = arith.constant 255 : i32
            %and3A_1122 = vector.broadcast %and3A_1121 : i32 to vector<16xi32>
            %and3A_1123 = arith.andi %shift_right_logical3A_1120, %and3A_1122 : vector<16xi32>
            tpu.vector_store_idx %arg9[%and3A_1123], %broadcast_in_dim3A_3 masked %and3A_1118 {add = true} : memref<256xi32, #tpu.memory_space<vmem>>[vector<16xi32>], vector<16xi32>, vector<16xi1>
            %while3A_1124 = arith.constant 0 : i32
            scf.yield %while3A_1124 : i32
          }
          %while3A_993 = arith.constant 1 : i32
          %while3A_994 = scf.for %while3A_1103 = %while3A_990 to %while3A_986 step %while3A_993 iter_args(%while3A_1104 = %while3A_992) -> (i32)  : i32 {
            %mul3A_1105 = arith.constant 16 : i32
            %mul3A_1106 = arith.muli %while3A_1103, %mul3A_1105 : i32
            %get3A_1107 = arith.index_cast %mul3A_1106 : i32 to index
            %get3A_1108 = tpu.vector_load %arg7[%get3A_1107] {strides = array<i32>} : memref<16384xf32, #tpu.memory_space<vmem>>, vector<16xf32>,
            %bitcast3A_1109 = vector.bitcast %get3A_1108 : vector<16xf32> to vector<16xi32>
            %mul3A_1110 = arith.constant 16 : i32
            %mul3A_1111 = arith.muli %while3A_1103, %mul3A_1110 : i32
            %add3A_1112 = vector.broadcast %mul3A_1111 : i32 to vector<16xi32>
            %add3A_1113 = arith.addi %iota3A, %add3A_1112 : vector<16xi32>
            %lt3A_1114 = arith.cmpi slt, %add3A_1113, %parallel_loop3A_752 : vector<16xi32>
            %and3A_1115 = vector.broadcast %while3A_982 : i32 to vector<16xi32>
            %and3A_1116 = arith.andi %bitcast3A_1109, %and3A_1115 : vector<16xi32>
            %eq3A = vector.broadcast %or3A_948 : i32 to vector<16xi32>
            %eq3A_1117 = arith.cmpi eq, %and3A_1116, %eq3A : vector<16xi32>
            %and3A_1118 = arith.andi %lt3A_1114, %eq3A_1117 : vector<16xi1>
            %shift_right_logical3A = arith.constant 0 : i32
            %shift_right_logical3A_1119 = vector.broadcast %shift_right_logical3A : i32 to vector<16xi32>
            %shift_right_logical3A_1120 = arith.shrui %bitcast3A_1109, %shift_right_logical3A_1119 : vector<16xi32>
            %and3A_1121 = arith.constant 255 : i32
            %and3A_1122 = vector.broadcast %and3A_1121 : i32 to vector<16xi32>
            %and3A_1123 = arith.andi %shift_right_logical3A_1120, %and3A_1122 : vector<16xi32>
            tpu.vector_store_idx %arg9[%and3A_1123], %broadcast_in_dim3A_3 masked %and3A_1118 {add = true} : memref<256xi32, #tpu.memory_space<vmem>>[vector<16xi32>], vector<16xi32>, vector<16xi1>
            %while3A_1124 = arith.constant 0 : i32
            scf.yield %while3A_1124 : i32
          }
          %gather3A_995 = tpu.vector_load_idx %arg9[%add3A_11] : memref<256xi32, #tpu.memory_space<vmem>>[vector<16xi32>], vector<16xi32>,
          %add3A_996 = arith.addi %broadcast_in_dim3A_5, %gather3A_995 : vector<16xi32>
          %gather3A_997 = tpu.vector_load_idx %arg9[%add3A_17] : memref<256xi32, #tpu.memory_space<vmem>>[vector<16xi32>], vector<16xi32>,
          %add3A_998 = arith.addi %add3A_996, %gather3A_997 : vector<16xi32>
          %gather3A_999 = tpu.vector_load_idx %arg9[%add3A_23] : memref<256xi32, #tpu.memory_space<vmem>>[vector<16xi32>], vector<16xi32>,
          %add3A_1000 = arith.addi %add3A_998, %gather3A_999 : vector<16xi32>
          %gather3A_1001 = tpu.vector_load_idx %arg9[%add3A_29] : memref<256xi32, #tpu.memory_space<vmem>>[vector<16xi32>], vector<16xi32>,
          %add3A_1002 = arith.addi %add3A_1000, %gather3A_1001 : vector<16xi32>
          %gather3A_1003 = tpu.vector_load_idx %arg9[%add3A_35] : memref<256xi32, #tpu.memory_space<vmem>>[vector<16xi32>], vector<16xi32>,
          %add3A_1004 = arith.addi %add3A_1002, %gather3A_1003 : vector<16xi32>
          %gather3A_1005 = tpu.vector_load_idx %arg9[%add3A_41] : memref<256xi32, #tpu.memory_space<vmem>>[vector<16xi32>], vector<16xi32>,
          %add3A_1006 = arith.addi %add3A_1004, %gather3A_1005 : vector<16xi32>
          %gather3A_1007 = tpu.vector_load_idx %arg9[%add3A_47] : memref<256xi32, #tpu.memory_space<vmem>>[vector<16xi32>], vector<16xi32>,
          %add3A_1008 = arith.addi %add3A_1006, %gather3A_1007 : vector<16xi32>
          %gather3A_1009 = tpu.vector_load_idx %arg9[%add3A_53] : memref<256xi32, #tpu.memory_space<vmem>>[vector<16xi32>], vector<16xi32>,
          %add3A_1010 = arith.addi %add3A_1008, %gather3A_1009 : vector<16xi32>
          %gather3A_1011 = tpu.vector_load_idx %arg9[%add3A_59] : memref<256xi32, #tpu.memory_space<vmem>>[vector<16xi32>], vector<16xi32>,
          %add3A_1012 = arith.addi %add3A_1010, %gather3A_1011 : vector<16xi32>
          %gather3A_1013 = tpu.vector_load_idx %arg9[%add3A_65] : memref<256xi32, #tpu.memory_space<vmem>>[vector<16xi32>], vector<16xi32>,
          %add3A_1014 = arith.addi %add3A_1012, %gather3A_1013 : vector<16xi32>
          %gather3A_1015 = tpu.vector_load_idx %arg9[%add3A_71] : memref<256xi32, #tpu.memory_space<vmem>>[vector<16xi32>], vector<16xi32>,
          %add3A_1016 = arith.addi %add3A_1014, %gather3A_1015 : vector<16xi32>
          %gather3A_1017 = tpu.vector_load_idx %arg9[%add3A_77] : memref<256xi32, #tpu.memory_space<vmem>>[vector<16xi32>], vector<16xi32>,
          %add3A_1018 = arith.addi %add3A_1016, %gather3A_1017 : vector<16xi32>
          %gather3A_1019 = tpu.vector_load_idx %arg9[%add3A_83] : memref<256xi32, #tpu.memory_space<vmem>>[vector<16xi32>], vector<16xi32>,
          %add3A_1020 = arith.addi %add3A_1018, %gather3A_1019 : vector<16xi32>
          %gather3A_1021 = tpu.vector_load_idx %arg9[%add3A_89] : memref<256xi32, #tpu.memory_space<vmem>>[vector<16xi32>], vector<16xi32>,
          %add3A_1022 = arith.addi %add3A_1020, %gather3A_1021 : vector<16xi32>
          %gather3A_1023 = tpu.vector_load_idx %arg9[%add3A_95] : memref<256xi32, #tpu.memory_space<vmem>>[vector<16xi32>], vector<16xi32>,
          %add3A_1024 = arith.addi %add3A_1022, %gather3A_1023 : vector<16xi32>
          %gather3A_1025 = tpu.vector_load_idx %arg9[%add3A_101] : memref<256xi32, #tpu.memory_space<vmem>>[vector<16xi32>], vector<16xi32>,
          %add3A_1026 = arith.addi %add3A_1024, %gather3A_1025 : vector<16xi32>
          %rev3A_1027 = arith.constant 15 : i32
          %rev3A_1028 = vector.broadcast %rev3A_1027 : i32 to vector<16xi32>
          %rev3A_1029 = tpu.iota {dimensions = array<i32: 0>} : vector<16xi32>
          %rev3A_1030 = arith.subi %rev3A_1028, %rev3A_1029 : vector<16xi32>
          %rev3A_1031 = tpu.dynamic_gather %add3A_1026[%rev3A_1030] in [0] : vector<16xi32>, vector<16xi32> -> vector<16xi32>
          %cumsum3A_1032 = arith.constant true
          %cumsum3A_1033 = vector.broadcast %cumsum3A_1032 : i1 to vector<16xi1>
          %cumsum3A_1034 = tpu.scan <sum>, %rev3A_1031 masked %cumsum3A_1033 : vector<16xi32>, vector<16xi1> -> vector<16xi32>
          %rev3A_1035 = arith.constant 15 : i32
          %rev3A_1036 = vector.broadcast %rev3A_1035 : i32 to vector<16xi32>
          %rev3A_1037 = tpu.iota {dimensions = array<i32: 0>} : vector<16xi32>
          %rev3A_1038 = arith.subi %rev3A_1036, %rev3A_1037 : vector<16xi32>
          %rev3A_1039 = tpu.dynamic_gather %cumsum3A_1034[%rev3A_1038] in [0] : vector<16xi32>, vector<16xi32> -> vector<16xi32>
          %ge3A_1040 = vector.broadcast %sub3A_949 : i32 to vector<16xi32>
          %ge3A_1041 = arith.cmpi sge, %rev3A_1039, %ge3A_1040 : vector<16xi32>
          %convert_element_type3A_1042 = arith.extui %ge3A_1041 : vector<16xi1> to vector<16xi32>
          %reduce_sum3A_1043 = arith.constant true
          %reduce_sum3A_1044 = vector.broadcast %reduce_sum3A_1043 : i1 to vector<16xi1>
          %reduce_sum3A_1045 = tpu.scan <sum>, %convert_element_type3A_1042 masked %reduce_sum3A_1044 : vector<16xi32>, vector<16xi1> -> vector<16xi32>
          %reduce_sum3A_1046 = vector.extract %reduce_sum3A_1045[15] : i32 from vector<16xi32>
          %sub3A_1047 = arith.constant 1 : i32
          %sub3A_1048 = arith.subi %reduce_sum3A_1046, %sub3A_1047 : i32
          %gt3A_1049 = vector.broadcast %sub3A_1048 : i32 to vector<16xi32>
          %gt3A_1050 = arith.cmpi sgt, %iota3A, %gt3A_1049 : vector<16xi32>
          %jit3A_1051 = arith.constant 0 : i32
          %broadcast_in_dim3A_1052 = vector.broadcast %jit3A_1051 : i32 to vector<16xi32>
          %select_n3A_1053 = arith.select %gt3A_1050, %add3A_1026, %broadcast_in_dim3A_1052 : vector<16xi1>, vector<16xi32>
          %reduce_sum3A_1054 = arith.constant true
          %reduce_sum3A_1055 = vector.broadcast %reduce_sum3A_1054 : i1 to vector<16xi1>
          %reduce_sum3A_1056 = tpu.scan <sum>, %select_n3A_1053 masked %reduce_sum3A_1055 : vector<16xi32>, vector<16xi1> -> vector<16xi32>
          %reduce_sum3A_1057 = vector.extract %reduce_sum3A_1056[15] : i32 from vector<16xi32>
          %mul3A_1058 = arith.constant 16 : i32
          %mul3A_1059 = arith.muli %sub3A_1048, %mul3A_1058 : i32
          %get3A_1060 = arith.index_cast %mul3A_1059 : i32 to index
          %get3A_1061 = tpu.vector_load %arg9[%get3A_1060] {strides = array<i32>} : memref<256xi32, #tpu.memory_space<vmem>>, vector<16xi32>,
          %rev3A_1062 = arith.constant 15 : i32
          %rev3A_1063 = vector.broadcast %rev3A_1062 : i32 to vector<16xi32>
          %rev3A_1064 = tpu.iota {dimensions = array<i32: 0>} : vector<16xi32>
          %rev3A_1065 = arith.subi %rev3A_1063, %rev3A_1064 : vector<16xi32>
          %rev3A_1066 = tpu.dynamic_gather %get3A_1061[%rev3A_1065] in [0] : vector<16xi32>, vector<16xi32> -> vector<16xi32>
          %cumsum3A_1067 = arith.constant true
          %cumsum3A_1068 = vector.broadcast %cumsum3A_1067 : i1 to vector<16xi1>
          %cumsum3A_1069 = tpu.scan <sum>, %rev3A_1066 masked %cumsum3A_1068 : vector<16xi32>, vector<16xi1> -> vector<16xi32>
          %rev3A_1070 = arith.constant 15 : i32
          %rev3A_1071 = vector.broadcast %rev3A_1070 : i32 to vector<16xi32>
          %rev3A_1072 = tpu.iota {dimensions = array<i32: 0>} : vector<16xi32>
          %rev3A_1073 = arith.subi %rev3A_1071, %rev3A_1072 : vector<16xi32>
          %rev3A_1074 = tpu.dynamic_gather %cumsum3A_1069[%rev3A_1073] in [0] : vector<16xi32>, vector<16xi32> -> vector<16xi32>
          %add3A_1075 = vector.broadcast %reduce_sum3A_1057 : i32 to vector<16xi32>
          %add3A_1076 = arith.addi %rev3A_1074, %add3A_1075 : vector<16xi32>
          %ge3A_1077 = vector.broadcast %sub3A_949 : i32 to vector<16xi32>
          %ge3A_1078 = arith.cmpi sge, %add3A_1076, %ge3A_1077 : vector<16xi32>
          %convert_element_type3A_1079 = arith.extui %ge3A_1078 : vector<16xi1> to vector<16xi32>
          %reduce_sum3A_1080 = arith.constant true
          %reduce_sum3A_1081 = vector.broadcast %reduce_sum3A_1080 : i1 to vector<16xi1>
          %reduce_sum3A_1082 = tpu.scan <sum>, %convert_element_type3A_1079 masked %reduce_sum3A_1081 : vector<16xi32>, vector<16xi1> -> vector<16xi32>
          %reduce_sum3A_1083 = vector.extract %reduce_sum3A_1082[15] : i32 from vector<16xi32>
          %sub3A_1084 = arith.constant 1 : i32
          %sub3A_1085 = arith.subi %reduce_sum3A_1083, %sub3A_1084 : i32
          %mul3A_1086 = arith.constant 16 : i32
          %mul3A_1087 = arith.muli %sub3A_1048, %mul3A_1086 : i32
          %add3A_1088 = arith.addi %mul3A_1087, %sub3A_1085 : i32
          %gt3A_1089 = vector.broadcast %sub3A_1085 : i32 to vector<16xi32>
          %gt3A_1090 = arith.cmpi sgt, %iota3A, %gt3A_1089 : vector<16xi32>
          %jit3A_1091 = arith.constant 0 : i32
          %broadcast_in_dim3A_1092 = vector.broadcast %jit3A_1091 : i32 to vector<16xi32>
          %select_n3A_1093 = arith.select %gt3A_1090, %get3A_1061, %broadcast_in_dim3A_1092 : vector<16xi1>, vector<16xi32>
          %reduce_sum3A_1094 = arith.constant true
          %reduce_sum3A_1095 = vector.broadcast %reduce_sum3A_1094 : i1 to vector<16xi1>
          %reduce_sum3A_1096 = tpu.scan <sum>, %select_n3A_1093 masked %reduce_sum3A_1095 : vector<16xi32>, vector<16xi1> -> vector<16xi32>
          %reduce_sum3A_1097 = vector.extract %reduce_sum3A_1096[15] : i32 from vector<16xi32>
          %add3A_1098 = arith.addi %reduce_sum3A_1097, %reduce_sum3A_1057 : i32
          %shift_left3A_1099 = arith.constant 0 : i32
          %shift_left3A_1100 = arith.shli %add3A_1088, %shift_left3A_1099 : i32
          %or3A_1101 = arith.ori %or3A_948, %shift_left3A_1100 : i32
          %sub3A_1102 = arith.subi %sub3A_949, %add3A_1098 : i32
          scf.yield %or3A_1101, %sub3A_1102 : i32, i32
        }
        scf.yield %cond3A_766#0, %cond3A_766#1 : i32, i32
      }
      %lt3A_569 = arith.constant 0 : i32
      %lt3A_570 = arith.cmpi slt, %cond3A_568#0, %lt3A_569 : i32
      %xor3A_571 = arith.constant -2147483648 : i32
      %xor3A_572 = arith.xori %cond3A_568#0, %xor3A_571 : i32
      %not3A_573 = arith.constant -1 : i32
      %not3A_574 = arith.xori %cond3A_568#0, %not3A_573 : i32
      %select_n3A_575 = arith.select %lt3A_570, %xor3A_572, %not3A_574 : i32
      %broadcast_in_dim3A_576 = vector.broadcast %select_n3A_575 : i32 to vector<16xi32>
      %bitcast3A_577 = vector.bitcast %broadcast_in_dim3A_576 : vector<16xi32> to vector<16xf32>
      %parallel_loop3A_578 = arith.constant 0 : i32
      %parallel_loop3A_579 = arith.constant 16384 : i32
      %parallel_loop3A_580 = arith.constant 16 : i32
      %parallel_loop3A_581 = scf.for %parallel_loop3A_603 = %parallel_loop3A_578 to %parallel_loop3A_579 step %parallel_loop3A_580 iter_args(%parallel_loop3A_604 = %broadcast_in_dim3A_5) -> (vector<16xi32>)  : i32 {
        %parallel_loop3A_605 = arith.index_cast %parallel_loop3A_603 : i32 to index
        %parallel_loop3A_606 = tpu.vector_load %arg5[%parallel_loop3A_605] {strides = array<i32>} : memref<16384xf32, #tpu.memory_space<vmem>>, vector<16xf32>,
        %parallel_loop3A_607 = arith.cmpf oge, %parallel_loop3A_606, %bitcast3A_577 : vector<16xf32>
        %parallel_loop3A_608 = arith.constant 0.000000e+00 : f32
        %parallel_loop3A_609 = vector.broadcast %parallel_loop3A_608 : f32 to vector<16xf32>
        %parallel_loop3A_610 = arith.select %parallel_loop3A_607, %parallel_loop3A_606, %parallel_loop3A_609 : vector<16xi1>, vector<16xf32>
        %parallel_loop3A_611 = arith.index_cast %parallel_loop3A_603 : i32 to index
        %parallel_loop3A_612 = tpu.vector_load %arg7[%parallel_loop3A_611] {strides = array<i32>} : memref<16384xf32, #tpu.memory_space<vmem>>, vector<16xf32>,
        tpu.vector_store %arg7[%parallel_loop3A_611], %parallel_loop3A_610 {strides = array<i32>} : memref<16384xf32, #tpu.memory_space<vmem>>, vector<16xf32>,
        %parallel_loop3A_613 = arith.cmpf oeq, %parallel_loop3A_606, %bitcast3A_577 : vector<16xf32>
        %parallel_loop3A_614 = arith.extui %parallel_loop3A_613 : vector<16xi1> to vector<16xi32>
        %parallel_loop3A_615 = arith.addi %parallel_loop3A_604, %parallel_loop3A_614 : vector<16xi32>
        scf.yield %parallel_loop3A_615 : vector<16xi32>
      } {sc.loop_unroll_factor = 16 : i64, sc.parallel_access}
      %reduce_sum3A_582 = arith.constant true
      %reduce_sum3A_583 = vector.broadcast %reduce_sum3A_582 : i1 to vector<16xi1>
      %reduce_sum3A_584 = tpu.scan <sum>, %parallel_loop3A_581 masked %reduce_sum3A_583 : vector<16xi32>, vector<16xi1> -> vector<16xi32>
      %reduce_sum3A_585 = vector.extract %reduce_sum3A_584[15] : i32 from vector<16xi32>
      %gt3A_586 = arith.cmpi sgt, %reduce_sum3A_585, %cond3A_568#1 : i32
      %convert_element_type3A_587 = arith.extui %gt3A_586 : i1 to i32
      %cond3A_588 = arith.constant 0 : i32
      %cond3A_589 = arith.cmpi ne, %convert_element_type3A_587, %cond3A_588 : i32
      scf.if %cond3A_589 {
        %scan3A_603 = arith.constant 0 : i32
        %scan3A_604 = arith.constant 0 : i32
        %scan3A_605 = arith.constant 1024 : i32
        %scan3A_606 = arith.addi %scan3A_604, %scan3A_605 : i32
        %scan3A_607 = arith.constant 1 : i32
        %scan3A_608 = scf.for %scan3A_610 = %scan3A_604 to %scan3A_606 step %scan3A_607 iter_args(%scan3A_611 = %scan3A_603) -> (i32)  : i32 {
          %mul3A_612 = arith.constant 16 : i32
          %mul3A_613 = arith.muli %scan3A_610, %mul3A_612 : i32
          %get3A_614 = arith.index_cast %mul3A_613 : i32 to index
          %get3A_615 = tpu.vector_load %arg5[%get3A_614] {strides = array<i32>} : memref<16384xf32, #tpu.memory_space<vmem>>, vector<16xf32>,
          %eq3A = arith.cmpf oeq, %get3A_615, %bitcast3A_577 : vector<16xf32>
          %convert_element_type3A_616 = arith.extui %eq3A : vector<16xi1> to vector<16xi32>
          %cumsum3A_617 = arith.constant true
          %cumsum3A_618 = vector.broadcast %cumsum3A_617 : i1 to vector<16xi1>
          %cumsum3A_619 = tpu.scan <sum>, %convert_element_type3A_616 masked %cumsum3A_618 : vector<16xi32>, vector<16xi1> -> vector<16xi32>
          %add3A_620 = vector.broadcast %scan3A_611 : i32 to vector<16xi32>
          %add3A_621 = arith.addi %add3A_620, %cumsum3A_619 : vector<16xi32>
          %gt3A_622 = vector.broadcast %cond3A_568#1 : i32 to vector<16xi32>
          %gt3A_623 = arith.cmpi sgt, %add3A_621, %gt3A_622 : vector<16xi32>
          %and3A_624 = arith.andi %eq3A, %gt3A_623 : vector<16xi1>
          %mul3A_625 = arith.constant 16 : i32
          %mul3A_626 = arith.muli %scan3A_610, %mul3A_625 : i32
          %get3A_627 = arith.index_cast %mul3A_626 : i32 to index
          %get3A_628 = tpu.vector_load %arg7[%get3A_627] {strides = array<i32>} : memref<16384xf32, #tpu.memory_space<vmem>>, vector<16xf32>,
          %jit3A_629 = arith.constant 0.000000e+00 : f32
          %broadcast_in_dim3A_630 = vector.broadcast %jit3A_629 : f32 to vector<16xf32>
          %select_n3A_631 = arith.select %and3A_624, %broadcast_in_dim3A_630, %get3A_628 : vector<16xi1>, vector<16xf32>
          %mul3A_632 = arith.constant 16 : i32
          %mul3A_633 = arith.muli %scan3A_610, %mul3A_632 : i32
          %swap3A_634 = arith.index_cast %mul3A_633 : i32 to index
          %swap3A_635 = tpu.vector_load %arg7[%swap3A_634] {strides = array<i32>} : memref<16384xf32, #tpu.memory_space<vmem>>, vector<16xf32>,
          tpu.vector_store %arg7[%swap3A_634], %select_n3A_631 {strides = array<i32>} : memref<16384xf32, #tpu.memory_space<vmem>>, vector<16xf32>,
          %convert_element_type3A_636 = arith.extui %eq3A : vector<16xi1> to vector<16xi32>
          %reduce_sum3A_637 = arith.constant true
          %reduce_sum3A_638 = vector.broadcast %reduce_sum3A_637 : i1 to vector<16xi1>
          %reduce_sum3A_639 = tpu.scan <sum>, %convert_element_type3A_636 masked %reduce_sum3A_638 : vector<16xi32>, vector<16xi1> -> vector<16xi32>
          %reduce_sum3A_640 = vector.extract %reduce_sum3A_639[15] : i32 from vector<16xi32>
          %add3A_641 = arith.addi %scan3A_611, %reduce_sum3A_640 : i32
          scf.yield %add3A_641 : i32
        }
        %scan3A_609 = arith.constant 1024 : i32
      } else {
      }
      %dma_start3A_590 = arith.constant 0 : i32
      %dma_start3A_591 = tpu.memref_slice %arg3[%add3A_359, %dma_start3A_590] : memref<4096x16384xf32, #tpu.memory_space<hbm>> -> memref<1x16384xf32, #tpu.memory_space<hbm>>
      %dma_start3A_592 = tpu.memref_squeeze %dma_start3A_591 : memref<1x16384xf32, #tpu.memory_space<hbm>> -> memref<16384xf32, #tpu.memory_space<hbm>>
      %dma_start3A_593 = arith.constant 0 : i32
      %dma_start3A_594 = tpu.memref_slice %arg3[%add3A_359, %dma_start3A_593] : memref<4096x16384xf32, #tpu.memory_space<hbm>> -> memref<1x16384xf32, #tpu.memory_space<hbm>>
      %dma_start3A_595 = tpu.memref_squeeze %dma_start3A_594 : memref<1x16384xf32, #tpu.memory_space<hbm>> -> memref<16384xf32, #tpu.memory_space<hbm>>
      tpu.enqueue_dma source(%arg7 : memref<16384xf32, #tpu.memory_space<vmem>>) target(%dma_start3A_595 : memref<16384xf32, #tpu.memory_space<hbm>>) target_semaphore(%arg13 : memref<!tpu.dma_semaphore, #tpu.memory_space<semaphore_mem>>)
      %add3A_596 = arith.constant 2 : i32
      %add3A_597 = arith.addi %add3A_358, %add3A_596 : i32
      %lt3A_598 = arith.constant 128 : i32
      %lt3A_599 = arith.cmpi slt, %add3A_597, %lt3A_598 : i32
      %convert_element_type3A_600 = arith.extui %lt3A_599 : i1 to i32
      %cond3A_601 = arith.constant 0 : i32
      %cond3A_602 = arith.cmpi ne, %convert_element_type3A_600, %cond3A_601 : i32
      scf.if %cond3A_602 {
        %add3A_603 = arith.addi %mul3A_2, %add3A_358 : i32
        %add3A_604 = arith.constant 2 : i32
        %add3A_605 = arith.addi %add3A_603, %add3A_604 : i32
        %dma_start3A_606 = arith.constant 0 : i32
        %dma_start3A_607 = tpu.memref_slice %arg2[%add3A_605, %dma_start3A_606] : memref<4096x16384xf32, #tpu.memory_space<hbm>> -> memref<1x16384xf32, #tpu.memory_space<hbm>>
        %dma_start3A_608 = tpu.memref_squeeze %dma_start3A_607 : memref<1x16384xf32, #tpu.memory_space<hbm>> -> memref<16384xf32, #tpu.memory_space<hbm>>
        %dma_start3A_609 = arith.constant 0 : i32
        %dma_start3A_610 = tpu.memref_slice %arg2[%add3A_605, %dma_start3A_609] : memref<4096x16384xf32, #tpu.memory_space<hbm>> -> memref<1x16384xf32, #tpu.memory_space<hbm>>
        %dma_start3A_611 = tpu.memref_squeeze %dma_start3A_610 : memref<1x16384xf32, #tpu.memory_space<hbm>> -> memref<16384xf32, #tpu.memory_space<hbm>>
        tpu.enqueue_dma source(%dma_start3A_611 : memref<16384xf32, #tpu.memory_space<hbm>>) target(%arg5 : memref<16384xf32, #tpu.memory_space<vmem>>) target_semaphore(%arg11 : memref<!tpu.dma_semaphore, #tpu.memory_space<semaphore_mem>>)
      } else {
      }
    }
    %scan3A_119 = arith.constant 64 : i32
    %dma_wait3A = arith.constant 0 : i32
    %dma_wait3A_120 = arith.constant 0 : i32
    %dma_wait3A_121 = tpu.memref_slice %arg3[%dma_wait3A, %dma_wait3A_120] : memref<4096x16384xf32, #tpu.memory_space<hbm>> -> memref<1x16384xf32, #tpu.memory_space<hbm>>
    %dma_wait3A_122 = tpu.memref_squeeze %dma_wait3A_121 : memref<1x16384xf32, #tpu.memory_space<hbm>> -> memref<16384xf32, #tpu.memory_space<hbm>>
    %dma_wait3A_123 = arith.constant 0 : i32
    %dma_wait3A_124 = tpu.memref_slice %arg3[%dma_wait3A, %dma_wait3A_123] : memref<4096x16384xf32, #tpu.memory_space<hbm>> -> memref<1x16384xf32, #tpu.memory_space<hbm>>
    %dma_wait3A_125 = tpu.memref_squeeze %dma_wait3A_124 : memref<1x16384xf32, #tpu.memory_space<hbm>> -> memref<16384xf32, #tpu.memory_space<hbm>>
    tpu.wait_dma2 semaphore(%arg12 : memref<!tpu.dma_semaphore, #tpu.memory_space<semaphore_mem>>) src(%arg6 : memref<16384xf32, #tpu.memory_space<vmem>>) dst(%dma_wait3A_125 : memref<16384xf32, #tpu.memory_space<hbm>>)
    %dma_wait3A_126 = arith.constant 0 : i32
    %dma_wait3A_127 = arith.constant 0 : i32
    %dma_wait3A_128 = tpu.memref_slice %arg3[%dma_wait3A_126, %dma_wait3A_127] : memref<4096x16384xf32, #tpu.memory_space<hbm>> -> memref<1x16384xf32, #tpu.memory_space<hbm>>
    %dma_wait3A_129 = tpu.memref_squeeze %dma_wait3A_128 : memref<1x16384xf32, #tpu.memory_space<hbm>> -> memref<16384xf32, #tpu.memory_space<hbm>>
    %dma_wait3A_130 = arith.constant 0 : i32
    %dma_wait3A_131 = tpu.memref_slice %arg3[%dma_wait3A_126, %dma_wait3A_130] : memref<4096x16384xf32, #tpu.memory_space<hbm>> -> memref<1x16384xf32, #tpu.memory_space<hbm>>
    %dma_wait3A_132 = tpu.memref_squeeze %dma_wait3A_131 : memref<1x16384xf32, #tpu.memory_space<hbm>> -> memref<16384xf32, #tpu.memory_space<hbm>>
    tpu.wait_dma2 semaphore(%arg13 : memref<!tpu.dma_semaphore, #tpu.memory_space<semaphore_mem>>) src(%arg7 : memref<16384xf32, #tpu.memory_space<vmem>>) dst(%dma_wait3A_132 : memref<16384xf32, #tpu.memory_space<hbm>>)
    return
  }
}

module attributes {stable_mosaic.version = 14 : i64} {
  func.func @_enc_body(%arg0: i32, %arg1: i32, %arg2: memref<512x768xf32, #tpu.memory_space<vmem>>, %arg3: memref<1x768xf32, #tpu.memory_space<vmem>>, %arg4: memref<2048x768xf32, #tpu.memory_space<vmem>>, %arg5: memref<1x2048xf32, #tpu.memory_space<vmem>>, %arg6: memref<512x2048xf32, #tpu.memory_space<vmem>>) attributes {dimension_semantics = [#tpu.dimension_semantics<arbitrary>, #tpu.dimension_semantics<arbitrary>], iteration_bounds = array<i64: 8, 8>, scalar_prefetch = 0 : i64, scratch_operands = 0 : i64, tpu.core_type = #tpu.core_type<tc>, window_params = [{transform_indices = @transform_0, window_bounds = array<i64: 512, 768>}, {pipeline_mode = #tpu.pipeline_mode<synchronous>, transform_indices = @transform_1, window_bounds = array<i64: 1, 768>}, {transform_indices = @transform_2, window_bounds = array<i64: 2048, 768>}, {transform_indices = @transform_3, window_bounds = array<i64: 1, 2048>}, {transform_indices = @transform_4, window_bounds = array<i64: 512, 2048>}]} {
    %get3A = arith.constant 0 : index
    %get3A_0 = arith.constant 0 : index
    %get3A_1 = vector.load %arg2[%get3A, %get3A_0] : memref<512x768xf32, #tpu.memory_space<vmem>>, vector<512x768xf32>
    %get3A_2 = arith.constant 0 : index
    %get3A_3 = arith.constant 0 : index
    %get3A_4 = vector.load %arg3[%get3A_2, %get3A_3] : memref<1x768xf32, #tpu.memory_space<vmem>>, vector<1x768xf32>
    %sub3A = vector.broadcast %get3A_4 : vector<1x768xf32> to vector<512x768xf32>
    %sub3A_5 = arith.subf %get3A_1, %sub3A : vector<512x768xf32>
    %get3A_6 = arith.constant 0 : index
    %get3A_7 = arith.constant 0 : index
    %get3A_8 = vector.load %arg4[%get3A_6, %get3A_7] : memref<2048x768xf32, #tpu.memory_space<vmem>>, vector<2048x768xf32>
    %dot_general3A = arith.constant dense<0.000000e+00> : vector<512x2048xf32>
    %dot_general3A_9 = tpu.matmul %sub3A_5, %get3A_8, %dot_general3A {dimension_numbers = #tpu.dot_dimension_numbers<[1], [1], [0], [0], [0, 0, 1, 0], [], []>, transpose_lhs_hint = false} : vector<512x768xf32>, vector<2048x768xf32>, vector<512x2048xf32> -> vector<512x2048xf32>
    %get3A_10 = arith.constant 0 : index
    %get3A_11 = arith.constant 0 : index
    %get3A_12 = vector.load %arg5[%get3A_10, %get3A_11] : memref<1x2048xf32, #tpu.memory_space<vmem>>, vector<1x2048xf32>
    %add3A = vector.broadcast %get3A_12 : vector<1x2048xf32> to vector<512x2048xf32>
    %add3A_13 = arith.addf %dot_general3A_9, %add3A : vector<512x2048xf32>
    %swap3A = arith.constant 0 : index
    %swap3A_14 = arith.constant 0 : index
    %swap3A_15 = vector.load %arg6[%swap3A, %swap3A_14] : memref<512x2048xf32, #tpu.memory_space<vmem>>, vector<512x2048xf32>
    tpu.vector_store %arg6[%swap3A, %swap3A_14], %add3A_13 {strides = array<i32>} : memref<512x2048xf32, #tpu.memory_space<vmem>>, vector<512x2048xf32>,
    return
  }
  func.func @transform_0(%arg0: i32, %arg1: i32) -> (i32, i32) {
    %c0_i32 = arith.constant 0 : i32
    %c0_i32_0 = arith.constant 0 : i32
    return %arg0, %c0_i32 : i32, i32
  }
  func.func @transform_1(%arg0: i32, %arg1: i32) -> (i32, i32) {
    %c0_i32 = arith.constant 0 : i32
    %c0_i32_0 = arith.constant 0 : i32
    %c0_i32_1 = arith.constant 0 : i32
    return %c0_i32, %c0_i32_0 : i32, i32
  }
  func.func @transform_2(%arg0: i32, %arg1: i32) -> (i32, i32) {
    %c0_i32 = arith.constant 0 : i32
    %c0_i32_0 = arith.constant 0 : i32
    return %arg1, %c0_i32 : i32, i32
  }
  func.func @transform_3(%arg0: i32, %arg1: i32) -> (i32, i32) {
    %c0_i32 = arith.constant 0 : i32
    %c0_i32_0 = arith.constant 0 : i32
    return %c0_i32, %arg1 : i32, i32
  }
  func.func @transform_4(%arg0: i32, %arg1: i32) -> (i32, i32) {
    %c0_i32 = arith.constant 0 : i32
    return %arg0, %arg1 : i32, i32
  }
}

module attributes {stable_mosaic.version = 14 : i64} {
  func.func @_dec_body(%arg0: i32, %arg1: i32, %arg2: memref<512x2048xf32, #tpu.memory_space<vmem>>, %arg3: memref<768x2048xf32, #tpu.memory_space<vmem>>, %arg4: memref<1x768xf32, #tpu.memory_space<vmem>>, %arg5: memref<512x768xf32, #tpu.memory_space<vmem>>) attributes {dimension_semantics = [#tpu.dimension_semantics<arbitrary>, #tpu.dimension_semantics<arbitrary>], iteration_bounds = array<i64: 8, 8>, scalar_prefetch = 0 : i64, scratch_operands = 0 : i64, tpu.core_type = #tpu.core_type<tc>, window_params = [{transform_indices = @transform_0, window_bounds = array<i64: 512, 2048>}, {transform_indices = @transform_1, window_bounds = array<i64: 768, 2048>}, {pipeline_mode = #tpu.pipeline_mode<synchronous>, transform_indices = @transform_2, window_bounds = array<i64: 1, 768>}, {transform_indices = @transform_3, window_bounds = array<i64: 512, 768>}]} {
    %get3A = arith.constant 0 : index
    %get3A_0 = arith.constant 0 : index
    %get3A_1 = vector.load %arg2[%get3A, %get3A_0] : memref<512x2048xf32, #tpu.memory_space<vmem>>, vector<512x2048xf32>
    %get3A_2 = arith.constant 0 : index
    %get3A_3 = arith.constant 0 : index
    %get3A_4 = vector.load %arg3[%get3A_2, %get3A_3] : memref<768x2048xf32, #tpu.memory_space<vmem>>, vector<768x2048xf32>
    %dot_general3A = arith.constant dense<0.000000e+00> : vector<512x768xf32>
    %dot_general3A_5 = tpu.matmul %get3A_1, %get3A_4, %dot_general3A {dimension_numbers = #tpu.dot_dimension_numbers<[1], [1], [0], [0], [0, 0, 1, 0], [], []>, transpose_lhs_hint = false} : vector<512x2048xf32>, vector<768x2048xf32>, vector<512x768xf32> -> vector<512x768xf32>
    %eq3A = arith.constant 0 : i32
    %eq3A_6 = arith.cmpi eq, %arg1, %eq3A : i32
    %convert_element_type3A = arith.extui %eq3A_6 : i1 to i32
    %cond3A = arith.constant 0 : i32
    %cond3A_7 = arith.cmpi ne, %convert_element_type3A, %cond3A : i32
    scf.if %cond3A_7 {
      %get3A_12 = arith.constant 0 : index
      %get3A_13 = arith.constant 0 : index
      %get3A_14 = vector.load %arg4[%get3A_12, %get3A_13] : memref<1x768xf32, #tpu.memory_space<vmem>>, vector<1x768xf32>
      %add3A = vector.broadcast %get3A_14 : vector<1x768xf32> to vector<512x768xf32>
      %add3A_15 = arith.addf %dot_general3A_5, %add3A : vector<512x768xf32>
      %swap3A = arith.constant 0 : index
      %swap3A_16 = arith.constant 0 : index
      %swap3A_17 = vector.load %arg5[%swap3A, %swap3A_16] : memref<512x768xf32, #tpu.memory_space<vmem>>, vector<512x768xf32>
      tpu.vector_store %arg5[%swap3A, %swap3A_16], %add3A_15 {strides = array<i32>} : memref<512x768xf32, #tpu.memory_space<vmem>>, vector<512x768xf32>,
    } else {
    }
    %gt3A = arith.constant 0 : i32
    %gt3A_8 = arith.cmpi sgt, %arg1, %gt3A : i32
    %convert_element_type3A_9 = arith.extui %gt3A_8 : i1 to i32
    %cond3A_10 = arith.constant 0 : i32
    %cond3A_11 = arith.cmpi ne, %convert_element_type3A_9, %cond3A_10 : i32
    scf.if %cond3A_11 {
      %get3A_12 = arith.constant 0 : index
      %get3A_13 = arith.constant 0 : index
      %get3A_14 = vector.load %arg5[%get3A_12, %get3A_13] : memref<512x768xf32, #tpu.memory_space<vmem>>, vector<512x768xf32>
      %add3A = arith.addf %get3A_14, %dot_general3A_5 : vector<512x768xf32>
      %swap3A = arith.constant 0 : index
      %swap3A_15 = arith.constant 0 : index
      %swap3A_16 = vector.load %arg5[%swap3A, %swap3A_15] : memref<512x768xf32, #tpu.memory_space<vmem>>, vector<512x768xf32>
      tpu.vector_store %arg5[%swap3A, %swap3A_15], %add3A {strides = array<i32>} : memref<512x768xf32, #tpu.memory_space<vmem>>, vector<512x768xf32>,
    } else {
    }
    return
  }
  func.func @transform_0(%arg0: i32, %arg1: i32) -> (i32, i32) {
    %c0_i32 = arith.constant 0 : i32
    return %arg0, %arg1 : i32, i32
  }
  func.func @transform_1(%arg0: i32, %arg1: i32) -> (i32, i32) {
    %c0_i32 = arith.constant 0 : i32
    %c0_i32_0 = arith.constant 0 : i32
    return %c0_i32, %arg1 : i32, i32
  }
  func.func @transform_2(%arg0: i32, %arg1: i32) -> (i32, i32) {
    %c0_i32 = arith.constant 0 : i32
    %c0_i32_0 = arith.constant 0 : i32
    %c0_i32_1 = arith.constant 0 : i32
    return %c0_i32, %c0_i32_0 : i32, i32
  }
  func.func @transform_3(%arg0: i32, %arg1: i32) -> (i32, i32) {
    %c0_i32 = arith.constant 0 : i32
    %c0_i32_0 = arith.constant 0 : i32
    return %arg0, %c0_i32 : i32, i32
  }
}

</mosaic_0001>

<sc_bundles>
// kernel: kernel.5.cloned.1.call-start
scs
__scs_entry_jumppad:
0x0: {  	(pc) =	sbr.rel $0x88, $3  }
0x1: {  	(tag) =	ssettag $0x0;
	lr =	simm.s32 $0x1  }
0x2: {  	[smem:$0x3F9B] =	sst lr;
	_ =	strace $0xD0000000  }
0x3: {  	_ = 	snop  }
0x4: {  	_ = 	snop  }
0x5: {  	_ = 	snop  }
0x6: {  	_ = 	snop  }
0x7: {  	_ = 	snop  }
__scs_overlays_trampoline_lowered:
0x8: {  	[smem:$0x3FAA] =	sst s0  }
0x9: {  	[smem:$0x3FAB] =	sst s1  }
0xa: {  	[smem:$0x3FAC] =	sst s2  }
0xb: {  	[smem:$0x3FAD] =	sst s3  }
0xc: {  	[smem:$0x3FAE] =	sst s4  }
0xd: {  	[smem:$0x3FAF] =	sst s5  }
0xe: {  	[smem:$0x3FB0] =	sst s6  }
0xf: {  	[smem:$0x3FB1] =	sst s7  }
0x10: {  	[smem:$0x3FB2] =	sst s8  }
0x11: {  	[smem:$0x3FB3] =	sst s9;
	s0 =	simm.s32 @!p0 $0x0  }
0x12: {  	s1 =	sld [smem:$0x3F99];
	s0 =	simm.s32 @p0 $0x1  }
0x13: {  	[smem:$0x3FB4] =	sst s0;
	s0 =	simm.s32 @!p1 $0x0  }
0x14: {  	s2 =	sld [smem:$0x3F98];
	s0 =	simm.s32 @p1 $0x1  }
0x15: {  	[smem:$0x3FB5] =	sst s0;
	s0 =	simm.s32 @!p2 $0x0  }
0x16: {  	s3 =	sld [smem:$0x3FDB];
	s0 =	simm.s32 @p2 $0x1  }
0x17: {  	s4 =	simm.s32 $0x1BF5;
	[smem:$0x3FB7] =	sst s0  }
0x18: {  	s0 =	sld [smem:$0x3F9A];
	_ =	swait.ge [sflag:s4], $0x0  }
0x19: {  	s7 =	sld [smem:$0x3F9B]  }
0x1a: {  	s8 =	sadd.s32 $0xFFFFE003, lr  }
0x1b: {  	s9 =	sadd.s32 $0xFFFFFEF7, lr;
	s5 =	simm.s32 $0xFFFFFFFF;
	p2 =	slt.u32 s8, $0xFFFFF086  }
0x1c: {  	p1 =	slt.u32 s9, $0xF7A;
	s5 =	simm.s32 @!p2 $0x0  }
0x1d: {  	s5 =	simm.s32 @p1 $0x1;
	p0 =	seq.s32 s7, s2  }
0x1e: {  	s7 =	smul.u32 @!p0 $0xF7A, s2;
	p2 =	seq.s32 @!p0 s5, $0x0  }
0x1f: {  	s9 =	smul.u32 $0xF7A, s1;
	s8 =	simm.s32 @!p0 $0x1BF5;
	p2 =	por !p2, p0  }
0x20: {  	[sflag:s8] =	ssyncset.s32 @!p0 $0xFFFFF086;
	s6 =	sadd.s32 @!p0 s3, s7;
	s7 =	simm.s32 @!p0 $0x108  }
0x21: {  	s3 =	sadd.s32 s3, s9;
	s6 =	sadd.s32 @!p0 $0x88, s6;
	s7 =	simm.s32 @p2 $0x1082  }
0x22: {  	[simem:s7], [sflag:s8] =	dma.local @!p0 [hbm:s6], $0xF7A  }
0x23: {  	s9 =	sor.u32 $0xD0000000, s2;
	s6 =	simm.s32 $0x108;
	_ =	swait.ge @!p0 [sflag:s8], $0x0  }
0x24: {  	s3 =	sadd.s32 $0x88, s3;
	s6 =	simm.s32 @!p1 $0x1082;
	[sflag:s4] =	ssyncset.s32 $0xFFFFF086  }
0x25: {  	[simem:s6], [sflag:s4] =	dma.local [hbm:s3], $0xF7A  }
0x26: {  	[smem:$0x3F9B] =	sst s1;
	(tag) =	ssettag s2;
	_ =	strace s9  }
0x27: {  	s1 =	sld [smem:$0x3FAB]  }
0x28: {  	s2 =	sld [smem:$0x3FAC]  }
0x29: {  	s4 =	sld [smem:$0x3FAE]  }
0x2a: {  	p0 =	seq.s32 s5, $0x0;
	s5 =	sld [smem:$0x3FAF]  }
0x2b: {  	s6 =	sld [smem:$0x3FB0]  }
0x2c: {  	s7 =	sld [smem:$0x3FB1]  }
0x2d: {  	s3 =	simm.s32 $0x108;
	s8 =	sld [smem:$0x3FB2]  }
0x2e: {  	s3 =	simm.s32 @!p0 $0x1082;
	s9 =	sld [smem:$0x3FB3]  }
0x2f: {  	lr =	sadd.s32 s0, s3;
	s0 =	sld [smem:$0x3FAA]  }
0x30: {  	s3 =	sld [smem:$0x3FAD]  }
0x31: {  	[smem:$0x3FB6] =	sst s10  }
0x32: {  	s10 =	sld [smem:$0x3FB4];
	_ =	sdelay $0x3  }
0x33: {  	p0 =	seq.s32 s10, $0x1;
	s10 =	sld [smem:$0x3FB6];
	_ =	sdelay $0x3  }
0x34: {  	[smem:$0x3FB6] =	sst s10  }
0x35: {  	s10 =	sld [smem:$0x3FB5];
	_ =	sdelay $0x3  }
0x36: {  	p1 =	seq.s32 s10, $0x1;
	s10 =	sld [smem:$0x3FB6];
	_ =	sdelay $0x3  }
0x37: {  	[smem:$0x3FB6] =	sst s10  }
0x38: {  	s10 =	sld [smem:$0x3FB7]  }
0x39: {  	_ = 	snop;
	(pc) =	sbr.ind lr, $3  }
0x3a: {  	_ = 	snop  }
0x3b: {  	_ = 	snop  }
0x3c: {  	p2 =	seq.s32 s10, $0x1;
	s10 =	sld [smem:$0x3FB6]  }
0x3d: {  	_ =	shalt  }
0x3e: {  	_ =	shalt  }
0x3f: {  	_ =	shalt  }
0x40: {  	_ =	shalt  }
0x41: {  	_ =	shalt  }
0x42: {  	_ =	shalt  }
0x43: {  	_ =	shalt  }
0x44: {  	_ =	shalt  }
0x45: {  	_ =	shalt  }
0x46: {  	_ =	shalt  }
0x47: {  	_ =	shalt  }
0x48: {  	_ =	shalt  }
0x49: {  	_ =	shalt  }
0x4a: {  	_ =	shalt  }
0x4b: {  	_ =	shalt  }
0x4c: {  	_ =	shalt  }
0x4d: {  	_ =	shalt  }
0x4e: {  	_ =	shalt  }
0x4f: {  	_ =	shalt  }
0x50: {  	_ =	shalt  }
0x51: {  	_ =	shalt  }
0x52: {  	_ =	shalt  }
0x53: {  	_ =	shalt  }
0x54: {  	_ =	shalt  }
0x55: {  	_ =	shalt  }
0x56: {  	_ =	shalt  }
0x57: {  	_ =	shalt  }
0x58: {  	_ =	shalt  }
0x59: {  	_ =	shalt  }
0x5a: {  	_ =	shalt  }
0x5b: {  	_ =	shalt  }
0x5c: {  	_ =	shalt  }
0x5d: {  	_ =	shalt  }
0x5e: {  	_ =	shalt  }
0x5f: {  	_ =	shalt  }
0x60: {  	_ =	shalt  }
0x61: {  	_ =	shalt  }
0x62: {  	_ =	shalt  }
0x63: {  	_ =	shalt  }
0x64: {  	_ =	shalt  }
0x65: {  	_ =	shalt  }
0x66: {  	_ =	shalt  }
0x67: {  	_ =	shalt  }
0x68: {  	_ =	shalt  }
0x69: {  	_ =	shalt  }
0x6a: {  	_ =	shalt  }
0x6b: {  	_ =	shalt  }
0x6c: {  	_ =	shalt  }
0x6d: {  	_ =	shalt  }
0x6e: {  	_ =	shalt  }
0x6f: {  	_ =	shalt  }
0x70: {  	_ =	shalt  }
0x71: {  	_ =	shalt  }
0x72: {  	_ =	shalt  }
0x73: {  	_ =	shalt  }
0x74: {  	_ =	shalt  }
0x75: {  	_ =	shalt  }
0x76: {  	_ =	shalt  }
0x77: {  	_ =	shalt  }
0x78: {  	_ =	shalt  }
0x79: {  	_ =	shalt  }
0x7a: {  	_ =	shalt  }
0x7b: {  	_ =	shalt  }
0x7c: {  	_ =	shalt  }
0x7d: {  	_ =	shalt  }
0x7e: {  	_ =	shalt  }
0x7f: {  	_ =	shalt  }
0x80: {  	_ =	shalt  }
0x81: {  	_ =	shalt  }
0x82: {  	_ =	shalt  }
0x83: {  	_ =	shalt  }
0x84: {  	_ =	shalt  }
0x85: {  	_ =	shalt  }
0x86: {  	_ =	shalt  }
0x87: {  	_ =	shalt  }
.Lfunc_end0:
.L_simem_size_0:
called_computation_lowered:
.L_overlay_start_0:
0x88: {  	s2 =	sld [smem:$0x3FD9]  }
0x89: {  	s3 =	sld [smem:$0x3FFE];
	_ =	sdelay $0x1  }
0x8a: {  	s1 =	srdreg.scid  }
0x8b: {  	s0 =	sand.u32 $0x1, s1  }
0x8c: {  	s15 =	sshll.u32 s0, $0xA;
	s2 =	sadd.s32 s3, s2  }
0x8d: {  	s2 =	sadd.s32 s2, s15  }
0x8e: {  	[smem:$0x3FC2] =	sst s2  }
0x8f: {  	_ = 	snop  }
0x90: {  	s2 =	sld [smem:$0x3FD0];
	_ =	sdelay $0x2  }
0x91: {  	s16 =	simm.s32 $0xA;
	s4 =	simm.s32 $0x10  }
0x92: {  	[smem:s4], [sflag:s16] =	dma.local [hbm:s2], $0x1  }
0x93: {  	_ =	swait.eq [sflag:s16], $0x1  }
0x94: {  	[sflag:s16] =	ssyncset.done $0x0  }
0x95: {  	s17 =	sld [smem:$0x11];
	[sflag:s16] =	ssyncadd.s32 $0xFFFFFFFF  }
0x96: {  	s18 =	sld [smem:$0x12];
	(tm) =	ssettm $0x1  }
0x97: {  	s19 =	sld [smem:$0x3FFB];
	_ =	sdelay $0x3  }
0x98: {  	_ =	strace s19  }
0x99: {  	s4 =	sld [smem:$0x3FFC];
	_ =	sdelay $0x3  }
0x9a: {  	_ =	strace s4  }
0x9b: {  	s4 =	sld [smem:$0x3FFD];
	_ =	sdelay $0x3  }
0x9c: {  	_ =	strace s4  }
0x9d: {  	_ =	strace $0x8FFFFFFF  }
0x9e: {  	s20 =	sld [smem:$0x3FDB];
	_ =	sdelay $0x1  }
0x9f: {  	s5 =	simm.s32 $_scs_section_size  }
0xa0: {  	s6 =	simm.s32 $_size__tile_overlayer_lowered;
	s7 =	simm.s32 $_tile_overlayer_lowered  }
0xa1: {  	s23 =	simm.s32 $0x1BFF;
	s22 =	sshll.u32 s7, $0x1;
	s4 =	sadd.s32 s5, s20  }
0xa2: {  	s8 =	simm.s32 $0x0;
	s21 =	sshll.u32 s6, $0x1;
	s6 =	sadd.s32 s22, s4  }
0xa3: {  	[timem:s8], [sflag:s23] =	dma.local [hbm:s6], s21  }
0xa4: {  	_ =	swait.ge [sflag:s23], s21  }
0xa5: {  	s5 =	ssub.s32 $0x0, s21;
	[sflag:s23] =	ssyncset.done $0x0  }
0xa6: {  	[sflag:s23] =	ssyncadd.s32 s5;
	_ =	sdelay $0x1  }
0xa7: {  	s24 =	simm.s32 $0x1B8B  }
0xa8: {  	_ =	swait.ge [sflag:s24], $0x1  }
0xa9: {  	[sflag:s24] =	ssyncset.done $0x0  }
0xaa: {  	s25 =	simm.s32 $0x1B8E;
	[sflag:s24] =	ssyncadd.s32 $0xFFFFFFFF  }
0xab: {  	s26 =	simm.s32 $execute0_lowered;
	[smem:$0x3FD2] =	sst s25  }
0xac: {  	s5 =	sshll.u32 s26, $0x1;
	_ =	strace $0x80000046;
	[dreg:$0x1] =	wrdreg $0xFFFFFFFF  }
0xad: {  	s28 =	simm.s32 $_size_execute0_lowered;
	s4 =	sadd.s32 s4, s5;
	[dreg:$0x0] =	wrdreg $0x0  }
0xae: {  	s5 =	sshll.u32 s28, $0x1;
	[dreg:$0x2] =	wrdreg s4  }
0xaf: {  	[dreg:$0x3] =	wrdreg s5  }
0xb0: {  	[dreg:$0x4] =	wrdreg $0xC0  }
0xb1: {  	_ =	task [dreg:s8], $0x5FFFF  }
0xb2: {  	[dreg:$0x1] =	wrdreg $0xFFFFFFFF  }
0xb3: {  	[dreg:$0x0] =	wrdreg $0x60  }
0xb4: {  	[dreg:$0x2] =	wrdreg s18  }
0xb5: {  	[dreg:$0x3] =	wrdreg s17  }
0xb6: {  	[dreg:$0x4] =	wrdreg $0x9  }
0xb7: {  	_ =	task.clear_ibuf [dreg:s8], $0x5FFFF;
	_ =	strace $0x90000046  }
0xb8: {  	s29 =	simm.s32 $0x9;
	_ =	strace $0x80000048  }
0xb9: {  	_ =	swait.ge [sflag:s29], $0x1  }
0xba: {  	[sflag:s29] =	ssyncadd.s32 $0xFFFFFFFF  }
0xbb: {  	_ =	strace $0x90000048  }
0xbc: {  	_ =	sfence  }
0xbd: {  	s30 =	sld [smem:$0x0];
	_ =	sdelay $0x2  }
0xbe: {  	s31 =	sshll.u32 s1, $0xD;
	s1 =	sshrl.u32 s1, $0x2  }
0xbf: {  	s3 =	sand.u32 $0x4000, s31;
	s1 =	sadd.s32 s1, s30  }
0xc0: {  	s0 =	sor.u32 s3, s0;
	s1 =	sshll.u32 s1, $0x11  }
0xc1: {  	s0 =	sor.u32 s1, s0  }
0xc2: {  	s0 =	sadd.s32 $0x8F2B, s0  }
0xc3: {  	[sflag:s0] =	ssyncadd.remote.s32 $0x1  }
0xc4: {  	_ =	sfence.sel $0xFFFF  }
0xc5: {  	[dreg:$0x0] =	wrdreg $0xFFFFFFFF;
	(pc) =	sbr.abs _section_cstart, $3  }
0xc6: {  	[dreg:$0x1] =	wrdreg $0xFFFFFFFF  }
0xc7: {  	_ =	task.clear_ibuf [dreg:s8], $0x2FFFF;
	_ =	strace $0x9FFFFFFF  }
0xc8: {  	(tm) =	ssettm $0x7FFFFFFF  }
0xc9: {  	_ =	shalt  }
tec
execute0_lowered:
.L_overlay_start_1:
0x0: {  	(tag) =	ssettag $0x1  }
0x1: {  	s0 =	srdreg.scid  }
0x2: {  	s1 =	rddreg [dreg:$0x0];
	s2 =	stileid.u32  }
0x3: {  	s3 =	rddreg [dreg:$0x1];
	s6 =	simm.s32 $0x0;
	s9 =	simm.s32 $0x80  }
0x4: {  	v0 =	vlaneseq.u32;
	s10 =	simm.s32 $0x400;
	s11 =	simm.s32 $0x4000;
	s12 =	simm.s32 $0x1  }
0x5: {  	s13 =	simm.s32 $0x14000;
	s14 =	simm.s32 $0x10000;
	s15 =	simm.s32 $0x8000;
	v1 =	vmul.u32 $0x10, v0  }
0x6: {  	v2 =	vimm.s32 $0x0;
	v3 =	vimm.s32 $0x1;
	s16 =	simm.s32 $0x2;
	s17 =	simm.s32 $0xC000;
	s0 =	sand.u32 $0x1, s0  }
0x7: {  	v20 =	vimm.f32 $0.0e+00;
	s2 =	sshll.u32 s2, $0x8;
	v19 =	vmul.u32 $0xFFFFFFFF, v0;
	s4 =	sshll.u32 s0, $0x7;
	s0 =	ssub.s32 $0x2, s0;
	v4 =	vor.u32 $0x1, v1  }
.Ltmp0:
0x8: {  	s4 =	sor.u32 s4, s2;
	s30 =	sshrl.u32 s0, $0x1;
	v5 =	vor.u32 $0x2, v1;
	v6 =	vor.u32 $0x3, v1;
	v7 =	vor.u32 $0x4, v1;
	(pc) =	sbr.rel .LBB2_1-.Ltmp0, $4  }
0x9: {  	s18 =	simm.s32 $0x3;
	v8 =	vor.u32 $0x5, v1;
	v9 =	vor.u32 $0x6, v1;
	v10 =	vor.u32 $0x7, v1;
	s5 =	sshll.u32 s4, $0xB;
	s0 =	ssub.s32 s0, s30  }
0xa: {  	[smem:$0x7FF] =	sst s6;
	v11 =	vor.u32 $0x8, v1;
	v12 =	vor.u32 $0x9, v1;
	v13 =	vor.u32 $0xA, v1;
	s6 =	sadd.s32 s1, s5;
	s0 =	smax.u32 s0, $0x1  }
0xb: {  	_ =	strace $0x80000047;
	v14 =	vor.u32 $0xB, v1;
	v15 =	vor.u32 $0xC, v1;
	v16 =	vor.u32 $0xD, v1;
	s31 =	sadd.s32 $0x10, s6;
	[dreg:$0x4] =	wrdreg s0  }
0xc: {  	s19 =	simm.s32 $0x4;
	s20 =	simm.s32 $0x0;
	v17 =	vor.u32 $0xE, v1;
	v18 =	vor.u32 $0xF, v1;
	v19 =	vadd.s32 $0xF, v19;
	[dreg:$0x3] =	wrdreg s31  }
.LBB2_110:
0xd: {  	_ =	swait.ge [sflag:s18], $0x4000  }
0xe: {  	[sflag:s18] =	ssyncset.done $0x0  }
0xf: {  	[sflag:s18] =	ssyncadd.s32 $0xFFFFC000  }
0x10: {  	_ =	swait.ge [sflag:s19], $0x4000  }
0x11: {  	s20 =	sadd.s32 $0x1, s20;
	s0 =	rddreg [dreg:$0x4]  }
0x12: {  	p0 =	sne.s32 s20, s0  }
.Ltmp1:
0x13: {  	_ = 	snop;
	(pc) =	sbr.rel @!p0 .LBB2_111-.Ltmp1, $3  }
0x14: {  	_ =	sdelay $0x1  }
0x15: {  	[sflag:s19] =	ssyncset.done $0x0  }
0x16: {  	[sflag:s19] =	ssyncadd.s32 $0xFFFFC000  }
.LBB2_1:
0x17: {  	s0 =	simm.s32 $0x0  }
0x18: {  	[tilespmem:s0], [sflag:$0x1] =	stream.strided.gather [hbm4b:s6+s9], $0x4000, s10, s9, $0x38;
	[tilespmem:$0x14100] =	vst v63  }
0x19: {  	s31 =	rddreg [dreg:$0x3];
	s21 =	simm.s32 $0x0  }
0x1a: {  	[tilespmem:s11], [sflag:$0x2] =	stream.strided.gather [hbm4b:s31+s9], $0x4000, s10, s9, $0x38;
	[tilespmem:$0x14100] =	vst v63  }
.LBB2_2:
0x1b: {  	_ =	swait.ge [sflag:s12], $0x4000  }
0x1c: {  	[sflag:s12] =	ssyncset.done $0x0  }
0x1d: {  	[sflag:s12] =	ssyncadd.s32 $0xFFFFC000  }
0x1e: {  	[tilespmem:$0x14000] =	vst v2  }
0x1f: {  	[tilespmem:$0x14010] =	vst v2  }
0x20: {  	[tilespmem:$0x14020] =	vst v2  }
0x21: {  	[tilespmem:$0x14030] =	vst v2  }
0x22: {  	[tilespmem:$0x14040] =	vst v2  }
0x23: {  	[tilespmem:$0x14050] =	vst v2  }
0x24: {  	[tilespmem:$0x14060] =	vst v2  }
0x25: {  	[tilespmem:$0x14070] =	vst v2  }
0x26: {  	[tilespmem:$0x14080] =	vst v2  }
0x27: {  	[tilespmem:$0x14090] =	vst v2  }
0x28: {  	[tilespmem:$0x140A0] =	vst v2  }
0x29: {  	[tilespmem:$0x140B0] =	vst v2  }
0x2a: {  	[tilespmem:$0x140C0] =	vst v2  }
0x2b: {  	[tilespmem:$0x140D0] =	vst v2  }
0x2c: {  	[tilespmem:$0x140E0] =	vst v2  }
0x2d: {  	s0 =	simm.s32 $0x80;
	[tilespmem:$0x140F0] =	vst v2  }
0x2e: {  	v21 =	vld [tilespmem:s0+$0x70]  }
0x2f: {  	v22 =	vld [tilespmem:s0+$0xFFFFFF90]  }
0x30: {  	v23 =	vld [tilespmem:s0+$0xFFFFFFA0]  }
0x31: {  	v31 =	vld [tilespmem:s0+$0xFFFFFFF0]  }
0x32: {  	v32 =	vld [tilespmem:s0+$0x0]  }
0x33: {  	v33 =	vld [tilespmem:s0+$0x10]  }
0x34: {  	v34 =	vld [tilespmem:s0+$0x20];
	_ =	sdelay $0x2  }
0x35: {  	v24 =	vld [tilespmem:s0+$0xFFFFFFB0];
	v27 =	vshra.s32 v21, $0x1F  }
0x36: {  	v25 =	vld [tilespmem:s0+$0xFFFFFFC0];
	v28 =	vshra.s32 v22, $0x1F;
	v30 =	vshra.s32 v23, $0x1F;
	v35 =	vshra.s32 v31, $0x1F  }
0x37: {  	v36 =	vshra.s32 v32, $0x1F;
	v56 =	vshra.s32 v33, $0x1F;
	v37 =	vshra.s32 v34, $0x1F  }
0x38: {  	v26 =	vld [tilespmem:s0+$0xFFFFFFD0];
	v27 =	vor.u32 $0x80000000, v27;
	v28 =	vor.u32 $0x80000000, v28;
	v35 =	vor.u32 $0x80000000, v35  }
0x39: {  	v29 =	vld [tilespmem:s0+$0xFFFFFFE0];
	v37 =	vor.u32 $0x80000000, v37;
	v21 =	vxor.u32 v21, v27;
	v27 =	vor.u32 $0x80000000, v30  }
0x3a: {  	v30 =	vshra.s32 v24, $0x1F;
	v22 =	vxor.u32 v22, v28;
	v31 =	vxor.u32 v31, v35  }
0x3b: {  	v34 =	vxor.u32 v34, v37;
	v28 =	vor.u32 $0x80000000, v30;
	v30 =	vshra.s32 v25, $0x1F  }
0x3c: {  	v38 =	vld [tilespmem:s0+$0x50];
	v21 =	vshrl.u32 v21, $0x18;
	v23 =	vxor.u32 v23, v27;
	v27 =	vor.u32 $0x80000000, v30  }
0x3d: {  	v22 =	vshrl.u32 v22, $0x18;
	v30 =	vshra.s32 v26, $0x1F;
	v25 =	vxor.u32 v25, v27;
	v27 =	vld [tilespmem:s0+$0xFFFFFF80]  }
0x3e: {  	v24 =	vxor.u32 v24, v28;
	v28 =	vor.u32 $0x80000000, v30;
	v30 =	vshra.s32 v29, $0x1F  }
0x3f: {  	v23 =	vshrl.u32 v23, $0x18;
	v24 =	vshrl.u32 v24, $0x18;
	v30 =	vor.u32 $0x80000000, v30  }
0x40: {  	v26 =	vxor.u32 v26, v28;
	v28 =	vld [tilespmem:s0+$0x30];
	v25 =	vshrl.u32 v25, $0x18;
	v29 =	vxor.u32 v29, v30  }
0x41: {  	v57 =	vld [tilespmem:s0+$0x40];
	v30 =	vor.u32 $0x80000000, v36;
	v36 =	vor.u32 $0x80000000, v56;
	v61 =	vshrl.u32 v26, $0x18  }
0x42: {  	v39 =	vld [tilespmem:s0+$0x60];
	v26 =	vshra.s32 v38, $0x1F;
	v30 =	vxor.u32 v32, v30;
	v58 =	vshra.s32 v27, $0x1F  }
0x43: {  	[tilespmem:v21+s13+$0x0] =	vst.idx.add.s32.msk $0xffff, v3;
	v21 =	vxor.u32 v33, v36;
	v26 =	vor.u32 $0x80000000, v26;
	v32 =	vor.u32 $0x80000000, v58  }
0x44: {  	[tilespmem:v22+s13+$0x0] =	vst.idx.add.s32.msk $0xffff, v3;
	v29 =	vshrl.u32 v29, $0x18;
	v62 =	vxor.u32 v38, v26;
	v27 =	vxor.u32 v27, v32  }
0x45: {  	[tilespmem:v23+s13+$0x0] =	vst.idx.add.s32.msk $0xffff, v3;
	v26 =	vshrl.u32 v21, $0x18;
	v59 =	vshra.s32 v28, $0x1F;
	v60 =	vshrl.u32 v27, $0x18  }
0x46: {  	[tilespmem:v25+s13+$0x0] =	vst.idx.add.s32.msk $0xffff, v3;
	v25 =	vshrl.u32 v34, $0x18;
	v32 =	vor.u32 $0x80000000, v59;
	v27 =	vshra.s32 v57, $0x1F  }
0x47: {  	[tilespmem:v24+s13+$0x0] =	vst.idx.add.s32.msk $0xffff, v3;
	v22 =	vxor.u32 v28, v32;
	v23 =	vor.u32 $0x80000000, v27;
	v27 =	vshra.s32 v39, $0x1F  }
0x48: {  	[tilespmem:v61+s13+$0x0] =	vst.idx.add.s32.msk $0xffff, v3;
	v28 =	vshrl.u32 v31, $0x18;
	v23 =	vxor.u32 v57, v23;
	v24 =	vor.u32 $0x80000000, v27  }
0x49: {  	[tilespmem:v29+s13+$0x0] =	vst.idx.add.s32.msk $0xffff, v3;
	v27 =	vshrl.u32 v30, $0x18;
	v63 =	vxor.u32 v39, v24;
	v24 =	vshrl.u32 v22, $0x18  }
0x4a: {  	s22 =	simm.s32 $0x0;
	s23 =	simm.s32 $0x180;
	v23 =	vshrl.u32 v23, $0x18;
	v22 =	vshrl.u32 v62, $0x18;
	v21 =	vshrl.u32 v63, $0x18;
	[tilespmem:v60+s13+$0x0] =	vst.idx.add.s32.msk $0xffff, v3  }
.LBB2_3:
0x4b: {  	v29 =	vld [tilespmem:s23+$0x70];
	s22 =	sadd.s32 $0x100, s22  }
0x4c: {  	v30 =	vld [tilespmem:s23+$0xFFFFFF90];
	p0 =	slt.u32 s22, $0x3F00  }
0x4d: {  	v31 =	vld [tilespmem:s23+$0xFFFFFFA0]  }
0x4e: {  	v32 =	vld [tilespmem:s23+$0xFFFFFFB0]  }
0x4f: {  	v33 =	vld [tilespmem:s23+$0xFFFFFFC0]  }
0x50: {  	v34 =	vld [tilespmem:s23+$0xFFFFFFD0];
	v35 =	vshra.s32 v29, $0x1F  }
0x51: {  	v36 =	vshra.s32 v30, $0x1F;
	v37 =	vld [tilespmem:s23+$0xFFFFFFE0];
	v35 =	vor.u32 $0x80000000, v35  }
0x52: {  	v36 =	vor.u32 $0x80000000, v36;
	v38 =	vshra.s32 v31, $0x1F;
	v39 =	vld [tilespmem:s23+$0xFFFFFFF0];
	v29 =	vxor.u32 v29, v35  }
0x53: {  	v35 =	vor.u32 $0x80000000, v38;
	v38 =	vshra.s32 v32, $0x1F;
	v40 =	vld [tilespmem:s23+$0x0];
	v29 =	vshrl.u32 v29, $0x18  }
0x54: {  	v30 =	vxor.u32 v30, v36;
	v36 =	vor.u32 $0x80000000, v38;
	v38 =	vshra.s32 v33, $0x1F;
	v41 =	vld [tilespmem:s23+$0x10]  }
0x55: {  	v31 =	vxor.u32 v31, v35;
	v35 =	vor.u32 $0x80000000, v38;
	v38 =	vshra.s32 v34, $0x1F;
	v42 =	vld [tilespmem:s23+$0x20]  }
0x56: {  	v32 =	vxor.u32 v32, v36;
	v36 =	vor.u32 $0x80000000, v38;
	v38 =	vshra.s32 v37, $0x1F;
	v43 =	vld [tilespmem:s23+$0x30]  }
0x57: {  	v33 =	vxor.u32 v33, v35;
	v35 =	vor.u32 $0x80000000, v38;
	v38 =	vshra.s32 v39, $0x1F;
	v44 =	vld [tilespmem:s23+$0x40]  }
0x58: {  	v34 =	vxor.u32 v34, v36;
	v36 =	vor.u32 $0x80000000, v38;
	v38 =	vshra.s32 v40, $0x1F;
	[tilespmem:v29+s13+$0x0] =	vst.idx.add.s32.msk $0xffff, v3  }
0x59: {  	v29 =	vxor.u32 v37, v35;
	v35 =	vor.u32 $0x80000000, v38;
	v37 =	vshra.s32 v41, $0x1F;
	v38 =	vld [tilespmem:s23+$0x50]  }
0x5a: {  	v36 =	vxor.u32 v39, v36;
	v37 =	vor.u32 $0x80000000, v37;
	v39 =	vshra.s32 v42, $0x1F;
	v45 =	vld [tilespmem:s23+$0x60]  }
0x5b: {  	v35 =	vxor.u32 v40, v35;
	v46 =	vld [tilespmem:s23+$0xFFFFFF80];
	v39 =	vor.u32 $0x80000000, v39;
	v40 =	vshra.s32 v43, $0x1F  }
0x5c: {  	v37 =	vxor.u32 v41, v37;
	v40 =	vor.u32 $0x80000000, v40;
	v41 =	vshra.s32 v44, $0x1F;
	[tilespmem:v28+s13+$0x0] =	vst.idx.add.s32.msk $0xffff, v3  }
0x5d: {  	v39 =	vxor.u32 v42, v39;
	v40 =	vxor.u32 v43, v40;
	v28 =	vor.u32 $0x80000000, v41;
	[tilespmem:v27+s13+$0x0] =	vst.idx.add.s32.msk $0xffff, v3  }
0x5e: {  	v27 =	vshrl.u32 v30, $0x18;
	v30 =	vxor.u32 v44, v28;
	v28 =	vshra.s32 v38, $0x1F;
	[tilespmem:v26+s13+$0x0] =	vst.idx.add.s32.msk $0xffff, v3  }
0x5f: {  	v26 =	vshrl.u32 v31, $0x18;
	v28 =	vor.u32 $0x80000000, v28;
	v31 =	vshra.s32 v45, $0x1F;
	[tilespmem:v25+s13+$0x0] =	vst.idx.add.s32.msk $0xffff, v3  }
0x60: {  	v25 =	vshra.s32 v46, $0x1F;
	v38 =	vxor.u32 v38, v28;
	v28 =	vor.u32 $0x80000000, v31;
	[tilespmem:v24+s13+$0x0] =	vst.idx.add.s32.msk $0xffff, v3  }
0x61: {  	v31 =	vshrl.u32 v32, $0x18;
	v24 =	vor.u32 $0x80000000, v25;
	v32 =	vxor.u32 v45, v28;
	[tilespmem:v23+s13+$0x0] =	vst.idx.add.s32.msk $0xffff, v3  }
0x62: {  	v33 =	vshrl.u32 v33, $0x18;
	v34 =	vshrl.u32 v34, $0x18;
	v23 =	vxor.u32 v46, v24;
	[tilespmem:v22+s13+$0x0] =	vst.idx.add.s32.msk $0xffff, v3  }
0x63: {  	v29 =	vshrl.u32 v29, $0x18;
	v28 =	vshrl.u32 v36, $0x18;
	v41 =	vshrl.u32 v23, $0x18;
	[tilespmem:v27+s13+$0x0] =	vst.idx.add.s32.msk $0xffff, v3  }
0x64: {  	v25 =	vshrl.u32 v39, $0x18;
	v27 =	vshrl.u32 v35, $0x18;
	[tilespmem:v26+s13+$0x0] =	vst.idx.add.s32.msk $0xffff, v3;
	v26 =	vshrl.u32 v37, $0x18  }
0x65: {  	v24 =	vshrl.u32 v40, $0x18;
	v22 =	vshrl.u32 v38, $0x18;
	v23 =	vshrl.u32 v30, $0x18;
	[tilespmem:v21+s13+$0x0] =	vst.idx.add.s32.msk $0xffff, v3  }
.Ltmp2:
0x66: {  	v21 =	vshrl.u32 v32, $0x18;
	[tilespmem:v31+s13+$0x0] =	vst.idx.add.s32.msk $0xffff, v3;
	(pc) =	sbr.rel @p0 .LBB2_3-.Ltmp2, $4  }
0x67: {  	[tilespmem:v33+s13+$0x0] =	vst.idx.add.s32.msk $0xffff, v3  }
0x68: {  	[tilespmem:v41+s13+$0x0] =	vst.idx.add.s32.msk $0xffff, v3  }
0x69: {  	[tilespmem:v34+s13+$0x0] =	vst.idx.add.s32.msk $0xffff, v3  }
0x6a: {  	s23 =	sadd.s32 $0x100, s23;
	[tilespmem:v29+s13+$0x0] =	vst.idx.add.s32.msk $0xffff, v3  }
0x6b: {  	_ =	sdelay $0x3  }
0x6c: {  	[tilespmem:v28+s13+$0x0] =	vst.idx.add.s32.msk $0xffff, v3  }
0x6d: {  	[tilespmem:v27+s13+$0x0] =	vst.idx.add.s32.msk $0xffff, v3  }
0x6e: {  	[tilespmem:v26+s13+$0x0] =	vst.idx.add.s32.msk $0xffff, v3  }
0x6f: {  	[tilespmem:v25+s13+$0x0] =	vst.idx.add.s32.msk $0xffff, v3  }
0x70: {  	[tilespmem:v24+s13+$0x0] =	vst.idx.add.s32.msk $0xffff, v3  }
0x71: {  	[tilespmem:v23+s13+$0x0] =	vst.idx.add.s32.msk $0xffff, v3  }
0x72: {  	[tilespmem:v22+s13+$0x0] =	vst.idx.add.s32.msk $0xffff, v3  }
0x73: {  	[tilespmem:v21+s13+$0x0] =	vst.idx.add.s32.msk $0xffff, v3  }
0x74: {  	v21 =	vld.idx.msk [tilespmem:v1+s13+$0x0], $0xffff  }
0x75: {  	v22 =	vld.idx.msk [tilespmem:v4+s13+$0x0], $0xffff  }
0x76: {  	v23 =	vld.idx.msk [tilespmem:v5+s13+$0x0], $0xffff  }
0x77: {  	v24 =	vld.idx.msk [tilespmem:v6+s13+$0x0], $0xffff  }
0x78: {  	v25 =	vld.idx.msk [tilespmem:v7+s13+$0x0], $0xffff  }
0x79: {  	v26 =	vld.idx.msk [tilespmem:v8+s13+$0x0], $0xffff  }
0x7a: {  	v21 =	vadd.s32 v21, v22;
	v22 =	vld.idx.msk [tilespmem:v9+s13+$0x0], $0xffff  }
0x7b: {  	v21 =	vadd.s32 v23, v21;
	v23 =	vld.idx.msk [tilespmem:v10+s13+$0x0], $0xffff  }
0x7c: {  	v21 =	vadd.s32 v24, v21;
	v24 =	vld.idx.msk [tilespmem:v11+s13+$0x0], $0xffff  }
0x7d: {  	v21 =	vadd.s32 v25, v21;
	v25 =	vld.idx.msk [tilespmem:v12+s13+$0x0], $0xffff  }
0x7e: {  	v21 =	vadd.s32 v26, v21;
	v26 =	vld.idx.msk [tilespmem:v13+s13+$0x0], $0xffff  }
0x7f: {  	v21 =	vadd.s32 v22, v21;
	v22 =	vld.idx.msk [tilespmem:v14+s13+$0x0], $0xffff  }
0x80: {  	v21 =	vadd.s32 v23, v21;
	v23 =	vld.idx.msk [tilespmem:v15+s13+$0x0], $0xffff  }
0x81: {  	v21 =	vadd.s32 v24, v21;
	v24 =	vld.idx.msk [tilespmem:v16+s13+$0x0], $0xffff  }
0x82: {  	v21 =	vadd.s32 v25, v21;
	v25 =	vld.idx.msk [tilespmem:v17+s13+$0x0], $0xffff  }
0x83: {  	v21 =	vadd.s32 v26, v21;
	v26 =	vld.idx.msk [tilespmem:v18+s13+$0x0], $0xffff  }
0x84: {  	v21 =	vadd.s32 v22, v21  }
0x85: {  	v21 =	vadd.s32 v23, v21  }
0x86: {  	v21 =	vadd.s32 v24, v21  }
0x87: {  	v21 =	vadd.s32 v25, v21  }
0x88: {  	v21 =	vadd.s32 v26, v21  }
0x89: {  	v22 =	vperm.xlane v21, v19;
	_ =	sdelay $0x1  }
0x8a: {  	(xrf0) =	vadd.scan.msk.s32 $0xffff, v22;
	_ =	sdelay $0x5  }
0x8b: {  	v22, _, _ =	vpop (xrf0)  }
0x8c: {  	v22 =	vperm.xlane v22, v19;
	_ =	sdelay $0x1  }
0x8d: {  	vm0 =	vgt.s32 v22, $0x3F  }
0x8e: {  	v22 =	vsel vm0, $0x1, v2  }
0x8f: {  	(xrf0) =	vadd.scan.msk.s32 $0xffff, v22;
	_ =	sdelay $0x5  }
0x90: {  	v22, _, _ =	vpop (xrf0)  }
0x91: {  	(v2sf) =	vpush v22, $0xF;
	_ =	sdelay $0xe  }
0x92: {  	s0 =	spop (v2sf)  }
0x93: {  	s0 =	sadd.s32 $0xFFFFFFFF, s0  }
0x94: {  	s2 =	sshll.u32 s0, $0x4  }
0x95: {  	v22 =	vld [tilespmem:s2+$0x14000];
	_ =	sdelay $0x2  }
0x96: {  	v23 =	vmov s0  }
0x97: {  	vm0 =	vlt.s32 v23, v0  }
0x98: {  	v21 =	vnsel vm0, $0x0, v21;
	v23 =	vperm.xlane v22, v19  }
0x99: {  	(xrf0) =	vadd.scan.msk.s32 $0xffff, v21  }
0x9a: {  	(xrf0) =	vadd.scan.msk.s32 $0xffff, v23;
	_ =	sdelay $0x4  }
0x9b: {  	v21, _, _ =	vpop (xrf0)  }
0x9c: {  	v23, _, _ =	vpop (xrf0)  }
0x9d: {  	v24 =	vbroadcast v21, $0xF;
	v23 =	vperm.xlane v23, v19;
	_ =	sdelay $0x1  }
0x9e: {  	v23 =	vadd.s32 v23, v24  }
0x9f: {  	vm0 =	vgt.s32 v23, $0x3F  }
0xa0: {  	v23 =	vsel vm0, $0x1, v2  }
0xa1: {  	(xrf0) =	vadd.scan.msk.s32 $0xffff, v23;
	_ =	sdelay $0x5  }
0xa2: {  	v23, _, _ =	vpop (xrf0)  }
0xa3: {  	(v2sf) =	vpush v23, $0xF;
	_ =	sdelay $0x7  }
0xa4: {  	s31 =	simm.s32 $0x40;
	[tilespmem:$0x10000] =	vst v2  }
0xa5: {  	v25 =	vld [tilespmem:s31+$0x10]  }
0xa6: {  	v23 =	vld [tilespmem:s31+$0xFFFFFFC0]  }
0xa7: {  	v28 =	vld [tilespmem:s31+$0x30]  }
0xa8: {  	v29 =	vld [tilespmem:s31+$0xFFFFFFE0]  }
0xa9: {  	v34 =	vld [tilespmem:s31+$0xFFFFFFF0]  }
0xaa: {  	v36 =	vld [tilespmem:s31+$0x0]  }
0xab: {  	v24 =	vld [tilespmem:s31+$0x20];
	v26 =	vshra.s32 v23, $0x1F;
	s5 =	spop (v2sf)  }
0xac: {  	v35 =	vimm.s32 $0xFFFFFFFF;
	v37 =	vld [tilespmem:s31+$0xFFFFFFD0];
	v26 =	vor.u32 $0x80000000, v26;
	s23 =	sadd.s32 $0xFFFFFFFF, s5  }
0xad: {  	v31 =	vshra.s32 v25, $0x1F;
	v32 =	vshra.s32 v28, $0x1F;
	v26 =	vxor.u32 v23, v26;
	s22 =	sadd.s32 s2, s23  }
0xae: {  	v38 =	vshra.s32 v29, $0x1F;
	v23 =	vshrl.u32 v26, $0x18;
	v27 =	vmov s22  }
0xaf: {  	v39 =	vshra.s32 v34, $0x1F;
	v53 =	vshra.s32 v36, $0x1F;
	vm0 =	veq.s32 v23, v27  }
0xb0: {  	v33 =	vor.u32 $0x80000000, v31;
	v30 =	vshra.s32 v24, $0x1F;
	v23 =	vmpcnt.ones.xlane vm0  }
0xb1: {  	v41 =	vshra.s32 v37, $0x1F;
	v25 =	vxor.u32 v25, v33;
	v30 =	vor.u32 $0x80000000, v30  }
0xb2: {  	v31 =	vadd.s32 v35, v23;
	v23 =	vxor.u32 v24, v30;
	v30 =	vor.u32 $0x80000000, v38  }
0xb3: {  	v40 =	vshrl.u32 v25, $0x18;
	v24 =	vsel vm0, $0x1, v2;
	v30 =	vxor.u32 v29, v30  }
0xb4: {  	v32 =	vor.u32 $0x80000000, v32;
	vm5 =	veq.s32 v40, v27;
	(xrf0) =	vadd.scan.msk.s32 $0xffff, v24;
	v54 =	vshrl.u32 v30, $0x18  }
0xb5: {  	v58 =	vsel vm5, $0x1, v2;
	v29 =	vor.u32 $0x80000000, v39;
	vm3 =	veq.s32 v54, v27  }
0xb6: {  	v24 =	vxor.u32 v28, v32;
	v28 =	vor.u32 $0x80000000, v41;
	v55 =	vsel vm3, $0x1, v2  }
0xb7: {  	v52 =	vshrl.u32 v23, $0x18;
	v32 =	vxor.u32 v37, v28;
	v29 =	vxor.u32 v34, v29;
	(xrf0) =	vadd.scan.msk.s32 $0xffff, v55  }
0xb8: {  	v28 =	vor.u32 $0x80000000, v53;
	v60 =	vshrl.u32 v24, $0x18;
	v56 =	vshrl.u32 v32, $0x18  }
0xb9: {  	vm7 =	veq.s32 v52, v27;
	v28 =	vxor.u32 v36, v28;
	vm4 =	veq.s32 v56, v27  }
0xba: {  	v57 =	vshrl.u32 v29, $0x18;
	vm1 =	veq.s32 v60, v27;
	v59 =	vsel vm4, $0x1, v2;
	(xrf0) =	vadd.scan.msk.s32 $0xffff, v58;
	v61, _, _ =	vpop (xrf0)  }
0xbb: {  	v37 =	vsel vm7, $0x1, v2;
	vm2 =	veq.s32 v57, v27;
	(xrf0) =	vadd.scan.msk.s32 $0xffff, v59;
	v34 =	vadd.s32 v35, v61  }
0xbc: {  	v33 =	vmpcnt.ones.xlane vm3;
	v63 =	vshrl.u32 v28, $0x18;
	v62 =	vsel vm2, $0x1, v2  }
0xbd: {  	s24 =	simm.s32 $0x0;
	s25 =	simm.s32 $0xC0;
	v38 =	vmpcnt.ones.xlane vm4;
	vm6 =	veq.s32 v63, v27;
	v35 =	vmpcnt.ones.xlane vm5;
	v36, _, _ =	vpop (xrf0);
	(xrf0) =	vadd.scan.msk.s32 $0xffff, v62  }
.LBB2_5:
0xbe: {  	v39 =	vld [tilespmem:s25+$0xFFFFFFC0];
	s24 =	sadd.s32 $0x80, s24;
	v40 =	vsel vm1, $0x1, v2;
	(xrf0) =	vadd.scan.msk.s32 $0xffff, v37  }
0xbf: {  	v41 =	vmpcnt.ones.xlane vm2;
	v37 =	vld [tilespmem:s25+$0x20];
	p0 =	slt.u32 s24, $0x3F80;
	v38 =	vadd.s32 v31, v38;
	(xrf0) =	vadd.scan.msk.s32 $0xffff, v40  }
0xc0: {  	v40 =	vld [tilespmem:s25+$0x10];
	[tilespmem:v34+s14+$0x0] =	vst.idx.msk vm0, v26;
	v34 =	vadd.s32 v38, v36;
	v33 =	vadd.s32 v38, v33;
	v26 =	vmpcnt.ones.xlane vm6;
	v36, _, _ =	vpop (xrf0)  }
0xc1: {  	v42 =	vsel vm6, $0x1, v2;
	v43 =	vmpcnt.ones.xlane vm1;
	v38 =	vld [tilespmem:s25+$0x30];
	v41 =	vadd.s32 v33, v41;
	v44, _, _ =	vpop (xrf0)  }
0xc2: {  	v45 =	vld [tilespmem:s25+$0xFFFFFFE0];
	v31 =	vadd.s32 v31, v44;
	v26 =	vadd.s32 v41, v26;
	v44 =	vmpcnt.ones.xlane vm7;
	(xrf0) =	vadd.scan.msk.s32 $0xffff, v42  }
0xc3: {  	v42 =	vshra.s32 v39, $0x1F;
	v46 =	vld [tilespmem:s25+$0xFFFFFFD0];
	v36 =	vadd.s32 v26, v36;
	v35 =	vadd.s32 v26, v35;
	v47, _, _ =	vpop (xrf0)  }
0xc4: {  	v26 =	vor.u32 $0x80000000, v42;
	v42 =	vld [tilespmem:s25+$0xFFFFFFF0];
	v48 =	vshra.s32 v37, $0x1F;
	v44 =	vadd.s32 v35, v44;
	v49, _, _ =	vpop (xrf0)  }
0xc5: {  	v26 =	vxor.u32 v39, v26;
	v39 =	vld [tilespmem:s25+$0x0];
	v50 =	vshra.s32 v40, $0x1F;
	[tilespmem:v34+s14+$0x0] =	vst.idx.msk vm3, v30;
	v34 =	vadd.s32 v44, v43;
	v30, _, _ =	vpop (xrf0)  }
0xc6: {  	v35 =	vadd.s32 v35, v49;
	v43 =	vshrl.u32 v26, $0x18;
	v51 =	vshra.s32 v38, $0x1F  }
0xc7: {  	v33 =	vadd.s32 v33, v47;
	vm0 =	veq.s32 v43, v27;
	v43 =	vadd.s32 v44, v30  }
0xc8: {  	v47 =	vor.u32 $0x80000000, v48;
	v44 =	vor.u32 $0x80000000, v50;
	v30 =	vmpcnt.ones.xlane vm0;
	[tilespmem:v36+s14+$0x0] =	vst.idx.msk vm5, v25;
	v25, _, _ =	vpop (xrf0)  }
0xc9: {  	v36 =	vshra.s32 v45, $0x1F;
	v48 =	vshra.s32 v42, $0x1F;
	[tilespmem:v31+s14+$0x0] =	vst.idx.msk vm4, v32;
	v32 =	vadd.s32 v41, v25  }
0xca: {  	v25 =	vxor.u32 v40, v44;
	v31 =	vadd.s32 v34, v30;
	v30 =	vxor.u32 v37, v47  }
0xcb: {  	v36 =	vor.u32 $0x80000000, v36;
	v37 =	vsel vm0, $0x1, v2;
	v40 =	vshrl.u32 v30, $0x18;
	[tilespmem:v35+s14+$0x0] =	vst.idx.msk vm7, v23;
	v23 =	vmovc v30  }
0xcc: {  	v30 =	vxor.u32 v45, v36;
	v35 =	vor.u32 $0x80000000, v48;
	v36 =	vshra.s32 v39, $0x1F;
	[tilespmem:v33+s14+$0x0] =	vst.idx.msk vm2, v29  }
0xcd: {  	v41 =	vshrl.u32 v25, $0x18;
	v29 =	vshrl.u32 v30, $0x18;
	v33 =	vor.u32 $0x80000000, v51;
	(xrf0) =	vadd.scan.msk.s32 $0xffff, v37  }
0xce: {  	v37 =	vshra.s32 v46, $0x1F;
	vm3 =	veq.s32 v29, v27;
	v29 =	vxor.u32 v38, v33;
	[tilespmem:v32+s14+$0x0] =	vst.idx.msk vm6, v28  }
0xcf: {  	v28 =	vor.u32 $0x80000000, v37;
	v37 =	vsel vm3, $0x1, v2;
	v33 =	vmpcnt.ones.xlane vm3;
	[tilespmem:v43+s14+$0x0] =	vst.idx.msk vm1, v24;
	v24 =	vmovc v29  }
0xd0: {  	v32 =	vxor.u32 v46, v28;
	v29 =	vxor.u32 v42, v35;
	v28 =	vor.u32 $0x80000000, v36;
	(xrf0) =	vadd.scan.msk.s32 $0xffff, v37  }
0xd1: {  	vm5 =	veq.s32 v41, v27;
	v42 =	vshrl.u32 v32, $0x18;
	v28 =	vxor.u32 v39, v28  }
.Ltmp3:
0xd2: {  	v36 =	vsel vm5, $0x1, v2;
	v39 =	vshrl.u32 v29, $0x18;
	vm4 =	veq.s32 v42, v27;
	(pc) =	sbr.rel @p0 .LBB2_5-.Ltmp3, $4  }
0xd3: {  	v38 =	vshrl.u32 v24, $0x18;
	vm2 =	veq.s32 v39, v27;
	v37 =	vsel vm4, $0x1, v2;
	v35, _, _ =	vpop (xrf0);
	(xrf0) =	vadd.scan.msk.s32 $0xffff, v36  }
0xd4: {  	vm1 =	veq.s32 v38, v27;
	v34 =	vadd.s32 v34, v35;
	v35 =	vmpcnt.ones.xlane vm5;
	(xrf0) =	vadd.scan.msk.s32 $0xffff, v37  }
0xd5: {  	vm7 =	veq.s32 v40, v27;
	v41 =	vshrl.u32 v28, $0x18;
	v39 =	vsel vm2, $0x1, v2  }
0xd6: {  	s25 =	sadd.s32 $0x80, s25;
	v38 =	vmpcnt.ones.xlane vm4;
	vm6 =	veq.s32 v41, v27;
	v37 =	vsel vm7, $0x1, v2;
	v36, _, _ =	vpop (xrf0);
	(xrf0) =	vadd.scan.msk.s32 $0xffff, v39  }
0xd7: {  	_ = 	snop  }
0xd8: {  	v53 =	vmpcnt.ones.xlane vm2;
	v27 =	vadd.s32 v31, v38  }
0xd9: {  	v39 =	vmpcnt.ones.xlane vm6;
	v33 =	vadd.s32 v27, v33  }
0xda: {  	v38 =	vadd.s32 v33, v53  }
0xdb: {  	v40 =	vsel vm1, $0x1, v2;
	v41 =	vmpcnt.ones.xlane vm7;
	v39 =	vadd.s32 v38, v39  }
0xdc: {  	(xrf0) =	vadd.scan.msk.s32 $0xffff, v37;
	v54 =	vmpcnt.ones.xlane vm1;
	v42 =	vmov s23;
	v35 =	vadd.s32 v39, v35  }
0xdd: {  	v55 =	vsel vm6, $0x1, v2;
	(xrf0) =	vadd.scan.msk.s32 $0xffff, v40;
	vm8 =	vlt.s32 v42, v0;
	v41 =	vadd.s32 v35, v41  }
0xde: {  	v42 =	vnsel vm8, $0x0, v22;
	(xrf0) =	vadd.scan.msk.s32 $0xffff, v55;
	v22 =	vadd.s32 v41, v54  }
0xdf: {  	v56, _, _ =	vpop (xrf0);
	(xrf0) =	vadd.scan.msk.s32 $0xffff, v42;
	v57 =	vadd.s32 $0x80000001, v22  }
0xe0: {  	v58, _, _ =	vpop (xrf0);
	(xrf0) =	vmax.scan.msk.u32 $0xffff, v57  }
0xe1: {  	v59, _, _ =	vpop (xrf0)  }
0xe2: {  	v43, _, _ =	vpop (xrf0)  }
0xe3: {  	v44, _, _ =	vpop (xrf0)  }
0xe4: {  	v45, _, _ =	vpop (xrf0)  }
0xe5: {  	(v2sf) =	vpush v21, $0xF;
	v21, _, _ =	vpop (xrf0)  }
0xe6: {  	(v2sf) =	vpush v21, $0xF;
	v21, _, _ =	vpop (xrf0)  }
0xe7: {  	(v2sf) =	vpush v21, $0xF;
	_ =	sdelay $0x6  }
0xe8: {  	v61 =	vadd.s32 v31, v58  }
0xe9: {  	v21 =	vadd.s32 v27, v36  }
0xea: {  	v60 =	vadd.s32 v39, v56  }
0xeb: {  	v62 =	vadd.s32 v33, v59  }
0xec: {  	[tilespmem:v34+s14+$0x0] =	vst.idx.msk vm0, v26;
	v35 =	vadd.s32 v35, v43  }
0xed: {  	v63 =	vadd.s32 v41, v44;
	[tilespmem:v61+s14+$0x0] =	vst.idx.msk vm4, v32  }
0xee: {  	s2 =	spop (v2sf);
	[tilespmem:v21+s14+$0x0] =	vst.idx.msk vm3, v30;
	v21 =	vadd.s32 v38, v45  }
0xef: {  	[tilespmem:v60+s14+$0x0] =	vst.idx.msk vm5, v25;
	s5 =	spop (v2sf)  }
0xf0: {  	[tilespmem:v62+s14+$0x0] =	vst.idx.msk vm2, v29;
	s0 =	spop (v2sf)  }
0xf1: {  	[tilespmem:v35+s14+$0x0] =	vst.idx.msk vm7, v23;
	p1 =	sgt.u32 s0, $0x80000010  }
.Ltmp4:
0xf2: {  	p0 =	seq.s32 s21, $0x0;
	[tilespmem:v63+s14+$0x0] =	vst.idx.msk vm1, v24;
	(pc) =	sbr.rel @p1 .LBB2_8-.Ltmp4, $4  }
0xf3: {  	s24 =	simm.s32 @!p0 $0x3;
	[tilespmem:v21+s14+$0x0] =	vst.idx.msk vm6, v28  }
0xf4: {  	_ =	swait.ge @!p0 [sflag:s24], $0x4000  }
0xf5: {  	s2 =	sadd.s32 s2, s5;
	[sflag:s24] =	ssyncset.done @!p0 $0x0  }
0xf6: {  	s23 =	ssub.s32 $0x40, s2;
	[sflag:s24] =	ssyncadd.s32 @!p0 $0xFFFFC000  }
0xf7: {  	v21 =	vld [tilespmem:$0x10000];
	_ =	sdelay $0x4  }
0xf8: {  	(xrf1) =	vsort.ascd.msk.u32 $0xffff, v21, v21;
	_ =	sdelay $0xb  }
0xf9: {  	s0 =	sadd.s32 $0xFFFFFFD0, s2  }
0xfa: {  	v21 =	vmov s0  }
0xfb: {  	vm0 =	veq.s32 v21, v0;
	v22, _, _ =	vpop (xrf1)  }
0xfc: {  	v21 =	vnsel vm0, $0x0, v22  }
0xfd: {  	(xrf0) =	vadd.scan.msk.s32 $0xffff, v21;
	_ =	sdelay $0x5  }
0xfe: {  	v21, _, _ =	vpop (xrf0)  }
0xff: {  	v23 =	vbroadcast v21, $0xF;
	_ =	sdelay $0x1  }
0x100: {  	vm15 =	vgt.u32 v22, v23  }
0x101: {  	v22 =	vsel vm15, $0x1, v2  }
0x102: {  	(xrf0) =	vadd.scan.msk.s32 $0xffff, v22;
	_ =	sdelay $0x5  }
0x103: {  	(v2sf) =	vpush v21, $0xF;
	v21, _, _ =	vpop (xrf0)  }
0x104: {  	(v2sf) =	vpush v21, $0xF;
	_ =	sdelay $0xb  }
.Ltmp5:
0x105: {  	_ = 	snop;
	(pc) =	sbr.rel .LBB2_49-.Ltmp5, $4  }
0x106: {  	_ = 	snop  }
0x107: {  	s0 =	spop (v2sf)  }
0x108: {  	s31 =	spop (v2sf)  }
0x109: {  	s24 =	ssub.s32 s23, s31  }
.LBB2_8:
0x10a: {  	[tilespmem:$0x14000] =	vst v2  }
0x10b: {  	[tilespmem:$0x14010] =	vst v2  }
0x10c: {  	[tilespmem:$0x14020] =	vst v2;
	s0 =	sadd.s32 $0x8000000F, s0  }
0x10d: {  	[tilespmem:$0x14030] =	vst v2;
	s2 =	sand.u32 $0xF, s0  }
0x10e: {  	[tilespmem:$0x14040] =	vst v2;
	s5 =	sshra.s32 s0, $0x1F;
	p1 =	slt.s32 s0, $0x1;
	p2 =	sne.s32 s2, $0x0  }
0x10f: {  	[tilespmem:$0x14050] =	vst v2;
	s31 =	sshrl.u32 s5, $0x1C;
	p1 =	por !p1, !p2  }
0x110: {  	[tilespmem:$0x14060] =	vst v2;
	s2 =	simm.s32 $0x1;
	s0 =	sadd.s32 s31, s0;
	p1 =	por !p1, !p1  }
0x111: {  	[tilespmem:$0x14070] =	vst v2;
	s0 =	sshra.s32 s0, $0x4;
	s2 =	simm.s32 @!p1 $0x0  }
0x112: {  	[tilespmem:$0x14080] =	vst v2;
	s26 =	ssub.s32 s0, s2  }
0x113: {  	[tilespmem:$0x14090] =	vst v2;
	s24 =	sshll.u32 s26, $0x4  }
0x114: {  	[tilespmem:$0x140A0] =	vst v2;
	p2 =	slt.s32 s24, $0x20  }
.Ltmp6:
0x115: {  	[tilespmem:$0x140B0] =	vst v2;
	(pc) =	sbr.rel @p2 .LBB2_11-.Ltmp6, $4  }
0x116: {  	[tilespmem:$0x140C0] =	vst v2  }
0x117: {  	[tilespmem:$0x140D0] =	vst v2  }
0x118: {  	[tilespmem:$0x140E0] =	vst v2  }
0x119: {  	v21 =	vadd.s32 $0x1, v22;
	[tilespmem:$0x140F0] =	vst v2;
	s25 =	sand.u32 $0xFFFFFFE0, s24  }
0x11a: {  	p3 =	sgt.s32 s25, $0x20  }
.Ltmp7:
0x11b: {  	_ = 	snop;
	(pc) =	sbr.rel @!p3 .LBB2_10-.Ltmp7, $4  }
0x11c: {  	_ = 	snop  }
0x11d: {  	s2 =	simm.s32 $0x10010  }
0x11e: {  	s5 =	simm.s32 $0x0;
	s0 =	simm.s32 $0x20;
	v25 =	vld [tilespmem:s2+$0x0]  }
0x11f: {  	s28 =	simm.s32 $0x10;
	s29 =	simm.s32 $0x10030;
	p1 =	por $0x0, $0x0;
	v22 =	vld [tilespmem:s2+$0xFFFFFFF0]  }
0x120: {  	_ = 	snop  }
0x121: {  	p3 =	sgt.s32 s25, $0x40  }
.Ltmp8:
0x122: {  	v23 =	vor.u32 s28, v0;
	(pc) =	sbr.rel @!p3 .LBB2_18-.Ltmp8, $4  }
0x123: {  	v26 =	vor.u32 s5, v0;
	vm0 =	vlt.s32 v23, v21;
	v24 =	vshrl.u32 v25, $0x10;
	v25 =	vld [tilespmem:s29+$0x0]  }
0x124: {  	vm1 =	vlt.s32 v26, v21;
	v27 =	vshrl.u32 v22, $0x10;
	v23 =	vand.u32 $0xFF, v24  }
0x125: {  	s2 =	simm.s32 $0x40;
	v22 =	vld [tilespmem:s29+$0xFFFFFFF0];
	v24 =	vand.u32 $0xFF, v27  }
0x126: {  	s28 =	simm.s32 $0x30;
	s5 =	simm.s32 $0x10050;
	p1 =	por $0x1, $0x1  }
.LBB2_19:
0x127: {  	v26 =	vor.u32 s28, v0;
	s28 =	smov.u32 s2;
	s2 =	sadd.s32 $0x20, s2  }
0x128: {  	v27 =	vshrl.u32 v25, $0x10;
	v25 =	vld [tilespmem:s5+$0x0];
	p3 =	slt.s32 s2, s25  }
.Ltmp9:
0x129: {  	v28 =	vor.u32 s0, v0;
	[tilespmem:v23+s13+$0x0] =	vst.idx.add.s32.msk vm0, v3;
	v23 =	vand.u32 $0xFF, v27;
	vm0 =	vlt.s32 v26, v21;
	s0 =	smov.u32 s28;
	(pc) =	sbr.rel @p3 .LBB2_19-.Ltmp9, $3  }
0x12a: {  	v26 =	vshrl.u32 v22, $0x10;
	[tilespmem:v24+s13+$0x0] =	vst.idx.add.s32.msk vm1, v3;
	vm1 =	vlt.s32 v28, v21  }
0x12b: {  	v22 =	vld [tilespmem:s5+$0xFFFFFFF0];
	v24 =	vand.u32 $0xFF, v26;
	_ =	sdelay $0x1  }
0x12c: {  	s28 =	sadd.s32 $0x10, s0;
	s5 =	sadd.s32 $0x20, s5  }
0x12d: {  	s5 =	smov.u32 s0  }
.LBB2_21:
0x12e: {  	v26 =	vor.u32 s28, v0  }
0x12f: {  	v25 =	vshrl.u32 v25, $0x10;
	v27 =	vor.u32 s5, v0;
	vm2 =	vlt.s32 v26, v21  }
0x130: {  	v25 =	vand.u32 $0xFF, v25;
	vm3 =	vlt.s32 v27, v21;
	v22 =	vshrl.u32 v22, $0x10  }
0x131: {  	v22 =	vand.u32 $0xFF, v22;
	_ =	sdelay $0x1  }
0x132: {  	[tilespmem:v23+s13+$0x0] =	vst.idx.add.s32.msk @p1 vm0, v3  }
0x133: {  	[tilespmem:v24+s13+$0x0] =	vst.idx.add.s32.msk @p1 vm1, v3  }
0x134: {  	[tilespmem:v25+s13+$0x0] =	vst.idx.add.s32.msk vm2, v3  }
0x135: {  	[tilespmem:v22+s13+$0x0] =	vst.idx.add.s32.msk vm3, v3  }
.LBB2_11:
0x136: {  	p1 =	seq.s32 s25, s24  }
.Ltmp10:
0x137: {  	_ = 	snop;
	(pc) =	sbr.rel @p1 .LBB2_14-.Ltmp10, $1  }
0x138: {  	_ =	sdelay $0x3  }
0x139: {  	s0 =	sshll.u32 s26, $0x6  }
0x13a: {  	s0 =	sshra.s32 s0, $0x2  }
0x13b: {  	s0 =	sand.u32 $0xFFFFFFE0, s0  }
0x13c: {  	s2 =	smov.u32 s25;
	s0 =	sadd.s32 $0x10000, s0  }
.LBB2_13:
0x13d: {  	v22 =	vld [tilespmem:s0+$0x0];
	_ =	sdelay $0x3  }
0x13e: {  	v23 =	vor.u32 s2, v0  }
0x13f: {  	s2 =	sadd.s32 $0x10, s2;
	vm0 =	vlt.s32 v23, v21;
	v22 =	vshrl.u32 v22, $0x10  }
0x140: {  	p3 =	slt.s32 s2, s24;
	v22 =	vand.u32 $0xFF, v22  }
.Ltmp11:
0x141: {  	_ = 	snop;
	(pc) =	sbr.rel @p3 .LBB2_13-.Ltmp11, $2  }
0x142: {  	_ =	sdelay $0x2  }
0x143: {  	s0 =	sadd.s32 $0x10, s0;
	[tilespmem:v22+s13+$0x0] =	vst.idx.add.s32.msk vm0, v3  }
.LBB2_14:
0x144: {  	_ =	sdelay $0x3  }
0x145: {  	v22 =	vld.idx.msk [tilespmem:v1+s13+$0x0], $0xffff  }
0x146: {  	v23 =	vld.idx.msk [tilespmem:v4+s13+$0x0], $0xffff  }
0x147: {  	v24 =	vld.idx.msk [tilespmem:v5+s13+$0x0], $0xffff  }
0x148: {  	v25 =	vld.idx.msk [tilespmem:v6+s13+$0x0], $0xffff  }
0x149: {  	v26 =	vld.idx.msk [tilespmem:v7+s13+$0x0], $0xffff  }
0x14a: {  	v27 =	vld.idx.msk [tilespmem:v8+s13+$0x0], $0xffff  }
0x14b: {  	v22 =	vadd.s32 v22, v23;
	v23 =	vld.idx.msk [tilespmem:v9+s13+$0x0], $0xffff  }
0x14c: {  	v53 =	vld.idx.msk [tilespmem:v10+s13+$0x0], $0xffff;
	v22 =	vadd.s32 v24, v22  }
0x14d: {  	v54 =	vld.idx.msk [tilespmem:v11+s13+$0x0], $0xffff;
	v22 =	vadd.s32 v25, v22  }
0x14e: {  	v55 =	vld.idx.msk [tilespmem:v12+s13+$0x0], $0xffff;
	v22 =	vadd.s32 v26, v22  }
0x14f: {  	v56 =	vld.idx.msk [tilespmem:v13+s13+$0x0], $0xffff;
	v22 =	vadd.s32 v27, v22  }
0x150: {  	v22 =	vadd.s32 v23, v22;
	v23 =	vld.idx.msk [tilespmem:v14+s13+$0x0], $0xffff  }
0x151: {  	v57 =	vld.idx.msk [tilespmem:v15+s13+$0x0], $0xffff;
	v22 =	vadd.s32 v53, v22  }
0x152: {  	v58 =	vld.idx.msk [tilespmem:v16+s13+$0x0], $0xffff;
	v22 =	vadd.s32 v54, v22  }
0x153: {  	v59 =	vld.idx.msk [tilespmem:v17+s13+$0x0], $0xffff;
	v22 =	vadd.s32 v55, v22  }
0x154: {  	v60 =	vld.idx.msk [tilespmem:v18+s13+$0x0], $0xffff;
	v22 =	vadd.s32 v56, v22  }
0x155: {  	v22 =	vadd.s32 v23, v22  }
0x156: {  	v22 =	vadd.s32 v57, v22  }
0x157: {  	v22 =	vadd.s32 v58, v22  }
0x158: {  	v22 =	vadd.s32 v59, v22  }
0x159: {  	v22 =	vadd.s32 v60, v22  }
0x15a: {  	v23 =	vperm.xlane v22, v19;
	_ =	sdelay $0x1  }
0x15b: {  	(xrf0) =	vadd.scan.msk.s32 $0xffff, v23;
	_ =	sdelay $0x5  }
0x15c: {  	v23, _, _ =	vpop (xrf0)  }
0x15d: {  	v23 =	vperm.xlane v23, v19;
	_ =	sdelay $0x1  }
0x15e: {  	vm0 =	vge.s32 v23, s23  }
0x15f: {  	v23 =	vsel vm0, $0x1, v2  }
0x160: {  	(xrf0) =	vadd.scan.msk.s32 $0xffff, v23;
	_ =	sdelay $0x5  }
0x161: {  	v23, _, _ =	vpop (xrf0)  }
0x162: {  	(v2sf) =	vpush v23, $0xF;
	_ =	sdelay $0xe  }
0x163: {  	s0 =	spop (v2sf)  }
0x164: {  	s0 =	sadd.s32 $0xFFFFFFFF, s0  }
0x165: {  	s2 =	sshll.u32 s0, $0x4  }
0x166: {  	v23 =	vld [tilespmem:s2+$0x14000];
	_ =	sdelay $0x2  }
0x167: {  	v61 =	vmov s0  }
0x168: {  	vm13 =	vlt.s32 v61, v0  }
0x169: {  	v22 =	vnsel vm13, $0x0, v22;
	v62 =	vperm.xlane v23, v19  }
0x16a: {  	(xrf0) =	vadd.scan.msk.s32 $0xffff, v22  }
0x16b: {  	(xrf0) =	vadd.scan.msk.s32 $0xffff, v62;
	_ =	sdelay $0x4  }
0x16c: {  	v22, _, _ =	vpop (xrf0)  }
0x16d: {  	v24, _, _ =	vpop (xrf0)  }
0x16e: {  	v63 =	vbroadcast v22, $0xF;
	v24 =	vperm.xlane v24, v19;
	_ =	sdelay $0x1  }
0x16f: {  	v24 =	vadd.s32 v24, v63  }
0x170: {  	vm14 =	vge.s32 v24, s23  }
0x171: {  	v24 =	vsel vm14, $0x1, v2  }
0x172: {  	(xrf0) =	vadd.scan.msk.s32 $0xffff, v24;
	_ =	sdelay $0x5  }
0x173: {  	(v2sf) =	vpush v22, $0xF;
	v22, _, _ =	vpop (xrf0)  }
0x174: {  	(v2sf) =	vpush v22, $0xF;
	_ =	sdelay $0xd  }
0x175: {  	s29 =	spop (v2sf)  }
0x176: {  	s31 =	spop (v2sf)  }
0x177: {  	s0 =	sadd.s32 $0xFFFFFFFF, s31  }
0x178: {  	v22 =	vmov s0  }
0x179: {  	vm15 =	vlt.s32 v22, v0  }
0x17a: {  	v22 =	vnsel vm15, $0x0, v23  }
0x17b: {  	(xrf0) =	vadd.scan.msk.s32 $0xffff, v22;
	_ =	sdelay $0x5  }
0x17c: {  	v22, _, _ =	vpop (xrf0)  }
0x17d: {  	(v2sf) =	vpush v22, $0xF;
	_ =	sdelay $0xa  }
.Ltmp12:
0x17e: {  	_ = 	snop;
	(pc) =	sbr.rel @p2 .LBB2_22-.Ltmp12, $3  }
0x17f: {  	_ =	sdelay $0x1  }
0x180: {  	s28 =	sadd.s32 s2, s0  }
0x181: {  	[tilespmem:$0x8000] =	vst v20;
	v23 =	vmov s28;
	v22 =	vimm.s32 $0x0;
	s30 =	spop (v2sf)  }
0x182: {  	p4 =	sgt.s32 s25, $0x20  }
.Ltmp13:
0x183: {  	s5 =	simm.s32 $0x10010;
	(pc) =	sbr.rel @!p4 .LBB2_16-.Ltmp13, $4  }
0x184: {  	v24 =	vld [tilespmem:s5+$0x0]  }
0x185: {  	v22 =	vld [tilespmem:s5+$0xFFFFFFF0]  }
0x186: {  	s2 =	simm.s32 $0x0  }
0x187: {  	v25 =	vimm.s32 $0x0;
	s0 =	simm.s32 $0x20;
	p2 =	por $0x0, $0x0;
	p3 =	por $0x0, $0x0  }
0x188: {  	_ =	sdelay $0x1  }
0x189: {  	v26 =	vor.u32 s2, v0;
	v27 =	vshrl.u32 v22, $0x10  }
0x18a: {  	vm0 =	vlt.s32 v26, v21;
	v26 =	vand.u32 $0xFF, v27  }
0x18b: {  	s7 =	simm.s32 $0x10;
	p4 =	sgt.s32 s25, $0x40;
	v27 =	vshrl.u32 v24, $0x10;
	vm1 =	veq.s32 v26, v23  }
.Ltmp14:
0x18c: {  	s8 =	simm.s32 $0x10030;
	v26 =	vor.u32 s7, v0;
	v27 =	vand.u32 $0xFF, v27;
	vm2 =	vmand vm0, vm1;
	(pc) =	sbr.rel @!p4 .LBB2_28-.Ltmp14, $4  }
0x18d: {  	vm0 =	veq.s32 v27, v23;
	vm1 =	vlt.s32 v26, v21;
	v27 =	vld [tilespmem:s8+$0x0];
	v26 =	vsel vm2, $0x1, v2  }
0x18e: {  	vm3 =	vmand vm1, vm0;
	(xrf0) =	vadd.scan.msk.s32 $0xffff, v26;
	v26 =	vld [tilespmem:s8+$0xFFFFFFF0]  }
0x18f: {  	v28 =	vsel vm3, $0x1, v2  }
0x190: {  	s31 =	simm.s32 $0x40;
	p2 =	por $0x1, $0x1;
	v29 =	vmpcnt.ones.xlane vm2;
	(xrf0) =	vadd.scan.msk.s32 $0xffff, v28  }
0x191: {  	_ = 	snop  }
0x192: {  	v28 =	vor.u32 s0, v0  }
0x193: {  	vm1 =	vmmov vm2;
	vm2 =	vlt.s32 v28, v21  }
0x194: {  	v32 =	vadd.s32 v25, v29;
	v29 =	vshrl.u32 v27, $0x10;
	v28 =	vshrl.u32 v26, $0x10  }
0x195: {  	vm0 =	vmmov vm3;
	s8 =	simm.s32 $0x30;
	v29 =	vand.u32 $0xFF, v29;
	v28 =	vand.u32 $0xFF, v28;
	v30, _, _ =	vpop (xrf0)  }
0x196: {  	p4 =	sgt.s32 s25, $0x60;
	vm3 =	veq.s32 v28, v23;
	v28 =	vor.u32 s8, v0;
	v30 =	vadd.s32 v30, v25;
	v33, _, _ =	vpop (xrf0)  }
.Ltmp15:
0x197: {  	vm2 =	vmand vm2, vm3;
	vm4 =	vlt.s32 v28, v21;
	v28 =	vadd.s32 v33, v32;
	(pc) =	sbr.rel @!p4 .LBB2_30-.Ltmp15, $4  }
0x198: {  	vm3 =	veq.s32 v29, v23;
	v29 =	vsel vm2, $0x1, v2;
	v28 =	vadd.s32 $0xFFFFFFFF, v28  }
0x199: {  	s2 =	simm.s32 $0x10050;
	v31 =	vmpcnt.ones.xlane vm0;
	v30 =	vadd.s32 $0xFFFFFFFF, v30;
	vm3 =	vmand vm4, vm3;
	(xrf0) =	vadd.scan.msk.s32 $0xffff, v29  }
0x19a: {  	v34 =	vld [tilespmem:s2+$0xFFFFFFF0];
	v63 =	vsel vm3, $0x1, v2  }
0x19b: {  	s0 =	simm.s32 $0x60;
	p3 =	por $0x1, $0x1;
	v35 =	vld [tilespmem:s2+$0x0];
	v31 =	vadd.s32 v32, v31;
	v29 =	vmpcnt.ones.xlane vm2;
	(xrf0) =	vadd.scan.msk.s32 $0xffff, v63  }
.LBB2_31:
0x19c: {  	s5 =	smov.u32 s0;
	s0 =	sadd.s32 $0x20, s0  }
0x19d: {  	p4 =	slt.s32 s0, s25;
	[tilespmem:v28+s15+$0x0] =	vst.idx.msk vm0, v24;
	v24 =	vmov v27;
	vm0 =	vmmov vm3  }
0x19e: {  	v28 =	vor.u32 s31, v0;
	v32 =	vmpcnt.ones.xlane vm0;
	[tilespmem:v30+s15+$0x0] =	vst.idx.msk vm1, v22;
	v22 =	vmovc v26;
	vm1 =	vmmov vm2  }
0x19f: {  	v33 =	vadd.s32 v31, v29;
	vm2 =	vlt.s32 v28, v21;
	v36 =	vshrl.u32 v34, $0x10;
	v27, _, _ =	vpop (xrf0)  }
0x1a0: {  	s7 =	sadd.s32 $0x10, s31;
	s31 =	smov.u32 s5;
	v26 =	vmovc v34;
	v28 =	vand.u32 $0xFF, v36;
	v29 =	vshrl.u32 v35, $0x10;
	v30 =	vadd.s32 v27, v31;
	v27 =	vmovc v35  }
0x1a1: {  	vm3 =	veq.s32 v28, v23;
	v28 =	vor.u32 s7, v0;
	v29 =	vand.u32 $0xFF, v29;
	v31, _, _ =	vpop (xrf0)  }
.Ltmp16:
0x1a2: {  	vm2 =	vmand vm2, vm3;
	vm3 =	veq.s32 v29, v23;
	v29 =	vadd.s32 v31, v33;
	(pc) =	sbr.rel @p4 .LBB2_31-.Ltmp16, $4  }
0x1a3: {  	vm4 =	vlt.s32 v28, v21;
	v31 =	vsel vm2, $0x1, v2;
	v28 =	vadd.s32 $0xFFFFFFFF, v29  }
0x1a4: {  	s2 =	sadd.s32 $0x20, s2;
	v30 =	vadd.s32 $0xFFFFFFFF, v30;
	v29 =	vmpcnt.ones.xlane vm2;
	vm3 =	vmand vm4, vm3;
	(xrf0) =	vadd.scan.msk.s32 $0xffff, v31  }
0x1a5: {  	v36 =	vsel vm3, $0x1, v2;
	v31 =	vadd.s32 v33, v32;
	v34 =	vld [tilespmem:s2+$0xFFFFFFF0]  }
0x1a6: {  	v35 =	vld [tilespmem:s2+$0x0];
	(xrf0) =	vadd.scan.msk.s32 $0xffff, v36  }
0x1a7: {  	_ =	sdelay $0x2  }
0x1a8: {  	v32 =	vmov v24  }
0x1a9: {  	v33 =	vmovc v22;
	v24 =	vmovc v27;
	v22 =	vmov v26;
	s0 =	smov.u32 s31;
	v26 =	vmov v34;
	v27 =	vmov v35  }
.LBB2_33:
0x1aa: {  	v34 =	vor.u32 s0, v0;
	v35 =	vshrl.u32 v26, $0x10  }
0x1ab: {  	s31 =	sadd.s32 $0x10, s0;
	v55 =	vshrl.u32 v27, $0x10;
	vm4 =	vlt.s32 v34, v21;
	v54 =	vand.u32 $0xFF, v35  }
0x1ac: {  	v56 =	vor.u32 s31, v0;
	v35 =	vand.u32 $0xFF, v55;
	vm5 =	veq.s32 v54, v23  }
0x1ad: {  	vm15 =	veq.s32 v35, v23;
	vm6 =	vlt.s32 v56, v21;
	vm4 =	vmand vm4, vm5  }
0x1ae: {  	vm5 =	vmand vm6, vm15;
	v57 =	vsel vm4, $0x1, v2  }
0x1af: {  	v58 =	vsel vm5, $0x1, v2;
	(xrf0) =	vadd.scan.msk.s32 $0xffff, v57  }
0x1b0: {  	(xrf0) =	vadd.scan.msk.s32 $0xffff, v58  }
0x1b1: {  	vm3 =	vmmov @p2 vm3;
	v29 =	vadd.s32 @p2 v31, v29;
	vm2 =	vmmov @p2 vm2  }
0x1b2: {  	v36 =	vmpcnt.ones.xlane @p2 vm3;
	vm3 =	vmmov @p2 vm3;
	vm2 =	vmmov @p2 vm2;
	v34, _, _ =	vpop @p2 (xrf0)  }
0x1b3: {  	v35, _, _ =	vpop @p2 (xrf0);
	v31 =	vadd.s32 @p2 v34, v31;
	v59 =	vmpcnt.ones.xlane vm4;
	vm4 =	vmmov vm4  }
0x1b4: {  	v34 =	vadd.s32 @p2 v35, v29;
	v29 =	vadd.s32 @p2 v29, v36;
	v31 =	vadd.s32 @p2 $0xFFFFFFFF, v31  }
0x1b5: {  	v34 =	vadd.s32 @p2 $0xFFFFFFFF, v34;
	v25 =	vpsel p2, v29, v25;
	v31 =	vpsel p2, v31, v0;
	v60, _, _ =	vpop (xrf0)  }
0x1b6: {  	v34 =	vpsel p2, v34, v0;
	v35 =	vadd.s32 v25, v59;
	v61, _, _ =	vpop (xrf0);
	v25 =	vadd.s32 v60, v25  }
0x1b7: {  	vm5 =	vmmov vm5;
	v36 =	vadd.s32 v61, v35;
	v25 =	vadd.s32 $0xFFFFFFFF, v25  }
0x1b8: {  	[tilespmem:v28+s15+$0x0] =	vst.idx.msk @p3 vm0, v32;
	v62 =	vadd.s32 $0xFFFFFFFF, v36  }
0x1b9: {  	[tilespmem:v30+s15+$0x0] =	vst.idx.msk @p3 vm1, v33;
	v22 =	vpsel p2, v22, v0  }
0x1ba: {  	v24 =	vpsel p2, v24, v0;
	[tilespmem:v31+s15+$0x0] =	vst.idx.msk @p2 vm2, v22  }
0x1bb: {  	v63 =	vmpcnt.ones.xlane vm5;
	[tilespmem:v34+s15+$0x0] =	vst.idx.msk @p2 vm3, v24  }
0x1bc: {  	[tilespmem:v25+s15+$0x0] =	vst.idx.msk vm4, v26  }
0x1bd: {  	v22 =	vadd.s32 v35, v63;
	[tilespmem:v62+s15+$0x0] =	vst.idx.msk vm5, v27  }
.LBB2_22:
.Ltmp17:
0x1be: {  	(pc) =	sbr.rel @p1 .LBB2_25-.Ltmp17, $1  }
0x1bf: {  	_ =	sdelay $0x3  }
0x1c0: {  	s0 =	sshll.u32 s26, $0x6  }
0x1c1: {  	s0 =	sshra.s32 s0, $0x2  }
0x1c2: {  	s0 =	sand.u32 $0xFFFFFFE0, s0  }
0x1c3: {  	s0 =	sadd.s32 $0x10000, s0  }
.LBB2_24:
0x1c4: {  	v24 =	vld [tilespmem:s0+$0x0];
	_ =	sdelay $0x4  }
0x1c5: {  	v25 =	vshrl.u32 v24, $0x10  }
0x1c6: {  	v26 =	vor.u32 s25, v0;
	v25 =	vand.u32 $0xFF, v25  }
0x1c7: {  	vm0 =	vlt.s32 v26, v21;
	vm1 =	veq.s32 v25, v23  }
0x1c8: {  	vm0 =	vmand vm0, vm1  }
0x1c9: {  	v62 =	vsel vm0, $0x1, v2  }
0x1ca: {  	(xrf0) =	vadd.scan.msk.s32 $0xffff, v62;
	_ =	sdelay $0x5  }
0x1cb: {  	v25, _, _ =	vpop (xrf0)  }
0x1cc: {  	s25 =	sadd.s32 $0x10, s25;
	v25 =	vadd.s32 v25, v22  }
0x1cd: {  	p1 =	slt.s32 s25, s24;
	v25 =	vadd.s32 $0xFFFFFFFF, v25  }
.Ltmp18:
0x1ce: {  	_ = 	snop;
	(pc) =	sbr.rel @p1 .LBB2_24-.Ltmp18, $3  }
0x1cf: {  	_ = 	snop  }
0x1d0: {  	v63 =	vmpcnt.ones.xlane vm0;
	_ =	sdelay $0x1  }
0x1d1: {  	s0 =	sadd.s32 $0x10, s0;
	v22 =	vadd.s32 v22, v63;
	[tilespmem:v25+s15+$0x0] =	vst.idx.msk vm0, v24  }
.LBB2_25:
0x1d2: {  	v21 =	vxor.u32 $0x80000000, v22  }
0x1d3: {  	(xrf0) =	vmax.scan.msk.u32 $0xffff, v21;
	_ =	sdelay $0x5  }
0x1d4: {  	v21, _, _ =	vpop (xrf0)  }
0x1d5: {  	(v2sf) =	vpush v21, $0xF;
	_ =	sdelay $0xe  }
0x1d6: {  	s0 =	spop (v2sf)  }
0x1d7: {  	p1 =	sgt.u32 s0, $0x80000010  }
.Ltmp19:
0x1d8: {  	_ = 	snop;
	(pc) =	sbr.rel @p1 .LBB2_34-.Ltmp19, $3  }
0x1d9: {  	_ =	sdelay $0x1  }
0x1da: {  	s2 =	sadd.s32 s30, s29  }
0x1db: {  	s23 =	ssub.s32 s23, s2  }
0x1dc: {  	v21 =	vld [tilespmem:$0x8000];
	_ =	sdelay $0x4  }
0x1dd: {  	(xrf1) =	vsort.ascd.msk.u32 $0xffff, v21, v21;
	_ =	sdelay $0xb  }
0x1de: {  	s0 =	ssub.s32 $0x10, s23  }
0x1df: {  	v21 =	vmov s0  }
0x1e0: {  	vm0 =	veq.s32 v21, v0;
	v22, _, _ =	vpop (xrf1)  }
0x1e1: {  	v21 =	vnsel vm0, $0x0, v22  }
0x1e2: {  	(xrf0) =	vadd.scan.msk.s32 $0xffff, v21;
	_ =	sdelay $0x5  }
0x1e3: {  	v21, _, _ =	vpop (xrf0)  }
0x1e4: {  	v23 =	vbroadcast v21, $0xF;
	_ =	sdelay $0x1  }
0x1e5: {  	vm15 =	vgt.u32 v22, v23  }
0x1e6: {  	v22 =	vsel vm15, $0x1, v2  }
0x1e7: {  	(xrf0) =	vadd.scan.msk.s32 $0xffff, v22;
	_ =	sdelay $0x5  }
0x1e8: {  	(v2sf) =	vpush v21, $0xF;
	v21, _, _ =	vpop (xrf0)  }
0x1e9: {  	(v2sf) =	vpush v21, $0xF;
	_ =	sdelay $0xb  }
.Ltmp20:
0x1ea: {  	_ = 	snop;
	(pc) =	sbr.rel .LBB2_49-.Ltmp20, $4  }
0x1eb: {  	_ = 	snop  }
0x1ec: {  	s0 =	spop (v2sf)  }
0x1ed: {  	s2 =	spop (v2sf)  }
0x1ee: {  	s24 =	ssub.s32 s23, s2  }
.LBB2_34:
0x1ef: {  	[tilespmem:$0x14000] =	vst v2  }
0x1f0: {  	[tilespmem:$0x14010] =	vst v2  }
0x1f1: {  	[tilespmem:$0x14020] =	vst v2  }
0x1f2: {  	[tilespmem:$0x14030] =	vst v2;
	s0 =	sadd.s32 $0x8000000F, s0  }
0x1f3: {  	[tilespmem:$0x14040] =	vst v2;
	s2 =	sand.u32 $0xF, s0  }
0x1f4: {  	[tilespmem:$0x14050] =	vst v2;
	s29 =	sshra.s32 s0, $0x1F;
	p2 =	slt.s32 s0, $0x0;
	p1 =	sne.s32 s2, $0x0  }
0x1f5: {  	[tilespmem:$0x14060] =	vst v2;
	s2 =	sshrl.u32 s29, $0x1C;
	p1 =	por !p2, !p1  }
0x1f6: {  	[tilespmem:$0x14070] =	vst v2;
	s0 =	sadd.s32 s2, s0;
	s2 =	simm.s32 $0x1;
	p1 =	por !p1, !p1  }
0x1f7: {  	[tilespmem:$0x14080] =	vst v2;
	s0 =	sshra.s32 s0, $0x4;
	s2 =	simm.s32 @!p1 $0x0  }
0x1f8: {  	[tilespmem:$0x14090] =	vst v2;
	s24 =	ssub.s32 s0, s2  }
0x1f9: {  	[tilespmem:$0x140A0] =	vst v2;
	p2 =	slt.s32 s24, $0x1  }
.Ltmp21:
0x1fa: {  	[tilespmem:$0x140B0] =	vst v2;
	(pc) =	sbr.rel @p2 .LBB2_41-.Ltmp21, $4  }
0x1fb: {  	[tilespmem:$0x140C0] =	vst v2  }
0x1fc: {  	[tilespmem:$0x140D0] =	vst v2  }
0x1fd: {  	s30 =	sshll.u32 s22, $0x18;
	s31 =	sshll.u32 s28, $0x10;
	[tilespmem:$0x140E0] =	vst v2  }
0x1fe: {  	[tilespmem:$0x140F0] =	vst v2;
	s22 =	sor.u32 s30, s31;
	p1 =	sne.s32 s24, $0x1  }
.Ltmp22:
0x1ff: {  	(pc) =	sbr.rel @!p1 .LBB2_36-.Ltmp22, $3  }
0x200: {  	_ =	sdelay $0x1  }
0x201: {  	s2 =	simm.s32 $0x8000  }
0x202: {  	v21 =	vmov s22;
	s0 =	simm.s32 $0x0;
	p3 =	por $0x0, $0x0;
	v23 =	vld [tilespmem:s2+$0x0];
	s2 =	sadd.s32 $0xFFFFFFFF, s24  }
0x203: {  	_ =	sdelay $0x3  }
0x204: {  	v24 =	vor.u32 s0, v0;
	v25 =	vand.u32 $0xFFFF0000, v23  }
0x205: {  	vm0 =	vlt.s32 v24, v22;
	vm1 =	veq.s32 v25, v21  }
0x206: {  	v23 =	vshrl.u32 v23, $0x8;
	vm0 =	vmand vm0, vm1  }
0x207: {  	v23 =	vand.u32 $0xFF, v23  }
0x208: {  	p4 =	sne.s32 s2, $0x1  }
.Ltmp23:
0x209: {  	_ = 	snop;
	(pc) =	sbr.rel @!p4 .LBB2_38-.Ltmp23, $3  }
0x20a: {  	_ =	sdelay $0x1  }
0x20b: {  	s5 =	simm.s32 $0x8010;
	[tilespmem:v23+s13+$0x0] =	vst.idx.add.s32.msk vm0, v3  }
0x20c: {  	s25 =	sadd.s32 $0xFFFFFFFF, s2;
	p3 =	por $0x1, $0x1;
	s2 =	simm.s32 $0x0;
	v23 =	vld [tilespmem:s5+$0x0]  }
.LBB2_39:
0x20d: {  	p4 =	sne.s32 s25, $0x1;
	_ =	sdelay $0x2  }
0x20e: {  	s2 =	sadd.s32 $0x10, s2  }
0x20f: {  	v24 =	vor.u32 s2, v0;
	v25 =	vand.u32 $0xFFFF0000, v23  }
0x210: {  	vm0 =	vlt.s32 v24, v22;
	vm1 =	veq.s32 v25, v21  }
0x211: {  	v23 =	vshrl.u32 v23, $0x8;
	vm0 =	vmand vm0, vm1  }
0x212: {  	v23 =	vand.u32 $0xFF, v23;
	_ =	sdelay $0x1  }
.Ltmp24:
0x213: {  	(pc) =	sbr.rel @p4 .LBB2_39-.Ltmp24, $3  }
0x214: {  	_ =	sdelay $0x1  }
0x215: {  	s5 =	sadd.s32 $0x10, s5;
	[tilespmem:v23+s13+$0x0] =	vst.idx.add.s32.msk vm0, v3  }
0x216: {  	s25 =	sadd.s32 $0xFFFFFFFF, s25;
	v23 =	vld [tilespmem:s5+$0x0]  }
.LBB2_40:
0x217: {  	_ =	sdelay $0x1  }
0x218: {  	s2 =	sadd.s32 @p3 $0x10, s2  }
0x219: {  	s0 =	smov.u32 @p3 s2  }
0x21a: {  	v24 =	vor.u32 s0, v0;
	v25 =	vand.u32 $0xFFFF0000, v23  }
0x21b: {  	vm0 =	vlt.s32 v24, v22;
	vm1 =	veq.s32 v25, v21  }
0x21c: {  	v21 =	vshrl.u32 v23, $0x8;
	vm0 =	vmand vm0, vm1  }
0x21d: {  	v21 =	vand.u32 $0xFF, v21;
	_ =	sdelay $0x4  }
0x21e: {  	[tilespmem:v21+s13+$0x0] =	vst.idx.add.s32.msk vm0, v3  }
.LBB2_41:
0x21f: {  	_ =	sdelay $0x3  }
0x220: {  	v21 =	vld.idx.msk [tilespmem:v1+s13+$0x0], $0xffff  }
0x221: {  	v23 =	vld.idx.msk [tilespmem:v4+s13+$0x0], $0xffff  }
0x222: {  	v24 =	vld.idx.msk [tilespmem:v5+s13+$0x0], $0xffff  }
0x223: {  	v25 =	vld.idx.msk [tilespmem:v6+s13+$0x0], $0xffff  }
0x224: {  	v26 =	vld.idx.msk [tilespmem:v7+s13+$0x0], $0xffff  }
0x225: {  	v27 =	vld.idx.msk [tilespmem:v8+s13+$0x0], $0xffff  }
0x226: {  	v21 =	vadd.s32 v21, v23;
	v23 =	vld.idx.msk [tilespmem:v9+s13+$0x0], $0xffff  }
0x227: {  	v53 =	vld.idx.msk [tilespmem:v10+s13+$0x0], $0xffff;
	v21 =	vadd.s32 v24, v21  }
0x228: {  	v54 =	vld.idx.msk [tilespmem:v11+s13+$0x0], $0xffff;
	v21 =	vadd.s32 v25, v21  }
0x229: {  	v55 =	vld.idx.msk [tilespmem:v12+s13+$0x0], $0xffff;
	v21 =	vadd.s32 v26, v21  }
0x22a: {  	v56 =	vld.idx.msk [tilespmem:v13+s13+$0x0], $0xffff;
	v21 =	vadd.s32 v27, v21  }
0x22b: {  	v21 =	vadd.s32 v23, v21;
	v23 =	vld.idx.msk [tilespmem:v14+s13+$0x0], $0xffff  }
0x22c: {  	v57 =	vld.idx.msk [tilespmem:v15+s13+$0x0], $0xffff;
	v21 =	vadd.s32 v53, v21  }
0x22d: {  	v58 =	vld.idx.msk [tilespmem:v16+s13+$0x0], $0xffff;
	v21 =	vadd.s32 v54, v21  }
0x22e: {  	v59 =	vld.idx.msk [tilespmem:v17+s13+$0x0], $0xffff;
	v21 =	vadd.s32 v55, v21  }
0x22f: {  	v60 =	vld.idx.msk [tilespmem:v18+s13+$0x0], $0xffff;
	v21 =	vadd.s32 v56, v21  }
0x230: {  	v21 =	vadd.s32 v23, v21  }
0x231: {  	v21 =	vadd.s32 v57, v21  }
0x232: {  	v21 =	vadd.s32 v58, v21  }
0x233: {  	v21 =	vadd.s32 v59, v21  }
0x234: {  	v21 =	vadd.s32 v60, v21  }
0x235: {  	v23 =	vperm.xlane v21, v19;
	_ =	sdelay $0x1  }
0x236: {  	(xrf0) =	vadd.scan.msk.s32 $0xffff, v23;
	_ =	sdelay $0x5  }
0x237: {  	v23, _, _ =	vpop (xrf0)  }
0x238: {  	v23 =	vperm.xlane v23, v19;
	_ =	sdelay $0x1  }
0x239: {  	vm0 =	vge.s32 v23, s23  }
0x23a: {  	v23 =	vsel vm0, $0x1, v2  }
0x23b: {  	(xrf0) =	vadd.scan.msk.s32 $0xffff, v23;
	_ =	sdelay $0x5  }
0x23c: {  	v23, _, _ =	vpop (xrf0)  }
0x23d: {  	(v2sf) =	vpush v23, $0xF;
	_ =	sdelay $0xe  }
0x23e: {  	s0 =	spop (v2sf)  }
0x23f: {  	s0 =	sadd.s32 $0xFFFFFFFF, s0  }
0x240: {  	s2 =	sshll.u32 s0, $0x4  }
0x241: {  	v23 =	vld [tilespmem:s2+$0x14000];
	_ =	sdelay $0x2  }
0x242: {  	v61 =	vmov s0  }
0x243: {  	vm13 =	vlt.s32 v61, v0  }
0x244: {  	v21 =	vnsel vm13, $0x0, v21;
	v62 =	vperm.xlane v23, v19  }
0x245: {  	(xrf0) =	vadd.scan.msk.s32 $0xffff, v21  }
0x246: {  	(xrf0) =	vadd.scan.msk.s32 $0xffff, v62;
	_ =	sdelay $0x4  }
0x247: {  	v21, _, _ =	vpop (xrf0)  }
0x248: {  	v24, _, _ =	vpop (xrf0)  }
0x249: {  	v63 =	vbroadcast v21, $0xF;
	v24 =	vperm.xlane v24, v19;
	_ =	sdelay $0x1  }
0x24a: {  	v24 =	vadd.s32 v24, v63  }
0x24b: {  	vm14 =	vge.s32 v24, s23  }
0x24c: {  	v24 =	vsel vm14, $0x1, v2  }
0x24d: {  	(xrf0) =	vadd.scan.msk.s32 $0xffff, v24;
	_ =	sdelay $0x5  }
0x24e: {  	(v2sf) =	vpush v21, $0xF;
	v21, _, _ =	vpop (xrf0)  }
0x24f: {  	(v2sf) =	vpush v21, $0xF;
	_ =	sdelay $0xd  }
0x250: {  	s25 =	spop (v2sf)  }
0x251: {  	s31 =	spop (v2sf)  }
0x252: {  	s0 =	sadd.s32 $0xFFFFFFFF, s31  }
0x253: {  	v21 =	vmov s0  }
0x254: {  	vm15 =	vlt.s32 v21, v0  }
0x255: {  	v21 =	vnsel vm15, $0x0, v23  }
0x256: {  	(xrf0) =	vadd.scan.msk.s32 $0xffff, v21;
	_ =	sdelay $0x5  }
0x257: {  	v21, _, _ =	vpop (xrf0)  }
0x258: {  	[tilespmem:$0x14000] =	vst v2;
	(v2sf) =	vpush v21, $0xF  }
0x259: {  	[tilespmem:$0x14010] =	vst v2  }
0x25a: {  	[tilespmem:$0x14020] =	vst v2  }
0x25b: {  	[tilespmem:$0x14030] =	vst v2  }
0x25c: {  	[tilespmem:$0x14040] =	vst v2  }
0x25d: {  	[tilespmem:$0x14050] =	vst v2  }
0x25e: {  	[tilespmem:$0x14060] =	vst v2  }
0x25f: {  	[tilespmem:$0x14070] =	vst v2  }
0x260: {  	[tilespmem:$0x14080] =	vst v2  }
0x261: {  	[tilespmem:$0x14090] =	vst v2  }
0x262: {  	[tilespmem:$0x140A0] =	vst v2  }
.Ltmp25:
0x263: {  	[tilespmem:$0x140B0] =	vst v2;
	(pc) =	sbr.rel @p2 .LBB2_48-.Ltmp25, $4  }
0x264: {  	[tilespmem:$0x140C0] =	vst v2  }
0x265: {  	[tilespmem:$0x140D0] =	vst v2;
	s0 =	sadd.s32 s2, s0  }
0x266: {  	[tilespmem:$0x140E0] =	vst v2;
	s0 =	sshll.u32 s0, $0x8  }
0x267: {  	[tilespmem:$0x140F0] =	vst v2;
	s22 =	sor.u32 s22, s0;
	s26 =	spop (v2sf)  }
.Ltmp26:
0x268: {  	(pc) =	sbr.rel @!p1 .LBB2_43-.Ltmp26, $3  }
0x269: {  	_ =	sdelay $0x1  }
0x26a: {  	s2 =	simm.s32 $0x8000  }
0x26b: {  	v21 =	vmov s22;
	s0 =	simm.s32 $0x0;
	p2 =	por $0x0, $0x0;
	v23 =	vld [tilespmem:s2+$0x0];
	s2 =	sadd.s32 $0xFFFFFFFF, s24  }
0x26c: {  	_ =	sdelay $0x3  }
0x26d: {  	v24 =	vor.u32 s0, v0;
	v25 =	vand.u32 $0xFFFFFF00, v23  }
0x26e: {  	vm0 =	vlt.s32 v24, v22;
	vm1 =	veq.s32 v25, v21  }
0x26f: {  	vm0 =	vmand vm0, vm1  }
0x270: {  	v23 =	vand.u32 $0xFF, v23  }
0x271: {  	p1 =	sne.s32 s2, $0x1  }
.Ltmp27:
0x272: {  	_ = 	snop;
	(pc) =	sbr.rel @!p1 .LBB2_45-.Ltmp27, $3  }
0x273: {  	_ =	sdelay $0x1  }
0x274: {  	s5 =	simm.s32 $0x8010;
	[tilespmem:v23+s13+$0x0] =	vst.idx.add.s32.msk vm0, v3  }
0x275: {  	s24 =	sadd.s32 $0xFFFFFFFF, s2;
	p2 =	por $0x1, $0x1;
	s2 =	simm.s32 $0x0;
	v23 =	vld [tilespmem:s5+$0x0]  }
.LBB2_46:
0x276: {  	p1 =	sne.s32 s24, $0x1;
	_ =	sdelay $0x2  }
0x277: {  	s2 =	sadd.s32 $0x10, s2  }
0x278: {  	v24 =	vor.u32 s2, v0;
	v25 =	vand.u32 $0xFFFFFF00, v23  }
0x279: {  	vm0 =	vlt.s32 v24, v22;
	vm1 =	veq.s32 v25, v21  }
0x27a: {  	vm0 =	vmand vm0, vm1  }
0x27b: {  	v23 =	vand.u32 $0xFF, v23;
	_ =	sdelay $0x1  }
.Ltmp28:
0x27c: {  	(pc) =	sbr.rel @p1 .LBB2_46-.Ltmp28, $3  }
0x27d: {  	_ =	sdelay $0x1  }
0x27e: {  	s5 =	sadd.s32 $0x10, s5;
	[tilespmem:v23+s13+$0x0] =	vst.idx.add.s32.msk vm0, v3  }
0x27f: {  	s24 =	sadd.s32 $0xFFFFFFFF, s24;
	v23 =	vld [tilespmem:s5+$0x0]  }
.LBB2_47:
0x280: {  	_ =	sdelay $0x1  }
0x281: {  	s2 =	sadd.s32 @p2 $0x10, s2  }
0x282: {  	s0 =	smov.u32 @p2 s2  }
0x283: {  	v24 =	vor.u32 s0, v0;
	v25 =	vand.u32 $0xFFFFFF00, v23  }
0x284: {  	vm0 =	vlt.s32 v24, v22;
	vm1 =	veq.s32 v25, v21  }
0x285: {  	vm0 =	vmand vm0, vm1  }
0x286: {  	v21 =	vand.u32 $0xFF, v23;
	_ =	sdelay $0x4  }
0x287: {  	[tilespmem:v21+s13+$0x0] =	vst.idx.add.s32.msk vm0, v3  }
.LBB2_48:
0x288: {  	_ =	sdelay $0x3  }
0x289: {  	v21 =	vld.idx.msk [tilespmem:v1+s13+$0x0], $0xffff  }
0x28a: {  	v22 =	vld.idx.msk [tilespmem:v4+s13+$0x0], $0xffff  }
0x28b: {  	v23 =	vld.idx.msk [tilespmem:v5+s13+$0x0], $0xffff  }
0x28c: {  	v24 =	vld.idx.msk [tilespmem:v6+s13+$0x0], $0xffff  }
0x28d: {  	v25 =	vld.idx.msk [tilespmem:v7+s13+$0x0], $0xffff  }
0x28e: {  	v26 =	vld.idx.msk [tilespmem:v8+s13+$0x0], $0xffff  }
0x28f: {  	v21 =	vadd.s32 v21, v22;
	v22 =	vld.idx.msk [tilespmem:v9+s13+$0x0], $0xffff  }
0x290: {  	v21 =	vadd.s32 v23, v21;
	v23 =	vld.idx.msk [tilespmem:v10+s13+$0x0], $0xffff  }
0x291: {  	v57 =	vld.idx.msk [tilespmem:v11+s13+$0x0], $0xffff;
	v21 =	vadd.s32 v24, v21  }
0x292: {  	v58 =	vld.idx.msk [tilespmem:v12+s13+$0x0], $0xffff;
	v21 =	vadd.s32 v25, v21  }
0x293: {  	v59 =	vld.idx.msk [tilespmem:v13+s13+$0x0], $0xffff;
	v21 =	vadd.s32 v26, v21  }
0x294: {  	v21 =	vadd.s32 v22, v21;
	v22 =	vld.idx.msk [tilespmem:v14+s13+$0x0], $0xffff  }
0x295: {  	v21 =	vadd.s32 v23, v21;
	v23 =	vld.idx.msk [tilespmem:v15+s13+$0x0], $0xffff  }
0x296: {  	v60 =	vld.idx.msk [tilespmem:v16+s13+$0x0], $0xffff;
	v21 =	vadd.s32 v57, v21  }
0x297: {  	v61 =	vld.idx.msk [tilespmem:v17+s13+$0x0], $0xffff;
	v21 =	vadd.s32 v58, v21  }
0x298: {  	v62 =	vld.idx.msk [tilespmem:v18+s13+$0x0], $0xffff;
	v21 =	vadd.s32 v59, v21  }
0x299: {  	v21 =	vadd.s32 v22, v21  }
0x29a: {  	v21 =	vadd.s32 v23, v21  }
0x29b: {  	v21 =	vadd.s32 v60, v21  }
0x29c: {  	v21 =	vadd.s32 v61, v21  }
0x29d: {  	v21 =	vadd.s32 v62, v21  }
0x29e: {  	v22 =	vperm.xlane v21, v19;
	_ =	sdelay $0x1  }
0x29f: {  	(xrf0) =	vadd.scan.msk.s32 $0xffff, v22;
	_ =	sdelay $0x5  }
0x2a0: {  	v22, _, _ =	vpop (xrf0)  }
0x2a1: {  	s0 =	sadd.s32 s26, s25;
	v22 =	vperm.xlane v22, v19  }
0x2a2: {  	s2 =	ssub.s32 s23, s0  }
0x2a3: {  	vm0 =	vge.s32 v22, s2  }
0x2a4: {  	v22 =	vsel vm0, $0x1, v2  }
0x2a5: {  	(xrf0) =	vadd.scan.msk.s32 $0xffff, v22;
	_ =	sdelay $0x5  }
0x2a6: {  	v22, _, _ =	vpop (xrf0)  }
0x2a7: {  	(v2sf) =	vpush v22, $0xF;
	_ =	sdelay $0xe  }
0x2a8: {  	s28 =	spop (v2sf)  }
0x2a9: {  	s0 =	sadd.s32 $0xFFFFFFFF, s28  }
0x2aa: {  	s5 =	sshll.u32 s0, $0x4  }
0x2ab: {  	v22 =	vld [tilespmem:s5+$0x14000];
	_ =	sdelay $0x2  }
0x2ac: {  	v23 =	vmov s0  }
0x2ad: {  	vm13 =	vlt.s32 v23, v0  }
0x2ae: {  	v21 =	vnsel vm13, $0x0, v21;
	v23 =	vperm.xlane v22, v19  }
0x2af: {  	(xrf0) =	vadd.scan.msk.s32 $0xffff, v21  }
0x2b0: {  	(xrf0) =	vadd.scan.msk.s32 $0xffff, v23;
	_ =	sdelay $0x4  }
0x2b1: {  	v21, _, _ =	vpop (xrf0)  }
0x2b2: {  	v23, _, _ =	vpop (xrf0)  }
0x2b3: {  	v63 =	vbroadcast v21, $0xF;
	v23 =	vperm.xlane v23, v19;
	_ =	sdelay $0x1  }
0x2b4: {  	v23 =	vadd.s32 v23, v63  }
0x2b5: {  	vm14 =	vge.s32 v23, s2  }
0x2b6: {  	v23 =	vsel vm14, $0x1, v2  }
0x2b7: {  	(xrf0) =	vadd.scan.msk.s32 $0xffff, v23;
	_ =	sdelay $0x5  }
0x2b8: {  	(v2sf) =	vpush v21, $0xF;
	v21, _, _ =	vpop (xrf0)  }
0x2b9: {  	(v2sf) =	vpush v21, $0xF;
	_ =	sdelay $0xd  }
0x2ba: {  	s29 =	spop (v2sf)  }
0x2bb: {  	s7 =	spop (v2sf)  }
0x2bc: {  	s7 =	sadd.s32 $0xFFFFFFFF, s7  }
0x2bd: {  	v21 =	vmov s7  }
0x2be: {  	vm15 =	vlt.s32 v21, v0  }
0x2bf: {  	v21 =	vnsel vm15, $0x0, v22  }
0x2c0: {  	(xrf0) =	vadd.scan.msk.s32 $0xffff, v21;
	_ =	sdelay $0x5  }
0x2c1: {  	v21, _, _ =	vpop (xrf0)  }
0x2c2: {  	(v2sf) =	vpush v21, $0xF;
	_ =	sdelay $0xe  }
0x2c3: {  	s30 =	spop (v2sf)  }
0x2c4: {  	s5 =	sadd.s32 s5, s7;
	s31 =	sadd.s32 s30, s29  }
0x2c5: {  	s0 =	sor.u32 s22, s5;
	s24 =	ssub.s32 s2, s31  }
.LBB2_49:
0x2c6: {  	s5 =	simm.s32 $0x80  }
0x2c7: {  	v37 =	vld [tilespmem:s5+$0xFFFFFF80]  }
0x2c8: {  	v22 =	vld [tilespmem:s5+$0xFFFFFF90]  }
0x2c9: {  	v23 =	vld [tilespmem:s5+$0xFFFFFFA0]  }
0x2ca: {  	p1 =	sgt.s32 s0, $0xFFFFFFFF;
	s2 =	simm.s32 $0xFFFFFFFF;
	v24 =	vld [tilespmem:s5+$0xFFFFFFB0]  }
0x2cb: {  	s2 =	simm.s32 @!p1 $0x80000000;
	v25 =	vld [tilespmem:s5+$0xFFFFFFC0]  }
0x2cc: {  	v26 =	vld [tilespmem:s5+$0xFFFFFFD0];
	s31 =	sxor.u32 s0, s2  }
0x2cd: {  	v27 =	vld [tilespmem:s5+$0xFFFFFFE0];
	v21 =	vmov s31  }
0x2ce: {  	v21 =	vbroadcast v21, $0x0;
	_ =	sdelay $0x1  }
0x2cf: {  	v28 =	vimm.s32 $0x0;
	vm1 =	vge.f32 v37, v21;
	vm0 =	veq.f32 v37, v21  }
0x2d0: {  	vm2 =	veq.f32 v22, v21;
	vm11 =	vge.f32 v23, v21;
	vm14 =	vge.f32 v24, v21  }
0x2d1: {  	vm10 =	vge.f32 v25, v21;
	vm13 =	vge.f32 v26, v21;
	vm12 =	vge.f32 v27, v21  }
0x2d2: {  	v29 =	vsel vm0, $0x1, v2;
	v30 =	vsel vm2, $0x1, v2;
	vm2 =	veq.f32 v23, v21  }
0x2d3: {  	v29 =	vadd.s32 v29, v28;
	v28 =	vld [tilespmem:s5+$0xFFFFFFF0];
	v31 =	vsel vm2, $0x1, v2;
	vm2 =	veq.f32 v24, v21  }
0x2d4: {  	v30 =	vadd.s32 v30, v29;
	v29 =	vld [tilespmem:s5+$0x0];
	v32 =	vsel vm2, $0x1, v2;
	vm2 =	veq.f32 v25, v21  }
0x2d5: {  	v31 =	vadd.s32 v31, v30;
	v33 =	vsel vm2, $0x1, v2;
	vm2 =	veq.f32 v26, v21  }
0x2d6: {  	v30 =	vld [tilespmem:s5+$0x10];
	v32 =	vadd.s32 v32, v31;
	v34 =	vsel vm2, $0x1, v2;
	vm2 =	veq.f32 v27, v21  }
0x2d7: {  	vm0 =	vge.f32 v22, v21;
	v31 =	vld [tilespmem:s5+$0x20];
	v33 =	vadd.s32 v33, v32;
	v35 =	vsel vm2, $0x1, v2  }
0x2d8: {  	v32 =	vld [tilespmem:s5+$0x30];
	v34 =	vadd.s32 v34, v33;
	vm2 =	veq.f32 v28, v21;
	vm7 =	vge.f32 v28, v21  }
0x2d9: {  	v35 =	vadd.s32 v35, v34;
	v36 =	vsel vm2, $0x1, v2;
	vm2 =	veq.f32 v29, v21  }
0x2da: {  	v33 =	vld [tilespmem:s5+$0x40];
	vm9 =	vge.f32 v29, v21;
	v36 =	vadd.s32 v36, v35;
	v38 =	vsel vm2, $0x1, v2  }
0x2db: {  	v34 =	vld [tilespmem:s5+$0x50];
	vm2 =	veq.f32 v30, v21;
	vm8 =	vge.f32 v30, v21;
	v38 =	vadd.s32 v38, v36  }
0x2dc: {  	v35 =	vld [tilespmem:s5+$0x60];
	v39 =	vsel vm2, $0x1, v2;
	vm2 =	veq.f32 v31, v21;
	vm3 =	vge.f32 v31, v21  }
0x2dd: {  	v36 =	vld [tilespmem:s5+$0x70];
	v38 =	vadd.s32 v39, v38;
	v58 =	vsel vm2, $0x1, v2;
	vm2 =	veq.f32 v32, v21  }
0x2de: {  	vm6 =	vge.f32 v32, v21;
	v39 =	vnsel vm1, $0x0, v37;
	v38 =	vadd.s32 v58, v38  }
0x2df: {  	v59 =	vsel vm2, $0x1, v2;
	vm2 =	veq.f32 v33, v21;
	vm4 =	vge.f32 v33, v21  }
0x2e0: {  	v38 =	vadd.s32 v59, v38;
	v60 =	vsel vm2, $0x1, v2;
	vm2 =	veq.f32 v34, v21  }
0x2e1: {  	v38 =	vadd.s32 v60, v38;
	v61 =	vsel vm2, $0x1, v2;
	vm2 =	veq.f32 v35, v21  }
0x2e2: {  	v38 =	vadd.s32 v61, v38;
	v62 =	vsel vm2, $0x1, v2;
	vm2 =	veq.f32 v36, v21  }
0x2e3: {  	s22 =	sshll.u32 s21, $0x1;
	s25 =	simm.s32 $0x8080;
	vm5 =	vge.f32 v35, v21;
	v38 =	vadd.s32 v62, v38;
	v63 =	vsel vm2, $0x1, v2  }
0x2e4: {  	s26 =	simm.s32 $0x0;
	s28 =	simm.s32 $0x180;
	s23 =	sor.u32 s4, s22;
	vm1 =	vge.f32 v36, v21;
	vm2 =	vge.f32 v34, v21;
	v38 =	vadd.s32 v63, v38  }
.LBB2_50:
0x2e5: {  	v37 =	vld [tilespmem:s28+$0xFFFFFF80];
	s26 =	sadd.s32 $0x100, s26;
	[tilespmem:s25+$0xFFFFFF80] =	vst v39;
	v39 =	vnsel vm0, $0x0, v22;
	v40 =	vnsel vm11, $0x0, v23;
	v41 =	vnsel vm14, $0x0, v24  }
0x2e6: {  	v42 =	vnsel vm13, $0x0, v26;
	v43 =	vnsel vm12, $0x0, v27;
	v22 =	vld [tilespmem:s28+$0xFFFFFF90];
	p1 =	slt.u32 s26, $0x3F00;
	[tilespmem:s25+$0xFFFFFF90] =	vst v39;
	v39 =	vnsel vm10, $0x0, v25  }
0x2e7: {  	v44 =	vnsel vm9, $0x0, v29;
	v45 =	vnsel vm8, $0x0, v30;
	v23 =	vld [tilespmem:s28+$0xFFFFFFA0];
	[tilespmem:s25+$0xFFFFFFA0] =	vst v40;
	v40 =	vnsel vm7, $0x0, v28  }
0x2e8: {  	v46 =	vnsel vm6, $0x0, v32;
	v47 =	vnsel vm4, $0x0, v33;
	v24 =	vld [tilespmem:s28+$0xFFFFFFB0];
	[tilespmem:s25+$0xFFFFFFB0] =	vst v41;
	v41 =	vnsel vm3, $0x0, v31  }
0x2e9: {  	v48 =	vnsel vm5, $0x0, v35;
	v49 =	vnsel vm1, $0x0, v36;
	v25 =	vld [tilespmem:s28+$0xFFFFFFC0];
	[tilespmem:s25+$0xFFFFFFC0] =	vst v39;
	v39 =	vnsel vm2, $0x0, v34  }
0x2ea: {  	vm1 =	vge.f32 v37, v21;
	vm0 =	veq.f32 v37, v21;
	v26 =	vld [tilespmem:s28+$0xFFFFFFD0];
	[tilespmem:s25+$0xFFFFFFD0] =	vst v42  }
0x2eb: {  	v28 =	vsel vm0, $0x1, v2;
	vm0 =	vge.f32 v22, v21;
	vm2 =	veq.f32 v22, v21;
	v27 =	vld [tilespmem:s28+$0xFFFFFFE0];
	[tilespmem:s25+$0xFFFFFFE0] =	vst v43  }
0x2ec: {  	v29 =	vadd.s32 v28, v38;
	v30 =	vsel vm2, $0x1, v2;
	vm2 =	veq.f32 v23, v21;
	v28 =	vld [tilespmem:s28+$0xFFFFFFF0];
	[tilespmem:s25+$0xFFFFFFF0] =	vst v40  }
0x2ed: {  	v30 =	vadd.s32 v30, v29;
	v31 =	vsel vm2, $0x1, v2;
	vm2 =	veq.f32 v24, v21;
	v29 =	vld [tilespmem:s28+$0x0];
	[tilespmem:s25+$0x0] =	vst v44  }
0x2ee: {  	v31 =	vadd.s32 v31, v30;
	v32 =	vsel vm2, $0x1, v2;
	vm2 =	veq.f32 v25, v21;
	v30 =	vld [tilespmem:s28+$0x10];
	[tilespmem:s25+$0x10] =	vst v45  }
0x2ef: {  	v32 =	vadd.s32 v32, v31;
	v33 =	vsel vm2, $0x1, v2;
	vm2 =	veq.f32 v26, v21;
	v31 =	vld [tilespmem:s28+$0x20];
	[tilespmem:s25+$0x20] =	vst v41  }
0x2f0: {  	v33 =	vadd.s32 v33, v32;
	v34 =	vsel vm2, $0x1, v2;
	vm2 =	veq.f32 v27, v21;
	v32 =	vld [tilespmem:s28+$0x30];
	[tilespmem:s25+$0x30] =	vst v46  }
0x2f1: {  	v34 =	vadd.s32 v34, v33;
	v35 =	vsel vm2, $0x1, v2;
	vm2 =	veq.f32 v28, v21;
	v33 =	vld [tilespmem:s28+$0x40];
	[tilespmem:s25+$0x40] =	vst v47  }
0x2f2: {  	v35 =	vadd.s32 v35, v34;
	v36 =	vsel vm2, $0x1, v2;
	vm2 =	veq.f32 v29, v21;
	v34 =	vld [tilespmem:s28+$0x50];
	[tilespmem:s25+$0x50] =	vst v39  }
0x2f3: {  	v36 =	vadd.s32 v36, v35;
	v38 =	vsel vm2, $0x1, v2;
	vm2 =	veq.f32 v30, v21;
	v35 =	vld [tilespmem:s28+$0x60];
	[tilespmem:s25+$0x60] =	vst v48  }
0x2f4: {  	v38 =	vadd.s32 v38, v36;
	v39 =	vsel vm2, $0x1, v2;
	vm2 =	veq.f32 v31, v21;
	v36 =	vld [tilespmem:s28+$0x70];
	[tilespmem:s25+$0x70] =	vst v49  }
0x2f5: {  	v38 =	vadd.s32 v39, v38;
	v39 =	vsel vm2, $0x1, v2;
	vm2 =	veq.f32 v32, v21  }
0x2f6: {  	v38 =	vadd.s32 v39, v38;
	v39 =	vsel vm2, $0x1, v2;
	vm2 =	veq.f32 v33, v21  }
0x2f7: {  	v38 =	vadd.s32 v39, v38;
	v39 =	vsel vm2, $0x1, v2;
	vm2 =	veq.f32 v34, v21  }
0x2f8: {  	v38 =	vadd.s32 v39, v38;
	v39 =	vsel vm2, $0x1, v2;
	vm2 =	veq.f32 v35, v21  }
0x2f9: {  	v38 =	vadd.s32 v39, v38;
	v39 =	vsel vm2, $0x1, v2;
	vm2 =	veq.f32 v36, v21  }
0x2fa: {  	vm11 =	vge.f32 v23, v21;
	v38 =	vadd.s32 v39, v38;
	v39 =	vsel vm2, $0x1, v2  }
.Ltmp29:
0x2fb: {  	vm14 =	vge.f32 v24, v21;
	vm10 =	vge.f32 v25, v21;
	v38 =	vadd.s32 v39, v38;
	(pc) =	sbr.rel @p1 .LBB2_50-.Ltmp29, $4  }
0x2fc: {  	vm13 =	vge.f32 v26, v21;
	vm12 =	vge.f32 v27, v21;
	vm7 =	vge.f32 v28, v21  }
0x2fd: {  	vm9 =	vge.f32 v29, v21;
	vm8 =	vge.f32 v30, v21;
	vm3 =	vge.f32 v31, v21  }
0x2fe: {  	vm6 =	vge.f32 v32, v21;
	vm4 =	vge.f32 v33, v21;
	vm2 =	vge.f32 v34, v21  }
0x2ff: {  	s28 =	sadd.s32 $0x100, s28;
	s25 =	sadd.s32 $0x100, s25;
	vm5 =	vge.f32 v35, v21;
	v39 =	vnsel vm1, $0x0, v37;
	vm1 =	vge.f32 v36, v21  }
0x300: {  	(xrf0) =	vadd.scan.msk.s32 $0xffff, v38;
	_ =	sdelay $0x5  }
0x301: {  	v37, _, _ =	vpop (xrf0)  }
0x302: {  	(v2sf) =	vpush v37, $0xF;
	_ =	sdelay $0x5  }
0x303: {  	[tilespmem:s25+$0xFFFFFF80] =	vst v39;
	v22 =	vnsel vm0, $0x0, v22  }
0x304: {  	v23 =	vnsel vm11, $0x0, v23;
	[tilespmem:s25+$0xFFFFFF90] =	vst v22  }
0x305: {  	v22 =	vnsel vm14, $0x0, v24;
	[tilespmem:s25+$0xFFFFFFA0] =	vst v23  }
0x306: {  	v23 =	vnsel vm10, $0x0, v25;
	[tilespmem:s25+$0xFFFFFFB0] =	vst v22  }
0x307: {  	v22 =	vnsel vm13, $0x0, v26;
	[tilespmem:s25+$0xFFFFFFC0] =	vst v23  }
0x308: {  	v23 =	vnsel vm12, $0x0, v27;
	[tilespmem:s25+$0xFFFFFFD0] =	vst v22  }
0x309: {  	v22 =	vnsel vm7, $0x0, v28;
	[tilespmem:s25+$0xFFFFFFE0] =	vst v23  }
0x30a: {  	v23 =	vnsel vm9, $0x0, v29;
	[tilespmem:s25+$0xFFFFFFF0] =	vst v22  }
0x30b: {  	v22 =	vnsel vm8, $0x0, v30;
	[tilespmem:s25+$0x0] =	vst v23  }
0x30c: {  	v23 =	vnsel vm3, $0x0, v31;
	[tilespmem:s25+$0x10] =	vst v22;
	s0 =	spop (v2sf)  }
0x30d: {  	v22 =	vnsel vm6, $0x0, v32;
	[tilespmem:s25+$0x20] =	vst v23;
	p1 =	sle.s32 s0, s24  }
.Ltmp30:
0x30e: {  	v23 =	vnsel vm4, $0x0, v33;
	[tilespmem:s25+$0x30] =	vst v22;
	(pc) =	sbr.rel @p1 .LBB2_55-.Ltmp30, $4  }
0x30f: {  	v22 =	vnsel vm2, $0x0, v34;
	[tilespmem:s25+$0x40] =	vst v23  }
0x310: {  	v23 =	vnsel vm5, $0x0, v35;
	[tilespmem:s25+$0x50] =	vst v22  }
0x311: {  	v22 =	vnsel vm1, $0x0, v36;
	[tilespmem:s25+$0x60] =	vst v23  }
0x312: {  	[tilespmem:s25+$0x70] =	vst v22  }
0x313: {  	s28 =	simm.s32 $0x0  }
0x314: {  	v22 =	vld [tilespmem:s28+$0x0];
	_ =	sdelay $0x1  }
0x315: {  	s26 =	simm.s32 $0x10  }
0x316: {  	v23 =	vld [tilespmem:s26+$0x0];
	_ =	sdelay $0x1  }
0x317: {  	vm0 =	veq.f32 v22, v21  }
0x318: {  	v22 =	vsel vm0, $0x1, v2  }
0x319: {  	(xrf0) =	vadd.scan.msk.s32 $0xffff, v22  }
0x31a: {  	vm1 =	veq.f32 v23, v21  }
0x31b: {  	v22 =	vsel vm1, $0x1, v2  }
0x31c: {  	s25 =	simm.s32 $0x20;
	(xrf0) =	vadd.scan.msk.s32 $0xffff, v22  }
0x31d: {  	v23 =	vld [tilespmem:s25+$0x0];
	_ =	sdelay $0x1  }
0x31e: {  	v25, _, _ =	vpop (xrf0)  }
0x31f: {  	(v2sf) =	vpush v25, $0xF;
	_ =	sdelay $0x1  }
0x320: {  	vm3 =	veq.f32 v23, v21;
	v23, _, _ =	vpop (xrf0)  }
0x321: {  	(v2sf) =	vpush v23, $0xF;
	_ =	sdelay $0x2  }
0x322: {  	s2 =	simm.s32 $0x30;
	v26 =	vsel vm3, $0x1, v2  }
0x323: {  	s0 =	simm.s32 $0x0;
	v24 =	vld [tilespmem:s2+$0x0];
	(xrf0) =	vadd.scan.msk.s32 $0xffff, v26  }
0x324: {  	vm0 =	vmmov vm0;
	v27 =	vadd.s32 s0, v25;
	v25 =	vld [tilespmem:s28+$0x8000]  }
0x325: {  	vm0 =	vmmov vm0  }
0x326: {  	vm1 =	vmmov vm1;
	v22 =	vmov s24;
	vm2 =	vmmov vm0  }
0x327: {  	s5 =	simm.s32 $0x100;
	vm1 =	vmmov vm1;
	s24 =	simm.s32 $0x140;
	vm0 =	vmmov vm3;
	vm4 =	vgt.s32 v27, v22  }
.LBB2_53:
0x328: {  	p1 =	sne.s32 s24, $0xFFC0;
	vm3 =	veq.f32 v24, v21;
	vm4 =	vmand vm2, vm4;
	vm2 =	vmmov vm1  }
0x329: {  	s7 =	sshra.s32 s5, $0x2;
	vm1 =	vmmov vm0;
	s5 =	smov.u32 s24;
	v26 =	vsel vm3, $0x1, v2;
	v27, _, _ =	vpop (xrf0);
	v25 =	vsel vm4, $0x0, v25  }
.Ltmp31:
0x32a: {  	vm0 =	vmmov vm3;
	v24 =	vld [tilespmem:s7+$0x0];
	(xrf0) =	vadd.scan.msk.s32 $0xffff, v26;
	(v2sf) =	vpush v27, $0xF;
	[tilespmem:s28+$0x8000] =	vst v25;
	s28 =	smov.u32 s26;
	s26 =	smov.u32 s25;
	(pc) =	sbr.rel @p1 .LBB2_53-.Ltmp31, $4  }
0x32b: {  	s25 =	smov.u32 s2;
	s2 =	smov.u32 s7;
	v25 =	vld [tilespmem:s28+$0x8000];
	s29 =	spop (v2sf)  }
0x32c: {  	s0 =	sadd.s32 s0, s29  }
0x32d: {  	v26 =	vadd.s32 s0, v23;
	v23 =	vmov v27  }
0x32e: {  	s24 =	sadd.s32 $0x40, s24;
	vm4 =	vgt.s32 v26, v22  }
0x32f: {  	vm3 =	veq.f32 v24, v21;
	vm2 =	vmand vm2, vm4;
	s5 =	sshra.s32 s5, $0x2  }
0x330: {  	v24 =	vsel vm3, $0x1, v2;
	v26, _, _ =	vpop (xrf0);
	v25 =	vsel vm2, $0x0, v25;
	v27 =	vld [tilespmem:s5+$0x0]  }
0x331: {  	(xrf0) =	vadd.scan.msk.s32 $0xffff, v24;
	(v2sf) =	vpush v26, $0xF;
	[tilespmem:s28+$0x8000] =	vst v25  }
0x332: {  	s7 =	spop (v2sf);
	v61 =	vld [tilespmem:s26+$0x8000]  }
0x333: {  	s0 =	sadd.s32 s0, s7  }
0x334: {  	v23 =	vadd.s32 s0, v23  }
0x335: {  	vm8 =	vmmov vm1;
	vm9 =	vgt.s32 v23, v22;
	vm10 =	veq.f32 v27, v21  }
0x336: {  	vm2 =	vmand vm8, vm9;
	v21 =	vsel vm10, $0x1, v2  }
0x337: {  	v23, _, _ =	vpop (xrf0);
	v24 =	vsel vm2, $0x0, v61;
	(xrf0) =	vadd.scan.msk.s32 $0xffff, v21  }
0x338: {  	(v2sf) =	vpush v23, $0xF;
	[tilespmem:s26+$0x8000] =	vst v24  }
0x339: {  	v21 =	vld [tilespmem:s25+$0x8000];
	s28 =	spop (v2sf)  }
0x33a: {  	s0 =	sadd.s32 s0, s28  }
0x33b: {  	vm0 =	vmmov vm0;
	v62 =	vadd.s32 s0, v26  }
0x33c: {  	vm0 =	vmmov vm0;
	vm11 =	vgt.s32 v62, v22  }
0x33d: {  	vm0 =	vmand vm0, vm11;
	v63, _, _ =	vpop (xrf0)  }
0x33e: {  	v21 =	vsel vm0, $0x0, v21;
	(v2sf) =	vpush v63, $0xF  }
0x33f: {  	[tilespmem:s25+$0x8000] =	vst v21  }
0x340: {  	v21 =	vld [tilespmem:s2+$0x8000];
	s29 =	spop (v2sf)  }
0x341: {  	vm12 =	vmmov vm3;
	s0 =	sadd.s32 s0, s29  }
0x342: {  	vm0 =	vmmov vm12;
	v23 =	vadd.s32 s0, v23  }
0x343: {  	vm0 =	vmmov vm0;
	vm13 =	vgt.s32 v23, v22  }
0x344: {  	vm0 =	vmand vm0, vm13  }
0x345: {  	v21 =	vsel vm0, $0x0, v21  }
0x346: {  	[tilespmem:s2+$0x8000] =	vst v21  }
0x347: {  	v21 =	vld [tilespmem:s5+$0x8000];
	s30 =	spop (v2sf)  }
0x348: {  	vm14 =	vmmov vm10;
	s0 =	sadd.s32 s0, s30  }
0x349: {  	vm0 =	vmmov vm14;
	v23 =	vadd.s32 s0, v63  }
0x34a: {  	vm0 =	vmmov vm0;
	vm15 =	vgt.s32 v23, v22  }
0x34b: {  	vm0 =	vmand vm0, vm15  }
0x34c: {  	v21 =	vsel vm0, $0x0, v21  }
0x34d: {  	[tilespmem:s5+$0x8000] =	vst v21;
	s31 =	spop (v2sf)  }
.LBB2_55:
0x34e: {  	s0 =	sshll.u32 s21, $0x5  }
0x34f: {  	s2 =	sshll.u32 s23, $0xB;
	s0 =	sand.u32 $0x60, s0  }
0x350: {  	s2 =	sand.u32 $0x7FC000, s2;
	s0 =	sadd.s32 s3, s0  }
0x351: {  	p1 =	seq.s32 s21, $0x3F;
	s0 =	sadd.s32 s2, s0  }
0x352: {  	[hbm4b:s0+s9] =	stream.strided.scatter [tilespmem:s15], [sflag:$0x3], $0x4000, s10, s9, $0x38;
	[tilespmem:$0x14100] =	vst v63  }
0x353: {  	s0 =	sadd.s32 @!p1 $0x2, s23  }
0x354: {  	s2 =	sshll.u32 @!p1 s0, $0x4  }
0x355: {  	s0 =	sshll.u32 @!p1 s0, $0xB;
	s2 =	sand.u32 @!p1 $0x60, s2  }
0x356: {  	s5 =	simm.s32 @!p1 $0x400;
	s0 =	sand.u32 @!p1 $0xFFFC000, s0;
	s2 =	sadd.s32 @!p1 s1, s2  }
0x357: {  	s7 =	simm.s32 @!p1 $0x0;
	s0 =	sadd.s32 @!p1 s0, s2;
	s2 =	simm.s32 @!p1 $0x80  }
0x358: {  	[tilespmem:s7], [sflag:$0x1] =	stream.strided.gather @!p1 [hbm4b:s0+s2], $0x4000, s5, s2, $0x38;
	[tilespmem:$0x14100] =	vst v63  }
0x359: {  	_ =	swait.ge [sflag:s16], $0x4000  }
0x35a: {  	[sflag:s16] =	ssyncset.done $0x0  }
0x35b: {  	[sflag:s16] =	ssyncadd.s32 $0xFFFFC000  }
0x35c: {  	[tilespmem:$0x14000] =	vst v2  }
0x35d: {  	[tilespmem:$0x14010] =	vst v2  }
0x35e: {  	[tilespmem:$0x14020] =	vst v2  }
0x35f: {  	[tilespmem:$0x14030] =	vst v2  }
0x360: {  	[tilespmem:$0x14040] =	vst v2  }
0x361: {  	[tilespmem:$0x14050] =	vst v2  }
0x362: {  	[tilespmem:$0x14060] =	vst v2  }
0x363: {  	[tilespmem:$0x14070] =	vst v2  }
0x364: {  	[tilespmem:$0x14080] =	vst v2  }
0x365: {  	[tilespmem:$0x14090] =	vst v2  }
0x366: {  	[tilespmem:$0x140A0] =	vst v2  }
0x367: {  	[tilespmem:$0x140B0] =	vst v2  }
0x368: {  	[tilespmem:$0x140C0] =	vst v2  }
0x369: {  	[tilespmem:$0x140D0] =	vst v2  }
0x36a: {  	[tilespmem:$0x140E0] =	vst v2  }
0x36b: {  	s31 =	simm.s32 $0x4080;
	[tilespmem:$0x140F0] =	vst v2  }
0x36c: {  	v21 =	vld [tilespmem:s31+$0x70]  }
0x36d: {  	v22 =	vld [tilespmem:s31+$0xFFFFFF90]  }
0x36e: {  	v23 =	vld [tilespmem:s31+$0xFFFFFFA0]  }
0x36f: {  	v31 =	vld [tilespmem:s31+$0xFFFFFFF0]  }
0x370: {  	v32 =	vld [tilespmem:s31+$0x0]  }
0x371: {  	v33 =	vld [tilespmem:s31+$0x10]  }
0x372: {  	v34 =	vld [tilespmem:s31+$0x20];
	_ =	sdelay $0x2  }
0x373: {  	v24 =	vld [tilespmem:s31+$0xFFFFFFB0];
	v27 =	vshra.s32 v21, $0x1F  }
0x374: {  	v25 =	vld [tilespmem:s31+$0xFFFFFFC0];
	v28 =	vshra.s32 v22, $0x1F;
	v30 =	vshra.s32 v23, $0x1F;
	v35 =	vshra.s32 v31, $0x1F  }
0x375: {  	v36 =	vshra.s32 v32, $0x1F;
	v56 =	vshra.s32 v33, $0x1F;
	v37 =	vshra.s32 v34, $0x1F  }
0x376: {  	v26 =	vld [tilespmem:s31+$0xFFFFFFD0];
	v27 =	vor.u32 $0x80000000, v27;
	v28 =	vor.u32 $0x80000000, v28;
	v35 =	vor.u32 $0x80000000, v35  }
0x377: {  	v29 =	vld [tilespmem:s31+$0xFFFFFFE0];
	v37 =	vor.u32 $0x80000000, v37;
	v21 =	vxor.u32 v21, v27;
	v27 =	vor.u32 $0x80000000, v30  }
0x378: {  	v30 =	vshra.s32 v24, $0x1F;
	v22 =	vxor.u32 v22, v28;
	v31 =	vxor.u32 v31, v35  }
0x379: {  	v34 =	vxor.u32 v34, v37;
	v28 =	vor.u32 $0x80000000, v30;
	v30 =	vshra.s32 v25, $0x1F  }
0x37a: {  	v38 =	vld [tilespmem:s31+$0x50];
	v21 =	vshrl.u32 v21, $0x18;
	v23 =	vxor.u32 v23, v27;
	v27 =	vor.u32 $0x80000000, v30  }
0x37b: {  	v22 =	vshrl.u32 v22, $0x18;
	v30 =	vshra.s32 v26, $0x1F;
	v25 =	vxor.u32 v25, v27;
	v27 =	vld [tilespmem:s31+$0xFFFFFF80]  }
0x37c: {  	v24 =	vxor.u32 v24, v28;
	v28 =	vor.u32 $0x80000000, v30;
	v30 =	vshra.s32 v29, $0x1F  }
0x37d: {  	v23 =	vshrl.u32 v23, $0x18;
	v24 =	vshrl.u32 v24, $0x18;
	v30 =	vor.u32 $0x80000000, v30  }
0x37e: {  	v26 =	vxor.u32 v26, v28;
	v28 =	vld [tilespmem:s31+$0x30];
	v25 =	vshrl.u32 v25, $0x18;
	v29 =	vxor.u32 v29, v30  }
0x37f: {  	v57 =	vld [tilespmem:s31+$0x40];
	v30 =	vor.u32 $0x80000000, v36;
	v36 =	vor.u32 $0x80000000, v56;
	v61 =	vshrl.u32 v26, $0x18  }
0x380: {  	v39 =	vld [tilespmem:s31+$0x60];
	v26 =	vshra.s32 v38, $0x1F;
	v30 =	vxor.u32 v32, v30;
	v58 =	vshra.s32 v27, $0x1F  }
0x381: {  	[tilespmem:v21+s13+$0x0] =	vst.idx.add.s32.msk $0xffff, v3;
	v21 =	vxor.u32 v33, v36;
	v26 =	vor.u32 $0x80000000, v26;
	v32 =	vor.u32 $0x80000000, v58  }
0x382: {  	[tilespmem:v22+s13+$0x0] =	vst.idx.add.s32.msk $0xffff, v3;
	v29 =	vshrl.u32 v29, $0x18;
	v62 =	vxor.u32 v38, v26;
	v27 =	vxor.u32 v27, v32  }
0x383: {  	[tilespmem:v23+s13+$0x0] =	vst.idx.add.s32.msk $0xffff, v3;
	v26 =	vshrl.u32 v21, $0x18;
	v59 =	vshra.s32 v28, $0x1F;
	v60 =	vshrl.u32 v27, $0x18  }
0x384: {  	[tilespmem:v25+s13+$0x0] =	vst.idx.add.s32.msk $0xffff, v3;
	v25 =	vshrl.u32 v34, $0x18;
	v32 =	vor.u32 $0x80000000, v59;
	v27 =	vshra.s32 v57, $0x1F  }
0x385: {  	[tilespmem:v24+s13+$0x0] =	vst.idx.add.s32.msk $0xffff, v3;
	v22 =	vxor.u32 v28, v32;
	v23 =	vor.u32 $0x80000000, v27;
	v27 =	vshra.s32 v39, $0x1F  }
0x386: {  	[tilespmem:v61+s13+$0x0] =	vst.idx.add.s32.msk $0xffff, v3;
	v28 =	vshrl.u32 v31, $0x18;
	v23 =	vxor.u32 v57, v23;
	v24 =	vor.u32 $0x80000000, v27  }
0x387: {  	[tilespmem:v29+s13+$0x0] =	vst.idx.add.s32.msk $0xffff, v3;
	v27 =	vshrl.u32 v30, $0x18;
	v63 =	vxor.u32 v39, v24;
	v24 =	vshrl.u32 v22, $0x18  }
0x388: {  	s24 =	simm.s32 $0x4180;
	s23 =	simm.s32 $0x0;
	v23 =	vshrl.u32 v23, $0x18;
	v22 =	vshrl.u32 v62, $0x18;
	v21 =	vshrl.u32 v63, $0x18;
	[tilespmem:v60+s13+$0x0] =	vst.idx.add.s32.msk $0xffff, v3  }
.LBB2_56:
0x389: {  	v29 =	vld [tilespmem:s24+$0x70];
	s23 =	sadd.s32 $0x100, s23  }
0x38a: {  	v30 =	vld [tilespmem:s24+$0xFFFFFF90];
	p2 =	slt.u32 s23, $0x3F00  }
0x38b: {  	v31 =	vld [tilespmem:s24+$0xFFFFFFA0]  }
0x38c: {  	v32 =	vld [tilespmem:s24+$0xFFFFFFB0]  }
0x38d: {  	v33 =	vld [tilespmem:s24+$0xFFFFFFC0]  }
0x38e: {  	v34 =	vld [tilespmem:s24+$0xFFFFFFD0];
	v35 =	vshra.s32 v29, $0x1F  }
0x38f: {  	v36 =	vshra.s32 v30, $0x1F;
	v37 =	vld [tilespmem:s24+$0xFFFFFFE0];
	v35 =	vor.u32 $0x80000000, v35  }
0x390: {  	v36 =	vor.u32 $0x80000000, v36;
	v38 =	vshra.s32 v31, $0x1F;
	v39 =	vld [tilespmem:s24+$0xFFFFFFF0];
	v29 =	vxor.u32 v29, v35  }
0x391: {  	v35 =	vor.u32 $0x80000000, v38;
	v38 =	vshra.s32 v32, $0x1F;
	v40 =	vld [tilespmem:s24+$0x0];
	v29 =	vshrl.u32 v29, $0x18  }
0x392: {  	v30 =	vxor.u32 v30, v36;
	v36 =	vor.u32 $0x80000000, v38;
	v38 =	vshra.s32 v33, $0x1F;
	v41 =	vld [tilespmem:s24+$0x10]  }
0x393: {  	v31 =	vxor.u32 v31, v35;
	v35 =	vor.u32 $0x80000000, v38;
	v38 =	vshra.s32 v34, $0x1F;
	v42 =	vld [tilespmem:s24+$0x20]  }
0x394: {  	v32 =	vxor.u32 v32, v36;
	v36 =	vor.u32 $0x80000000, v38;
	v38 =	vshra.s32 v37, $0x1F;
	v43 =	vld [tilespmem:s24+$0x30]  }
0x395: {  	v33 =	vxor.u32 v33, v35;
	v35 =	vor.u32 $0x80000000, v38;
	v38 =	vshra.s32 v39, $0x1F;
	v44 =	vld [tilespmem:s24+$0x40]  }
0x396: {  	v34 =	vxor.u32 v34, v36;
	v36 =	vor.u32 $0x80000000, v38;
	v38 =	vshra.s32 v40, $0x1F;
	[tilespmem:v29+s13+$0x0] =	vst.idx.add.s32.msk $0xffff, v3  }
0x397: {  	v29 =	vxor.u32 v37, v35;
	v35 =	vor.u32 $0x80000000, v38;
	v37 =	vshra.s32 v41, $0x1F;
	v38 =	vld [tilespmem:s24+$0x50]  }
0x398: {  	v36 =	vxor.u32 v39, v36;
	v37 =	vor.u32 $0x80000000, v37;
	v39 =	vshra.s32 v42, $0x1F;
	v45 =	vld [tilespmem:s24+$0x60]  }
0x399: {  	v35 =	vxor.u32 v40, v35;
	v46 =	vld [tilespmem:s24+$0xFFFFFF80];
	v39 =	vor.u32 $0x80000000, v39;
	v40 =	vshra.s32 v43, $0x1F  }
0x39a: {  	v37 =	vxor.u32 v41, v37;
	v40 =	vor.u32 $0x80000000, v40;
	v41 =	vshra.s32 v44, $0x1F;
	[tilespmem:v28+s13+$0x0] =	vst.idx.add.s32.msk $0xffff, v3  }
0x39b: {  	v39 =	vxor.u32 v42, v39;
	v40 =	vxor.u32 v43, v40;
	v28 =	vor.u32 $0x80000000, v41;
	[tilespmem:v27+s13+$0x0] =	vst.idx.add.s32.msk $0xffff, v3  }
0x39c: {  	v27 =	vshrl.u32 v30, $0x18;
	v30 =	vxor.u32 v44, v28;
	v28 =	vshra.s32 v38, $0x1F;
	[tilespmem:v26+s13+$0x0] =	vst.idx.add.s32.msk $0xffff, v3  }
0x39d: {  	v26 =	vshrl.u32 v31, $0x18;
	v28 =	vor.u32 $0x80000000, v28;
	v31 =	vshra.s32 v45, $0x1F;
	[tilespmem:v25+s13+$0x0] =	vst.idx.add.s32.msk $0xffff, v3  }
0x39e: {  	v25 =	vshra.s32 v46, $0x1F;
	v38 =	vxor.u32 v38, v28;
	v28 =	vor.u32 $0x80000000, v31;
	[tilespmem:v24+s13+$0x0] =	vst.idx.add.s32.msk $0xffff, v3  }
0x39f: {  	v31 =	vshrl.u32 v32, $0x18;
	v24 =	vor.u32 $0x80000000, v25;
	v32 =	vxor.u32 v45, v28;
	[tilespmem:v23+s13+$0x0] =	vst.idx.add.s32.msk $0xffff, v3  }
0x3a0: {  	v33 =	vshrl.u32 v33, $0x18;
	v34 =	vshrl.u32 v34, $0x18;
	v23 =	vxor.u32 v46, v24;
	[tilespmem:v22+s13+$0x0] =	vst.idx.add.s32.msk $0xffff, v3  }
0x3a1: {  	v29 =	vshrl.u32 v29, $0x18;
	v28 =	vshrl.u32 v36, $0x18;
	v41 =	vshrl.u32 v23, $0x18;
	[tilespmem:v27+s13+$0x0] =	vst.idx.add.s32.msk $0xffff, v3  }
0x3a2: {  	v25 =	vshrl.u32 v39, $0x18;
	v27 =	vshrl.u32 v35, $0x18;
	[tilespmem:v26+s13+$0x0] =	vst.idx.add.s32.msk $0xffff, v3;
	v26 =	vshrl.u32 v37, $0x18  }
0x3a3: {  	v24 =	vshrl.u32 v40, $0x18;
	v22 =	vshrl.u32 v38, $0x18;
	v23 =	vshrl.u32 v30, $0x18;
	[tilespmem:v21+s13+$0x0] =	vst.idx.add.s32.msk $0xffff, v3  }
.Ltmp32:
0x3a4: {  	v21 =	vshrl.u32 v32, $0x18;
	[tilespmem:v31+s13+$0x0] =	vst.idx.add.s32.msk $0xffff, v3;
	(pc) =	sbr.rel @p2 .LBB2_56-.Ltmp32, $4  }
0x3a5: {  	[tilespmem:v33+s13+$0x0] =	vst.idx.add.s32.msk $0xffff, v3  }
0x3a6: {  	[tilespmem:v41+s13+$0x0] =	vst.idx.add.s32.msk $0xffff, v3  }
0x3a7: {  	[tilespmem:v34+s13+$0x0] =	vst.idx.add.s32.msk $0xffff, v3  }
0x3a8: {  	s24 =	sadd.s32 $0x100, s24;
	[tilespmem:v29+s13+$0x0] =	vst.idx.add.s32.msk $0xffff, v3  }
0x3a9: {  	_ =	sdelay $0x3  }
0x3aa: {  	[tilespmem:v28+s13+$0x0] =	vst.idx.add.s32.msk $0xffff, v3  }
0x3ab: {  	[tilespmem:v27+s13+$0x0] =	vst.idx.add.s32.msk $0xffff, v3  }
0x3ac: {  	[tilespmem:v26+s13+$0x0] =	vst.idx.add.s32.msk $0xffff, v3  }
0x3ad: {  	[tilespmem:v25+s13+$0x0] =	vst.idx.add.s32.msk $0xffff, v3  }
0x3ae: {  	[tilespmem:v24+s13+$0x0] =	vst.idx.add.s32.msk $0xffff, v3  }
0x3af: {  	[tilespmem:v23+s13+$0x0] =	vst.idx.add.s32.msk $0xffff, v3  }
0x3b0: {  	[tilespmem:v22+s13+$0x0] =	vst.idx.add.s32.msk $0xffff, v3  }
0x3b1: {  	[tilespmem:v21+s13+$0x0] =	vst.idx.add.s32.msk $0xffff, v3  }
0x3b2: {  	v21 =	vld.idx.msk [tilespmem:v1+s13+$0x0], $0xffff  }
0x3b3: {  	v22 =	vld.idx.msk [tilespmem:v4+s13+$0x0], $0xffff  }
0x3b4: {  	v23 =	vld.idx.msk [tilespmem:v5+s13+$0x0], $0xffff  }
0x3b5: {  	v24 =	vld.idx.msk [tilespmem:v6+s13+$0x0], $0xffff  }
0x3b6: {  	v25 =	vld.idx.msk [tilespmem:v7+s13+$0x0], $0xffff  }
0x3b7: {  	v26 =	vld.idx.msk [tilespmem:v8+s13+$0x0], $0xffff  }
0x3b8: {  	v21 =	vadd.s32 v21, v22;
	v22 =	vld.idx.msk [tilespmem:v9+s13+$0x0], $0xffff  }
0x3b9: {  	v21 =	vadd.s32 v23, v21;
	v23 =	vld.idx.msk [tilespmem:v10+s13+$0x0], $0xffff  }
0x3ba: {  	v21 =	vadd.s32 v24, v21;
	v24 =	vld.idx.msk [tilespmem:v11+s13+$0x0], $0xffff  }
0x3bb: {  	v21 =	vadd.s32 v25, v21;
	v25 =	vld.idx.msk [tilespmem:v12+s13+$0x0], $0xffff  }
0x3bc: {  	v21 =	vadd.s32 v26, v21;
	v26 =	vld.idx.msk [tilespmem:v13+s13+$0x0], $0xffff  }
0x3bd: {  	v21 =	vadd.s32 v22, v21;
	v22 =	vld.idx.msk [tilespmem:v14+s13+$0x0], $0xffff  }
0x3be: {  	v21 =	vadd.s32 v23, v21;
	v23 =	vld.idx.msk [tilespmem:v15+s13+$0x0], $0xffff  }
0x3bf: {  	v21 =	vadd.s32 v24, v21;
	v24 =	vld.idx.msk [tilespmem:v16+s13+$0x0], $0xffff  }
0x3c0: {  	v21 =	vadd.s32 v25, v21;
	v25 =	vld.idx.msk [tilespmem:v17+s13+$0x0], $0xffff  }
0x3c1: {  	v21 =	vadd.s32 v26, v21;
	v26 =	vld.idx.msk [tilespmem:v18+s13+$0x0], $0xffff  }
0x3c2: {  	v21 =	vadd.s32 v22, v21  }
0x3c3: {  	v21 =	vadd.s32 v23, v21  }
0x3c4: {  	v21 =	vadd.s32 v24, v21  }
0x3c5: {  	v21 =	vadd.s32 v25, v21  }
0x3c6: {  	v21 =	vadd.s32 v26, v21  }
0x3c7: {  	v22 =	vperm.xlane v21, v19;
	_ =	sdelay $0x1  }
0x3c8: {  	(xrf0) =	vadd.scan.msk.s32 $0xffff, v22;
	_ =	sdelay $0x5  }
0x3c9: {  	v22, _, _ =	vpop (xrf0)  }
0x3ca: {  	v22 =	vperm.xlane v22, v19;
	_ =	sdelay $0x1  }
0x3cb: {  	vm0 =	vgt.s32 v22, $0x3F  }
0x3cc: {  	v22 =	vsel vm0, $0x1, v2  }
0x3cd: {  	(xrf0) =	vadd.scan.msk.s32 $0xffff, v22;
	_ =	sdelay $0x5  }
0x3ce: {  	v22, _, _ =	vpop (xrf0)  }
0x3cf: {  	(v2sf) =	vpush v22, $0xF;
	_ =	sdelay $0xe  }
0x3d0: {  	s0 =	spop (v2sf)  }
0x3d1: {  	s0 =	sadd.s32 $0xFFFFFFFF, s0  }
0x3d2: {  	s2 =	sshll.u32 s0, $0x4  }
0x3d3: {  	v22 =	vld [tilespmem:s2+$0x14000];
	_ =	sdelay $0x2  }
0x3d4: {  	v23 =	vmov s0  }
0x3d5: {  	vm0 =	vlt.s32 v23, v0  }
0x3d6: {  	v21 =	vnsel vm0, $0x0, v21;
	v23 =	vperm.xlane v22, v19  }
0x3d7: {  	(xrf0) =	vadd.scan.msk.s32 $0xffff, v21  }
0x3d8: {  	(xrf0) =	vadd.scan.msk.s32 $0xffff, v23;
	_ =	sdelay $0x4  }
0x3d9: {  	v21, _, _ =	vpop (xrf0)  }
0x3da: {  	v23, _, _ =	vpop (xrf0)  }
0x3db: {  	v24 =	vbroadcast v21, $0xF;
	v23 =	vperm.xlane v23, v19;
	_ =	sdelay $0x1  }
0x3dc: {  	v23 =	vadd.s32 v23, v24  }
0x3dd: {  	vm0 =	vgt.s32 v23, $0x3F  }
0x3de: {  	v23 =	vsel vm0, $0x1, v2  }
0x3df: {  	(xrf0) =	vadd.scan.msk.s32 $0xffff, v23;
	_ =	sdelay $0x5  }
0x3e0: {  	v23, _, _ =	vpop (xrf0)  }
0x3e1: {  	(v2sf) =	vpush v23, $0xF;
	_ =	sdelay $0x7  }
0x3e2: {  	s31 =	simm.s32 $0x4040;
	[tilespmem:$0x10000] =	vst v2  }
0x3e3: {  	v25 =	vld [tilespmem:s31+$0x10]  }
0x3e4: {  	v23 =	vld [tilespmem:s31+$0xFFFFFFC0]  }
0x3e5: {  	v28 =	vld [tilespmem:s31+$0x30]  }
0x3e6: {  	v29 =	vld [tilespmem:s31+$0xFFFFFFE0]  }
0x3e7: {  	v34 =	vld [tilespmem:s31+$0xFFFFFFF0]  }
0x3e8: {  	v36 =	vld [tilespmem:s31+$0x0]  }
0x3e9: {  	v24 =	vld [tilespmem:s31+$0x20];
	v26 =	vshra.s32 v23, $0x1F;
	s5 =	spop (v2sf)  }
0x3ea: {  	v35 =	vimm.s32 $0xFFFFFFFF;
	v37 =	vld [tilespmem:s31+$0xFFFFFFD0];
	v26 =	vor.u32 $0x80000000, v26;
	s24 =	sadd.s32 $0xFFFFFFFF, s5  }
0x3eb: {  	v31 =	vshra.s32 v25, $0x1F;
	v32 =	vshra.s32 v28, $0x1F;
	v26 =	vxor.u32 v23, v26;
	s23 =	sadd.s32 s2, s24  }
0x3ec: {  	v38 =	vshra.s32 v29, $0x1F;
	v23 =	vshrl.u32 v26, $0x18;
	v27 =	vmov s23  }
0x3ed: {  	v39 =	vshra.s32 v34, $0x1F;
	v53 =	vshra.s32 v36, $0x1F;
	vm0 =	veq.s32 v23, v27  }
0x3ee: {  	v33 =	vor.u32 $0x80000000, v31;
	v30 =	vshra.s32 v24, $0x1F;
	v23 =	vmpcnt.ones.xlane vm0  }
0x3ef: {  	v41 =	vshra.s32 v37, $0x1F;
	v25 =	vxor.u32 v25, v33;
	v30 =	vor.u32 $0x80000000, v30  }
0x3f0: {  	v31 =	vadd.s32 v35, v23;
	v23 =	vxor.u32 v24, v30;
	v30 =	vor.u32 $0x80000000, v38  }
0x3f1: {  	v40 =	vshrl.u32 v25, $0x18;
	v24 =	vsel vm0, $0x1, v2;
	v30 =	vxor.u32 v29, v30  }
0x3f2: {  	v32 =	vor.u32 $0x80000000, v32;
	vm5 =	veq.s32 v40, v27;
	(xrf0) =	vadd.scan.msk.s32 $0xffff, v24;
	v54 =	vshrl.u32 v30, $0x18  }
0x3f3: {  	v58 =	vsel vm5, $0x1, v2;
	v29 =	vor.u32 $0x80000000, v39;
	vm3 =	veq.s32 v54, v27  }
0x3f4: {  	v24 =	vxor.u32 v28, v32;
	v28 =	vor.u32 $0x80000000, v41;
	v55 =	vsel vm3, $0x1, v2  }
0x3f5: {  	v52 =	vshrl.u32 v23, $0x18;
	v32 =	vxor.u32 v37, v28;
	v29 =	vxor.u32 v34, v29;
	(xrf0) =	vadd.scan.msk.s32 $0xffff, v55  }
0x3f6: {  	v28 =	vor.u32 $0x80000000, v53;
	v60 =	vshrl.u32 v24, $0x18;
	v56 =	vshrl.u32 v32, $0x18  }
0x3f7: {  	vm7 =	veq.s32 v52, v27;
	v28 =	vxor.u32 v36, v28;
	vm4 =	veq.s32 v56, v27  }
0x3f8: {  	v57 =	vshrl.u32 v29, $0x18;
	vm1 =	veq.s32 v60, v27;
	v59 =	vsel vm4, $0x1, v2;
	(xrf0) =	vadd.scan.msk.s32 $0xffff, v58;
	v61, _, _ =	vpop (xrf0)  }
0x3f9: {  	v37 =	vsel vm7, $0x1, v2;
	vm2 =	veq.s32 v57, v27;
	(xrf0) =	vadd.scan.msk.s32 $0xffff, v59;
	v34 =	vadd.s32 v35, v61  }
0x3fa: {  	v33 =	vmpcnt.ones.xlane vm3;
	v63 =	vshrl.u32 v28, $0x18;
	v62 =	vsel vm2, $0x1, v2  }
0x3fb: {  	s25 =	simm.s32 $0x0;
	s26 =	simm.s32 $0x40C0;
	v38 =	vmpcnt.ones.xlane vm4;
	vm6 =	veq.s32 v63, v27;
	v35 =	vmpcnt.ones.xlane vm5;
	v36, _, _ =	vpop (xrf0);
	(xrf0) =	vadd.scan.msk.s32 $0xffff, v62  }
.LBB2_58:
0x3fc: {  	v39 =	vld [tilespmem:s26+$0xFFFFFFC0];
	s25 =	sadd.s32 $0x80, s25;
	v40 =	vsel vm1, $0x1, v2;
	(xrf0) =	vadd.scan.msk.s32 $0xffff, v37  }
0x3fd: {  	v41 =	vmpcnt.ones.xlane vm2;
	v37 =	vld [tilespmem:s26+$0x20];
	p2 =	slt.u32 s25, $0x3F80;
	v38 =	vadd.s32 v31, v38;
	(xrf0) =	vadd.scan.msk.s32 $0xffff, v40  }
0x3fe: {  	v40 =	vld [tilespmem:s26+$0x10];
	[tilespmem:v34+s14+$0x0] =	vst.idx.msk vm0, v26;
	v34 =	vadd.s32 v38, v36;
	v33 =	vadd.s32 v38, v33;
	v26 =	vmpcnt.ones.xlane vm6;
	v36, _, _ =	vpop (xrf0)  }
0x3ff: {  	v42 =	vsel vm6, $0x1, v2;
	v43 =	vmpcnt.ones.xlane vm1;
	v38 =	vld [tilespmem:s26+$0x30];
	v41 =	vadd.s32 v33, v41;
	v44, _, _ =	vpop (xrf0)  }
0x400: {  	v45 =	vld [tilespmem:s26+$0xFFFFFFE0];
	v31 =	vadd.s32 v31, v44;
	v26 =	vadd.s32 v41, v26;
	v44 =	vmpcnt.ones.xlane vm7;
	(xrf0) =	vadd.scan.msk.s32 $0xffff, v42  }
0x401: {  	v42 =	vshra.s32 v39, $0x1F;
	v46 =	vld [tilespmem:s26+$0xFFFFFFD0];
	v36 =	vadd.s32 v26, v36;
	v35 =	vadd.s32 v26, v35;
	v47, _, _ =	vpop (xrf0)  }
0x402: {  	v26 =	vor.u32 $0x80000000, v42;
	v42 =	vld [tilespmem:s26+$0xFFFFFFF0];
	v48 =	vshra.s32 v37, $0x1F;
	v44 =	vadd.s32 v35, v44;
	v49, _, _ =	vpop (xrf0)  }
0x403: {  	v26 =	vxor.u32 v39, v26;
	v39 =	vld [tilespmem:s26+$0x0];
	v50 =	vshra.s32 v40, $0x1F;
	[tilespmem:v34+s14+$0x0] =	vst.idx.msk vm3, v30;
	v34 =	vadd.s32 v44, v43;
	v30, _, _ =	vpop (xrf0)  }
0x404: {  	v35 =	vadd.s32 v35, v49;
	v43 =	vshrl.u32 v26, $0x18;
	v51 =	vshra.s32 v38, $0x1F  }
0x405: {  	v33 =	vadd.s32 v33, v47;
	vm0 =	veq.s32 v43, v27;
	v43 =	vadd.s32 v44, v30  }
0x406: {  	v47 =	vor.u32 $0x80000000, v48;
	v44 =	vor.u32 $0x80000000, v50;
	v30 =	vmpcnt.ones.xlane vm0;
	[tilespmem:v36+s14+$0x0] =	vst.idx.msk vm5, v25;
	v25, _, _ =	vpop (xrf0)  }
0x407: {  	v36 =	vshra.s32 v45, $0x1F;
	v48 =	vshra.s32 v42, $0x1F;
	[tilespmem:v31+s14+$0x0] =	vst.idx.msk vm4, v32;
	v32 =	vadd.s32 v41, v25  }
0x408: {  	v25 =	vxor.u32 v40, v44;
	v31 =	vadd.s32 v34, v30;
	v30 =	vxor.u32 v37, v47  }
0x409: {  	v36 =	vor.u32 $0x80000000, v36;
	v37 =	vsel vm0, $0x1, v2;
	v40 =	vshrl.u32 v30, $0x18;
	[tilespmem:v35+s14+$0x0] =	vst.idx.msk vm7, v23;
	v23 =	vmovc v30  }
0x40a: {  	v30 =	vxor.u32 v45, v36;
	v35 =	vor.u32 $0x80000000, v48;
	v36 =	vshra.s32 v39, $0x1F;
	[tilespmem:v33+s14+$0x0] =	vst.idx.msk vm2, v29  }
0x40b: {  	v41 =	vshrl.u32 v25, $0x18;
	v29 =	vshrl.u32 v30, $0x18;
	v33 =	vor.u32 $0x80000000, v51;
	(xrf0) =	vadd.scan.msk.s32 $0xffff, v37  }
0x40c: {  	v37 =	vshra.s32 v46, $0x1F;
	vm3 =	veq.s32 v29, v27;
	v29 =	vxor.u32 v38, v33;
	[tilespmem:v32+s14+$0x0] =	vst.idx.msk vm6, v28  }
0x40d: {  	v28 =	vor.u32 $0x80000000, v37;
	v37 =	vsel vm3, $0x1, v2;
	v33 =	vmpcnt.ones.xlane vm3;
	[tilespmem:v43+s14+$0x0] =	vst.idx.msk vm1, v24;
	v24 =	vmovc v29  }
0x40e: {  	v32 =	vxor.u32 v46, v28;
	v29 =	vxor.u32 v42, v35;
	v28 =	vor.u32 $0x80000000, v36;
	(xrf0) =	vadd.scan.msk.s32 $0xffff, v37  }
0x40f: {  	vm5 =	veq.s32 v41, v27;
	v42 =	vshrl.u32 v32, $0x18;
	v28 =	vxor.u32 v39, v28  }
.Ltmp33:
0x410: {  	v36 =	vsel vm5, $0x1, v2;
	v39 =	vshrl.u32 v29, $0x18;
	vm4 =	veq.s32 v42, v27;
	(pc) =	sbr.rel @p2 .LBB2_58-.Ltmp33, $4  }
0x411: {  	v38 =	vshrl.u32 v24, $0x18;
	vm2 =	veq.s32 v39, v27;
	v37 =	vsel vm4, $0x1, v2;
	v35, _, _ =	vpop (xrf0);
	(xrf0) =	vadd.scan.msk.s32 $0xffff, v36  }
0x412: {  	vm1 =	veq.s32 v38, v27;
	v34 =	vadd.s32 v34, v35;
	v35 =	vmpcnt.ones.xlane vm5;
	(xrf0) =	vadd.scan.msk.s32 $0xffff, v37  }
0x413: {  	vm7 =	veq.s32 v40, v27;
	v41 =	vshrl.u32 v28, $0x18;
	v39 =	vsel vm2, $0x1, v2  }
0x414: {  	s26 =	sadd.s32 $0x80, s26;
	v38 =	vmpcnt.ones.xlane vm4;
	vm6 =	veq.s32 v41, v27;
	v37 =	vsel vm7, $0x1, v2;
	v36, _, _ =	vpop (xrf0);
	(xrf0) =	vadd.scan.msk.s32 $0xffff, v39  }
0x415: {  	_ = 	snop  }
0x416: {  	v53 =	vmpcnt.ones.xlane vm2;
	v27 =	vadd.s32 v31, v38  }
0x417: {  	v39 =	vmpcnt.ones.xlane vm6;
	v33 =	vadd.s32 v27, v33  }
0x418: {  	v38 =	vadd.s32 v33, v53  }
0x419: {  	v40 =	vsel vm1, $0x1, v2;
	v41 =	vmpcnt.ones.xlane vm7;
	v39 =	vadd.s32 v38, v39  }
0x41a: {  	(xrf0) =	vadd.scan.msk.s32 $0xffff, v37;
	v54 =	vmpcnt.ones.xlane vm1;
	v42 =	vmov s24;
	v35 =	vadd.s32 v39, v35  }
0x41b: {  	v55 =	vsel vm6, $0x1, v2;
	(xrf0) =	vadd.scan.msk.s32 $0xffff, v40;
	vm8 =	vlt.s32 v42, v0;
	v41 =	vadd.s32 v35, v41  }
0x41c: {  	v42 =	vnsel vm8, $0x0, v22;
	(xrf0) =	vadd.scan.msk.s32 $0xffff, v55;
	v22 =	vadd.s32 v41, v54  }
0x41d: {  	v56, _, _ =	vpop (xrf0);
	(xrf0) =	vadd.scan.msk.s32 $0xffff, v42;
	v57 =	vadd.s32 $0x80000001, v22  }
0x41e: {  	v58, _, _ =	vpop (xrf0);
	(xrf0) =	vmax.scan.msk.u32 $0xffff, v57  }
0x41f: {  	v59, _, _ =	vpop (xrf0)  }
0x420: {  	v43, _, _ =	vpop (xrf0)  }
0x421: {  	v44, _, _ =	vpop (xrf0)  }
0x422: {  	v45, _, _ =	vpop (xrf0)  }
0x423: {  	(v2sf) =	vpush v21, $0xF;
	v21, _, _ =	vpop (xrf0)  }
0x424: {  	(v2sf) =	vpush v21, $0xF;
	v21, _, _ =	vpop (xrf0)  }
0x425: {  	(v2sf) =	vpush v21, $0xF;
	_ =	sdelay $0x6  }
0x426: {  	v61 =	vadd.s32 v31, v58  }
0x427: {  	v21 =	vadd.s32 v27, v36  }
0x428: {  	v60 =	vadd.s32 v39, v56  }
0x429: {  	v62 =	vadd.s32 v33, v59  }
0x42a: {  	[tilespmem:v34+s14+$0x0] =	vst.idx.msk vm0, v26;
	v35 =	vadd.s32 v35, v43  }
0x42b: {  	v63 =	vadd.s32 v41, v44;
	[tilespmem:v61+s14+$0x0] =	vst.idx.msk vm4, v32  }
0x42c: {  	s2 =	spop (v2sf);
	[tilespmem:v21+s14+$0x0] =	vst.idx.msk vm3, v30;
	v21 =	vadd.s32 v38, v45  }
0x42d: {  	[tilespmem:v60+s14+$0x0] =	vst.idx.msk vm5, v25;
	s5 =	spop (v2sf)  }
0x42e: {  	[tilespmem:v62+s14+$0x0] =	vst.idx.msk vm2, v29;
	s0 =	spop (v2sf)  }
0x42f: {  	[tilespmem:v35+s14+$0x0] =	vst.idx.msk vm7, v23;
	p2 =	sgt.u32 s0, $0x80000010  }
.Ltmp34:
0x430: {  	[tilespmem:v63+s14+$0x0] =	vst.idx.msk vm1, v24;
	(pc) =	sbr.rel @p2 .LBB2_61-.Ltmp34, $4  }
0x431: {  	s7 =	simm.s32 @!p0 $0x4;
	[tilespmem:v21+s14+$0x0] =	vst.idx.msk vm6, v28  }
0x432: {  	_ =	swait.ge @!p0 [sflag:s7], $0x4000  }
0x433: {  	s2 =	sadd.s32 s2, s5;
	[sflag:s7] =	ssyncset.done @!p0 $0x0  }
0x434: {  	s24 =	ssub.s32 $0x40, s2;
	[sflag:s7] =	ssyncadd.s32 @!p0 $0xFFFFC000  }
0x435: {  	v21 =	vld [tilespmem:$0x10000];
	_ =	sdelay $0x4  }
0x436: {  	(xrf1) =	vsort.ascd.msk.u32 $0xffff, v21, v21;
	_ =	sdelay $0xb  }
0x437: {  	s0 =	sadd.s32 $0xFFFFFFD0, s2  }
0x438: {  	v21 =	vmov s0  }
0x439: {  	vm0 =	veq.s32 v21, v0;
	v22, _, _ =	vpop (xrf1)  }
0x43a: {  	v21 =	vnsel vm0, $0x0, v22  }
0x43b: {  	(xrf0) =	vadd.scan.msk.s32 $0xffff, v21;
	_ =	sdelay $0x5  }
0x43c: {  	v21, _, _ =	vpop (xrf0)  }
0x43d: {  	v23 =	vbroadcast v21, $0xF;
	_ =	sdelay $0x1  }
0x43e: {  	vm15 =	vgt.u32 v22, v23  }
0x43f: {  	v22 =	vsel vm15, $0x1, v2  }
0x440: {  	(xrf0) =	vadd.scan.msk.s32 $0xffff, v22;
	_ =	sdelay $0x5  }
0x441: {  	(v2sf) =	vpush v21, $0xF;
	v21, _, _ =	vpop (xrf0)  }
0x442: {  	(v2sf) =	vpush v21, $0xF;
	_ =	sdelay $0xb  }
.Ltmp35:
0x443: {  	_ = 	snop;
	(pc) =	sbr.rel .LBB2_102-.Ltmp35, $4  }
0x444: {  	_ = 	snop  }
0x445: {  	s0 =	spop (v2sf)  }
0x446: {  	s31 =	spop (v2sf)  }
0x447: {  	s24 =	ssub.s32 s24, s31  }
.LBB2_61:
0x448: {  	[tilespmem:$0x14000] =	vst v2  }
0x449: {  	[tilespmem:$0x14010] =	vst v2  }
0x44a: {  	[tilespmem:$0x14020] =	vst v2;
	s0 =	sadd.s32 $0x8000000F, s0  }
0x44b: {  	[tilespmem:$0x14030] =	vst v2;
	s2 =	sand.u32 $0xF, s0  }
0x44c: {  	[tilespmem:$0x14040] =	vst v2;
	s5 =	sshra.s32 s0, $0x1F;
	p0 =	slt.s32 s0, $0x1;
	p2 =	sne.s32 s2, $0x0  }
0x44d: {  	[tilespmem:$0x14050] =	vst v2;
	s31 =	sshrl.u32 s5, $0x1C;
	p0 =	por !p0, !p2  }
0x44e: {  	[tilespmem:$0x14060] =	vst v2;
	s2 =	simm.s32 $0x1;
	s0 =	sadd.s32 s31, s0;
	p0 =	por !p0, !p0  }
0x44f: {  	[tilespmem:$0x14070] =	vst v2;
	s0 =	sshra.s32 s0, $0x4;
	s2 =	simm.s32 @!p0 $0x0  }
0x450: {  	[tilespmem:$0x14080] =	vst v2;
	s28 =	ssub.s32 s0, s2  }
0x451: {  	[tilespmem:$0x14090] =	vst v2;
	s25 =	sshll.u32 s28, $0x4  }
0x452: {  	[tilespmem:$0x140A0] =	vst v2;
	p2 =	slt.s32 s25, $0x20  }
.Ltmp36:
0x453: {  	[tilespmem:$0x140B0] =	vst v2;
	(pc) =	sbr.rel @p2 .LBB2_64-.Ltmp36, $4  }
0x454: {  	[tilespmem:$0x140C0] =	vst v2  }
0x455: {  	[tilespmem:$0x140D0] =	vst v2  }
0x456: {  	[tilespmem:$0x140E0] =	vst v2  }
0x457: {  	v21 =	vadd.s32 $0x1, v22;
	[tilespmem:$0x140F0] =	vst v2;
	s26 =	sand.u32 $0xFFFFFFE0, s25  }
0x458: {  	p3 =	sgt.s32 s26, $0x20  }
.Ltmp37:
0x459: {  	_ = 	snop;
	(pc) =	sbr.rel @!p3 .LBB2_63-.Ltmp37, $4  }
0x45a: {  	_ = 	snop  }
0x45b: {  	s2 =	simm.s32 $0x10010  }
0x45c: {  	s5 =	simm.s32 $0x0;
	s0 =	simm.s32 $0x20;
	v25 =	vld [tilespmem:s2+$0x0]  }
0x45d: {  	s29 =	simm.s32 $0x10;
	s30 =	simm.s32 $0x10030;
	p0 =	por $0x0, $0x0;
	v22 =	vld [tilespmem:s2+$0xFFFFFFF0]  }
0x45e: {  	_ = 	snop  }
0x45f: {  	p3 =	sgt.s32 s26, $0x40  }
.Ltmp38:
0x460: {  	v23 =	vor.u32 s29, v0;
	(pc) =	sbr.rel @!p3 .LBB2_71-.Ltmp38, $4  }
0x461: {  	v26 =	vor.u32 s5, v0;
	vm0 =	vlt.s32 v23, v21;
	v24 =	vshrl.u32 v25, $0x10;
	v25 =	vld [tilespmem:s30+$0x0]  }
0x462: {  	vm1 =	vlt.s32 v26, v21;
	v27 =	vshrl.u32 v22, $0x10;
	v23 =	vand.u32 $0xFF, v24  }
0x463: {  	s2 =	simm.s32 $0x40;
	v22 =	vld [tilespmem:s30+$0xFFFFFFF0];
	v24 =	vand.u32 $0xFF, v27  }
0x464: {  	s29 =	simm.s32 $0x30;
	s5 =	simm.s32 $0x10050;
	p0 =	por $0x1, $0x1  }
.LBB2_72:
0x465: {  	s7 =	smov.u32 s2;
	s2 =	sadd.s32 $0x20, s2  }
0x466: {  	v26 =	vor.u32 s29, v0;
	v27 =	vshrl.u32 v25, $0x10;
	v25 =	vld [tilespmem:s5+$0x0];
	p3 =	slt.s32 s2, s26  }
.Ltmp39:
0x467: {  	v28 =	vor.u32 s0, v0;
	[tilespmem:v23+s13+$0x0] =	vst.idx.add.s32.msk vm0, v3;
	v23 =	vand.u32 $0xFF, v27;
	vm0 =	vlt.s32 v26, v21;
	s0 =	smov.u32 s7;
	(pc) =	sbr.rel @p3 .LBB2_72-.Ltmp39, $3  }
0x468: {  	v26 =	vshrl.u32 v22, $0x10;
	[tilespmem:v24+s13+$0x0] =	vst.idx.add.s32.msk vm1, v3;
	vm1 =	vlt.s32 v28, v21  }
0x469: {  	v22 =	vld [tilespmem:s5+$0xFFFFFFF0];
	v24 =	vand.u32 $0xFF, v26;
	_ =	sdelay $0x1  }
0x46a: {  	s29 =	sadd.s32 $0x10, s0;
	s5 =	sadd.s32 $0x20, s5  }
0x46b: {  	s5 =	smov.u32 s0  }
.LBB2_74:
0x46c: {  	v26 =	vor.u32 s29, v0  }
0x46d: {  	v25 =	vshrl.u32 v25, $0x10;
	v27 =	vor.u32 s5, v0;
	vm2 =	vlt.s32 v26, v21  }
0x46e: {  	v25 =	vand.u32 $0xFF, v25;
	vm3 =	vlt.s32 v27, v21;
	v22 =	vshrl.u32 v22, $0x10  }
0x46f: {  	v22 =	vand.u32 $0xFF, v22;
	_ =	sdelay $0x1  }
0x470: {  	[tilespmem:v23+s13+$0x0] =	vst.idx.add.s32.msk @p0 vm0, v3  }
0x471: {  	[tilespmem:v24+s13+$0x0] =	vst.idx.add.s32.msk @p0 vm1, v3  }
0x472: {  	[tilespmem:v25+s13+$0x0] =	vst.idx.add.s32.msk vm2, v3  }
0x473: {  	[tilespmem:v22+s13+$0x0] =	vst.idx.add.s32.msk vm3, v3  }
.LBB2_64:
0x474: {  	p0 =	seq.s32 s26, s25  }
.Ltmp40:
0x475: {  	_ = 	snop;
	(pc) =	sbr.rel @p0 .LBB2_67-.Ltmp40, $1  }
0x476: {  	_ =	sdelay $0x3  }
0x477: {  	s0 =	sshll.u32 s28, $0x6  }
0x478: {  	s0 =	sshra.s32 s0, $0x2  }
0x479: {  	s0 =	sand.u32 $0xFFFFFFE0, s0  }
0x47a: {  	s2 =	smov.u32 s26;
	s0 =	sadd.s32 $0x10000, s0  }
.LBB2_66:
0x47b: {  	v22 =	vld [tilespmem:s0+$0x0];
	_ =	sdelay $0x3  }
0x47c: {  	v23 =	vor.u32 s2, v0  }
0x47d: {  	s2 =	sadd.s32 $0x10, s2;
	vm0 =	vlt.s32 v23, v21;
	v22 =	vshrl.u32 v22, $0x10  }
0x47e: {  	p3 =	slt.s32 s2, s25;
	v22 =	vand.u32 $0xFF, v22  }
.Ltmp41:
0x47f: {  	_ = 	snop;
	(pc) =	sbr.rel @p3 .LBB2_66-.Ltmp41, $2  }
0x480: {  	_ =	sdelay $0x2  }
0x481: {  	s0 =	sadd.s32 $0x10, s0;
	[tilespmem:v22+s13+$0x0] =	vst.idx.add.s32.msk vm0, v3  }
.LBB2_67:
0x482: {  	_ =	sdelay $0x3  }
0x483: {  	v22 =	vld.idx.msk [tilespmem:v1+s13+$0x0], $0xffff  }
0x484: {  	v23 =	vld.idx.msk [tilespmem:v4+s13+$0x0], $0xffff  }
0x485: {  	v24 =	vld.idx.msk [tilespmem:v5+s13+$0x0], $0xffff  }
0x486: {  	v25 =	vld.idx.msk [tilespmem:v6+s13+$0x0], $0xffff  }
0x487: {  	v26 =	vld.idx.msk [tilespmem:v7+s13+$0x0], $0xffff  }
0x488: {  	v27 =	vld.idx.msk [tilespmem:v8+s13+$0x0], $0xffff  }
0x489: {  	v22 =	vadd.s32 v22, v23;
	v23 =	vld.idx.msk [tilespmem:v9+s13+$0x0], $0xffff  }
0x48a: {  	v53 =	vld.idx.msk [tilespmem:v10+s13+$0x0], $0xffff;
	v22 =	vadd.s32 v24, v22  }
0x48b: {  	v54 =	vld.idx.msk [tilespmem:v11+s13+$0x0], $0xffff;
	v22 =	vadd.s32 v25, v22  }
0x48c: {  	v55 =	vld.idx.msk [tilespmem:v12+s13+$0x0], $0xffff;
	v22 =	vadd.s32 v26, v22  }
0x48d: {  	v56 =	vld.idx.msk [tilespmem:v13+s13+$0x0], $0xffff;
	v22 =	vadd.s32 v27, v22  }
0x48e: {  	v22 =	vadd.s32 v23, v22;
	v23 =	vld.idx.msk [tilespmem:v14+s13+$0x0], $0xffff  }
0x48f: {  	v57 =	vld.idx.msk [tilespmem:v15+s13+$0x0], $0xffff;
	v22 =	vadd.s32 v53, v22  }
0x490: {  	v58 =	vld.idx.msk [tilespmem:v16+s13+$0x0], $0xffff;
	v22 =	vadd.s32 v54, v22  }
0x491: {  	v59 =	vld.idx.msk [tilespmem:v17+s13+$0x0], $0xffff;
	v22 =	vadd.s32 v55, v22  }
0x492: {  	v60 =	vld.idx.msk [tilespmem:v18+s13+$0x0], $0xffff;
	v22 =	vadd.s32 v56, v22  }
0x493: {  	v22 =	vadd.s32 v23, v22  }
0x494: {  	v22 =	vadd.s32 v57, v22  }
0x495: {  	v22 =	vadd.s32 v58, v22  }
0x496: {  	v22 =	vadd.s32 v59, v22  }
0x497: {  	v22 =	vadd.s32 v60, v22  }
0x498: {  	v23 =	vperm.xlane v22, v19;
	_ =	sdelay $0x1  }
0x499: {  	(xrf0) =	vadd.scan.msk.s32 $0xffff, v23;
	_ =	sdelay $0x5  }
0x49a: {  	v23, _, _ =	vpop (xrf0)  }
0x49b: {  	v23 =	vperm.xlane v23, v19;
	_ =	sdelay $0x1  }
0x49c: {  	vm0 =	vge.s32 v23, s24  }
0x49d: {  	v23 =	vsel vm0, $0x1, v2  }
0x49e: {  	(xrf0) =	vadd.scan.msk.s32 $0xffff, v23;
	_ =	sdelay $0x5  }
0x49f: {  	v23, _, _ =	vpop (xrf0)  }
0x4a0: {  	(v2sf) =	vpush v23, $0xF;
	_ =	sdelay $0xe  }
0x4a1: {  	s0 =	spop (v2sf)  }
0x4a2: {  	s0 =	sadd.s32 $0xFFFFFFFF, s0  }
0x4a3: {  	s2 =	sshll.u32 s0, $0x4  }
0x4a4: {  	v23 =	vld [tilespmem:s2+$0x14000];
	_ =	sdelay $0x2  }
0x4a5: {  	v61 =	vmov s0  }
0x4a6: {  	vm13 =	vlt.s32 v61, v0  }
0x4a7: {  	v22 =	vnsel vm13, $0x0, v22;
	v62 =	vperm.xlane v23, v19  }
0x4a8: {  	(xrf0) =	vadd.scan.msk.s32 $0xffff, v22  }
0x4a9: {  	(xrf0) =	vadd.scan.msk.s32 $0xffff, v62;
	_ =	sdelay $0x4  }
0x4aa: {  	v22, _, _ =	vpop (xrf0)  }
0x4ab: {  	v24, _, _ =	vpop (xrf0)  }
0x4ac: {  	v63 =	vbroadcast v22, $0xF;
	v24 =	vperm.xlane v24, v19;
	_ =	sdelay $0x1  }
0x4ad: {  	v24 =	vadd.s32 v24, v63  }
0x4ae: {  	vm14 =	vge.s32 v24, s24  }
0x4af: {  	v24 =	vsel vm14, $0x1, v2  }
0x4b0: {  	(xrf0) =	vadd.scan.msk.s32 $0xffff, v24;
	_ =	sdelay $0x5  }
0x4b1: {  	(v2sf) =	vpush v22, $0xF;
	v22, _, _ =	vpop (xrf0)  }
0x4b2: {  	(v2sf) =	vpush v22, $0xF;
	_ =	sdelay $0xd  }
0x4b3: {  	s30 =	spop (v2sf)  }
0x4b4: {  	s8 =	spop (v2sf)  }
0x4b5: {  	s0 =	sadd.s32 $0xFFFFFFFF, s8  }
0x4b6: {  	v22 =	vmov s0  }
0x4b7: {  	vm15 =	vlt.s32 v22, v0  }
0x4b8: {  	v22 =	vnsel vm15, $0x0, v23  }
0x4b9: {  	(xrf0) =	vadd.scan.msk.s32 $0xffff, v22;
	_ =	sdelay $0x5  }
0x4ba: {  	v22, _, _ =	vpop (xrf0)  }
0x4bb: {  	(v2sf) =	vpush v22, $0xF;
	_ =	sdelay $0xa  }
.Ltmp42:
0x4bc: {  	_ = 	snop;
	(pc) =	sbr.rel @p2 .LBB2_75-.Ltmp42, $3  }
0x4bd: {  	_ =	sdelay $0x1  }
0x4be: {  	s29 =	sadd.s32 s2, s0  }
0x4bf: {  	[tilespmem:$0xC000] =	vst v20;
	v23 =	vmov s29;
	v22 =	vimm.s32 $0x0;
	s31 =	spop (v2sf)  }
0x4c0: {  	p4 =	sgt.s32 s26, $0x20  }
.Ltmp43:
0x4c1: {  	s5 =	simm.s32 $0x10010;
	(pc) =	sbr.rel @!p4 .LBB2_69-.Ltmp43, $4  }
0x4c2: {  	v24 =	vld [tilespmem:s5+$0x0]  }
0x4c3: {  	v22 =	vld [tilespmem:s5+$0xFFFFFFF0]  }
0x4c4: {  	s2 =	simm.s32 $0x0  }
0x4c5: {  	v25 =	vimm.s32 $0x0;
	s0 =	simm.s32 $0x20;
	p2 =	por $0x0, $0x0;
	p3 =	por $0x0, $0x0  }
0x4c6: {  	_ =	sdelay $0x1  }
0x4c7: {  	v26 =	vor.u32 s2, v0;
	v27 =	vshrl.u32 v22, $0x10  }
0x4c8: {  	vm0 =	vlt.s32 v26, v21;
	v26 =	vand.u32 $0xFF, v27  }
0x4c9: {  	s8 =	simm.s32 $0x10;
	p4 =	sgt.s32 s26, $0x40;
	v27 =	vshrl.u32 v24, $0x10;
	vm1 =	veq.s32 v26, v23  }
.Ltmp44:
0x4ca: {  	s5 =	simm.s32 $0x10030;
	v26 =	vor.u32 s8, v0;
	v27 =	vand.u32 $0xFF, v27;
	vm2 =	vmand vm0, vm1;
	(pc) =	sbr.rel @!p4 .LBB2_81-.Ltmp44, $4  }
0x4cb: {  	vm0 =	veq.s32 v27, v23;
	vm1 =	vlt.s32 v26, v21;
	v27 =	vld [tilespmem:s5+$0x0];
	v26 =	vsel vm2, $0x1, v2  }
0x4cc: {  	vm3 =	vmand vm1, vm0;
	(xrf0) =	vadd.scan.msk.s32 $0xffff, v26;
	v26 =	vld [tilespmem:s5+$0xFFFFFFF0]  }
0x4cd: {  	v28 =	vsel vm3, $0x1, v2  }
0x4ce: {  	s2 =	simm.s32 $0x40;
	p2 =	por $0x1, $0x1;
	v29 =	vmpcnt.ones.xlane vm2;
	(xrf0) =	vadd.scan.msk.s32 $0xffff, v28  }
0x4cf: {  	_ = 	snop  }
0x4d0: {  	v28 =	vor.u32 s0, v0  }
0x4d1: {  	vm1 =	vmmov vm2;
	vm2 =	vlt.s32 v28, v21  }
0x4d2: {  	v32 =	vadd.s32 v25, v29;
	v29 =	vshrl.u32 v27, $0x10;
	v28 =	vshrl.u32 v26, $0x10  }
0x4d3: {  	vm0 =	vmmov vm3;
	s8 =	simm.s32 $0x30;
	v29 =	vand.u32 $0xFF, v29;
	v28 =	vand.u32 $0xFF, v28;
	v30, _, _ =	vpop (xrf0)  }
0x4d4: {  	p4 =	sgt.s32 s26, $0x60;
	vm3 =	veq.s32 v28, v23;
	v28 =	vor.u32 s8, v0;
	v30 =	vadd.s32 v30, v25;
	v33, _, _ =	vpop (xrf0)  }
.Ltmp45:
0x4d5: {  	vm2 =	vmand vm2, vm3;
	vm4 =	vlt.s32 v28, v21;
	v28 =	vadd.s32 v33, v32;
	(pc) =	sbr.rel @!p4 .LBB2_83-.Ltmp45, $4  }
0x4d6: {  	vm3 =	veq.s32 v29, v23;
	v29 =	vsel vm2, $0x1, v2;
	v28 =	vadd.s32 $0xFFFFFFFF, v28  }
0x4d7: {  	s0 =	simm.s32 $0x10050;
	v31 =	vmpcnt.ones.xlane vm0;
	v30 =	vadd.s32 $0xFFFFFFFF, v30;
	vm3 =	vmand vm4, vm3;
	(xrf0) =	vadd.scan.msk.s32 $0xffff, v29  }
0x4d8: {  	v34 =	vld [tilespmem:s0+$0xFFFFFFF0];
	v63 =	vsel vm3, $0x1, v2  }
0x4d9: {  	s5 =	simm.s32 $0x60;
	p3 =	por $0x1, $0x1;
	v35 =	vld [tilespmem:s0+$0x0];
	v31 =	vadd.s32 v32, v31;
	v29 =	vmpcnt.ones.xlane vm2;
	(xrf0) =	vadd.scan.msk.s32 $0xffff, v63  }
.LBB2_84:
0x4da: {  	s7 =	smov.u32 s5;
	s5 =	sadd.s32 $0x20, s5  }
0x4db: {  	p4 =	slt.s32 s5, s26;
	[tilespmem:v28+s17+$0x0] =	vst.idx.msk vm0, v24;
	v24 =	vmov v27;
	vm0 =	vmmov vm3  }
0x4dc: {  	v28 =	vor.u32 s2, v0;
	v32 =	vmpcnt.ones.xlane vm0;
	[tilespmem:v30+s17+$0x0] =	vst.idx.msk vm1, v22;
	v22 =	vmovc v26;
	vm1 =	vmmov vm2  }
0x4dd: {  	v33 =	vadd.s32 v31, v29;
	vm2 =	vlt.s32 v28, v21;
	v36 =	vshrl.u32 v34, $0x10;
	v27, _, _ =	vpop (xrf0)  }
0x4de: {  	s8 =	sadd.s32 $0x10, s2;
	s2 =	smov.u32 s7;
	v26 =	vmovc v34;
	v28 =	vand.u32 $0xFF, v36;
	v29 =	vshrl.u32 v35, $0x10;
	v30 =	vadd.s32 v27, v31;
	v27 =	vmovc v35  }
0x4df: {  	vm3 =	veq.s32 v28, v23;
	v28 =	vor.u32 s8, v0;
	v29 =	vand.u32 $0xFF, v29;
	v31, _, _ =	vpop (xrf0)  }
.Ltmp46:
0x4e0: {  	vm2 =	vmand vm2, vm3;
	vm3 =	veq.s32 v29, v23;
	v29 =	vadd.s32 v31, v33;
	(pc) =	sbr.rel @p4 .LBB2_84-.Ltmp46, $4  }
0x4e1: {  	vm4 =	vlt.s32 v28, v21;
	v31 =	vsel vm2, $0x1, v2;
	v28 =	vadd.s32 $0xFFFFFFFF, v29  }
0x4e2: {  	s0 =	sadd.s32 $0x20, s0;
	v30 =	vadd.s32 $0xFFFFFFFF, v30;
	v29 =	vmpcnt.ones.xlane vm2;
	vm3 =	vmand vm4, vm3;
	(xrf0) =	vadd.scan.msk.s32 $0xffff, v31  }
0x4e3: {  	v36 =	vsel vm3, $0x1, v2;
	v31 =	vadd.s32 v33, v32;
	v34 =	vld [tilespmem:s0+$0xFFFFFFF0]  }
0x4e4: {  	v35 =	vld [tilespmem:s0+$0x0];
	(xrf0) =	vadd.scan.msk.s32 $0xffff, v36  }
0x4e5: {  	_ =	sdelay $0x2  }
0x4e6: {  	v32 =	vmov v24  }
0x4e7: {  	v33 =	vmovc v22;
	v24 =	vmovc v27;
	v22 =	vmov v26;
	s0 =	smov.u32 s2;
	v26 =	vmov v34;
	v27 =	vmov v35  }
.LBB2_86:
0x4e8: {  	v34 =	vor.u32 s0, v0;
	v35 =	vshrl.u32 v26, $0x10  }
0x4e9: {  	s8 =	sadd.s32 $0x10, s0;
	v55 =	vshrl.u32 v27, $0x10;
	vm4 =	vlt.s32 v34, v21;
	v54 =	vand.u32 $0xFF, v35  }
0x4ea: {  	v56 =	vor.u32 s8, v0;
	v35 =	vand.u32 $0xFF, v55;
	vm5 =	veq.s32 v54, v23  }
0x4eb: {  	vm15 =	veq.s32 v35, v23;
	vm6 =	vlt.s32 v56, v21;
	vm4 =	vmand vm4, vm5  }
0x4ec: {  	vm5 =	vmand vm6, vm15;
	v57 =	vsel vm4, $0x1, v2  }
0x4ed: {  	v58 =	vsel vm5, $0x1, v2;
	(xrf0) =	vadd.scan.msk.s32 $0xffff, v57  }
0x4ee: {  	(xrf0) =	vadd.scan.msk.s32 $0xffff, v58  }
0x4ef: {  	vm3 =	vmmov @p2 vm3;
	v29 =	vadd.s32 @p2 v31, v29;
	vm2 =	vmmov @p2 vm2  }
0x4f0: {  	v36 =	vmpcnt.ones.xlane @p2 vm3;
	vm3 =	vmmov @p2 vm3;
	vm2 =	vmmov @p2 vm2;
	v34, _, _ =	vpop @p2 (xrf0)  }
0x4f1: {  	v35, _, _ =	vpop @p2 (xrf0);
	v31 =	vadd.s32 @p2 v34, v31;
	v59 =	vmpcnt.ones.xlane vm4;
	vm4 =	vmmov vm4  }
0x4f2: {  	v34 =	vadd.s32 @p2 v35, v29;
	v29 =	vadd.s32 @p2 v29, v36;
	v31 =	vadd.s32 @p2 $0xFFFFFFFF, v31  }
0x4f3: {  	v34 =	vadd.s32 @p2 $0xFFFFFFFF, v34;
	v25 =	vpsel p2, v29, v25;
	v31 =	vpsel p2, v31, v0;
	v60, _, _ =	vpop (xrf0)  }
0x4f4: {  	v34 =	vpsel p2, v34, v0;
	v35 =	vadd.s32 v25, v59;
	v61, _, _ =	vpop (xrf0);
	v25 =	vadd.s32 v60, v25  }
0x4f5: {  	vm5 =	vmmov vm5;
	v36 =	vadd.s32 v61, v35;
	v25 =	vadd.s32 $0xFFFFFFFF, v25  }
0x4f6: {  	[tilespmem:v28+s17+$0x0] =	vst.idx.msk @p3 vm0, v32;
	v62 =	vadd.s32 $0xFFFFFFFF, v36  }
0x4f7: {  	[tilespmem:v30+s17+$0x0] =	vst.idx.msk @p3 vm1, v33;
	v22 =	vpsel p2, v22, v0  }
0x4f8: {  	v24 =	vpsel p2, v24, v0;
	[tilespmem:v31+s17+$0x0] =	vst.idx.msk @p2 vm2, v22  }
0x4f9: {  	v63 =	vmpcnt.ones.xlane vm5;
	[tilespmem:v34+s17+$0x0] =	vst.idx.msk @p2 vm3, v24  }
0x4fa: {  	[tilespmem:v25+s17+$0x0] =	vst.idx.msk vm4, v26  }
0x4fb: {  	v22 =	vadd.s32 v35, v63;
	[tilespmem:v62+s17+$0x0] =	vst.idx.msk vm5, v27  }
.LBB2_75:
.Ltmp47:
0x4fc: {  	(pc) =	sbr.rel @p0 .LBB2_78-.Ltmp47, $1  }
0x4fd: {  	_ =	sdelay $0x3  }
0x4fe: {  	s0 =	sshll.u32 s28, $0x6  }
0x4ff: {  	s0 =	sshra.s32 s0, $0x2  }
0x500: {  	s0 =	sand.u32 $0xFFFFFFE0, s0  }
0x501: {  	s0 =	sadd.s32 $0x10000, s0  }
.LBB2_77:
0x502: {  	v24 =	vld [tilespmem:s0+$0x0];
	_ =	sdelay $0x4  }
0x503: {  	v25 =	vshrl.u32 v24, $0x10  }
0x504: {  	v26 =	vor.u32 s26, v0;
	v25 =	vand.u32 $0xFF, v25  }
0x505: {  	vm0 =	vlt.s32 v26, v21;
	vm1 =	veq.s32 v25, v23  }
0x506: {  	vm0 =	vmand vm0, vm1  }
0x507: {  	v62 =	vsel vm0, $0x1, v2  }
0x508: {  	(xrf0) =	vadd.scan.msk.s32 $0xffff, v62;
	_ =	sdelay $0x5  }
0x509: {  	v25, _, _ =	vpop (xrf0)  }
0x50a: {  	s26 =	sadd.s32 $0x10, s26;
	v25 =	vadd.s32 v25, v22  }
0x50b: {  	p0 =	slt.s32 s26, s25;
	v25 =	vadd.s32 $0xFFFFFFFF, v25  }
.Ltmp48:
0x50c: {  	_ = 	snop;
	(pc) =	sbr.rel @p0 .LBB2_77-.Ltmp48, $3  }
0x50d: {  	_ = 	snop  }
0x50e: {  	v63 =	vmpcnt.ones.xlane vm0;
	_ =	sdelay $0x1  }
0x50f: {  	s0 =	sadd.s32 $0x10, s0;
	v22 =	vadd.s32 v22, v63;
	[tilespmem:v25+s17+$0x0] =	vst.idx.msk vm0, v24  }
.LBB2_78:
0x510: {  	v21 =	vxor.u32 $0x80000000, v22  }
0x511: {  	(xrf0) =	vmax.scan.msk.u32 $0xffff, v21;
	_ =	sdelay $0x5  }
0x512: {  	v21, _, _ =	vpop (xrf0)  }
0x513: {  	(v2sf) =	vpush v21, $0xF;
	_ =	sdelay $0xe  }
0x514: {  	s0 =	spop (v2sf)  }
0x515: {  	p0 =	sgt.u32 s0, $0x80000010  }
.Ltmp49:
0x516: {  	_ = 	snop;
	(pc) =	sbr.rel @p0 .LBB2_87-.Ltmp49, $3  }
0x517: {  	_ =	sdelay $0x1  }
0x518: {  	s2 =	sadd.s32 s31, s30  }
0x519: {  	s24 =	ssub.s32 s24, s2  }
0x51a: {  	v21 =	vld [tilespmem:$0xC000];
	_ =	sdelay $0x4  }
0x51b: {  	(xrf1) =	vsort.ascd.msk.u32 $0xffff, v21, v21;
	_ =	sdelay $0xb  }
0x51c: {  	s0 =	ssub.s32 $0x10, s24  }
0x51d: {  	v21 =	vmov s0  }
0x51e: {  	vm0 =	veq.s32 v21, v0;
	v22, _, _ =	vpop (xrf1)  }
0x51f: {  	v21 =	vnsel vm0, $0x0, v22  }
0x520: {  	(xrf0) =	vadd.scan.msk.s32 $0xffff, v21;
	_ =	sdelay $0x5  }
0x521: {  	v21, _, _ =	vpop (xrf0)  }
0x522: {  	v23 =	vbroadcast v21, $0xF;
	_ =	sdelay $0x1  }
0x523: {  	vm15 =	vgt.u32 v22, v23  }
0x524: {  	v22 =	vsel vm15, $0x1, v2  }
0x525: {  	(xrf0) =	vadd.scan.msk.s32 $0xffff, v22;
	_ =	sdelay $0x5  }
0x526: {  	(v2sf) =	vpush v21, $0xF;
	v21, _, _ =	vpop (xrf0)  }
0x527: {  	(v2sf) =	vpush v21, $0xF;
	_ =	sdelay $0xb  }
.Ltmp50:
0x528: {  	_ = 	snop;
	(pc) =	sbr.rel .LBB2_102-.Ltmp50, $4  }
0x529: {  	_ = 	snop  }
0x52a: {  	s0 =	spop (v2sf)  }
0x52b: {  	s2 =	spop (v2sf)  }
0x52c: {  	s24 =	ssub.s32 s24, s2  }
.LBB2_87:
0x52d: {  	[tilespmem:$0x14000] =	vst v2  }
0x52e: {  	[tilespmem:$0x14010] =	vst v2  }
0x52f: {  	[tilespmem:$0x14020] =	vst v2  }
0x530: {  	[tilespmem:$0x14030] =	vst v2;
	s0 =	sadd.s32 $0x8000000F, s0  }
0x531: {  	[tilespmem:$0x14040] =	vst v2;
	s2 =	sand.u32 $0xF, s0  }
0x532: {  	[tilespmem:$0x14050] =	vst v2;
	s28 =	sshra.s32 s0, $0x1F;
	p2 =	slt.s32 s0, $0x0;
	p0 =	sne.s32 s2, $0x0  }
0x533: {  	[tilespmem:$0x14060] =	vst v2;
	s2 =	sshrl.u32 s28, $0x1C;
	p0 =	por !p2, !p0  }
0x534: {  	[tilespmem:$0x14070] =	vst v2;
	s0 =	sadd.s32 s2, s0;
	s2 =	simm.s32 $0x1;
	p0 =	por !p0, !p0  }
0x535: {  	[tilespmem:$0x14080] =	vst v2;
	s0 =	sshra.s32 s0, $0x4;
	s2 =	simm.s32 @!p0 $0x0  }
0x536: {  	[tilespmem:$0x14090] =	vst v2;
	s25 =	ssub.s32 s0, s2  }
0x537: {  	[tilespmem:$0x140A0] =	vst v2;
	p2 =	slt.s32 s25, $0x1  }
.Ltmp51:
0x538: {  	[tilespmem:$0x140B0] =	vst v2;
	(pc) =	sbr.rel @p2 .LBB2_94-.Ltmp51, $4  }
0x539: {  	[tilespmem:$0x140C0] =	vst v2  }
0x53a: {  	[tilespmem:$0x140D0] =	vst v2  }
0x53b: {  	s30 =	sshll.u32 s23, $0x18;
	s31 =	sshll.u32 s29, $0x10;
	[tilespmem:$0x140E0] =	vst v2  }
0x53c: {  	[tilespmem:$0x140F0] =	vst v2;
	s23 =	sor.u32 s30, s31;
	p0 =	sne.s32 s25, $0x1  }
.Ltmp52:
0x53d: {  	(pc) =	sbr.rel @!p0 .LBB2_89-.Ltmp52, $3  }
0x53e: {  	_ =	sdelay $0x1  }
0x53f: {  	s2 =	simm.s32 $0xC000  }
0x540: {  	v21 =	vmov s23;
	s0 =	simm.s32 $0x0;
	p3 =	por $0x0, $0x0;
	v23 =	vld [tilespmem:s2+$0x0];
	s2 =	sadd.s32 $0xFFFFFFFF, s25  }
0x541: {  	_ =	sdelay $0x3  }
0x542: {  	v24 =	vor.u32 s0, v0;
	v25 =	vand.u32 $0xFFFF0000, v23  }
0x543: {  	vm0 =	vlt.s32 v24, v22;
	vm1 =	veq.s32 v25, v21  }
0x544: {  	v23 =	vshrl.u32 v23, $0x8;
	vm0 =	vmand vm0, vm1  }
0x545: {  	v23 =	vand.u32 $0xFF, v23  }
0x546: {  	p4 =	sne.s32 s2, $0x1  }
.Ltmp53:
0x547: {  	_ = 	snop;
	(pc) =	sbr.rel @!p4 .LBB2_91-.Ltmp53, $3  }
0x548: {  	_ =	sdelay $0x1  }
0x549: {  	s5 =	simm.s32 $0xC010;
	[tilespmem:v23+s13+$0x0] =	vst.idx.add.s32.msk vm0, v3  }
0x54a: {  	s26 =	sadd.s32 $0xFFFFFFFF, s2;
	p3 =	por $0x1, $0x1;
	s2 =	simm.s32 $0x0;
	v23 =	vld [tilespmem:s5+$0x0]  }
.LBB2_92:
0x54b: {  	p4 =	sne.s32 s26, $0x1;
	_ =	sdelay $0x2  }
0x54c: {  	s2 =	sadd.s32 $0x10, s2  }
0x54d: {  	v24 =	vor.u32 s2, v0;
	v25 =	vand.u32 $0xFFFF0000, v23  }
0x54e: {  	vm0 =	vlt.s32 v24, v22;
	vm1 =	veq.s32 v25, v21  }
0x54f: {  	v23 =	vshrl.u32 v23, $0x8;
	vm0 =	vmand vm0, vm1  }
0x550: {  	v23 =	vand.u32 $0xFF, v23;
	_ =	sdelay $0x1  }
.Ltmp54:
0x551: {  	(pc) =	sbr.rel @p4 .LBB2_92-.Ltmp54, $3  }
0x552: {  	_ =	sdelay $0x1  }
0x553: {  	s5 =	sadd.s32 $0x10, s5;
	[tilespmem:v23+s13+$0x0] =	vst.idx.add.s32.msk vm0, v3  }
0x554: {  	s26 =	sadd.s32 $0xFFFFFFFF, s26;
	v23 =	vld [tilespmem:s5+$0x0]  }
.LBB2_93:
0x555: {  	_ =	sdelay $0x1  }
0x556: {  	s2 =	sadd.s32 @p3 $0x10, s2  }
0x557: {  	s0 =	smov.u32 @p3 s2  }
0x558: {  	v24 =	vor.u32 s0, v0;
	v25 =	vand.u32 $0xFFFF0000, v23  }
0x559: {  	vm0 =	vlt.s32 v24, v22;
	vm1 =	veq.s32 v25, v21  }
0x55a: {  	v21 =	vshrl.u32 v23, $0x8;
	vm0 =	vmand vm0, vm1  }
0x55b: {  	v21 =	vand.u32 $0xFF, v21;
	_ =	sdelay $0x4  }
0x55c: {  	[tilespmem:v21+s13+$0x0] =	vst.idx.add.s32.msk vm0, v3  }
.LBB2_94:
0x55d: {  	_ =	sdelay $0x3  }
0x55e: {  	v21 =	vld.idx.msk [tilespmem:v1+s13+$0x0], $0xffff  }
0x55f: {  	v23 =	vld.idx.msk [tilespmem:v4+s13+$0x0], $0xffff  }
0x560: {  	v24 =	vld.idx.msk [tilespmem:v5+s13+$0x0], $0xffff  }
0x561: {  	v25 =	vld.idx.msk [tilespmem:v6+s13+$0x0], $0xffff  }
0x562: {  	v26 =	vld.idx.msk [tilespmem:v7+s13+$0x0], $0xffff  }
0x563: {  	v27 =	vld.idx.msk [tilespmem:v8+s13+$0x0], $0xffff  }
0x564: {  	v21 =	vadd.s32 v21, v23;
	v23 =	vld.idx.msk [tilespmem:v9+s13+$0x0], $0xffff  }
0x565: {  	v53 =	vld.idx.msk [tilespmem:v10+s13+$0x0], $0xffff;
	v21 =	vadd.s32 v24, v21  }
0x566: {  	v54 =	vld.idx.msk [tilespmem:v11+s13+$0x0], $0xffff;
	v21 =	vadd.s32 v25, v21  }
0x567: {  	v55 =	vld.idx.msk [tilespmem:v12+s13+$0x0], $0xffff;
	v21 =	vadd.s32 v26, v21  }
0x568: {  	v56 =	vld.idx.msk [tilespmem:v13+s13+$0x0], $0xffff;
	v21 =	vadd.s32 v27, v21  }
0x569: {  	v21 =	vadd.s32 v23, v21;
	v23 =	vld.idx.msk [tilespmem:v14+s13+$0x0], $0xffff  }
0x56a: {  	v57 =	vld.idx.msk [tilespmem:v15+s13+$0x0], $0xffff;
	v21 =	vadd.s32 v53, v21  }
0x56b: {  	v58 =	vld.idx.msk [tilespmem:v16+s13+$0x0], $0xffff;
	v21 =	vadd.s32 v54, v21  }
0x56c: {  	v59 =	vld.idx.msk [tilespmem:v17+s13+$0x0], $0xffff;
	v21 =	vadd.s32 v55, v21  }
0x56d: {  	v60 =	vld.idx.msk [tilespmem:v18+s13+$0x0], $0xffff;
	v21 =	vadd.s32 v56, v21  }
0x56e: {  	v21 =	vadd.s32 v23, v21  }
0x56f: {  	v21 =	vadd.s32 v57, v21  }
0x570: {  	v21 =	vadd.s32 v58, v21  }
0x571: {  	v21 =	vadd.s32 v59, v21  }
0x572: {  	v21 =	vadd.s32 v60, v21  }
0x573: {  	v23 =	vperm.xlane v21, v19;
	_ =	sdelay $0x1  }
0x574: {  	(xrf0) =	vadd.scan.msk.s32 $0xffff, v23;
	_ =	sdelay $0x5  }
0x575: {  	v23, _, _ =	vpop (xrf0)  }
0x576: {  	v23 =	vperm.xlane v23, v19;
	_ =	sdelay $0x1  }
0x577: {  	vm0 =	vge.s32 v23, s24  }
0x578: {  	v23 =	vsel vm0, $0x1, v2  }
0x579: {  	(xrf0) =	vadd.scan.msk.s32 $0xffff, v23;
	_ =	sdelay $0x5  }
0x57a: {  	v23, _, _ =	vpop (xrf0)  }
0x57b: {  	(v2sf) =	vpush v23, $0xF;
	_ =	sdelay $0xe  }
0x57c: {  	s0 =	spop (v2sf)  }
0x57d: {  	s0 =	sadd.s32 $0xFFFFFFFF, s0  }
0x57e: {  	s2 =	sshll.u32 s0, $0x4  }
0x57f: {  	v23 =	vld [tilespmem:s2+$0x14000];
	_ =	sdelay $0x2  }
0x580: {  	v61 =	vmov s0  }
0x581: {  	vm13 =	vlt.s32 v61, v0  }
0x582: {  	v21 =	vnsel vm13, $0x0, v21;
	v62 =	vperm.xlane v23, v19  }
0x583: {  	(xrf0) =	vadd.scan.msk.s32 $0xffff, v21  }
0x584: {  	(xrf0) =	vadd.scan.msk.s32 $0xffff, v62;
	_ =	sdelay $0x4  }
0x585: {  	v21, _, _ =	vpop (xrf0)  }
0x586: {  	v24, _, _ =	vpop (xrf0)  }
0x587: {  	v63 =	vbroadcast v21, $0xF;
	v24 =	vperm.xlane v24, v19;
	_ =	sdelay $0x1  }
0x588: {  	v24 =	vadd.s32 v24, v63  }
0x589: {  	vm14 =	vge.s32 v24, s24  }
0x58a: {  	v24 =	vsel vm14, $0x1, v2  }
0x58b: {  	(xrf0) =	vadd.scan.msk.s32 $0xffff, v24;
	_ =	sdelay $0x5  }
0x58c: {  	(v2sf) =	vpush v21, $0xF;
	v21, _, _ =	vpop (xrf0)  }
0x58d: {  	(v2sf) =	vpush v21, $0xF;
	_ =	sdelay $0xd  }
0x58e: {  	s26 =	spop (v2sf)  }
0x58f: {  	s31 =	spop (v2sf)  }
0x590: {  	s0 =	sadd.s32 $0xFFFFFFFF, s31  }
0x591: {  	v21 =	vmov s0  }
0x592: {  	vm15 =	vlt.s32 v21, v0  }
0x593: {  	v21 =	vnsel vm15, $0x0, v23  }
0x594: {  	(xrf0) =	vadd.scan.msk.s32 $0xffff, v21;
	_ =	sdelay $0x5  }
0x595: {  	v21, _, _ =	vpop (xrf0)  }
0x596: {  	[tilespmem:$0x14000] =	vst v2;
	(v2sf) =	vpush v21, $0xF  }
0x597: {  	[tilespmem:$0x14010] =	vst v2  }
0x598: {  	[tilespmem:$0x14020] =	vst v2  }
0x599: {  	[tilespmem:$0x14030] =	vst v2  }
0x59a: {  	[tilespmem:$0x14040] =	vst v2  }
0x59b: {  	[tilespmem:$0x14050] =	vst v2  }
0x59c: {  	[tilespmem:$0x14060] =	vst v2  }
0x59d: {  	[tilespmem:$0x14070] =	vst v2  }
0x59e: {  	[tilespmem:$0x14080] =	vst v2  }
0x59f: {  	[tilespmem:$0x14090] =	vst v2  }
0x5a0: {  	[tilespmem:$0x140A0] =	vst v2  }
.Ltmp55:
0x5a1: {  	[tilespmem:$0x140B0] =	vst v2;
	(pc) =	sbr.rel @p2 .LBB2_101-.Ltmp55, $4  }
0x5a2: {  	[tilespmem:$0x140C0] =	vst v2  }
0x5a3: {  	[tilespmem:$0x140D0] =	vst v2;
	s0 =	sadd.s32 s2, s0  }
0x5a4: {  	[tilespmem:$0x140E0] =	vst v2;
	s0 =	sshll.u32 s0, $0x8  }
0x5a5: {  	[tilespmem:$0x140F0] =	vst v2;
	s23 =	sor.u32 s23, s0;
	s28 =	spop (v2sf)  }
.Ltmp56:
0x5a6: {  	(pc) =	sbr.rel @!p0 .LBB2_96-.Ltmp56, $3  }
0x5a7: {  	_ =	sdelay $0x1  }
0x5a8: {  	s2 =	simm.s32 $0xC000  }
0x5a9: {  	v21 =	vmov s23;
	s0 =	simm.s32 $0x0;
	p2 =	por $0x0, $0x0;
	v23 =	vld [tilespmem:s2+$0x0];
	s2 =	sadd.s32 $0xFFFFFFFF, s25  }
0x5aa: {  	_ =	sdelay $0x3  }
0x5ab: {  	v24 =	vor.u32 s0, v0;
	v25 =	vand.u32 $0xFFFFFF00, v23  }
0x5ac: {  	vm0 =	vlt.s32 v24, v22;
	vm1 =	veq.s32 v25, v21  }
0x5ad: {  	vm0 =	vmand vm0, vm1  }
0x5ae: {  	v23 =	vand.u32 $0xFF, v23  }
0x5af: {  	p0 =	sne.s32 s2, $0x1  }
.Ltmp57:
0x5b0: {  	_ = 	snop;
	(pc) =	sbr.rel @!p0 .LBB2_98-.Ltmp57, $3  }
0x5b1: {  	_ =	sdelay $0x1  }
0x5b2: {  	s5 =	simm.s32 $0xC010;
	[tilespmem:v23+s13+$0x0] =	vst.idx.add.s32.msk vm0, v3  }
0x5b3: {  	s25 =	sadd.s32 $0xFFFFFFFF, s2;
	p2 =	por $0x1, $0x1;
	s2 =	simm.s32 $0x0;
	v23 =	vld [tilespmem:s5+$0x0]  }
.LBB2_99:
0x5b4: {  	p0 =	sne.s32 s25, $0x1;
	_ =	sdelay $0x2  }
0x5b5: {  	s2 =	sadd.s32 $0x10, s2  }
0x5b6: {  	v24 =	vor.u32 s2, v0;
	v25 =	vand.u32 $0xFFFFFF00, v23  }
0x5b7: {  	vm0 =	vlt.s32 v24, v22;
	vm1 =	veq.s32 v25, v21  }
0x5b8: {  	vm0 =	vmand vm0, vm1  }
0x5b9: {  	v23 =	vand.u32 $0xFF, v23;
	_ =	sdelay $0x1  }
.Ltmp58:
0x5ba: {  	(pc) =	sbr.rel @p0 .LBB2_99-.Ltmp58, $3  }
0x5bb: {  	_ =	sdelay $0x1  }
0x5bc: {  	s5 =	sadd.s32 $0x10, s5;
	[tilespmem:v23+s13+$0x0] =	vst.idx.add.s32.msk vm0, v3  }
0x5bd: {  	s25 =	sadd.s32 $0xFFFFFFFF, s25;
	v23 =	vld [tilespmem:s5+$0x0]  }
.LBB2_100:
0x5be: {  	_ =	sdelay $0x1  }
0x5bf: {  	s2 =	sadd.s32 @p2 $0x10, s2  }
0x5c0: {  	s0 =	smov.u32 @p2 s2  }
0x5c1: {  	v24 =	vor.u32 s0, v0;
	v25 =	vand.u32 $0xFFFFFF00, v23  }
0x5c2: {  	vm0 =	vlt.s32 v24, v22;
	vm1 =	veq.s32 v25, v21  }
0x5c3: {  	vm0 =	vmand vm0, vm1  }
0x5c4: {  	v21 =	vand.u32 $0xFF, v23;
	_ =	sdelay $0x4  }
0x5c5: {  	[tilespmem:v21+s13+$0x0] =	vst.idx.add.s32.msk vm0, v3  }
.LBB2_101:
0x5c6: {  	_ =	sdelay $0x3  }
0x5c7: {  	v21 =	vld.idx.msk [tilespmem:v1+s13+$0x0], $0xffff  }
0x5c8: {  	v22 =	vld.idx.msk [tilespmem:v4+s13+$0x0], $0xffff  }
0x5c9: {  	v23 =	vld.idx.msk [tilespmem:v5+s13+$0x0], $0xffff  }
0x5ca: {  	v24 =	vld.idx.msk [tilespmem:v6+s13+$0x0], $0xffff  }
0x5cb: {  	v25 =	vld.idx.msk [tilespmem:v7+s13+$0x0], $0xffff  }
0x5cc: {  	v26 =	vld.idx.msk [tilespmem:v8+s13+$0x0], $0xffff  }
0x5cd: {  	v21 =	vadd.s32 v21, v22;
	v22 =	vld.idx.msk [tilespmem:v9+s13+$0x0], $0xffff  }
0x5ce: {  	v21 =	vadd.s32 v23, v21;
	v23 =	vld.idx.msk [tilespmem:v10+s13+$0x0], $0xffff  }
0x5cf: {  	v57 =	vld.idx.msk [tilespmem:v11+s13+$0x0], $0xffff;
	v21 =	vadd.s32 v24, v21  }
0x5d0: {  	v58 =	vld.idx.msk [tilespmem:v12+s13+$0x0], $0xffff;
	v21 =	vadd.s32 v25, v21  }
0x5d1: {  	v59 =	vld.idx.msk [tilespmem:v13+s13+$0x0], $0xffff;
	v21 =	vadd.s32 v26, v21  }
0x5d2: {  	v21 =	vadd.s32 v22, v21;
	v22 =	vld.idx.msk [tilespmem:v14+s13+$0x0], $0xffff  }
0x5d3: {  	v21 =	vadd.s32 v23, v21;
	v23 =	vld.idx.msk [tilespmem:v15+s13+$0x0], $0xffff  }
0x5d4: {  	v60 =	vld.idx.msk [tilespmem:v16+s13+$0x0], $0xffff;
	v21 =	vadd.s32 v57, v21  }
0x5d5: {  	v61 =	vld.idx.msk [tilespmem:v17+s13+$0x0], $0xffff;
	v21 =	vadd.s32 v58, v21  }
0x5d6: {  	v62 =	vld.idx.msk [tilespmem:v18+s13+$0x0], $0xffff;
	v21 =	vadd.s32 v59, v21  }
0x5d7: {  	v21 =	vadd.s32 v22, v21  }
0x5d8: {  	v21 =	vadd.s32 v23, v21  }
0x5d9: {  	v21 =	vadd.s32 v60, v21  }
0x5da: {  	v21 =	vadd.s32 v61, v21  }
0x5db: {  	v21 =	vadd.s32 v62, v21  }
0x5dc: {  	v22 =	vperm.xlane v21, v19;
	_ =	sdelay $0x1  }
0x5dd: {  	(xrf0) =	vadd.scan.msk.s32 $0xffff, v22;
	_ =	sdelay $0x5  }
0x5de: {  	v22, _, _ =	vpop (xrf0)  }
0x5df: {  	s0 =	sadd.s32 s28, s26;
	v22 =	vperm.xlane v22, v19  }
0x5e0: {  	s2 =	ssub.s32 s24, s0  }
0x5e1: {  	vm0 =	vge.s32 v22, s2  }
0x5e2: {  	v22 =	vsel vm0, $0x1, v2  }
0x5e3: {  	(xrf0) =	vadd.scan.msk.s32 $0xffff, v22;
	_ =	sdelay $0x5  }
0x5e4: {  	v22, _, _ =	vpop (xrf0)  }
0x5e5: {  	(v2sf) =	vpush v22, $0xF;
	_ =	sdelay $0xe  }
0x5e6: {  	s29 =	spop (v2sf)  }
0x5e7: {  	s0 =	sadd.s32 $0xFFFFFFFF, s29  }
0x5e8: {  	s5 =	sshll.u32 s0, $0x4  }
0x5e9: {  	v22 =	vld [tilespmem:s5+$0x14000];
	_ =	sdelay $0x2  }
0x5ea: {  	v23 =	vmov s0  }
0x5eb: {  	vm13 =	vlt.s32 v23, v0  }
0x5ec: {  	v21 =	vnsel vm13, $0x0, v21;
	v23 =	vperm.xlane v22, v19  }
0x5ed: {  	(xrf0) =	vadd.scan.msk.s32 $0xffff, v21  }
0x5ee: {  	(xrf0) =	vadd.scan.msk.s32 $0xffff, v23;
	_ =	sdelay $0x4  }
0x5ef: {  	v21, _, _ =	vpop (xrf0)  }
0x5f0: {  	v23, _, _ =	vpop (xrf0)  }
0x5f1: {  	v63 =	vbroadcast v21, $0xF;
	v23 =	vperm.xlane v23, v19;
	_ =	sdelay $0x1  }
0x5f2: {  	v23 =	vadd.s32 v23, v63  }
0x5f3: {  	vm14 =	vge.s32 v23, s2  }
0x5f4: {  	v23 =	vsel vm14, $0x1, v2  }
0x5f5: {  	(xrf0) =	vadd.scan.msk.s32 $0xffff, v23;
	_ =	sdelay $0x5  }
0x5f6: {  	(v2sf) =	vpush v21, $0xF;
	v21, _, _ =	vpop (xrf0)  }
0x5f7: {  	(v2sf) =	vpush v21, $0xF;
	_ =	sdelay $0xd  }
0x5f8: {  	s30 =	spop (v2sf)  }
0x5f9: {  	s7 =	spop (v2sf)  }
0x5fa: {  	s7 =	sadd.s32 $0xFFFFFFFF, s7  }
0x5fb: {  	v21 =	vmov s7  }
0x5fc: {  	vm15 =	vlt.s32 v21, v0  }
0x5fd: {  	v21 =	vnsel vm15, $0x0, v22  }
0x5fe: {  	(xrf0) =	vadd.scan.msk.s32 $0xffff, v21;
	_ =	sdelay $0x5  }
0x5ff: {  	v21, _, _ =	vpop (xrf0)  }
0x600: {  	(v2sf) =	vpush v21, $0xF;
	_ =	sdelay $0xe  }
0x601: {  	s8 =	spop (v2sf)  }
0x602: {  	s5 =	sadd.s32 s5, s7;
	s31 =	sadd.s32 s8, s30  }
0x603: {  	s0 =	sor.u32 s23, s5;
	s24 =	ssub.s32 s2, s31  }
.LBB2_102:
0x604: {  	s5 =	simm.s32 $0x4080  }
0x605: {  	v37 =	vld [tilespmem:s5+$0xFFFFFF80]  }
0x606: {  	v22 =	vld [tilespmem:s5+$0xFFFFFF90]  }
0x607: {  	v23 =	vld [tilespmem:s5+$0xFFFFFFA0]  }
0x608: {  	p0 =	sgt.s32 s0, $0xFFFFFFFF;
	s2 =	simm.s32 $0xFFFFFFFF;
	v24 =	vld [tilespmem:s5+$0xFFFFFFB0]  }
0x609: {  	s2 =	simm.s32 @!p0 $0x80000000;
	v25 =	vld [tilespmem:s5+$0xFFFFFFC0]  }
0x60a: {  	v26 =	vld [tilespmem:s5+$0xFFFFFFD0];
	s31 =	sxor.u32 s0, s2  }
0x60b: {  	v27 =	vld [tilespmem:s5+$0xFFFFFFE0];
	v21 =	vmov s31  }
0x60c: {  	v21 =	vbroadcast v21, $0x0;
	_ =	sdelay $0x1  }
0x60d: {  	v28 =	vimm.s32 $0x0;
	vm1 =	vge.f32 v37, v21;
	vm0 =	veq.f32 v37, v21  }
0x60e: {  	vm2 =	veq.f32 v22, v21;
	vm11 =	vge.f32 v23, v21;
	vm14 =	vge.f32 v24, v21  }
0x60f: {  	vm10 =	vge.f32 v25, v21;
	vm13 =	vge.f32 v26, v21;
	vm12 =	vge.f32 v27, v21  }
0x610: {  	v29 =	vsel vm0, $0x1, v2;
	v30 =	vsel vm2, $0x1, v2;
	vm2 =	veq.f32 v23, v21  }
0x611: {  	v29 =	vadd.s32 v29, v28;
	v28 =	vld [tilespmem:s5+$0xFFFFFFF0];
	v31 =	vsel vm2, $0x1, v2;
	vm2 =	veq.f32 v24, v21  }
0x612: {  	v30 =	vadd.s32 v30, v29;
	v29 =	vld [tilespmem:s5+$0x0];
	v32 =	vsel vm2, $0x1, v2;
	vm2 =	veq.f32 v25, v21  }
0x613: {  	v31 =	vadd.s32 v31, v30;
	v33 =	vsel vm2, $0x1, v2;
	vm2 =	veq.f32 v26, v21  }
0x614: {  	v30 =	vld [tilespmem:s5+$0x10];
	v32 =	vadd.s32 v32, v31;
	v34 =	vsel vm2, $0x1, v2;
	vm2 =	veq.f32 v27, v21  }
0x615: {  	vm0 =	vge.f32 v22, v21;
	v31 =	vld [tilespmem:s5+$0x20];
	v33 =	vadd.s32 v33, v32;
	v35 =	vsel vm2, $0x1, v2  }
0x616: {  	v32 =	vld [tilespmem:s5+$0x30];
	v34 =	vadd.s32 v34, v33;
	vm2 =	veq.f32 v28, v21;
	vm7 =	vge.f32 v28, v21  }
0x617: {  	v35 =	vadd.s32 v35, v34;
	v36 =	vsel vm2, $0x1, v2;
	vm2 =	veq.f32 v29, v21  }
0x618: {  	v33 =	vld [tilespmem:s5+$0x40];
	vm9 =	vge.f32 v29, v21;
	v36 =	vadd.s32 v36, v35;
	v38 =	vsel vm2, $0x1, v2  }
0x619: {  	v34 =	vld [tilespmem:s5+$0x50];
	vm2 =	veq.f32 v30, v21;
	vm8 =	vge.f32 v30, v21;
	v38 =	vadd.s32 v38, v36  }
0x61a: {  	v35 =	vld [tilespmem:s5+$0x60];
	v39 =	vsel vm2, $0x1, v2;
	vm2 =	veq.f32 v31, v21;
	vm3 =	vge.f32 v31, v21  }
0x61b: {  	v36 =	vld [tilespmem:s5+$0x70];
	v38 =	vadd.s32 v39, v38;
	v58 =	vsel vm2, $0x1, v2;
	vm2 =	veq.f32 v32, v21  }
0x61c: {  	vm6 =	vge.f32 v32, v21;
	v39 =	vnsel vm1, $0x0, v37;
	v38 =	vadd.s32 v58, v38  }
0x61d: {  	v59 =	vsel vm2, $0x1, v2;
	vm2 =	veq.f32 v33, v21;
	vm4 =	vge.f32 v33, v21  }
0x61e: {  	v38 =	vadd.s32 v59, v38;
	v60 =	vsel vm2, $0x1, v2;
	vm2 =	veq.f32 v34, v21  }
0x61f: {  	v38 =	vadd.s32 v60, v38;
	v61 =	vsel vm2, $0x1, v2;
	vm2 =	veq.f32 v35, v21  }
0x620: {  	v38 =	vadd.s32 v61, v38;
	v62 =	vsel vm2, $0x1, v2;
	vm2 =	veq.f32 v36, v21  }
0x621: {  	s23 =	sor.u32 $0x1, s22;
	s25 =	simm.s32 $0xC080;
	vm5 =	vge.f32 v35, v21;
	v38 =	vadd.s32 v62, v38;
	v63 =	vsel vm2, $0x1, v2  }
0x622: {  	s26 =	simm.s32 $0x0;
	s28 =	simm.s32 $0x4180;
	s22 =	sor.u32 s4, s23;
	vm1 =	vge.f32 v36, v21;
	vm2 =	vge.f32 v34, v21;
	v38 =	vadd.s32 v63, v38  }
.LBB2_103:
0x623: {  	v37 =	vld [tilespmem:s28+$0xFFFFFF80];
	s26 =	sadd.s32 $0x100, s26;
	[tilespmem:s25+$0xFFFFFF80] =	vst v39;
	v39 =	vnsel vm0, $0x0, v22;
	v40 =	vnsel vm11, $0x0, v23;
	v41 =	vnsel vm14, $0x0, v24  }
0x624: {  	v42 =	vnsel vm13, $0x0, v26;
	v43 =	vnsel vm12, $0x0, v27;
	v22 =	vld [tilespmem:s28+$0xFFFFFF90];
	p0 =	slt.u32 s26, $0x3F00;
	[tilespmem:s25+$0xFFFFFF90] =	vst v39;
	v39 =	vnsel vm10, $0x0, v25  }
0x625: {  	v44 =	vnsel vm9, $0x0, v29;
	v45 =	vnsel vm8, $0x0, v30;
	v23 =	vld [tilespmem:s28+$0xFFFFFFA0];
	[tilespmem:s25+$0xFFFFFFA0] =	vst v40;
	v40 =	vnsel vm7, $0x0, v28  }
0x626: {  	v46 =	vnsel vm6, $0x0, v32;
	v47 =	vnsel vm4, $0x0, v33;
	v24 =	vld [tilespmem:s28+$0xFFFFFFB0];
	[tilespmem:s25+$0xFFFFFFB0] =	vst v41;
	v41 =	vnsel vm3, $0x0, v31  }
0x627: {  	v48 =	vnsel vm5, $0x0, v35;
	v49 =	vnsel vm1, $0x0, v36;
	v25 =	vld [tilespmem:s28+$0xFFFFFFC0];
	[tilespmem:s25+$0xFFFFFFC0] =	vst v39;
	v39 =	vnsel vm2, $0x0, v34  }
0x628: {  	vm1 =	vge.f32 v37, v21;
	vm0 =	veq.f32 v37, v21;
	v26 =	vld [tilespmem:s28+$0xFFFFFFD0];
	[tilespmem:s25+$0xFFFFFFD0] =	vst v42  }
0x629: {  	v28 =	vsel vm0, $0x1, v2;
	vm0 =	vge.f32 v22, v21;
	vm2 =	veq.f32 v22, v21;
	v27 =	vld [tilespmem:s28+$0xFFFFFFE0];
	[tilespmem:s25+$0xFFFFFFE0] =	vst v43  }
0x62a: {  	v29 =	vadd.s32 v28, v38;
	v30 =	vsel vm2, $0x1, v2;
	vm2 =	veq.f32 v23, v21;
	v28 =	vld [tilespmem:s28+$0xFFFFFFF0];
	[tilespmem:s25+$0xFFFFFFF0] =	vst v40  }
0x62b: {  	v30 =	vadd.s32 v30, v29;
	v31 =	vsel vm2, $0x1, v2;
	vm2 =	veq.f32 v24, v21;
	v29 =	vld [tilespmem:s28+$0x0];
	[tilespmem:s25+$0x0] =	vst v44  }
0x62c: {  	v31 =	vadd.s32 v31, v30;
	v32 =	vsel vm2, $0x1, v2;
	vm2 =	veq.f32 v25, v21;
	v30 =	vld [tilespmem:s28+$0x10];
	[tilespmem:s25+$0x10] =	vst v45  }
0x62d: {  	v32 =	vadd.s32 v32, v31;
	v33 =	vsel vm2, $0x1, v2;
	vm2 =	veq.f32 v26, v21;
	v31 =	vld [tilespmem:s28+$0x20];
	[tilespmem:s25+$0x20] =	vst v41  }
0x62e: {  	v33 =	vadd.s32 v33, v32;
	v34 =	vsel vm2, $0x1, v2;
	vm2 =	veq.f32 v27, v21;
	v32 =	vld [tilespmem:s28+$0x30];
	[tilespmem:s25+$0x30] =	vst v46  }
0x62f: {  	v34 =	vadd.s32 v34, v33;
	v35 =	vsel vm2, $0x1, v2;
	vm2 =	veq.f32 v28, v21;
	v33 =	vld [tilespmem:s28+$0x40];
	[tilespmem:s25+$0x40] =	vst v47  }
0x630: {  	v35 =	vadd.s32 v35, v34;
	v36 =	vsel vm2, $0x1, v2;
	vm2 =	veq.f32 v29, v21;
	v34 =	vld [tilespmem:s28+$0x50];
	[tilespmem:s25+$0x50] =	vst v39  }
0x631: {  	v36 =	vadd.s32 v36, v35;
	v38 =	vsel vm2, $0x1, v2;
	vm2 =	veq.f32 v30, v21;
	v35 =	vld [tilespmem:s28+$0x60];
	[tilespmem:s25+$0x60] =	vst v48  }
0x632: {  	v38 =	vadd.s32 v38, v36;
	v39 =	vsel vm2, $0x1, v2;
	vm2 =	veq.f32 v31, v21;
	v36 =	vld [tilespmem:s28+$0x70];
	[tilespmem:s25+$0x70] =	vst v49  }
0x633: {  	v38 =	vadd.s32 v39, v38;
	v39 =	vsel vm2, $0x1, v2;
	vm2 =	veq.f32 v32, v21  }
0x634: {  	v38 =	vadd.s32 v39, v38;
	v39 =	vsel vm2, $0x1, v2;
	vm2 =	veq.f32 v33, v21  }
0x635: {  	v38 =	vadd.s32 v39, v38;
	v39 =	vsel vm2, $0x1, v2;
	vm2 =	veq.f32 v34, v21  }
0x636: {  	v38 =	vadd.s32 v39, v38;
	v39 =	vsel vm2, $0x1, v2;
	vm2 =	veq.f32 v35, v21  }
0x637: {  	v38 =	vadd.s32 v39, v38;
	v39 =	vsel vm2, $0x1, v2;
	vm2 =	veq.f32 v36, v21  }
0x638: {  	vm11 =	vge.f32 v23, v21;
	v38 =	vadd.s32 v39, v38;
	v39 =	vsel vm2, $0x1, v2  }
.Ltmp59:
0x639: {  	vm14 =	vge.f32 v24, v21;
	vm10 =	vge.f32 v25, v21;
	v38 =	vadd.s32 v39, v38;
	(pc) =	sbr.rel @p0 .LBB2_103-.Ltmp59, $4  }
0x63a: {  	vm13 =	vge.f32 v26, v21;
	vm12 =	vge.f32 v27, v21;
	vm7 =	vge.f32 v28, v21  }
0x63b: {  	vm9 =	vge.f32 v29, v21;
	vm8 =	vge.f32 v30, v21;
	vm3 =	vge.f32 v31, v21  }
0x63c: {  	vm6 =	vge.f32 v32, v21;
	vm4 =	vge.f32 v33, v21;
	vm2 =	vge.f32 v34, v21  }
0x63d: {  	s28 =	sadd.s32 $0x100, s28;
	s25 =	sadd.s32 $0x100, s25;
	vm5 =	vge.f32 v35, v21;
	v39 =	vnsel vm1, $0x0, v37;
	vm1 =	vge.f32 v36, v21  }
0x63e: {  	(xrf0) =	vadd.scan.msk.s32 $0xffff, v38;
	_ =	sdelay $0x5  }
0x63f: {  	v37, _, _ =	vpop (xrf0)  }
0x640: {  	(v2sf) =	vpush v37, $0xF;
	_ =	sdelay $0x5  }
0x641: {  	[tilespmem:s25+$0xFFFFFF80] =	vst v39;
	v22 =	vnsel vm0, $0x0, v22  }
0x642: {  	v23 =	vnsel vm11, $0x0, v23;
	[tilespmem:s25+$0xFFFFFF90] =	vst v22  }
0x643: {  	v22 =	vnsel vm14, $0x0, v24;
	[tilespmem:s25+$0xFFFFFFA0] =	vst v23  }
0x644: {  	v23 =	vnsel vm10, $0x0, v25;
	[tilespmem:s25+$0xFFFFFFB0] =	vst v22  }
0x645: {  	v22 =	vnsel vm13, $0x0, v26;
	[tilespmem:s25+$0xFFFFFFC0] =	vst v23  }
0x646: {  	v23 =	vnsel vm12, $0x0, v27;
	[tilespmem:s25+$0xFFFFFFD0] =	vst v22  }
0x647: {  	v22 =	vnsel vm7, $0x0, v28;
	[tilespmem:s25+$0xFFFFFFE0] =	vst v23  }
0x648: {  	v23 =	vnsel vm9, $0x0, v29;
	[tilespmem:s25+$0xFFFFFFF0] =	vst v22  }
0x649: {  	v22 =	vnsel vm8, $0x0, v30;
	[tilespmem:s25+$0x0] =	vst v23  }
0x64a: {  	v23 =	vnsel vm3, $0x0, v31;
	[tilespmem:s25+$0x10] =	vst v22;
	s0 =	spop (v2sf)  }
0x64b: {  	v22 =	vnsel vm6, $0x0, v32;
	[tilespmem:s25+$0x20] =	vst v23;
	p0 =	sle.s32 s0, s24  }
.Ltmp60:
0x64c: {  	v23 =	vnsel vm4, $0x0, v33;
	[tilespmem:s25+$0x30] =	vst v22;
	(pc) =	sbr.rel @p0 .LBB2_108-.Ltmp60, $4  }
0x64d: {  	v22 =	vnsel vm2, $0x0, v34;
	[tilespmem:s25+$0x40] =	vst v23  }
0x64e: {  	v23 =	vnsel vm5, $0x0, v35;
	[tilespmem:s25+$0x50] =	vst v22  }
0x64f: {  	v22 =	vnsel vm1, $0x0, v36;
	[tilespmem:s25+$0x60] =	vst v23  }
0x650: {  	[tilespmem:s25+$0x70] =	vst v22  }
0x651: {  	s28 =	simm.s32 $0x0  }
0x652: {  	v22 =	vld [tilespmem:s28+$0x4000];
	_ =	sdelay $0x1  }
0x653: {  	s26 =	simm.s32 $0x10  }
0x654: {  	v23 =	vld [tilespmem:s26+$0x4000];
	_ =	sdelay $0x1  }
0x655: {  	vm0 =	veq.f32 v22, v21  }
0x656: {  	v22 =	vsel vm0, $0x1, v2  }
0x657: {  	(xrf0) =	vadd.scan.msk.s32 $0xffff, v22  }
0x658: {  	vm1 =	veq.f32 v23, v21  }
0x659: {  	v22 =	vsel vm1, $0x1, v2  }
0x65a: {  	s25 =	simm.s32 $0x20;
	(xrf0) =	vadd.scan.msk.s32 $0xffff, v22  }
0x65b: {  	v23 =	vld [tilespmem:s25+$0x4000];
	_ =	sdelay $0x1  }
0x65c: {  	v25, _, _ =	vpop (xrf0)  }
0x65d: {  	(v2sf) =	vpush v25, $0xF;
	_ =	sdelay $0x1  }
0x65e: {  	vm3 =	veq.f32 v23, v21;
	v23, _, _ =	vpop (xrf0)  }
0x65f: {  	(v2sf) =	vpush v23, $0xF;
	_ =	sdelay $0x2  }
0x660: {  	s2 =	simm.s32 $0x30;
	v26 =	vsel vm3, $0x1, v2  }
0x661: {  	s0 =	simm.s32 $0x0;
	v24 =	vld [tilespmem:s2+$0x4000];
	(xrf0) =	vadd.scan.msk.s32 $0xffff, v26  }
0x662: {  	vm0 =	vmmov vm0;
	v27 =	vadd.s32 s0, v25;
	v25 =	vld [tilespmem:s28+$0xC000]  }
0x663: {  	vm0 =	vmmov vm0  }
0x664: {  	vm1 =	vmmov vm1;
	v22 =	vmov s24;
	vm2 =	vmmov vm0  }
0x665: {  	s5 =	simm.s32 $0x100;
	vm1 =	vmmov vm1;
	s24 =	simm.s32 $0x140;
	vm0 =	vmmov vm3;
	vm4 =	vgt.s32 v27, v22  }
.LBB2_106:
0x666: {  	p0 =	sne.s32 s24, $0xFFC0;
	vm3 =	veq.f32 v24, v21;
	vm4 =	vmand vm2, vm4;
	vm2 =	vmmov vm1  }
0x667: {  	s7 =	sshra.s32 s5, $0x2;
	vm1 =	vmmov vm0;
	s5 =	smov.u32 s24;
	v26 =	vsel vm3, $0x1, v2;
	v27, _, _ =	vpop (xrf0);
	v25 =	vsel vm4, $0x0, v25  }
.Ltmp61:
0x668: {  	vm0 =	vmmov vm3;
	v24 =	vld [tilespmem:s7+$0x4000];
	(xrf0) =	vadd.scan.msk.s32 $0xffff, v26;
	(v2sf) =	vpush v27, $0xF;
	[tilespmem:s28+$0xC000] =	vst v25;
	s28 =	smov.u32 s26;
	s26 =	smov.u32 s25;
	(pc) =	sbr.rel @p0 .LBB2_106-.Ltmp61, $4  }
0x669: {  	s25 =	smov.u32 s2;
	s2 =	smov.u32 s7;
	v25 =	vld [tilespmem:s28+$0xC000];
	s8 =	spop (v2sf)  }
0x66a: {  	s0 =	sadd.s32 s0, s8  }
0x66b: {  	v26 =	vadd.s32 s0, v23;
	v23 =	vmov v27  }
0x66c: {  	s24 =	sadd.s32 $0x40, s24;
	vm4 =	vgt.s32 v26, v22  }
0x66d: {  	vm3 =	veq.f32 v24, v21;
	vm2 =	vmand vm2, vm4;
	s5 =	sshra.s32 s5, $0x2  }
0x66e: {  	v24 =	vsel vm3, $0x1, v2;
	v26, _, _ =	vpop (xrf0);
	v25 =	vsel vm2, $0x0, v25;
	v27 =	vld [tilespmem:s5+$0x4000]  }
0x66f: {  	(xrf0) =	vadd.scan.msk.s32 $0xffff, v24;
	(v2sf) =	vpush v26, $0xF;
	[tilespmem:s28+$0xC000] =	vst v25  }
0x670: {  	s7 =	spop (v2sf);
	v61 =	vld [tilespmem:s26+$0xC000]  }
0x671: {  	s0 =	sadd.s32 s0, s7  }
0x672: {  	v23 =	vadd.s32 s0, v23  }
0x673: {  	vm8 =	vmmov vm1;
	vm9 =	vgt.s32 v23, v22;
	vm10 =	veq.f32 v27, v21  }
0x674: {  	vm2 =	vmand vm8, vm9;
	v21 =	vsel vm10, $0x1, v2  }
0x675: {  	v23, _, _ =	vpop (xrf0);
	v24 =	vsel vm2, $0x0, v61;
	(xrf0) =	vadd.scan.msk.s32 $0xffff, v21  }
0x676: {  	(v2sf) =	vpush v23, $0xF;
	[tilespmem:s26+$0xC000] =	vst v24  }
0x677: {  	v21 =	vld [tilespmem:s25+$0xC000];
	s28 =	spop (v2sf)  }
0x678: {  	s0 =	sadd.s32 s0, s28  }
0x679: {  	vm0 =	vmmov vm0;
	v62 =	vadd.s32 s0, v26  }
0x67a: {  	vm0 =	vmmov vm0;
	vm11 =	vgt.s32 v62, v22  }
0x67b: {  	vm0 =	vmand vm0, vm11;
	v63, _, _ =	vpop (xrf0)  }
0x67c: {  	v21 =	vsel vm0, $0x0, v21;
	(v2sf) =	vpush v63, $0xF  }
0x67d: {  	[tilespmem:s25+$0xC000] =	vst v21  }
0x67e: {  	v21 =	vld [tilespmem:s2+$0xC000];
	s29 =	spop (v2sf)  }
0x67f: {  	vm12 =	vmmov vm3;
	s0 =	sadd.s32 s0, s29  }
0x680: {  	vm0 =	vmmov vm12;
	v23 =	vadd.s32 s0, v23  }
0x681: {  	vm0 =	vmmov vm0;
	vm13 =	vgt.s32 v23, v22  }
0x682: {  	vm0 =	vmand vm0, vm13  }
0x683: {  	v21 =	vsel vm0, $0x0, v21  }
0x684: {  	[tilespmem:s2+$0xC000] =	vst v21  }
0x685: {  	v21 =	vld [tilespmem:s5+$0xC000];
	s30 =	spop (v2sf)  }
0x686: {  	vm14 =	vmmov vm10;
	s0 =	sadd.s32 s0, s30  }
0x687: {  	vm0 =	vmmov vm14;
	v23 =	vadd.s32 s0, v63  }
0x688: {  	vm0 =	vmmov vm0;
	vm15 =	vgt.s32 v23, v22  }
0x689: {  	vm0 =	vmand vm0, vm15  }
0x68a: {  	v21 =	vsel vm0, $0x0, v21  }
0x68b: {  	[tilespmem:s5+$0xC000] =	vst v21;
	s31 =	spop (v2sf)  }
.LBB2_108:
.Ltmp62:
0x68c: {  	s0 =	sshll.u32 s23, $0x4;
	(pc) =	sbr.rel @p1 .LBB2_110-.Ltmp62, $4  }
0x68d: {  	s2 =	sshll.u32 s22, $0xB;
	s0 =	sand.u32 $0x70, s0  }
0x68e: {  	s2 =	sand.u32 $0x7FC000, s2;
	s0 =	sadd.s32 s3, s0  }
0x68f: {  	s0 =	sadd.s32 s2, s0  }
0x690: {  	[hbm4b:s0+s9] =	stream.strided.scatter [tilespmem:s17], [sflag:$0x4], $0x4000, s10, s9, $0x38;
	[tilespmem:$0x14100] =	vst v63  }
0x691: {  	s0 =	sadd.s32 $0x2, s22  }
.Ltmp63:
0x692: {  	s2 =	sshll.u32 s0, $0x4;
	(pc) =	sbr.rel .LBB2_2-.Ltmp63, $4  }
0x693: {  	s0 =	sshll.u32 s0, $0xB;
	s2 =	sand.u32 $0x70, s2  }
0x694: {  	s0 =	sand.u32 $0xFFFC000, s0;
	s2 =	sadd.s32 s1, s2  }
0x695: {  	s21 =	sadd.s32 $0x1, s21;
	s0 =	sadd.s32 s0, s2  }
0x696: {  	[tilespmem:s11], [sflag:$0x2] =	stream.strided.gather [hbm4b:s0+s9], $0x4000, s10, s9, $0x38;
	[tilespmem:$0x14100] =	vst v63  }
.LBB2_10:
.Ltmp64:
0x697: {  	(pc) =	sbr.rel .LBB2_21-.Ltmp64, $2  }
0x698: {  	_ =	sdelay $0x2  }
0x699: {  	_ = 	snop  }
.LBB2_16:
.Ltmp65:
0x69a: {  	(pc) =	sbr.rel .LBB2_33-.Ltmp65, $2  }
0x69b: {  	_ =	sdelay $0x2  }
0x69c: {  	s0 =	simm.s32 $0x0;
	v31 =	vimm.s32 $0x0;
	v27 =	vmov v24;
	v26 =	vmov v22  }
.LBB2_63:
.Ltmp66:
0x69d: {  	(pc) =	sbr.rel .LBB2_74-.Ltmp66, $2  }
0x69e: {  	_ =	sdelay $0x2  }
0x69f: {  	_ = 	snop  }
.LBB2_69:
.Ltmp67:
0x6a0: {  	(pc) =	sbr.rel .LBB2_86-.Ltmp67, $2  }
0x6a1: {  	_ =	sdelay $0x2  }
0x6a2: {  	s0 =	simm.s32 $0x0;
	v31 =	vimm.s32 $0x0;
	v27 =	vmov v24;
	v26 =	vmov v22  }
.LBB2_18:
.Ltmp68:
0x6a3: {  	(pc) =	sbr.rel .LBB2_21-.Ltmp68, $2  }
0x6a4: {  	_ =	sdelay $0x2  }
0x6a5: {  	s5 =	simm.s32 $0x20  }
.LBB2_28:
.Ltmp69:
0x6a6: {  	(pc) =	sbr.rel .LBB2_33-.Ltmp69, $2  }
0x6a7: {  	_ =	sdelay $0x2  }
0x6a8: {  	v31 =	vimm.s32 $0x0  }
.LBB2_71:
.Ltmp70:
0x6a9: {  	(pc) =	sbr.rel .LBB2_74-.Ltmp70, $2  }
0x6aa: {  	_ =	sdelay $0x2  }
0x6ab: {  	s5 =	simm.s32 $0x20  }
.LBB2_81:
.Ltmp71:
0x6ac: {  	(pc) =	sbr.rel .LBB2_86-.Ltmp71, $2  }
0x6ad: {  	_ =	sdelay $0x2  }
0x6ae: {  	v31 =	vimm.s32 $0x0  }
.LBB2_30:
.Ltmp72:
0x6af: {  	_ = 	snop;
	(pc) =	sbr.rel .LBB2_33-.Ltmp72, $3  }
0x6b0: {  	_ =	sdelay $0x1  }
0x6b1: {  	v32 =	vmov v24  }
0x6b2: {  	v33 =	vmovc v22;
	v24 =	vmovc v27;
	v22 =	vmov v26;
	s0 =	simm.s32 $0x40;
	v26 =	vmov v34;
	v27 =	vmov v35  }
.LBB2_83:
.Ltmp73:
0x6b3: {  	_ = 	snop;
	(pc) =	sbr.rel .LBB2_86-.Ltmp73, $3  }
0x6b4: {  	_ =	sdelay $0x1  }
0x6b5: {  	v32 =	vmov v24  }
0x6b6: {  	v33 =	vmovc v22;
	v24 =	vmovc v27;
	v22 =	vmov v26;
	s0 =	simm.s32 $0x40;
	v26 =	vmov v34;
	v27 =	vmov v35  }
.LBB2_36:
.Ltmp74:
0x6b7: {  	(pc) =	sbr.rel .LBB2_40-.Ltmp74, $2  }
0x6b8: {  	_ =	sdelay $0x2  }
0x6b9: {  	s2 =	simm.s32 $0x0  }
.LBB2_43:
.Ltmp75:
0x6ba: {  	(pc) =	sbr.rel .LBB2_47-.Ltmp75, $2  }
0x6bb: {  	_ =	sdelay $0x2  }
0x6bc: {  	s2 =	simm.s32 $0x0  }
.LBB2_89:
.Ltmp76:
0x6bd: {  	(pc) =	sbr.rel .LBB2_93-.Ltmp76, $2  }
0x6be: {  	_ =	sdelay $0x2  }
0x6bf: {  	s2 =	simm.s32 $0x0  }
.LBB2_96:
.Ltmp77:
0x6c0: {  	(pc) =	sbr.rel .LBB2_100-.Ltmp77, $2  }
0x6c1: {  	_ =	sdelay $0x2  }
0x6c2: {  	s2 =	simm.s32 $0x0  }
.LBB2_38:
.Ltmp78:
0x6c3: {  	(pc) =	sbr.rel .LBB2_40-.Ltmp78, $2  }
0x6c4: {  	_ =	sdelay $0x2  }
0x6c5: {  	s2 =	simm.s32 $0x0  }
.LBB2_45:
.Ltmp79:
0x6c6: {  	(pc) =	sbr.rel .LBB2_47-.Ltmp79, $2  }
0x6c7: {  	_ =	sdelay $0x2  }
0x6c8: {  	s2 =	simm.s32 $0x0  }
.LBB2_91:
.Ltmp80:
0x6c9: {  	(pc) =	sbr.rel .LBB2_93-.Ltmp80, $2  }
0x6ca: {  	_ =	sdelay $0x2  }
0x6cb: {  	s2 =	simm.s32 $0x0  }
.LBB2_98:
.Ltmp81:
0x6cc: {  	(pc) =	sbr.rel .LBB2_100-.Ltmp81, $2  }
0x6cd: {  	_ =	sdelay $0x2  }
0x6ce: {  	s2 =	simm.s32 $0x0  }
.LBB2_111:
0x6cf: {  	_ =	sfence.sel $0x180000  }
0x6d0: {  	[bflag:$0x0] =	sbarrier.arrive $0xFFFF  }
0x6d1: {  	_ =	strace $0x90000047  }
0x6d2: {  	s0 =	stileid.u32;
	[bflag:$0x2] =	sbarrier.arrive $0xFFFF  }
0x6d3: {  	p0 =	sne.s32 s0, $0x0;
	s0 =	rddreg [dreg:$0x2]  }
0x6d4: {  	s0 =	sadd.s32 @!p0 $0x100000, s0  }
0x6d5: {  	[sflag:s0] =	ssyncadd.tile.s32 @!p0 $0x1;
	_ =	shalt  }
.Lfunc_end2:
_tile_overlayer_lowered:
.L_overlay_start_2:
0x6d6: {  	(tag) =	ssettag $0x2  }
0x6d7: {  	s0 =	rddreg [dreg:$0x0];
	s2 =	stileid.u32  }
0x6d8: {  	s1 =	rddreg [dreg:$0x1];
	p0 =	sne.s32 s2, $0x0  }
0x6d9: {  	s3 =	rddreg [dreg:$0x2];
	[bflag:$0x3] =	sbarrier.arrive $0xFFFF;
	s2 =	simm.s32 @!p0 $0x1C05  }
0x6da: {  	[timem:s3], [sflag:s2] =	dma.local @!p0 [hbm:s0], s1  }
0x6db: {  	s0 =	simm.s32 @!p0 $0x5  }
0x6dc: {  	_ =	swait.ge @!p0 [sflag:s0], s1  }
0x6dd: {  	s1 =	ssub.s32 @!p0 $0x0, s1;
	[sflag:s0] =	ssyncset.done @!p0 $0x0  }
0x6de: {  	[sflag:s0] =	ssyncadd.s32 @!p0 s1  }
0x6df: {  	[bflag:$0x3] =	sbarrier.arrive $0xFFFF  }
0x6e0: {  	_ =	shalt  }

</sc_bundles>
